<compile_context>
chip_gen: v7x
topology: tpu7x:2x2x1
jax: 0.10.2.dev20260603
libtpu: 0.0.44.dev20260713+nightly
codegen_flags: <defaults>
</compile_context>

<pallas_src>
import functools

import jax
import jax.numpy as jnp
from jax import lax
from jax.experimental import pallas as pl
from jax.experimental.pallas import tpu as pltpu
from jax.experimental.pallas import tpu_sc as plsc

_B = 16384
_ED = 128
_NF = 8
_HID = 1024
_CAT = _NF * _ED

_NC = 2
_NS = 16
_NW = _NC * _NS
_CHUNK = 128

_NCH = 4
_CB = _B // _NCH
_BPW = _CB // _NW
_CHUNK = min(_CHUNK, _BPW)
_NGATH = _BPW // _CHUNK

_BB = 1024
_NBLK = _CB // _BB

_NBUF = 4


def _sc_gather_chunk(cats2d, tables, chunk):
  mesh = plsc.VectorSubcoreMesh(core_axis_name="c", subcore_axis_name="s")
  row0_chunk = chunk * (_CB // _CHUNK)

  @functools.partial(
      pl.kernel,
      out_type=jax.ShapeDtypeStruct((_CB, _CAT), jnp.float32),
      mesh=mesh,
      scratch_types=[
          pltpu.VMEM((_NF * _NGATH, _CHUNK), jnp.int32),
          pltpu.VMEM((_NBUF, _BPW, _ED), jnp.float32),
          pltpu.SemaphoreType.DMA,
          pltpu.SemaphoreType.DMA,
          pltpu.SemaphoreType.DMA,
      ],
  )
  def gather_kernel(c0, c1, c2, c3, c4, c5, c6, c7,
                    t0, t1, t2, t3, t4, t5, t6, t7,
                    out_hbm, idx_v, rows_v, sem_i, sem_g, sem_o):
    wid = lax.axis_index("s") * _NC + lax.axis_index("c")
    base = wid * _BPW
    row0 = row0_chunk + wid * _NGATH
    cat_refs = [c0, c1, c2, c3, c4, c5, c6, c7]
    tab_refs = [t0, t1, t2, t3, t4, t5, t6, t7]

    def gather_descr(f, c):
      return (tab_refs[f].at[idx_v.at[f * _NGATH + c]],
              rows_v.at[f % _NBUF].at[pl.ds(c * _CHUNK, _CHUNK)])

    def out_descr(f):
      return (rows_v.at[f % _NBUF],
              out_hbm.at[pl.ds(base, _BPW), pl.ds(f * _ED, _ED)])

    for f in range(_NF):
      pltpu.async_copy(cat_refs[f].at[pl.ds(row0, _NGATH)],
                       idx_v.at[pl.ds(f * _NGATH, _NGATH)], sem_i)
    for f in range(_NF):
      pltpu.make_async_copy(cat_refs[f].at[pl.ds(row0, _NGATH)],
                            idx_v.at[pl.ds(f * _NGATH, _NGATH)], sem_i).wait()

    for f in range(min(_NBUF, _NF)):
      for c in range(_NGATH):
        pltpu.async_copy(*gather_descr(f, c), sem_g)
    for f in range(_NF):
      for c in range(_NGATH):
        pltpu.make_async_copy(*gather_descr(f, c), sem_g).wait()
      pltpu.async_copy(*out_descr(f), sem_o)
      nxt = f + _NBUF
      if nxt < _NF:
        pltpu.make_async_copy(*out_descr(f), sem_o).wait()
        for c in range(_NGATH):
          pltpu.async_copy(*gather_descr(nxt, c), sem_g)
    for f in range(max(0, _NF - _NBUF), _NF):
      pltpu.make_async_copy(*out_descr(f), sem_o).wait()

  return gather_kernel(*cats2d, *tables)


def _mlp_body(emb_ref, price_ref, w1_ref, w1p_ref, b1_ref, w2_ref, b2_ref,
              *prev_and_out):
  out_ref = prev_and_out[-1]
  h = jnp.dot(emb_ref[...].astype(jnp.bfloat16), w1_ref[...],
              preferred_element_type=jnp.float32)
  h = h + price_ref[...] * w1p_ref[...] + b1_ref[...]
  h = jnp.maximum(h, 0.0)
  o = jnp.dot(h.astype(jnp.bfloat16), w2_ref[...],
              preferred_element_type=jnp.float32)
  o = jnp.maximum(o + b2_ref[...], 0.0)
  out_ref[...] = o


def _mlp_chunk(emb, price2d, w1a, w1p, b1, w2, b2, prev, chunk):
  blk0 = chunk * _NBLK
  in_specs = [
      pl.BlockSpec((_BB, _CAT), lambda i: (i, 0)),
      pl.BlockSpec((_BB, 1), lambda i: (i, 0)),
      pl.BlockSpec((_CAT, _HID), lambda i: (0, 0)),
      pl.BlockSpec((1, _HID), lambda i: (0, 0)),
      pl.BlockSpec((1, _HID), lambda i: (0, 0)),
      pl.BlockSpec((_HID, _HID), lambda i: (0, 0)),
      pl.BlockSpec((1, _HID), lambda i: (0, 0)),
  ]
  args = [emb, price2d, w1a, w1p, b1, w2, b2]
  aliases = {}
  if prev is not None:
    in_specs.append(pl.BlockSpec(memory_space=pl.ANY))
    args.append(prev)
    aliases = {7: 0}
  return pl.pallas_call(
      _mlp_body,
      grid=(_NBLK,),
      in_specs=in_specs,
      out_specs=pl.BlockSpec((_BB, _HID), lambda i: (blk0 + i, 0)),
      out_shape=jax.ShapeDtypeStruct((_B, _HID), jnp.float32),
      input_output_aliases=aliases,
      compiler_params=pltpu.CompilerParams(
          dimension_semantics=("arbitrary",),
      ),
  )(*args)


def kernel(cat_f0, cat_f1, cat_f2, cat_f3, cat_f4, cat_f5, cat_f6, cat_f7,
           x_price, E0, E1, E2, E3, E4, E5, E6, E7, W1, b1, W2, b2):
  cats = [cat_f0, cat_f1, cat_f2, cat_f3, cat_f4, cat_f5, cat_f6, cat_f7]
  tables = [E0, E1, E2, E3, E4, E5, E6, E7]
  cats2d = [c.reshape(_B // _CHUNK, _CHUNK) for c in cats]
  w1a = W1[:_CAT].astype(jnp.bfloat16)
  w1p = W1[_CAT:]
  b1r = b1[None, :]
  w2b = W2.astype(jnp.bfloat16)
  b2r = b2[None, :]
  price2d = x_price[:, None]

  embs = [_sc_gather_chunk(cats2d, tables, j) for j in range(_NCH)]
  out = None
  for j in range(_NCH):
    p = price2d[j * _CB:(j + 1) * _CB]
    out = _mlp_chunk(embs[j], p, w1a, w1p, b1r, w2b, b2r, out, j)
  return out

# --- scband reference (transcript-rebuilt; emitter-appended) ---
"""Pipeline reference for scband-product-encoder-87866440942216 (READ-ONLY COPY).

The authoritative reference and input builder live on the scoring server;
editing this copy changes nothing except your own understanding.
"""

import jax, jax.numpy as jnp
import numpy as np

B = 16384
VOCAB = 100000
ED = 128
NF = 8
HID = 1024
TOTAL = NF * ED + 1


def setup_inputs(seed: int = 0) -> dict:
    key = jax.random.key(seed)
    inp = {}
    for i in range(NF):
        inp[f"cat_f{i}"] = jax.random.randint(jax.random.fold_in(key, i), (B,), 0, VOCAB, dtype=jnp.int32)
    inp["x_price"] = jax.random.normal(jax.random.fold_in(key, 100), (B,), dtype=jnp.float32)
    for i in range(NF):
        inp[f"E{i}"] = jax.random.normal(jax.random.fold_in(key, 200 + i), (VOCAB, ED), dtype=jnp.float32) * 0.02
    inp["W1"] = jax.random.normal(jax.random.fold_in(key, 300), (TOTAL, HID), dtype=jnp.float32) * (1.0 / np.sqrt(TOTAL))
    inp["b1"] = jnp.zeros((HID,), dtype=jnp.float32)
    inp["W2"] = jax.random.normal(jax.random.fold_in(key, 301), (HID, HID), dtype=jnp.float32) * (1.0 / np.sqrt(HID))
    inp["b2"] = jnp.zeros((HID,), dtype=jnp.float32)
    return inp


def reference(cat_f0, cat_f1, cat_f2, cat_f3, cat_f4, cat_f5, cat_f6, cat_f7,
              x_price, E0, E1, E2, E3, E4, E5, E6, E7, W1, b1, W2, b2):
    cats = [cat_f0, cat_f1, cat_f2, cat_f3, cat_f4, cat_f5, cat_f6, cat_f7]
    tables = [E0, E1, E2, E3, E4, E5, E6, E7]
    embedded = [jnp.take(t, c, axis=0) for t, c in zip(tables, cats)]
    dense_input = jnp.concatenate(embedded + [x_price[:, None]], axis=-1)
    h = jnp.maximum(dense_input @ W1 + b1, 0.0)
    # dropout is identity in eval mode
    out = jnp.maximum(h @ W2 + b2, 0.0)
    return out

if __name__ == "__main__":
    import jax
    _d = setup_inputs()
    print(jax.jit(kernel)(*tuple(_d.values())))

</pallas_src>

<mosaic_0001>
#map = affine_map<(d0, d1) -> (0, 0)>
module attributes {stable_mosaic.version = 14 : i64} {
  func.func @gather_kernel(%arg0: i32, %arg1: i32, %arg2: memref<128x128xi32, #tpu.memory_space<hbm>>, %arg3: memref<128x128xi32, #tpu.memory_space<hbm>>, %arg4: memref<128x128xi32, #tpu.memory_space<hbm>>, %arg5: memref<128x128xi32, #tpu.memory_space<hbm>>, %arg6: memref<128x128xi32, #tpu.memory_space<hbm>>, %arg7: memref<128x128xi32, #tpu.memory_space<hbm>>, %arg8: memref<128x128xi32, #tpu.memory_space<hbm>>, %arg9: memref<128x128xi32, #tpu.memory_space<hbm>>, %arg10: memref<100000x128xf32, #tpu.memory_space<hbm>>, %arg11: memref<100000x128xf32, #tpu.memory_space<hbm>>, %arg12: memref<100000x128xf32, #tpu.memory_space<hbm>>, %arg13: memref<100000x128xf32, #tpu.memory_space<hbm>>, %arg14: memref<100000x128xf32, #tpu.memory_space<hbm>>, %arg15: memref<100000x128xf32, #tpu.memory_space<hbm>>, %arg16: memref<100000x128xf32, #tpu.memory_space<hbm>>, %arg17: memref<100000x128xf32, #tpu.memory_space<hbm>>, %arg18: memref<4096x1024xf32, #tpu.memory_space<hbm>>, %arg19: memref<8x128xi32, #tpu.memory_space<vmem>>, %arg20: memref<4x128x128xf32, #tpu.memory_space<vmem>>, %arg21: memref<!tpu.dma_semaphore, #tpu.memory_space<semaphore_mem>>, %arg22: memref<!tpu.dma_semaphore, #tpu.memory_space<semaphore_mem>>, %arg23: memref<!tpu.dma_semaphore, #tpu.memory_space<semaphore_mem>>) attributes {dimension_semantics = [#tpu.dimension_semantics<core_parallel>, #tpu.dimension_semantics<subcore_parallel>], iteration_bounds = array<i64: 2, 16>, scalar_prefetch = 0 : i64, scratch_operands = 5 : i64, tpu.core_type = #tpu.core_type<sc_vector_subcore>, window_params = [{transform_indices = #map}, {transform_indices = #map}, {transform_indices = #map}, {transform_indices = #map}, {transform_indices = #map}, {transform_indices = #map}, {transform_indices = #map}, {transform_indices = #map}, {transform_indices = #map}, {transform_indices = #map}, {transform_indices = #map}, {transform_indices = #map}, {transform_indices = #map}, {transform_indices = #map}, {transform_indices = #map}, {transform_indices = #map}, {transform_indices = #map}]} {
    %mul3A = arith.constant 2 : i32
    %mul3A_0 = arith.muli %arg1, %mul3A : i32
    %add3A = arith.addi %mul3A_0, %arg0 : i32
    %mul3A_1 = arith.constant 128 : i32
    %mul3A_2 = arith.muli %add3A, %mul3A_1 : i32
    %mul3A_3 = arith.constant 1 : i32
    %mul3A_4 = arith.muli %add3A, %mul3A_3 : i32
    %add3A_5 = arith.constant 0 : i32
    %add3A_6 = arith.addi %add3A_5, %mul3A_4 : i32
    %dma_start3A = arith.constant 0 : i32
    %dma_start3A_7 = arith.constant 0 : i32
    %dma_start3A_8 = tpu.memref_slice %arg19[%dma_start3A, %dma_start3A_7] : memref<8x128xi32, #tpu.memory_space<vmem>> -> memref<1x128xi32, #tpu.memory_space<vmem>>
    %dma_start3A_9 = arith.constant 0 : i32
    %dma_start3A_10 = tpu.memref_slice %arg2[%add3A_6, %dma_start3A_9] : memref<128x128xi32, #tpu.memory_space<hbm>> -> memref<1x128xi32, #tpu.memory_space<hbm>>
    %dma_start3A_11 = arith.constant 0 : i32
    %dma_start3A_12 = arith.constant 0 : i32
    %dma_start3A_13 = tpu.memref_slice %arg19[%dma_start3A_11, %dma_start3A_12] : memref<8x128xi32, #tpu.memory_space<vmem>> -> memref<1x128xi32, #tpu.memory_space<vmem>>
    %dma_start3A_14 = arith.constant 0 : i32
    %dma_start3A_15 = tpu.memref_slice %arg2[%add3A_6, %dma_start3A_14] : memref<128x128xi32, #tpu.memory_space<hbm>> -> memref<1x128xi32, #tpu.memory_space<hbm>>
    tpu.enqueue_dma source(%dma_start3A_15 : memref<1x128xi32, #tpu.memory_space<hbm>>) target(%dma_start3A_13 : memref<1x128xi32, #tpu.memory_space<vmem>>) target_semaphore(%arg21 : memref<!tpu.dma_semaphore, #tpu.memory_space<semaphore_mem>>)
    %dma_start3A_16 = arith.constant 1 : i32
    %dma_start3A_17 = arith.constant 0 : i32
    %dma_start3A_18 = tpu.memref_slice %arg19[%dma_start3A_16, %dma_start3A_17] : memref<8x128xi32, #tpu.memory_space<vmem>> -> memref<1x128xi32, #tpu.memory_space<vmem>>
    %dma_start3A_19 = arith.constant 0 : i32
    %dma_start3A_20 = tpu.memref_slice %arg3[%add3A_6, %dma_start3A_19] : memref<128x128xi32, #tpu.memory_space<hbm>> -> memref<1x128xi32, #tpu.memory_space<hbm>>
    %dma_start3A_21 = arith.constant 1 : i32
    %dma_start3A_22 = arith.constant 0 : i32
    %dma_start3A_23 = tpu.memref_slice %arg19[%dma_start3A_21, %dma_start3A_22] : memref<8x128xi32, #tpu.memory_space<vmem>> -> memref<1x128xi32, #tpu.memory_space<vmem>>
    %dma_start3A_24 = arith.constant 0 : i32
    %dma_start3A_25 = tpu.memref_slice %arg3[%add3A_6, %dma_start3A_24] : memref<128x128xi32, #tpu.memory_space<hbm>> -> memref<1x128xi32, #tpu.memory_space<hbm>>
    tpu.enqueue_dma source(%dma_start3A_25 : memref<1x128xi32, #tpu.memory_space<hbm>>) target(%dma_start3A_23 : memref<1x128xi32, #tpu.memory_space<vmem>>) target_semaphore(%arg21 : memref<!tpu.dma_semaphore, #tpu.memory_space<semaphore_mem>>)
    %dma_start3A_26 = arith.constant 2 : i32
    %dma_start3A_27 = arith.constant 0 : i32
    %dma_start3A_28 = tpu.memref_slice %arg19[%dma_start3A_26, %dma_start3A_27] : memref<8x128xi32, #tpu.memory_space<vmem>> -> memref<1x128xi32, #tpu.memory_space<vmem>>
    %dma_start3A_29 = arith.constant 0 : i32
    %dma_start3A_30 = tpu.memref_slice %arg4[%add3A_6, %dma_start3A_29] : memref<128x128xi32, #tpu.memory_space<hbm>> -> memref<1x128xi32, #tpu.memory_space<hbm>>
    %dma_start3A_31 = arith.constant 2 : i32
    %dma_start3A_32 = arith.constant 0 : i32
    %dma_start3A_33 = tpu.memref_slice %arg19[%dma_start3A_31, %dma_start3A_32] : memref<8x128xi32, #tpu.memory_space<vmem>> -> memref<1x128xi32, #tpu.memory_space<vmem>>
    %dma_start3A_34 = arith.constant 0 : i32
    %dma_start3A_35 = tpu.memref_slice %arg4[%add3A_6, %dma_start3A_34] : memref<128x128xi32, #tpu.memory_space<hbm>> -> memref<1x128xi32, #tpu.memory_space<hbm>>
    tpu.enqueue_dma source(%dma_start3A_35 : memref<1x128xi32, #tpu.memory_space<hbm>>) target(%dma_start3A_33 : memref<1x128xi32, #tpu.memory_space<vmem>>) target_semaphore(%arg21 : memref<!tpu.dma_semaphore, #tpu.memory_space<semaphore_mem>>)
    %dma_start3A_36 = arith.constant 3 : i32
    %dma_start3A_37 = arith.constant 0 : i32
    %dma_start3A_38 = tpu.memref_slice %arg19[%dma_start3A_36, %dma_start3A_37] : memref<8x128xi32, #tpu.memory_space<vmem>> -> memref<1x128xi32, #tpu.memory_space<vmem>>
    %dma_start3A_39 = arith.constant 0 : i32
    %dma_start3A_40 = tpu.memref_slice %arg5[%add3A_6, %dma_start3A_39] : memref<128x128xi32, #tpu.memory_space<hbm>> -> memref<1x128xi32, #tpu.memory_space<hbm>>
    %dma_start3A_41 = arith.constant 3 : i32
    %dma_start3A_42 = arith.constant 0 : i32
    %dma_start3A_43 = tpu.memref_slice %arg19[%dma_start3A_41, %dma_start3A_42] : memref<8x128xi32, #tpu.memory_space<vmem>> -> memref<1x128xi32, #tpu.memory_space<vmem>>
    %dma_start3A_44 = arith.constant 0 : i32
    %dma_start3A_45 = tpu.memref_slice %arg5[%add3A_6, %dma_start3A_44] : memref<128x128xi32, #tpu.memory_space<hbm>> -> memref<1x128xi32, #tpu.memory_space<hbm>>
    tpu.enqueue_dma source(%dma_start3A_45 : memref<1x128xi32, #tpu.memory_space<hbm>>) target(%dma_start3A_43 : memref<1x128xi32, #tpu.memory_space<vmem>>) target_semaphore(%arg21 : memref<!tpu.dma_semaphore, #tpu.memory_space<semaphore_mem>>)
    %dma_start3A_46 = arith.constant 4 : i32
    %dma_start3A_47 = arith.constant 0 : i32
    %dma_start3A_48 = tpu.memref_slice %arg19[%dma_start3A_46, %dma_start3A_47] : memref<8x128xi32, #tpu.memory_space<vmem>> -> memref<1x128xi32, #tpu.memory_space<vmem>>
    %dma_start3A_49 = arith.constant 0 : i32
    %dma_start3A_50 = tpu.memref_slice %arg6[%add3A_6, %dma_start3A_49] : memref<128x128xi32, #tpu.memory_space<hbm>> -> memref<1x128xi32, #tpu.memory_space<hbm>>
    %dma_start3A_51 = arith.constant 4 : i32
    %dma_start3A_52 = arith.constant 0 : i32
    %dma_start3A_53 = tpu.memref_slice %arg19[%dma_start3A_51, %dma_start3A_52] : memref<8x128xi32, #tpu.memory_space<vmem>> -> memref<1x128xi32, #tpu.memory_space<vmem>>
    %dma_start3A_54 = arith.constant 0 : i32
    %dma_start3A_55 = tpu.memref_slice %arg6[%add3A_6, %dma_start3A_54] : memref<128x128xi32, #tpu.memory_space<hbm>> -> memref<1x128xi32, #tpu.memory_space<hbm>>
    tpu.enqueue_dma source(%dma_start3A_55 : memref<1x128xi32, #tpu.memory_space<hbm>>) target(%dma_start3A_53 : memref<1x128xi32, #tpu.memory_space<vmem>>) target_semaphore(%arg21 : memref<!tpu.dma_semaphore, #tpu.memory_space<semaphore_mem>>)
    %dma_start3A_56 = arith.constant 5 : i32
    %dma_start3A_57 = arith.constant 0 : i32
    %dma_start3A_58 = tpu.memref_slice %arg19[%dma_start3A_56, %dma_start3A_57] : memref<8x128xi32, #tpu.memory_space<vmem>> -> memref<1x128xi32, #tpu.memory_space<vmem>>
    %dma_start3A_59 = arith.constant 0 : i32
    %dma_start3A_60 = tpu.memref_slice %arg7[%add3A_6, %dma_start3A_59] : memref<128x128xi32, #tpu.memory_space<hbm>> -> memref<1x128xi32, #tpu.memory_space<hbm>>
    %dma_start3A_61 = arith.constant 5 : i32
    %dma_start3A_62 = arith.constant 0 : i32
    %dma_start3A_63 = tpu.memref_slice %arg19[%dma_start3A_61, %dma_start3A_62] : memref<8x128xi32, #tpu.memory_space<vmem>> -> memref<1x128xi32, #tpu.memory_space<vmem>>
    %dma_start3A_64 = arith.constant 0 : i32
    %dma_start3A_65 = tpu.memref_slice %arg7[%add3A_6, %dma_start3A_64] : memref<128x128xi32, #tpu.memory_space<hbm>> -> memref<1x128xi32, #tpu.memory_space<hbm>>
    tpu.enqueue_dma source(%dma_start3A_65 : memref<1x128xi32, #tpu.memory_space<hbm>>) target(%dma_start3A_63 : memref<1x128xi32, #tpu.memory_space<vmem>>) target_semaphore(%arg21 : memref<!tpu.dma_semaphore, #tpu.memory_space<semaphore_mem>>)
    %dma_start3A_66 = arith.constant 6 : i32
    %dma_start3A_67 = arith.constant 0 : i32
    %dma_start3A_68 = tpu.memref_slice %arg19[%dma_start3A_66, %dma_start3A_67] : memref<8x128xi32, #tpu.memory_space<vmem>> -> memref<1x128xi32, #tpu.memory_space<vmem>>
    %dma_start3A_69 = arith.constant 0 : i32
    %dma_start3A_70 = tpu.memref_slice %arg8[%add3A_6, %dma_start3A_69] : memref<128x128xi32, #tpu.memory_space<hbm>> -> memref<1x128xi32, #tpu.memory_space<hbm>>
    %dma_start3A_71 = arith.constant 6 : i32
    %dma_start3A_72 = arith.constant 0 : i32
    %dma_start3A_73 = tpu.memref_slice %arg19[%dma_start3A_71, %dma_start3A_72] : memref<8x128xi32, #tpu.memory_space<vmem>> -> memref<1x128xi32, #tpu.memory_space<vmem>>
    %dma_start3A_74 = arith.constant 0 : i32
    %dma_start3A_75 = tpu.memref_slice %arg8[%add3A_6, %dma_start3A_74] : memref<128x128xi32, #tpu.memory_space<hbm>> -> memref<1x128xi32, #tpu.memory_space<hbm>>
    tpu.enqueue_dma source(%dma_start3A_75 : memref<1x128xi32, #tpu.memory_space<hbm>>) target(%dma_start3A_73 : memref<1x128xi32, #tpu.memory_space<vmem>>) target_semaphore(%arg21 : memref<!tpu.dma_semaphore, #tpu.memory_space<semaphore_mem>>)
    %dma_start3A_76 = arith.constant 7 : i32
    %dma_start3A_77 = arith.constant 0 : i32
    %dma_start3A_78 = tpu.memref_slice %arg19[%dma_start3A_76, %dma_start3A_77] : memref<8x128xi32, #tpu.memory_space<vmem>> -> memref<1x128xi32, #tpu.memory_space<vmem>>
    %dma_start3A_79 = arith.constant 0 : i32
    %dma_start3A_80 = tpu.memref_slice %arg9[%add3A_6, %dma_start3A_79] : memref<128x128xi32, #tpu.memory_space<hbm>> -> memref<1x128xi32, #tpu.memory_space<hbm>>
    %dma_start3A_81 = arith.constant 7 : i32
    %dma_start3A_82 = arith.constant 0 : i32
    %dma_start3A_83 = tpu.memref_slice %arg19[%dma_start3A_81, %dma_start3A_82] : memref<8x128xi32, #tpu.memory_space<vmem>> -> memref<1x128xi32, #tpu.memory_space<vmem>>
    %dma_start3A_84 = arith.constant 0 : i32
    %dma_start3A_85 = tpu.memref_slice %arg9[%add3A_6, %dma_start3A_84] : memref<128x128xi32, #tpu.memory_space<hbm>> -> memref<1x128xi32, #tpu.memory_space<hbm>>
    tpu.enqueue_dma source(%dma_start3A_85 : memref<1x128xi32, #tpu.memory_space<hbm>>) target(%dma_start3A_83 : memref<1x128xi32, #tpu.memory_space<vmem>>) target_semaphore(%arg21 : memref<!tpu.dma_semaphore, #tpu.memory_space<semaphore_mem>>)
    %dma_wait3A = arith.constant 0 : i32
    %dma_wait3A_86 = arith.constant 0 : i32
    %dma_wait3A_87 = tpu.memref_slice %arg19[%dma_wait3A, %dma_wait3A_86] : memref<8x128xi32, #tpu.memory_space<vmem>> -> memref<1x128xi32, #tpu.memory_space<vmem>>
    %dma_wait3A_88 = arith.constant 0 : i32
    %dma_wait3A_89 = tpu.memref_slice %arg2[%add3A_6, %dma_wait3A_88] : memref<128x128xi32, #tpu.memory_space<hbm>> -> memref<1x128xi32, #tpu.memory_space<hbm>>
    %dma_wait3A_90 = arith.constant 0 : i32
    %dma_wait3A_91 = arith.constant 0 : i32
    %dma_wait3A_92 = tpu.memref_slice %arg19[%dma_wait3A_90, %dma_wait3A_91] : memref<8x128xi32, #tpu.memory_space<vmem>> -> memref<1x128xi32, #tpu.memory_space<vmem>>
    %dma_wait3A_93 = arith.constant 0 : i32
    %dma_wait3A_94 = tpu.memref_slice %arg2[%add3A_6, %dma_wait3A_93] : memref<128x128xi32, #tpu.memory_space<hbm>> -> memref<1x128xi32, #tpu.memory_space<hbm>>
    tpu.wait_dma2 semaphore(%arg21 : memref<!tpu.dma_semaphore, #tpu.memory_space<semaphore_mem>>) src(%dma_wait3A_94 : memref<1x128xi32, #tpu.memory_space<hbm>>) dst(%dma_wait3A_92 : memref<1x128xi32, #tpu.memory_space<vmem>>)
    %dma_wait3A_95 = arith.constant 1 : i32
    %dma_wait3A_96 = arith.constant 0 : i32
    %dma_wait3A_97 = tpu.memref_slice %arg19[%dma_wait3A_95, %dma_wait3A_96] : memref<8x128xi32, #tpu.memory_space<vmem>> -> memref<1x128xi32, #tpu.memory_space<vmem>>
    %dma_wait3A_98 = arith.constant 0 : i32
    %dma_wait3A_99 = tpu.memref_slice %arg3[%add3A_6, %dma_wait3A_98] : memref<128x128xi32, #tpu.memory_space<hbm>> -> memref<1x128xi32, #tpu.memory_space<hbm>>
    %dma_wait3A_100 = arith.constant 1 : i32
    %dma_wait3A_101 = arith.constant 0 : i32
    %dma_wait3A_102 = tpu.memref_slice %arg19[%dma_wait3A_100, %dma_wait3A_101] : memref<8x128xi32, #tpu.memory_space<vmem>> -> memref<1x128xi32, #tpu.memory_space<vmem>>
    %dma_wait3A_103 = arith.constant 0 : i32
    %dma_wait3A_104 = tpu.memref_slice %arg3[%add3A_6, %dma_wait3A_103] : memref<128x128xi32, #tpu.memory_space<hbm>> -> memref<1x128xi32, #tpu.memory_space<hbm>>
    tpu.wait_dma2 semaphore(%arg21 : memref<!tpu.dma_semaphore, #tpu.memory_space<semaphore_mem>>) src(%dma_wait3A_104 : memref<1x128xi32, #tpu.memory_space<hbm>>) dst(%dma_wait3A_102 : memref<1x128xi32, #tpu.memory_space<vmem>>)
    %dma_wait3A_105 = arith.constant 2 : i32
    %dma_wait3A_106 = arith.constant 0 : i32
    %dma_wait3A_107 = tpu.memref_slice %arg19[%dma_wait3A_105, %dma_wait3A_106] : memref<8x128xi32, #tpu.memory_space<vmem>> -> memref<1x128xi32, #tpu.memory_space<vmem>>
    %dma_wait3A_108 = arith.constant 0 : i32
    %dma_wait3A_109 = tpu.memref_slice %arg4[%add3A_6, %dma_wait3A_108] : memref<128x128xi32, #tpu.memory_space<hbm>> -> memref<1x128xi32, #tpu.memory_space<hbm>>
    %dma_wait3A_110 = arith.constant 2 : i32
    %dma_wait3A_111 = arith.constant 0 : i32
    %dma_wait3A_112 = tpu.memref_slice %arg19[%dma_wait3A_110, %dma_wait3A_111] : memref<8x128xi32, #tpu.memory_space<vmem>> -> memref<1x128xi32, #tpu.memory_space<vmem>>
    %dma_wait3A_113 = arith.constant 0 : i32
    %dma_wait3A_114 = tpu.memref_slice %arg4[%add3A_6, %dma_wait3A_113] : memref<128x128xi32, #tpu.memory_space<hbm>> -> memref<1x128xi32, #tpu.memory_space<hbm>>
    tpu.wait_dma2 semaphore(%arg21 : memref<!tpu.dma_semaphore, #tpu.memory_space<semaphore_mem>>) src(%dma_wait3A_114 : memref<1x128xi32, #tpu.memory_space<hbm>>) dst(%dma_wait3A_112 : memref<1x128xi32, #tpu.memory_space<vmem>>)
    %dma_wait3A_115 = arith.constant 3 : i32
    %dma_wait3A_116 = arith.constant 0 : i32
    %dma_wait3A_117 = tpu.memref_slice %arg19[%dma_wait3A_115, %dma_wait3A_116] : memref<8x128xi32, #tpu.memory_space<vmem>> -> memref<1x128xi32, #tpu.memory_space<vmem>>
    %dma_wait3A_118 = arith.constant 0 : i32
    %dma_wait3A_119 = tpu.memref_slice %arg5[%add3A_6, %dma_wait3A_118] : memref<128x128xi32, #tpu.memory_space<hbm>> -> memref<1x128xi32, #tpu.memory_space<hbm>>
    %dma_wait3A_120 = arith.constant 3 : i32
    %dma_wait3A_121 = arith.constant 0 : i32
    %dma_wait3A_122 = tpu.memref_slice %arg19[%dma_wait3A_120, %dma_wait3A_121] : memref<8x128xi32, #tpu.memory_space<vmem>> -> memref<1x128xi32, #tpu.memory_space<vmem>>
    %dma_wait3A_123 = arith.constant 0 : i32
    %dma_wait3A_124 = tpu.memref_slice %arg5[%add3A_6, %dma_wait3A_123] : memref<128x128xi32, #tpu.memory_space<hbm>> -> memref<1x128xi32, #tpu.memory_space<hbm>>
    tpu.wait_dma2 semaphore(%arg21 : memref<!tpu.dma_semaphore, #tpu.memory_space<semaphore_mem>>) src(%dma_wait3A_124 : memref<1x128xi32, #tpu.memory_space<hbm>>) dst(%dma_wait3A_122 : memref<1x128xi32, #tpu.memory_space<vmem>>)
    %dma_wait3A_125 = arith.constant 4 : i32
    %dma_wait3A_126 = arith.constant 0 : i32
    %dma_wait3A_127 = tpu.memref_slice %arg19[%dma_wait3A_125, %dma_wait3A_126] : memref<8x128xi32, #tpu.memory_space<vmem>> -> memref<1x128xi32, #tpu.memory_space<vmem>>
    %dma_wait3A_128 = arith.constant 0 : i32
    %dma_wait3A_129 = tpu.memref_slice %arg6[%add3A_6, %dma_wait3A_128] : memref<128x128xi32, #tpu.memory_space<hbm>> -> memref<1x128xi32, #tpu.memory_space<hbm>>
    %dma_wait3A_130 = arith.constant 4 : i32
    %dma_wait3A_131 = arith.constant 0 : i32
    %dma_wait3A_132 = tpu.memref_slice %arg19[%dma_wait3A_130, %dma_wait3A_131] : memref<8x128xi32, #tpu.memory_space<vmem>> -> memref<1x128xi32, #tpu.memory_space<vmem>>
    %dma_wait3A_133 = arith.constant 0 : i32
    %dma_wait3A_134 = tpu.memref_slice %arg6[%add3A_6, %dma_wait3A_133] : memref<128x128xi32, #tpu.memory_space<hbm>> -> memref<1x128xi32, #tpu.memory_space<hbm>>
    tpu.wait_dma2 semaphore(%arg21 : memref<!tpu.dma_semaphore, #tpu.memory_space<semaphore_mem>>) src(%dma_wait3A_134 : memref<1x128xi32, #tpu.memory_space<hbm>>) dst(%dma_wait3A_132 : memref<1x128xi32, #tpu.memory_space<vmem>>)
    %dma_wait3A_135 = arith.constant 5 : i32
    %dma_wait3A_136 = arith.constant 0 : i32
    %dma_wait3A_137 = tpu.memref_slice %arg19[%dma_wait3A_135, %dma_wait3A_136] : memref<8x128xi32, #tpu.memory_space<vmem>> -> memref<1x128xi32, #tpu.memory_space<vmem>>
    %dma_wait3A_138 = arith.constant 0 : i32
    %dma_wait3A_139 = tpu.memref_slice %arg7[%add3A_6, %dma_wait3A_138] : memref<128x128xi32, #tpu.memory_space<hbm>> -> memref<1x128xi32, #tpu.memory_space<hbm>>
    %dma_wait3A_140 = arith.constant 5 : i32
    %dma_wait3A_141 = arith.constant 0 : i32
    %dma_wait3A_142 = tpu.memref_slice %arg19[%dma_wait3A_140, %dma_wait3A_141] : memref<8x128xi32, #tpu.memory_space<vmem>> -> memref<1x128xi32, #tpu.memory_space<vmem>>
    %dma_wait3A_143 = arith.constant 0 : i32
    %dma_wait3A_144 = tpu.memref_slice %arg7[%add3A_6, %dma_wait3A_143] : memref<128x128xi32, #tpu.memory_space<hbm>> -> memref<1x128xi32, #tpu.memory_space<hbm>>
    tpu.wait_dma2 semaphore(%arg21 : memref<!tpu.dma_semaphore, #tpu.memory_space<semaphore_mem>>) src(%dma_wait3A_144 : memref<1x128xi32, #tpu.memory_space<hbm>>) dst(%dma_wait3A_142 : memref<1x128xi32, #tpu.memory_space<vmem>>)
    %dma_wait3A_145 = arith.constant 6 : i32
    %dma_wait3A_146 = arith.constant 0 : i32
    %dma_wait3A_147 = tpu.memref_slice %arg19[%dma_wait3A_145, %dma_wait3A_146] : memref<8x128xi32, #tpu.memory_space<vmem>> -> memref<1x128xi32, #tpu.memory_space<vmem>>
    %dma_wait3A_148 = arith.constant 0 : i32
    %dma_wait3A_149 = tpu.memref_slice %arg8[%add3A_6, %dma_wait3A_148] : memref<128x128xi32, #tpu.memory_space<hbm>> -> memref<1x128xi32, #tpu.memory_space<hbm>>
    %dma_wait3A_150 = arith.constant 6 : i32
    %dma_wait3A_151 = arith.constant 0 : i32
    %dma_wait3A_152 = tpu.memref_slice %arg19[%dma_wait3A_150, %dma_wait3A_151] : memref<8x128xi32, #tpu.memory_space<vmem>> -> memref<1x128xi32, #tpu.memory_space<vmem>>
    %dma_wait3A_153 = arith.constant 0 : i32
    %dma_wait3A_154 = tpu.memref_slice %arg8[%add3A_6, %dma_wait3A_153] : memref<128x128xi32, #tpu.memory_space<hbm>> -> memref<1x128xi32, #tpu.memory_space<hbm>>
    tpu.wait_dma2 semaphore(%arg21 : memref<!tpu.dma_semaphore, #tpu.memory_space<semaphore_mem>>) src(%dma_wait3A_154 : memref<1x128xi32, #tpu.memory_space<hbm>>) dst(%dma_wait3A_152 : memref<1x128xi32, #tpu.memory_space<vmem>>)
    %dma_wait3A_155 = arith.constant 7 : i32
    %dma_wait3A_156 = arith.constant 0 : i32
    %dma_wait3A_157 = tpu.memref_slice %arg19[%dma_wait3A_155, %dma_wait3A_156] : memref<8x128xi32, #tpu.memory_space<vmem>> -> memref<1x128xi32, #tpu.memory_space<vmem>>
    %dma_wait3A_158 = arith.constant 0 : i32
    %dma_wait3A_159 = tpu.memref_slice %arg9[%add3A_6, %dma_wait3A_158] : memref<128x128xi32, #tpu.memory_space<hbm>> -> memref<1x128xi32, #tpu.memory_space<hbm>>
    %dma_wait3A_160 = arith.constant 7 : i32
    %dma_wait3A_161 = arith.constant 0 : i32
    %dma_wait3A_162 = tpu.memref_slice %arg19[%dma_wait3A_160, %dma_wait3A_161] : memref<8x128xi32, #tpu.memory_space<vmem>> -> memref<1x128xi32, #tpu.memory_space<vmem>>
    %dma_wait3A_163 = arith.constant 0 : i32
    %dma_wait3A_164 = tpu.memref_slice %arg9[%add3A_6, %dma_wait3A_163] : memref<128x128xi32, #tpu.memory_space<hbm>> -> memref<1x128xi32, #tpu.memory_space<hbm>>
    tpu.wait_dma2 semaphore(%arg21 : memref<!tpu.dma_semaphore, #tpu.memory_space<semaphore_mem>>) src(%dma_wait3A_164 : memref<1x128xi32, #tpu.memory_space<hbm>>) dst(%dma_wait3A_162 : memref<1x128xi32, #tpu.memory_space<vmem>>)
    %dma_start3A_165 = arith.constant 0 : i32
    %dma_start3A_166 = arith.constant 0 : i32
    %dma_start3A_167 = arith.constant 0 : i32
    %dma_start3A_168 = arith.constant 0 : i32
    %dma_start3A_169 = tpu.memref_slice %arg20[%dma_start3A_166, %dma_start3A_167, %dma_start3A_168] : memref<4x128x128xf32, #tpu.memory_space<vmem>> -> memref<1x128x128xf32, #tpu.memory_space<vmem>>
    %dma_start3A_170 = tpu.memref_squeeze %dma_start3A_169 : memref<1x128x128xf32, #tpu.memory_space<vmem>> -> memref<128x128xf32, #tpu.memory_space<vmem>>
    %dma_start3A_171 = arith.constant 0 : i32
    %dma_start3A_172 = arith.constant 0 : i32
    %dma_start3A_173 = tpu.memref_slice %dma_start3A_170[%dma_start3A_171, %dma_start3A_172] : memref<128x128xf32, #tpu.memory_space<vmem>> -> memref<128x128xf32, #tpu.memory_space<vmem>>
    %dma_start3A_174 = arith.constant 0 : i32
    %dma_start3A_175 = tpu.memref_slice %arg19[%dma_start3A_165, %dma_start3A_174] : memref<8x128xi32, #tpu.memory_space<vmem>> -> memref<1x128xi32, #tpu.memory_space<vmem>>
    %dma_start3A_176 = tpu.memref_squeeze %dma_start3A_175 : memref<1x128xi32, #tpu.memory_space<vmem>> -> memref<128xi32, #tpu.memory_space<vmem>>
    %dma_start3A_177 = arith.constant 0 : i32
    %dma_start3A_178 = arith.constant 0 : i32
    %dma_start3A_179 = tpu.memref_slice %arg10[%dma_start3A_177, %dma_start3A_178] : memref<100000x128xf32, #tpu.memory_space<hbm>> -> memref<100000x128xf32, #tpu.memory_space<hbm>>
    tpu.enqueue_indirect_dma source(%dma_start3A_179 : memref<100000x128xf32, #tpu.memory_space<hbm>>) target(%dma_start3A_173 : memref<128x128xf32, #tpu.memory_space<vmem>>) offsets(%dma_start3A_176 : memref<128xi32, #tpu.memory_space<vmem>>) semaphore(%arg22 : memref<!tpu.dma_semaphore, #tpu.memory_space<semaphore_mem>>)
    %dma_start3A_180 = arith.constant 1 : i32
    %dma_start3A_181 = arith.constant 1 : i32
    %dma_start3A_182 = arith.constant 0 : i32
    %dma_start3A_183 = arith.constant 0 : i32
    %dma_start3A_184 = tpu.memref_slice %arg20[%dma_start3A_181, %dma_start3A_182, %dma_start3A_183] : memref<4x128x128xf32, #tpu.memory_space<vmem>> -> memref<1x128x128xf32, #tpu.memory_space<vmem>>
    %dma_start3A_185 = tpu.memref_squeeze %dma_start3A_184 : memref<1x128x128xf32, #tpu.memory_space<vmem>> -> memref<128x128xf32, #tpu.memory_space<vmem>>
    %dma_start3A_186 = arith.constant 0 : i32
    %dma_start3A_187 = arith.constant 0 : i32
    %dma_start3A_188 = tpu.memref_slice %dma_start3A_185[%dma_start3A_186, %dma_start3A_187] : memref<128x128xf32, #tpu.memory_space<vmem>> -> memref<128x128xf32, #tpu.memory_space<vmem>>
    %dma_start3A_189 = arith.constant 0 : i32
    %dma_start3A_190 = tpu.memref_slice %arg19[%dma_start3A_180, %dma_start3A_189] : memref<8x128xi32, #tpu.memory_space<vmem>> -> memref<1x128xi32, #tpu.memory_space<vmem>>
    %dma_start3A_191 = tpu.memref_squeeze %dma_start3A_190 : memref<1x128xi32, #tpu.memory_space<vmem>> -> memref<128xi32, #tpu.memory_space<vmem>>
    %dma_start3A_192 = arith.constant 0 : i32
    %dma_start3A_193 = arith.constant 0 : i32
    %dma_start3A_194 = tpu.memref_slice %arg11[%dma_start3A_192, %dma_start3A_193] : memref<100000x128xf32, #tpu.memory_space<hbm>> -> memref<100000x128xf32, #tpu.memory_space<hbm>>
    tpu.enqueue_indirect_dma source(%dma_start3A_194 : memref<100000x128xf32, #tpu.memory_space<hbm>>) target(%dma_start3A_188 : memref<128x128xf32, #tpu.memory_space<vmem>>) offsets(%dma_start3A_191 : memref<128xi32, #tpu.memory_space<vmem>>) semaphore(%arg22 : memref<!tpu.dma_semaphore, #tpu.memory_space<semaphore_mem>>)
    %dma_start3A_195 = arith.constant 2 : i32
    %dma_start3A_196 = arith.constant 2 : i32
    %dma_start3A_197 = arith.constant 0 : i32
    %dma_start3A_198 = arith.constant 0 : i32
    %dma_start3A_199 = tpu.memref_slice %arg20[%dma_start3A_196, %dma_start3A_197, %dma_start3A_198] : memref<4x128x128xf32, #tpu.memory_space<vmem>> -> memref<1x128x128xf32, #tpu.memory_space<vmem>>
    %dma_start3A_200 = tpu.memref_squeeze %dma_start3A_199 : memref<1x128x128xf32, #tpu.memory_space<vmem>> -> memref<128x128xf32, #tpu.memory_space<vmem>>
    %dma_start3A_201 = arith.constant 0 : i32
    %dma_start3A_202 = arith.constant 0 : i32
    %dma_start3A_203 = tpu.memref_slice %dma_start3A_200[%dma_start3A_201, %dma_start3A_202] : memref<128x128xf32, #tpu.memory_space<vmem>> -> memref<128x128xf32, #tpu.memory_space<vmem>>
    %dma_start3A_204 = arith.constant 0 : i32
    %dma_start3A_205 = tpu.memref_slice %arg19[%dma_start3A_195, %dma_start3A_204] : memref<8x128xi32, #tpu.memory_space<vmem>> -> memref<1x128xi32, #tpu.memory_space<vmem>>
    %dma_start3A_206 = tpu.memref_squeeze %dma_start3A_205 : memref<1x128xi32, #tpu.memory_space<vmem>> -> memref<128xi32, #tpu.memory_space<vmem>>
    %dma_start3A_207 = arith.constant 0 : i32
    %dma_start3A_208 = arith.constant 0 : i32
    %dma_start3A_209 = tpu.memref_slice %arg12[%dma_start3A_207, %dma_start3A_208] : memref<100000x128xf32, #tpu.memory_space<hbm>> -> memref<100000x128xf32, #tpu.memory_space<hbm>>
    tpu.enqueue_indirect_dma source(%dma_start3A_209 : memref<100000x128xf32, #tpu.memory_space<hbm>>) target(%dma_start3A_203 : memref<128x128xf32, #tpu.memory_space<vmem>>) offsets(%dma_start3A_206 : memref<128xi32, #tpu.memory_space<vmem>>) semaphore(%arg22 : memref<!tpu.dma_semaphore, #tpu.memory_space<semaphore_mem>>)
    %dma_start3A_210 = arith.constant 3 : i32
    %dma_start3A_211 = arith.constant 3 : i32
    %dma_start3A_212 = arith.constant 0 : i32
    %dma_start3A_213 = arith.constant 0 : i32
    %dma_start3A_214 = tpu.memref_slice %arg20[%dma_start3A_211, %dma_start3A_212, %dma_start3A_213] : memref<4x128x128xf32, #tpu.memory_space<vmem>> -> memref<1x128x128xf32, #tpu.memory_space<vmem>>
    %dma_start3A_215 = tpu.memref_squeeze %dma_start3A_214 : memref<1x128x128xf32, #tpu.memory_space<vmem>> -> memref<128x128xf32, #tpu.memory_space<vmem>>
    %dma_start3A_216 = arith.constant 0 : i32
    %dma_start3A_217 = arith.constant 0 : i32
    %dma_start3A_218 = tpu.memref_slice %dma_start3A_215[%dma_start3A_216, %dma_start3A_217] : memref<128x128xf32, #tpu.memory_space<vmem>> -> memref<128x128xf32, #tpu.memory_space<vmem>>
    %dma_start3A_219 = arith.constant 0 : i32
    %dma_start3A_220 = tpu.memref_slice %arg19[%dma_start3A_210, %dma_start3A_219] : memref<8x128xi32, #tpu.memory_space<vmem>> -> memref<1x128xi32, #tpu.memory_space<vmem>>
    %dma_start3A_221 = tpu.memref_squeeze %dma_start3A_220 : memref<1x128xi32, #tpu.memory_space<vmem>> -> memref<128xi32, #tpu.memory_space<vmem>>
    %dma_start3A_222 = arith.constant 0 : i32
    %dma_start3A_223 = arith.constant 0 : i32
    %dma_start3A_224 = tpu.memref_slice %arg13[%dma_start3A_222, %dma_start3A_223] : memref<100000x128xf32, #tpu.memory_space<hbm>> -> memref<100000x128xf32, #tpu.memory_space<hbm>>
    tpu.enqueue_indirect_dma source(%dma_start3A_224 : memref<100000x128xf32, #tpu.memory_space<hbm>>) target(%dma_start3A_218 : memref<128x128xf32, #tpu.memory_space<vmem>>) offsets(%dma_start3A_221 : memref<128xi32, #tpu.memory_space<vmem>>) semaphore(%arg22 : memref<!tpu.dma_semaphore, #tpu.memory_space<semaphore_mem>>)
    %dma_wait3A_225 = arith.constant 0 : i32
    %dma_wait3A_226 = arith.constant 0 : i32
    %dma_wait3A_227 = arith.constant 0 : i32
    %dma_wait3A_228 = arith.constant 0 : i32
    %dma_wait3A_229 = tpu.memref_slice %arg20[%dma_wait3A_226, %dma_wait3A_227, %dma_wait3A_228] : memref<4x128x128xf32, #tpu.memory_space<vmem>> -> memref<1x128x128xf32, #tpu.memory_space<vmem>>
    %dma_wait3A_230 = tpu.memref_squeeze %dma_wait3A_229 : memref<1x128x128xf32, #tpu.memory_space<vmem>> -> memref<128x128xf32, #tpu.memory_space<vmem>>
    %dma_wait3A_231 = arith.constant 0 : i32
    %dma_wait3A_232 = arith.constant 0 : i32
    %dma_wait3A_233 = tpu.memref_slice %dma_wait3A_230[%dma_wait3A_231, %dma_wait3A_232] : memref<128x128xf32, #tpu.memory_space<vmem>> -> memref<128x128xf32, #tpu.memory_space<vmem>>
    %dma_wait3A_234 = arith.constant 0 : i32
    %dma_wait3A_235 = tpu.memref_slice %arg19[%dma_wait3A_225, %dma_wait3A_234] : memref<8x128xi32, #tpu.memory_space<vmem>> -> memref<1x128xi32, #tpu.memory_space<vmem>>
    %dma_wait3A_236 = tpu.memref_squeeze %dma_wait3A_235 : memref<1x128xi32, #tpu.memory_space<vmem>> -> memref<128xi32, #tpu.memory_space<vmem>>
    %dma_wait3A_237 = arith.constant 0 : i32
    %dma_wait3A_238 = arith.constant 0 : i32
    %dma_wait3A_239 = tpu.memref_slice %arg10[%dma_wait3A_237, %dma_wait3A_238] : memref<100000x128xf32, #tpu.memory_space<hbm>> -> memref<100000x128xf32, #tpu.memory_space<hbm>>
    tpu.wait_indirect_dma semaphore(%arg22 : memref<!tpu.dma_semaphore, #tpu.memory_space<semaphore_mem>>) src(%dma_wait3A_239 : memref<100000x128xf32, #tpu.memory_space<hbm>>) dst(%dma_wait3A_233 : memref<128x128xf32, #tpu.memory_space<vmem>>)
    %dma_start3A_240 = arith.constant 0 : i32
    %dma_start3A_241 = arith.constant 0 : i32
    %dma_start3A_242 = arith.constant 0 : i32
    %dma_start3A_243 = tpu.memref_slice %arg20[%dma_start3A_240, %dma_start3A_241, %dma_start3A_242] : memref<4x128x128xf32, #tpu.memory_space<vmem>> -> memref<1x128x128xf32, #tpu.memory_space<vmem>>
    %dma_start3A_244 = tpu.memref_squeeze %dma_start3A_243 : memref<1x128x128xf32, #tpu.memory_space<vmem>> -> memref<128x128xf32, #tpu.memory_space<vmem>>
    %dma_start3A_245 = arith.constant 0 : i32
    %dma_start3A_246 = tpu.memref_slice %arg18[%mul3A_2, %dma_start3A_245] : memref<4096x1024xf32, #tpu.memory_space<hbm>> -> memref<128x128xf32, #tpu.memory_space<hbm>>
    %dma_start3A_247 = arith.constant 0 : i32
    %dma_start3A_248 = tpu.memref_slice %arg18[%mul3A_2, %dma_start3A_247] : memref<4096x1024xf32, #tpu.memory_space<hbm>> -> memref<128x128xf32, #tpu.memory_space<hbm>>
    %dma_start3A_249 = arith.constant 0 : i32
    %dma_start3A_250 = arith.constant 0 : i32
    %dma_start3A_251 = tpu.memref_slice %arg20[%dma_start3A_240, %dma_start3A_249, %dma_start3A_250] : memref<4x128x128xf32, #tpu.memory_space<vmem>> -> memref<1x128x128xf32, #tpu.memory_space<vmem>>
    %dma_start3A_252 = tpu.memref_squeeze %dma_start3A_251 : memref<1x128x128xf32, #tpu.memory_space<vmem>> -> memref<128x128xf32, #tpu.memory_space<vmem>>
    tpu.enqueue_dma source(%dma_start3A_252 : memref<128x128xf32, #tpu.memory_space<vmem>>) target(%dma_start3A_248 : memref<128x128xf32, #tpu.memory_space<hbm>>) target_semaphore(%arg23 : memref<!tpu.dma_semaphore, #tpu.memory_space<semaphore_mem>>)
    %dma_wait3A_253 = arith.constant 0 : i32
    %dma_wait3A_254 = arith.constant 0 : i32
    %dma_wait3A_255 = arith.constant 0 : i32
    %dma_wait3A_256 = tpu.memref_slice %arg20[%dma_wait3A_253, %dma_wait3A_254, %dma_wait3A_255] : memref<4x128x128xf32, #tpu.memory_space<vmem>> -> memref<1x128x128xf32, #tpu.memory_space<vmem>>
    %dma_wait3A_257 = tpu.memref_squeeze %dma_wait3A_256 : memref<1x128x128xf32, #tpu.memory_space<vmem>> -> memref<128x128xf32, #tpu.memory_space<vmem>>
    %dma_wait3A_258 = arith.constant 0 : i32
    %dma_wait3A_259 = tpu.memref_slice %arg18[%mul3A_2, %dma_wait3A_258] : memref<4096x1024xf32, #tpu.memory_space<hbm>> -> memref<128x128xf32, #tpu.memory_space<hbm>>
    %dma_wait3A_260 = arith.constant 0 : i32
    %dma_wait3A_261 = tpu.memref_slice %arg18[%mul3A_2, %dma_wait3A_260] : memref<4096x1024xf32, #tpu.memory_space<hbm>> -> memref<128x128xf32, #tpu.memory_space<hbm>>
    %dma_wait3A_262 = arith.constant 0 : i32
    %dma_wait3A_263 = arith.constant 0 : i32
    %dma_wait3A_264 = tpu.memref_slice %arg20[%dma_wait3A_253, %dma_wait3A_262, %dma_wait3A_263] : memref<4x128x128xf32, #tpu.memory_space<vmem>> -> memref<1x128x128xf32, #tpu.memory_space<vmem>>
    %dma_wait3A_265 = tpu.memref_squeeze %dma_wait3A_264 : memref<1x128x128xf32, #tpu.memory_space<vmem>> -> memref<128x128xf32, #tpu.memory_space<vmem>>
    tpu.wait_dma2 semaphore(%arg23 : memref<!tpu.dma_semaphore, #tpu.memory_space<semaphore_mem>>) src(%dma_wait3A_265 : memref<128x128xf32, #tpu.memory_space<vmem>>) dst(%dma_wait3A_261 : memref<128x128xf32, #tpu.memory_space<hbm>>)
    %dma_start3A_266 = arith.constant 4 : i32
    %dma_start3A_267 = arith.constant 0 : i32
    %dma_start3A_268 = arith.constant 0 : i32
    %dma_start3A_269 = arith.constant 0 : i32
    %dma_start3A_270 = tpu.memref_slice %arg20[%dma_start3A_267, %dma_start3A_268, %dma_start3A_269] : memref<4x128x128xf32, #tpu.memory_space<vmem>> -> memref<1x128x128xf32, #tpu.memory_space<vmem>>
    %dma_start3A_271 = tpu.memref_squeeze %dma_start3A_270 : memref<1x128x128xf32, #tpu.memory_space<vmem>> -> memref<128x128xf32, #tpu.memory_space<vmem>>
    %dma_start3A_272 = arith.constant 0 : i32
    %dma_start3A_273 = arith.constant 0 : i32
    %dma_start3A_274 = tpu.memref_slice %dma_start3A_271[%dma_start3A_272, %dma_start3A_273] : memref<128x128xf32, #tpu.memory_space<vmem>> -> memref<128x128xf32, #tpu.memory_space<vmem>>
    %dma_start3A_275 = arith.constant 0 : i32
    %dma_start3A_276 = tpu.memref_slice %arg19[%dma_start3A_266, %dma_start3A_275] : memref<8x128xi32, #tpu.memory_space<vmem>> -> memref<1x128xi32, #tpu.memory_space<vmem>>
    %dma_start3A_277 = tpu.memref_squeeze %dma_start3A_276 : memref<1x128xi32, #tpu.memory_space<vmem>> -> memref<128xi32, #tpu.memory_space<vmem>>
    %dma_start3A_278 = arith.constant 0 : i32
    %dma_start3A_279 = arith.constant 0 : i32
    %dma_start3A_280 = tpu.memref_slice %arg14[%dma_start3A_278, %dma_start3A_279] : memref<100000x128xf32, #tpu.memory_space<hbm>> -> memref<100000x128xf32, #tpu.memory_space<hbm>>
    tpu.enqueue_indirect_dma source(%dma_start3A_280 : memref<100000x128xf32, #tpu.memory_space<hbm>>) target(%dma_start3A_274 : memref<128x128xf32, #tpu.memory_space<vmem>>) offsets(%dma_start3A_277 : memref<128xi32, #tpu.memory_space<vmem>>) semaphore(%arg22 : memref<!tpu.dma_semaphore, #tpu.memory_space<semaphore_mem>>)
    %dma_wait3A_281 = arith.constant 1 : i32
    %dma_wait3A_282 = arith.constant 1 : i32
    %dma_wait3A_283 = arith.constant 0 : i32
    %dma_wait3A_284 = arith.constant 0 : i32
    %dma_wait3A_285 = tpu.memref_slice %arg20[%dma_wait3A_282, %dma_wait3A_283, %dma_wait3A_284] : memref<4x128x128xf32, #tpu.memory_space<vmem>> -> memref<1x128x128xf32, #tpu.memory_space<vmem>>
    %dma_wait3A_286 = tpu.memref_squeeze %dma_wait3A_285 : memref<1x128x128xf32, #tpu.memory_space<vmem>> -> memref<128x128xf32, #tpu.memory_space<vmem>>
    %dma_wait3A_287 = arith.constant 0 : i32
    %dma_wait3A_288 = arith.constant 0 : i32
    %dma_wait3A_289 = tpu.memref_slice %dma_wait3A_286[%dma_wait3A_287, %dma_wait3A_288] : memref<128x128xf32, #tpu.memory_space<vmem>> -> memref<128x128xf32, #tpu.memory_space<vmem>>
    %dma_wait3A_290 = arith.constant 0 : i32
    %dma_wait3A_291 = tpu.memref_slice %arg19[%dma_wait3A_281, %dma_wait3A_290] : memref<8x128xi32, #tpu.memory_space<vmem>> -> memref<1x128xi32, #tpu.memory_space<vmem>>
    %dma_wait3A_292 = tpu.memref_squeeze %dma_wait3A_291 : memref<1x128xi32, #tpu.memory_space<vmem>> -> memref<128xi32, #tpu.memory_space<vmem>>
    %dma_wait3A_293 = arith.constant 0 : i32
    %dma_wait3A_294 = arith.constant 0 : i32
    %dma_wait3A_295 = tpu.memref_slice %arg11[%dma_wait3A_293, %dma_wait3A_294] : memref<100000x128xf32, #tpu.memory_space<hbm>> -> memref<100000x128xf32, #tpu.memory_space<hbm>>
    tpu.wait_indirect_dma semaphore(%arg22 : memref<!tpu.dma_semaphore, #tpu.memory_space<semaphore_mem>>) src(%dma_wait3A_295 : memref<100000x128xf32, #tpu.memory_space<hbm>>) dst(%dma_wait3A_289 : memref<128x128xf32, #tpu.memory_space<vmem>>)
    %dma_start3A_296 = arith.constant 1 : i32
    %dma_start3A_297 = arith.constant 0 : i32
    %dma_start3A_298 = arith.constant 0 : i32
    %dma_start3A_299 = tpu.memref_slice %arg20[%dma_start3A_296, %dma_start3A_297, %dma_start3A_298] : memref<4x128x128xf32, #tpu.memory_space<vmem>> -> memref<1x128x128xf32, #tpu.memory_space<vmem>>
    %dma_start3A_300 = tpu.memref_squeeze %dma_start3A_299 : memref<1x128x128xf32, #tpu.memory_space<vmem>> -> memref<128x128xf32, #tpu.memory_space<vmem>>
    %dma_start3A_301 = arith.constant 128 : i32
    %dma_start3A_302 = tpu.memref_slice %arg18[%mul3A_2, %dma_start3A_301] : memref<4096x1024xf32, #tpu.memory_space<hbm>> -> memref<128x128xf32, #tpu.memory_space<hbm>>
    %dma_start3A_303 = arith.constant 128 : i32
    %dma_start3A_304 = tpu.memref_slice %arg18[%mul3A_2, %dma_start3A_303] : memref<4096x1024xf32, #tpu.memory_space<hbm>> -> memref<128x128xf32, #tpu.memory_space<hbm>>
    %dma_start3A_305 = arith.constant 0 : i32
    %dma_start3A_306 = arith.constant 0 : i32
    %dma_start3A_307 = tpu.memref_slice %arg20[%dma_start3A_296, %dma_start3A_305, %dma_start3A_306] : memref<4x128x128xf32, #tpu.memory_space<vmem>> -> memref<1x128x128xf32, #tpu.memory_space<vmem>>
    %dma_start3A_308 = tpu.memref_squeeze %dma_start3A_307 : memref<1x128x128xf32, #tpu.memory_space<vmem>> -> memref<128x128xf32, #tpu.memory_space<vmem>>
    tpu.enqueue_dma source(%dma_start3A_308 : memref<128x128xf32, #tpu.memory_space<vmem>>) target(%dma_start3A_304 : memref<128x128xf32, #tpu.memory_space<hbm>>) target_semaphore(%arg23 : memref<!tpu.dma_semaphore, #tpu.memory_space<semaphore_mem>>)
    %dma_wait3A_309 = arith.constant 1 : i32
    %dma_wait3A_310 = arith.constant 0 : i32
    %dma_wait3A_311 = arith.constant 0 : i32
    %dma_wait3A_312 = tpu.memref_slice %arg20[%dma_wait3A_309, %dma_wait3A_310, %dma_wait3A_311] : memref<4x128x128xf32, #tpu.memory_space<vmem>> -> memref<1x128x128xf32, #tpu.memory_space<vmem>>
    %dma_wait3A_313 = tpu.memref_squeeze %dma_wait3A_312 : memref<1x128x128xf32, #tpu.memory_space<vmem>> -> memref<128x128xf32, #tpu.memory_space<vmem>>
    %dma_wait3A_314 = arith.constant 128 : i32
    %dma_wait3A_315 = tpu.memref_slice %arg18[%mul3A_2, %dma_wait3A_314] : memref<4096x1024xf32, #tpu.memory_space<hbm>> -> memref<128x128xf32, #tpu.memory_space<hbm>>
    %dma_wait3A_316 = arith.constant 128 : i32
    %dma_wait3A_317 = tpu.memref_slice %arg18[%mul3A_2, %dma_wait3A_316] : memref<4096x1024xf32, #tpu.memory_space<hbm>> -> memref<128x128xf32, #tpu.memory_space<hbm>>
    %dma_wait3A_318 = arith.constant 0 : i32
    %dma_wait3A_319 = arith.constant 0 : i32
    %dma_wait3A_320 = tpu.memref_slice %arg20[%dma_wait3A_309, %dma_wait3A_318, %dma_wait3A_319] : memref<4x128x128xf32, #tpu.memory_space<vmem>> -> memref<1x128x128xf32, #tpu.memory_space<vmem>>
    %dma_wait3A_321 = tpu.memref_squeeze %dma_wait3A_320 : memref<1x128x128xf32, #tpu.memory_space<vmem>> -> memref<128x128xf32, #tpu.memory_space<vmem>>
    tpu.wait_dma2 semaphore(%arg23 : memref<!tpu.dma_semaphore, #tpu.memory_space<semaphore_mem>>) src(%dma_wait3A_321 : memref<128x128xf32, #tpu.memory_space<vmem>>) dst(%dma_wait3A_317 : memref<128x128xf32, #tpu.memory_space<hbm>>)
    %dma_start3A_322 = arith.constant 5 : i32
    %dma_start3A_323 = arith.constant 1 : i32
    %dma_start3A_324 = arith.constant 0 : i32
    %dma_start3A_325 = arith.constant 0 : i32
    %dma_start3A_326 = tpu.memref_slice %arg20[%dma_start3A_323, %dma_start3A_324, %dma_start3A_325] : memref<4x128x128xf32, #tpu.memory_space<vmem>> -> memref<1x128x128xf32, #tpu.memory_space<vmem>>
    %dma_start3A_327 = tpu.memref_squeeze %dma_start3A_326 : memref<1x128x128xf32, #tpu.memory_space<vmem>> -> memref<128x128xf32, #tpu.memory_space<vmem>>
    %dma_start3A_328 = arith.constant 0 : i32
    %dma_start3A_329 = arith.constant 0 : i32
    %dma_start3A_330 = tpu.memref_slice %dma_start3A_327[%dma_start3A_328, %dma_start3A_329] : memref<128x128xf32, #tpu.memory_space<vmem>> -> memref<128x128xf32, #tpu.memory_space<vmem>>
    %dma_start3A_331 = arith.constant 0 : i32
    %dma_start3A_332 = tpu.memref_slice %arg19[%dma_start3A_322, %dma_start3A_331] : memref<8x128xi32, #tpu.memory_space<vmem>> -> memref<1x128xi32, #tpu.memory_space<vmem>>
    %dma_start3A_333 = tpu.memref_squeeze %dma_start3A_332 : memref<1x128xi32, #tpu.memory_space<vmem>> -> memref<128xi32, #tpu.memory_space<vmem>>
    %dma_start3A_334 = arith.constant 0 : i32
    %dma_start3A_335 = arith.constant 0 : i32
    %dma_start3A_336 = tpu.memref_slice %arg15[%dma_start3A_334, %dma_start3A_335] : memref<100000x128xf32, #tpu.memory_space<hbm>> -> memref<100000x128xf32, #tpu.memory_space<hbm>>
    tpu.enqueue_indirect_dma source(%dma_start3A_336 : memref<100000x128xf32, #tpu.memory_space<hbm>>) target(%dma_start3A_330 : memref<128x128xf32, #tpu.memory_space<vmem>>) offsets(%dma_start3A_333 : memref<128xi32, #tpu.memory_space<vmem>>) semaphore(%arg22 : memref<!tpu.dma_semaphore, #tpu.memory_space<semaphore_mem>>)
    %dma_wait3A_337 = arith.constant 2 : i32
    %dma_wait3A_338 = arith.constant 2 : i32
    %dma_wait3A_339 = arith.constant 0 : i32
    %dma_wait3A_340 = arith.constant 0 : i32
    %dma_wait3A_341 = tpu.memref_slice %arg20[%dma_wait3A_338, %dma_wait3A_339, %dma_wait3A_340] : memref<4x128x128xf32, #tpu.memory_space<vmem>> -> memref<1x128x128xf32, #tpu.memory_space<vmem>>
    %dma_wait3A_342 = tpu.memref_squeeze %dma_wait3A_341 : memref<1x128x128xf32, #tpu.memory_space<vmem>> -> memref<128x128xf32, #tpu.memory_space<vmem>>
    %dma_wait3A_343 = arith.constant 0 : i32
    %dma_wait3A_344 = arith.constant 0 : i32
    %dma_wait3A_345 = tpu.memref_slice %dma_wait3A_342[%dma_wait3A_343, %dma_wait3A_344] : memref<128x128xf32, #tpu.memory_space<vmem>> -> memref<128x128xf32, #tpu.memory_space<vmem>>
    %dma_wait3A_346 = arith.constant 0 : i32
    %dma_wait3A_347 = tpu.memref_slice %arg19[%dma_wait3A_337, %dma_wait3A_346] : memref<8x128xi32, #tpu.memory_space<vmem>> -> memref<1x128xi32, #tpu.memory_space<vmem>>
    %dma_wait3A_348 = tpu.memref_squeeze %dma_wait3A_347 : memref<1x128xi32, #tpu.memory_space<vmem>> -> memref<128xi32, #tpu.memory_space<vmem>>
    %dma_wait3A_349 = arith.constant 0 : i32
    %dma_wait3A_350 = arith.constant 0 : i32
    %dma_wait3A_351 = tpu.memref_slice %arg12[%dma_wait3A_349, %dma_wait3A_350] : memref<100000x128xf32, #tpu.memory_space<hbm>> -> memref<100000x128xf32, #tpu.memory_space<hbm>>
    tpu.wait_indirect_dma semaphore(%arg22 : memref<!tpu.dma_semaphore, #tpu.memory_space<semaphore_mem>>) src(%dma_wait3A_351 : memref<100000x128xf32, #tpu.memory_space<hbm>>) dst(%dma_wait3A_345 : memref<128x128xf32, #tpu.memory_space<vmem>>)
    %dma_start3A_352 = arith.constant 2 : i32
    %dma_start3A_353 = arith.constant 0 : i32
    %dma_start3A_354 = arith.constant 0 : i32
    %dma_start3A_355 = tpu.memref_slice %arg20[%dma_start3A_352, %dma_start3A_353, %dma_start3A_354] : memref<4x128x128xf32, #tpu.memory_space<vmem>> -> memref<1x128x128xf32, #tpu.memory_space<vmem>>
    %dma_start3A_356 = tpu.memref_squeeze %dma_start3A_355 : memref<1x128x128xf32, #tpu.memory_space<vmem>> -> memref<128x128xf32, #tpu.memory_space<vmem>>
    %dma_start3A_357 = arith.constant 256 : i32
    %dma_start3A_358 = tpu.memref_slice %arg18[%mul3A_2, %dma_start3A_357] : memref<4096x1024xf32, #tpu.memory_space<hbm>> -> memref<128x128xf32, #tpu.memory_space<hbm>>
    %dma_start3A_359 = arith.constant 256 : i32
    %dma_start3A_360 = tpu.memref_slice %arg18[%mul3A_2, %dma_start3A_359] : memref<4096x1024xf32, #tpu.memory_space<hbm>> -> memref<128x128xf32, #tpu.memory_space<hbm>>
    %dma_start3A_361 = arith.constant 0 : i32
    %dma_start3A_362 = arith.constant 0 : i32
    %dma_start3A_363 = tpu.memref_slice %arg20[%dma_start3A_352, %dma_start3A_361, %dma_start3A_362] : memref<4x128x128xf32, #tpu.memory_space<vmem>> -> memref<1x128x128xf32, #tpu.memory_space<vmem>>
    %dma_start3A_364 = tpu.memref_squeeze %dma_start3A_363 : memref<1x128x128xf32, #tpu.memory_space<vmem>> -> memref<128x128xf32, #tpu.memory_space<vmem>>
    tpu.enqueue_dma source(%dma_start3A_364 : memref<128x128xf32, #tpu.memory_space<vmem>>) target(%dma_start3A_360 : memref<128x128xf32, #tpu.memory_space<hbm>>) target_semaphore(%arg23 : memref<!tpu.dma_semaphore, #tpu.memory_space<semaphore_mem>>)
    %dma_wait3A_365 = arith.constant 2 : i32
    %dma_wait3A_366 = arith.constant 0 : i32
    %dma_wait3A_367 = arith.constant 0 : i32
    %dma_wait3A_368 = tpu.memref_slice %arg20[%dma_wait3A_365, %dma_wait3A_366, %dma_wait3A_367] : memref<4x128x128xf32, #tpu.memory_space<vmem>> -> memref<1x128x128xf32, #tpu.memory_space<vmem>>
    %dma_wait3A_369 = tpu.memref_squeeze %dma_wait3A_368 : memref<1x128x128xf32, #tpu.memory_space<vmem>> -> memref<128x128xf32, #tpu.memory_space<vmem>>
    %dma_wait3A_370 = arith.constant 256 : i32
    %dma_wait3A_371 = tpu.memref_slice %arg18[%mul3A_2, %dma_wait3A_370] : memref<4096x1024xf32, #tpu.memory_space<hbm>> -> memref<128x128xf32, #tpu.memory_space<hbm>>
    %dma_wait3A_372 = arith.constant 256 : i32
    %dma_wait3A_373 = tpu.memref_slice %arg18[%mul3A_2, %dma_wait3A_372] : memref<4096x1024xf32, #tpu.memory_space<hbm>> -> memref<128x128xf32, #tpu.memory_space<hbm>>
    %dma_wait3A_374 = arith.constant 0 : i32
    %dma_wait3A_375 = arith.constant 0 : i32
    %dma_wait3A_376 = tpu.memref_slice %arg20[%dma_wait3A_365, %dma_wait3A_374, %dma_wait3A_375] : memref<4x128x128xf32, #tpu.memory_space<vmem>> -> memref<1x128x128xf32, #tpu.memory_space<vmem>>
    %dma_wait3A_377 = tpu.memref_squeeze %dma_wait3A_376 : memref<1x128x128xf32, #tpu.memory_space<vmem>> -> memref<128x128xf32, #tpu.memory_space<vmem>>
    tpu.wait_dma2 semaphore(%arg23 : memref<!tpu.dma_semaphore, #tpu.memory_space<semaphore_mem>>) src(%dma_wait3A_377 : memref<128x128xf32, #tpu.memory_space<vmem>>) dst(%dma_wait3A_373 : memref<128x128xf32, #tpu.memory_space<hbm>>)
    %dma_start3A_378 = arith.constant 6 : i32
    %dma_start3A_379 = arith.constant 2 : i32
    %dma_start3A_380 = arith.constant 0 : i32
    %dma_start3A_381 = arith.constant 0 : i32
    %dma_start3A_382 = tpu.memref_slice %arg20[%dma_start3A_379, %dma_start3A_380, %dma_start3A_381] : memref<4x128x128xf32, #tpu.memory_space<vmem>> -> memref<1x128x128xf32, #tpu.memory_space<vmem>>
    %dma_start3A_383 = tpu.memref_squeeze %dma_start3A_382 : memref<1x128x128xf32, #tpu.memory_space<vmem>> -> memref<128x128xf32, #tpu.memory_space<vmem>>
    %dma_start3A_384 = arith.constant 0 : i32
    %dma_start3A_385 = arith.constant 0 : i32
    %dma_start3A_386 = tpu.memref_slice %dma_start3A_383[%dma_start3A_384, %dma_start3A_385] : memref<128x128xf32, #tpu.memory_space<vmem>> -> memref<128x128xf32, #tpu.memory_space<vmem>>
    %dma_start3A_387 = arith.constant 0 : i32
    %dma_start3A_388 = tpu.memref_slice %arg19[%dma_start3A_378, %dma_start3A_387] : memref<8x128xi32, #tpu.memory_space<vmem>> -> memref<1x128xi32, #tpu.memory_space<vmem>>
    %dma_start3A_389 = tpu.memref_squeeze %dma_start3A_388 : memref<1x128xi32, #tpu.memory_space<vmem>> -> memref<128xi32, #tpu.memory_space<vmem>>
    %dma_start3A_390 = arith.constant 0 : i32
    %dma_start3A_391 = arith.constant 0 : i32
    %dma_start3A_392 = tpu.memref_slice %arg16[%dma_start3A_390, %dma_start3A_391] : memref<100000x128xf32, #tpu.memory_space<hbm>> -> memref<100000x128xf32, #tpu.memory_space<hbm>>
    tpu.enqueue_indirect_dma source(%dma_start3A_392 : memref<100000x128xf32, #tpu.memory_space<hbm>>) target(%dma_start3A_386 : memref<128x128xf32, #tpu.memory_space<vmem>>) offsets(%dma_start3A_389 : memref<128xi32, #tpu.memory_space<vmem>>) semaphore(%arg22 : memref<!tpu.dma_semaphore, #tpu.memory_space<semaphore_mem>>)
    %dma_wait3A_393 = arith.constant 3 : i32
    %dma_wait3A_394 = arith.constant 3 : i32
    %dma_wait3A_395 = arith.constant 0 : i32
    %dma_wait3A_396 = arith.constant 0 : i32
    %dma_wait3A_397 = tpu.memref_slice %arg20[%dma_wait3A_394, %dma_wait3A_395, %dma_wait3A_396] : memref<4x128x128xf32, #tpu.memory_space<vmem>> -> memref<1x128x128xf32, #tpu.memory_space<vmem>>
    %dma_wait3A_398 = tpu.memref_squeeze %dma_wait3A_397 : memref<1x128x128xf32, #tpu.memory_space<vmem>> -> memref<128x128xf32, #tpu.memory_space<vmem>>
    %dma_wait3A_399 = arith.constant 0 : i32
    %dma_wait3A_400 = arith.constant 0 : i32
    %dma_wait3A_401 = tpu.memref_slice %dma_wait3A_398[%dma_wait3A_399, %dma_wait3A_400] : memref<128x128xf32, #tpu.memory_space<vmem>> -> memref<128x128xf32, #tpu.memory_space<vmem>>
    %dma_wait3A_402 = arith.constant 0 : i32
    %dma_wait3A_403 = tpu.memref_slice %arg19[%dma_wait3A_393, %dma_wait3A_402] : memref<8x128xi32, #tpu.memory_space<vmem>> -> memref<1x128xi32, #tpu.memory_space<vmem>>
    %dma_wait3A_404 = tpu.memref_squeeze %dma_wait3A_403 : memref<1x128xi32, #tpu.memory_space<vmem>> -> memref<128xi32, #tpu.memory_space<vmem>>
    %dma_wait3A_405 = arith.constant 0 : i32
    %dma_wait3A_406 = arith.constant 0 : i32
    %dma_wait3A_407 = tpu.memref_slice %arg13[%dma_wait3A_405, %dma_wait3A_406] : memref<100000x128xf32, #tpu.memory_space<hbm>> -> memref<100000x128xf32, #tpu.memory_space<hbm>>
    tpu.wait_indirect_dma semaphore(%arg22 : memref<!tpu.dma_semaphore, #tpu.memory_space<semaphore_mem>>) src(%dma_wait3A_407 : memref<100000x128xf32, #tpu.memory_space<hbm>>) dst(%dma_wait3A_401 : memref<128x128xf32, #tpu.memory_space<vmem>>)
    %dma_start3A_408 = arith.constant 3 : i32
    %dma_start3A_409 = arith.constant 0 : i32
    %dma_start3A_410 = arith.constant 0 : i32
    %dma_start3A_411 = tpu.memref_slice %arg20[%dma_start3A_408, %dma_start3A_409, %dma_start3A_410] : memref<4x128x128xf32, #tpu.memory_space<vmem>> -> memref<1x128x128xf32, #tpu.memory_space<vmem>>
    %dma_start3A_412 = tpu.memref_squeeze %dma_start3A_411 : memref<1x128x128xf32, #tpu.memory_space<vmem>> -> memref<128x128xf32, #tpu.memory_space<vmem>>
    %dma_start3A_413 = arith.constant 384 : i32
    %dma_start3A_414 = tpu.memref_slice %arg18[%mul3A_2, %dma_start3A_413] : memref<4096x1024xf32, #tpu.memory_space<hbm>> -> memref<128x128xf32, #tpu.memory_space<hbm>>
    %dma_start3A_415 = arith.constant 384 : i32
    %dma_start3A_416 = tpu.memref_slice %arg18[%mul3A_2, %dma_start3A_415] : memref<4096x1024xf32, #tpu.memory_space<hbm>> -> memref<128x128xf32, #tpu.memory_space<hbm>>
    %dma_start3A_417 = arith.constant 0 : i32
    %dma_start3A_418 = arith.constant 0 : i32
    %dma_start3A_419 = tpu.memref_slice %arg20[%dma_start3A_408, %dma_start3A_417, %dma_start3A_418] : memref<4x128x128xf32, #tpu.memory_space<vmem>> -> memref<1x128x128xf32, #tpu.memory_space<vmem>>
    %dma_start3A_420 = tpu.memref_squeeze %dma_start3A_419 : memref<1x128x128xf32, #tpu.memory_space<vmem>> -> memref<128x128xf32, #tpu.memory_space<vmem>>
    tpu.enqueue_dma source(%dma_start3A_420 : memref<128x128xf32, #tpu.memory_space<vmem>>) target(%dma_start3A_416 : memref<128x128xf32, #tpu.memory_space<hbm>>) target_semaphore(%arg23 : memref<!tpu.dma_semaphore, #tpu.memory_space<semaphore_mem>>)
    %dma_wait3A_421 = arith.constant 3 : i32
    %dma_wait3A_422 = arith.constant 0 : i32
    %dma_wait3A_423 = arith.constant 0 : i32
    %dma_wait3A_424 = tpu.memref_slice %arg20[%dma_wait3A_421, %dma_wait3A_422, %dma_wait3A_423] : memref<4x128x128xf32, #tpu.memory_space<vmem>> -> memref<1x128x128xf32, #tpu.memory_space<vmem>>
    %dma_wait3A_425 = tpu.memref_squeeze %dma_wait3A_424 : memref<1x128x128xf32, #tpu.memory_space<vmem>> -> memref<128x128xf32, #tpu.memory_space<vmem>>
    %dma_wait3A_426 = arith.constant 384 : i32
    %dma_wait3A_427 = tpu.memref_slice %arg18[%mul3A_2, %dma_wait3A_426] : memref<4096x1024xf32, #tpu.memory_space<hbm>> -> memref<128x128xf32, #tpu.memory_space<hbm>>
    %dma_wait3A_428 = arith.constant 384 : i32
    %dma_wait3A_429 = tpu.memref_slice %arg18[%mul3A_2, %dma_wait3A_428] : memref<4096x1024xf32, #tpu.memory_space<hbm>> -> memref<128x128xf32, #tpu.memory_space<hbm>>
    %dma_wait3A_430 = arith.constant 0 : i32
    %dma_wait3A_431 = arith.constant 0 : i32
    %dma_wait3A_432 = tpu.memref_slice %arg20[%dma_wait3A_421, %dma_wait3A_430, %dma_wait3A_431] : memref<4x128x128xf32, #tpu.memory_space<vmem>> -> memref<1x128x128xf32, #tpu.memory_space<vmem>>
    %dma_wait3A_433 = tpu.memref_squeeze %dma_wait3A_432 : memref<1x128x128xf32, #tpu.memory_space<vmem>> -> memref<128x128xf32, #tpu.memory_space<vmem>>
    tpu.wait_dma2 semaphore(%arg23 : memref<!tpu.dma_semaphore, #tpu.memory_space<semaphore_mem>>) src(%dma_wait3A_433 : memref<128x128xf32, #tpu.memory_space<vmem>>) dst(%dma_wait3A_429 : memref<128x128xf32, #tpu.memory_space<hbm>>)
    %dma_start3A_434 = arith.constant 7 : i32
    %dma_start3A_435 = arith.constant 3 : i32
    %dma_start3A_436 = arith.constant 0 : i32
    %dma_start3A_437 = arith.constant 0 : i32
    %dma_start3A_438 = tpu.memref_slice %arg20[%dma_start3A_435, %dma_start3A_436, %dma_start3A_437] : memref<4x128x128xf32, #tpu.memory_space<vmem>> -> memref<1x128x128xf32, #tpu.memory_space<vmem>>
    %dma_start3A_439 = tpu.memref_squeeze %dma_start3A_438 : memref<1x128x128xf32, #tpu.memory_space<vmem>> -> memref<128x128xf32, #tpu.memory_space<vmem>>
    %dma_start3A_440 = arith.constant 0 : i32
    %dma_start3A_441 = arith.constant 0 : i32
    %dma_start3A_442 = tpu.memref_slice %dma_start3A_439[%dma_start3A_440, %dma_start3A_441] : memref<128x128xf32, #tpu.memory_space<vmem>> -> memref<128x128xf32, #tpu.memory_space<vmem>>
    %dma_start3A_443 = arith.constant 0 : i32
    %dma_start3A_444 = tpu.memref_slice %arg19[%dma_start3A_434, %dma_start3A_443] : memref<8x128xi32, #tpu.memory_space<vmem>> -> memref<1x128xi32, #tpu.memory_space<vmem>>
    %dma_start3A_445 = tpu.memref_squeeze %dma_start3A_444 : memref<1x128xi32, #tpu.memory_space<vmem>> -> memref<128xi32, #tpu.memory_space<vmem>>
    %dma_start3A_446 = arith.constant 0 : i32
    %dma_start3A_447 = arith.constant 0 : i32
    %dma_start3A_448 = tpu.memref_slice %arg17[%dma_start3A_446, %dma_start3A_447] : memref<100000x128xf32, #tpu.memory_space<hbm>> -> memref<100000x128xf32, #tpu.memory_space<hbm>>
    tpu.enqueue_indirect_dma source(%dma_start3A_448 : memref<100000x128xf32, #tpu.memory_space<hbm>>) target(%dma_start3A_442 : memref<128x128xf32, #tpu.memory_space<vmem>>) offsets(%dma_start3A_445 : memref<128xi32, #tpu.memory_space<vmem>>) semaphore(%arg22 : memref<!tpu.dma_semaphore, #tpu.memory_space<semaphore_mem>>)
    %dma_wait3A_449 = arith.constant 4 : i32
    %dma_wait3A_450 = arith.constant 0 : i32
    %dma_wait3A_451 = arith.constant 0 : i32
    %dma_wait3A_452 = arith.constant 0 : i32
    %dma_wait3A_453 = tpu.memref_slice %arg20[%dma_wait3A_450, %dma_wait3A_451, %dma_wait3A_452] : memref<4x128x128xf32, #tpu.memory_space<vmem>> -> memref<1x128x128xf32, #tpu.memory_space<vmem>>
    %dma_wait3A_454 = tpu.memref_squeeze %dma_wait3A_453 : memref<1x128x128xf32, #tpu.memory_space<vmem>> -> memref<128x128xf32, #tpu.memory_space<vmem>>
    %dma_wait3A_455 = arith.constant 0 : i32
    %dma_wait3A_456 = arith.constant 0 : i32
    %dma_wait3A_457 = tpu.memref_slice %dma_wait3A_454[%dma_wait3A_455, %dma_wait3A_456] : memref<128x128xf32, #tpu.memory_space<vmem>> -> memref<128x128xf32, #tpu.memory_space<vmem>>
    %dma_wait3A_458 = arith.constant 0 : i32
    %dma_wait3A_459 = tpu.memref_slice %arg19[%dma_wait3A_449, %dma_wait3A_458] : memref<8x128xi32, #tpu.memory_space<vmem>> -> memref<1x128xi32, #tpu.memory_space<vmem>>
    %dma_wait3A_460 = tpu.memref_squeeze %dma_wait3A_459 : memref<1x128xi32, #tpu.memory_space<vmem>> -> memref<128xi32, #tpu.memory_space<vmem>>
    %dma_wait3A_461 = arith.constant 0 : i32
    %dma_wait3A_462 = arith.constant 0 : i32
    %dma_wait3A_463 = tpu.memref_slice %arg14[%dma_wait3A_461, %dma_wait3A_462] : memref<100000x128xf32, #tpu.memory_space<hbm>> -> memref<100000x128xf32, #tpu.memory_space<hbm>>
    tpu.wait_indirect_dma semaphore(%arg22 : memref<!tpu.dma_semaphore, #tpu.memory_space<semaphore_mem>>) src(%dma_wait3A_463 : memref<100000x128xf32, #tpu.memory_space<hbm>>) dst(%dma_wait3A_457 : memref<128x128xf32, #tpu.memory_space<vmem>>)
    %dma_start3A_464 = arith.constant 0 : i32
    %dma_start3A_465 = arith.constant 0 : i32
    %dma_start3A_466 = arith.constant 0 : i32
    %dma_start3A_467 = tpu.memref_slice %arg20[%dma_start3A_464, %dma_start3A_465, %dma_start3A_466] : memref<4x128x128xf32, #tpu.memory_space<vmem>> -> memref<1x128x128xf32, #tpu.memory_space<vmem>>
    %dma_start3A_468 = tpu.memref_squeeze %dma_start3A_467 : memref<1x128x128xf32, #tpu.memory_space<vmem>> -> memref<128x128xf32, #tpu.memory_space<vmem>>
    %dma_start3A_469 = arith.constant 512 : i32
    %dma_start3A_470 = tpu.memref_slice %arg18[%mul3A_2, %dma_start3A_469] : memref<4096x1024xf32, #tpu.memory_space<hbm>> -> memref<128x128xf32, #tpu.memory_space<hbm>>
    %dma_start3A_471 = arith.constant 512 : i32
    %dma_start3A_472 = tpu.memref_slice %arg18[%mul3A_2, %dma_start3A_471] : memref<4096x1024xf32, #tpu.memory_space<hbm>> -> memref<128x128xf32, #tpu.memory_space<hbm>>
    %dma_start3A_473 = arith.constant 0 : i32
    %dma_start3A_474 = arith.constant 0 : i32
    %dma_start3A_475 = tpu.memref_slice %arg20[%dma_start3A_464, %dma_start3A_473, %dma_start3A_474] : memref<4x128x128xf32, #tpu.memory_space<vmem>> -> memref<1x128x128xf32, #tpu.memory_space<vmem>>
    %dma_start3A_476 = tpu.memref_squeeze %dma_start3A_475 : memref<1x128x128xf32, #tpu.memory_space<vmem>> -> memref<128x128xf32, #tpu.memory_space<vmem>>
    tpu.enqueue_dma source(%dma_start3A_476 : memref<128x128xf32, #tpu.memory_space<vmem>>) target(%dma_start3A_472 : memref<128x128xf32, #tpu.memory_space<hbm>>) target_semaphore(%arg23 : memref<!tpu.dma_semaphore, #tpu.memory_space<semaphore_mem>>)
    %dma_wait3A_477 = arith.constant 5 : i32
    %dma_wait3A_478 = arith.constant 1 : i32
    %dma_wait3A_479 = arith.constant 0 : i32
    %dma_wait3A_480 = arith.constant 0 : i32
    %dma_wait3A_481 = tpu.memref_slice %arg20[%dma_wait3A_478, %dma_wait3A_479, %dma_wait3A_480] : memref<4x128x128xf32, #tpu.memory_space<vmem>> -> memref<1x128x128xf32, #tpu.memory_space<vmem>>
    %dma_wait3A_482 = tpu.memref_squeeze %dma_wait3A_481 : memref<1x128x128xf32, #tpu.memory_space<vmem>> -> memref<128x128xf32, #tpu.memory_space<vmem>>
    %dma_wait3A_483 = arith.constant 0 : i32
    %dma_wait3A_484 = arith.constant 0 : i32
    %dma_wait3A_485 = tpu.memref_slice %dma_wait3A_482[%dma_wait3A_483, %dma_wait3A_484] : memref<128x128xf32, #tpu.memory_space<vmem>> -> memref<128x128xf32, #tpu.memory_space<vmem>>
    %dma_wait3A_486 = arith.constant 0 : i32
    %dma_wait3A_487 = tpu.memref_slice %arg19[%dma_wait3A_477, %dma_wait3A_486] : memref<8x128xi32, #tpu.memory_space<vmem>> -> memref<1x128xi32, #tpu.memory_space<vmem>>
    %dma_wait3A_488 = tpu.memref_squeeze %dma_wait3A_487 : memref<1x128xi32, #tpu.memory_space<vmem>> -> memref<128xi32, #tpu.memory_space<vmem>>
    %dma_wait3A_489 = arith.constant 0 : i32
    %dma_wait3A_490 = arith.constant 0 : i32
    %dma_wait3A_491 = tpu.memref_slice %arg15[%dma_wait3A_489, %dma_wait3A_490] : memref<100000x128xf32, #tpu.memory_space<hbm>> -> memref<100000x128xf32, #tpu.memory_space<hbm>>
    tpu.wait_indirect_dma semaphore(%arg22 : memref<!tpu.dma_semaphore, #tpu.memory_space<semaphore_mem>>) src(%dma_wait3A_491 : memref<100000x128xf32, #tpu.memory_space<hbm>>) dst(%dma_wait3A_485 : memref<128x128xf32, #tpu.memory_space<vmem>>)
    %dma_start3A_492 = arith.constant 1 : i32
    %dma_start3A_493 = arith.constant 0 : i32
    %dma_start3A_494 = arith.constant 0 : i32
    %dma_start3A_495 = tpu.memref_slice %arg20[%dma_start3A_492, %dma_start3A_493, %dma_start3A_494] : memref<4x128x128xf32, #tpu.memory_space<vmem>> -> memref<1x128x128xf32, #tpu.memory_space<vmem>>
    %dma_start3A_496 = tpu.memref_squeeze %dma_start3A_495 : memref<1x128x128xf32, #tpu.memory_space<vmem>> -> memref<128x128xf32, #tpu.memory_space<vmem>>
    %dma_start3A_497 = arith.constant 640 : i32
    %dma_start3A_498 = tpu.memref_slice %arg18[%mul3A_2, %dma_start3A_497] : memref<4096x1024xf32, #tpu.memory_space<hbm>> -> memref<128x128xf32, #tpu.memory_space<hbm>>
    %dma_start3A_499 = arith.constant 640 : i32
    %dma_start3A_500 = tpu.memref_slice %arg18[%mul3A_2, %dma_start3A_499] : memref<4096x1024xf32, #tpu.memory_space<hbm>> -> memref<128x128xf32, #tpu.memory_space<hbm>>
    %dma_start3A_501 = arith.constant 0 : i32
    %dma_start3A_502 = arith.constant 0 : i32
    %dma_start3A_503 = tpu.memref_slice %arg20[%dma_start3A_492, %dma_start3A_501, %dma_start3A_502] : memref<4x128x128xf32, #tpu.memory_space<vmem>> -> memref<1x128x128xf32, #tpu.memory_space<vmem>>
    %dma_start3A_504 = tpu.memref_squeeze %dma_start3A_503 : memref<1x128x128xf32, #tpu.memory_space<vmem>> -> memref<128x128xf32, #tpu.memory_space<vmem>>
    tpu.enqueue_dma source(%dma_start3A_504 : memref<128x128xf32, #tpu.memory_space<vmem>>) target(%dma_start3A_500 : memref<128x128xf32, #tpu.memory_space<hbm>>) target_semaphore(%arg23 : memref<!tpu.dma_semaphore, #tpu.memory_space<semaphore_mem>>)
    %dma_wait3A_505 = arith.constant 6 : i32
    %dma_wait3A_506 = arith.constant 2 : i32
    %dma_wait3A_507 = arith.constant 0 : i32
    %dma_wait3A_508 = arith.constant 0 : i32
    %dma_wait3A_509 = tpu.memref_slice %arg20[%dma_wait3A_506, %dma_wait3A_507, %dma_wait3A_508] : memref<4x128x128xf32, #tpu.memory_space<vmem>> -> memref<1x128x128xf32, #tpu.memory_space<vmem>>
    %dma_wait3A_510 = tpu.memref_squeeze %dma_wait3A_509 : memref<1x128x128xf32, #tpu.memory_space<vmem>> -> memref<128x128xf32, #tpu.memory_space<vmem>>
    %dma_wait3A_511 = arith.constant 0 : i32
    %dma_wait3A_512 = arith.constant 0 : i32
    %dma_wait3A_513 = tpu.memref_slice %dma_wait3A_510[%dma_wait3A_511, %dma_wait3A_512] : memref<128x128xf32, #tpu.memory_space<vmem>> -> memref<128x128xf32, #tpu.memory_space<vmem>>
    %dma_wait3A_514 = arith.constant 0 : i32
    %dma_wait3A_515 = tpu.memref_slice %arg19[%dma_wait3A_505, %dma_wait3A_514] : memref<8x128xi32, #tpu.memory_space<vmem>> -> memref<1x128xi32, #tpu.memory_space<vmem>>
    %dma_wait3A_516 = tpu.memref_squeeze %dma_wait3A_515 : memref<1x128xi32, #tpu.memory_space<vmem>> -> memref<128xi32, #tpu.memory_space<vmem>>
    %dma_wait3A_517 = arith.constant 0 : i32
    %dma_wait3A_518 = arith.constant 0 : i32
    %dma_wait3A_519 = tpu.memref_slice %arg16[%dma_wait3A_517, %dma_wait3A_518] : memref<100000x128xf32, #tpu.memory_space<hbm>> -> memref<100000x128xf32, #tpu.memory_space<hbm>>
    tpu.wait_indirect_dma semaphore(%arg22 : memref<!tpu.dma_semaphore, #tpu.memory_space<semaphore_mem>>) src(%dma_wait3A_519 : memref<100000x128xf32, #tpu.memory_space<hbm>>) dst(%dma_wait3A_513 : memref<128x128xf32, #tpu.memory_space<vmem>>)
    %dma_start3A_520 = arith.constant 2 : i32
    %dma_start3A_521 = arith.constant 0 : i32
    %dma_start3A_522 = arith.constant 0 : i32
    %dma_start3A_523 = tpu.memref_slice %arg20[%dma_start3A_520, %dma_start3A_521, %dma_start3A_522] : memref<4x128x128xf32, #tpu.memory_space<vmem>> -> memref<1x128x128xf32, #tpu.memory_space<vmem>>
    %dma_start3A_524 = tpu.memref_squeeze %dma_start3A_523 : memref<1x128x128xf32, #tpu.memory_space<vmem>> -> memref<128x128xf32, #tpu.memory_space<vmem>>
    %dma_start3A_525 = arith.constant 768 : i32
    %dma_start3A_526 = tpu.memref_slice %arg18[%mul3A_2, %dma_start3A_525] : memref<4096x1024xf32, #tpu.memory_space<hbm>> -> memref<128x128xf32, #tpu.memory_space<hbm>>
    %dma_start3A_527 = arith.constant 768 : i32
    %dma_start3A_528 = tpu.memref_slice %arg18[%mul3A_2, %dma_start3A_527] : memref<4096x1024xf32, #tpu.memory_space<hbm>> -> memref<128x128xf32, #tpu.memory_space<hbm>>
    %dma_start3A_529 = arith.constant 0 : i32
    %dma_start3A_530 = arith.constant 0 : i32
    %dma_start3A_531 = tpu.memref_slice %arg20[%dma_start3A_520, %dma_start3A_529, %dma_start3A_530] : memref<4x128x128xf32, #tpu.memory_space<vmem>> -> memref<1x128x128xf32, #tpu.memory_space<vmem>>
    %dma_start3A_532 = tpu.memref_squeeze %dma_start3A_531 : memref<1x128x128xf32, #tpu.memory_space<vmem>> -> memref<128x128xf32, #tpu.memory_space<vmem>>
    tpu.enqueue_dma source(%dma_start3A_532 : memref<128x128xf32, #tpu.memory_space<vmem>>) target(%dma_start3A_528 : memref<128x128xf32, #tpu.memory_space<hbm>>) target_semaphore(%arg23 : memref<!tpu.dma_semaphore, #tpu.memory_space<semaphore_mem>>)
    %dma_wait3A_533 = arith.constant 7 : i32
    %dma_wait3A_534 = arith.constant 3 : i32
    %dma_wait3A_535 = arith.constant 0 : i32
    %dma_wait3A_536 = arith.constant 0 : i32
    %dma_wait3A_537 = tpu.memref_slice %arg20[%dma_wait3A_534, %dma_wait3A_535, %dma_wait3A_536] : memref<4x128x128xf32, #tpu.memory_space<vmem>> -> memref<1x128x128xf32, #tpu.memory_space<vmem>>
    %dma_wait3A_538 = tpu.memref_squeeze %dma_wait3A_537 : memref<1x128x128xf32, #tpu.memory_space<vmem>> -> memref<128x128xf32, #tpu.memory_space<vmem>>
    %dma_wait3A_539 = arith.constant 0 : i32
    %dma_wait3A_540 = arith.constant 0 : i32
    %dma_wait3A_541 = tpu.memref_slice %dma_wait3A_538[%dma_wait3A_539, %dma_wait3A_540] : memref<128x128xf32, #tpu.memory_space<vmem>> -> memref<128x128xf32, #tpu.memory_space<vmem>>
    %dma_wait3A_542 = arith.constant 0 : i32
    %dma_wait3A_543 = tpu.memref_slice %arg19[%dma_wait3A_533, %dma_wait3A_542] : memref<8x128xi32, #tpu.memory_space<vmem>> -> memref<1x128xi32, #tpu.memory_space<vmem>>
    %dma_wait3A_544 = tpu.memref_squeeze %dma_wait3A_543 : memref<1x128xi32, #tpu.memory_space<vmem>> -> memref<128xi32, #tpu.memory_space<vmem>>
    %dma_wait3A_545 = arith.constant 0 : i32
    %dma_wait3A_546 = arith.constant 0 : i32
    %dma_wait3A_547 = tpu.memref_slice %arg17[%dma_wait3A_545, %dma_wait3A_546] : memref<100000x128xf32, #tpu.memory_space<hbm>> -> memref<100000x128xf32, #tpu.memory_space<hbm>>
    tpu.wait_indirect_dma semaphore(%arg22 : memref<!tpu.dma_semaphore, #tpu.memory_space<semaphore_mem>>) src(%dma_wait3A_547 : memref<100000x128xf32, #tpu.memory_space<hbm>>) dst(%dma_wait3A_541 : memref<128x128xf32, #tpu.memory_space<vmem>>)
    %dma_start3A_548 = arith.constant 3 : i32
    %dma_start3A_549 = arith.constant 0 : i32
    %dma_start3A_550 = arith.constant 0 : i32
    %dma_start3A_551 = tpu.memref_slice %arg20[%dma_start3A_548, %dma_start3A_549, %dma_start3A_550] : memref<4x128x128xf32, #tpu.memory_space<vmem>> -> memref<1x128x128xf32, #tpu.memory_space<vmem>>
    %dma_start3A_552 = tpu.memref_squeeze %dma_start3A_551 : memref<1x128x128xf32, #tpu.memory_space<vmem>> -> memref<128x128xf32, #tpu.memory_space<vmem>>
    %dma_start3A_553 = arith.constant 896 : i32
    %dma_start3A_554 = tpu.memref_slice %arg18[%mul3A_2, %dma_start3A_553] : memref<4096x1024xf32, #tpu.memory_space<hbm>> -> memref<128x128xf32, #tpu.memory_space<hbm>>
    %dma_start3A_555 = arith.constant 896 : i32
    %dma_start3A_556 = tpu.memref_slice %arg18[%mul3A_2, %dma_start3A_555] : memref<4096x1024xf32, #tpu.memory_space<hbm>> -> memref<128x128xf32, #tpu.memory_space<hbm>>
    %dma_start3A_557 = arith.constant 0 : i32
    %dma_start3A_558 = arith.constant 0 : i32
    %dma_start3A_559 = tpu.memref_slice %arg20[%dma_start3A_548, %dma_start3A_557, %dma_start3A_558] : memref<4x128x128xf32, #tpu.memory_space<vmem>> -> memref<1x128x128xf32, #tpu.memory_space<vmem>>
    %dma_start3A_560 = tpu.memref_squeeze %dma_start3A_559 : memref<1x128x128xf32, #tpu.memory_space<vmem>> -> memref<128x128xf32, #tpu.memory_space<vmem>>
    tpu.enqueue_dma source(%dma_start3A_560 : memref<128x128xf32, #tpu.memory_space<vmem>>) target(%dma_start3A_556 : memref<128x128xf32, #tpu.memory_space<hbm>>) target_semaphore(%arg23 : memref<!tpu.dma_semaphore, #tpu.memory_space<semaphore_mem>>)
    %dma_wait3A_561 = arith.constant 0 : i32
    %dma_wait3A_562 = arith.constant 0 : i32
    %dma_wait3A_563 = arith.constant 0 : i32
    %dma_wait3A_564 = tpu.memref_slice %arg20[%dma_wait3A_561, %dma_wait3A_562, %dma_wait3A_563] : memref<4x128x128xf32, #tpu.memory_space<vmem>> -> memref<1x128x128xf32, #tpu.memory_space<vmem>>
    %dma_wait3A_565 = tpu.memref_squeeze %dma_wait3A_564 : memref<1x128x128xf32, #tpu.memory_space<vmem>> -> memref<128x128xf32, #tpu.memory_space<vmem>>
    %dma_wait3A_566 = arith.constant 512 : i32
    %dma_wait3A_567 = tpu.memref_slice %arg18[%mul3A_2, %dma_wait3A_566] : memref<4096x1024xf32, #tpu.memory_space<hbm>> -> memref<128x128xf32, #tpu.memory_space<hbm>>
    %dma_wait3A_568 = arith.constant 512 : i32
    %dma_wait3A_569 = tpu.memref_slice %arg18[%mul3A_2, %dma_wait3A_568] : memref<4096x1024xf32, #tpu.memory_space<hbm>> -> memref<128x128xf32, #tpu.memory_space<hbm>>
    %dma_wait3A_570 = arith.constant 0 : i32
    %dma_wait3A_571 = arith.constant 0 : i32
    %dma_wait3A_572 = tpu.memref_slice %arg20[%dma_wait3A_561, %dma_wait3A_570, %dma_wait3A_571] : memref<4x128x128xf32, #tpu.memory_space<vmem>> -> memref<1x128x128xf32, #tpu.memory_space<vmem>>
    %dma_wait3A_573 = tpu.memref_squeeze %dma_wait3A_572 : memref<1x128x128xf32, #tpu.memory_space<vmem>> -> memref<128x128xf32, #tpu.memory_space<vmem>>
    tpu.wait_dma2 semaphore(%arg23 : memref<!tpu.dma_semaphore, #tpu.memory_space<semaphore_mem>>) src(%dma_wait3A_573 : memref<128x128xf32, #tpu.memory_space<vmem>>) dst(%dma_wait3A_569 : memref<128x128xf32, #tpu.memory_space<hbm>>)
    %dma_wait3A_574 = arith.constant 1 : i32
    %dma_wait3A_575 = arith.constant 0 : i32
    %dma_wait3A_576 = arith.constant 0 : i32
    %dma_wait3A_577 = tpu.memref_slice %arg20[%dma_wait3A_574, %dma_wait3A_575, %dma_wait3A_576] : memref<4x128x128xf32, #tpu.memory_space<vmem>> -> memref<1x128x128xf32, #tpu.memory_space<vmem>>
    %dma_wait3A_578 = tpu.memref_squeeze %dma_wait3A_577 : memref<1x128x128xf32, #tpu.memory_space<vmem>> -> memref<128x128xf32, #tpu.memory_space<vmem>>
    %dma_wait3A_579 = arith.constant 640 : i32
    %dma_wait3A_580 = tpu.memref_slice %arg18[%mul3A_2, %dma_wait3A_579] : memref<4096x1024xf32, #tpu.memory_space<hbm>> -> memref<128x128xf32, #tpu.memory_space<hbm>>
    %dma_wait3A_581 = arith.constant 640 : i32
    %dma_wait3A_582 = tpu.memref_slice %arg18[%mul3A_2, %dma_wait3A_581] : memref<4096x1024xf32, #tpu.memory_space<hbm>> -> memref<128x128xf32, #tpu.memory_space<hbm>>
    %dma_wait3A_583 = arith.constant 0 : i32
    %dma_wait3A_584 = arith.constant 0 : i32
    %dma_wait3A_585 = tpu.memref_slice %arg20[%dma_wait3A_574, %dma_wait3A_583, %dma_wait3A_584] : memref<4x128x128xf32, #tpu.memory_space<vmem>> -> memref<1x128x128xf32, #tpu.memory_space<vmem>>
    %dma_wait3A_586 = tpu.memref_squeeze %dma_wait3A_585 : memref<1x128x128xf32, #tpu.memory_space<vmem>> -> memref<128x128xf32, #tpu.memory_space<vmem>>
    tpu.wait_dma2 semaphore(%arg23 : memref<!tpu.dma_semaphore, #tpu.memory_space<semaphore_mem>>) src(%dma_wait3A_586 : memref<128x128xf32, #tpu.memory_space<vmem>>) dst(%dma_wait3A_582 : memref<128x128xf32, #tpu.memory_space<hbm>>)
    %dma_wait3A_587 = arith.constant 2 : i32
    %dma_wait3A_588 = arith.constant 0 : i32
    %dma_wait3A_589 = arith.constant 0 : i32
    %dma_wait3A_590 = tpu.memref_slice %arg20[%dma_wait3A_587, %dma_wait3A_588, %dma_wait3A_589] : memref<4x128x128xf32, #tpu.memory_space<vmem>> -> memref<1x128x128xf32, #tpu.memory_space<vmem>>
    %dma_wait3A_591 = tpu.memref_squeeze %dma_wait3A_590 : memref<1x128x128xf32, #tpu.memory_space<vmem>> -> memref<128x128xf32, #tpu.memory_space<vmem>>
    %dma_wait3A_592 = arith.constant 768 : i32
    %dma_wait3A_593 = tpu.memref_slice %arg18[%mul3A_2, %dma_wait3A_592] : memref<4096x1024xf32, #tpu.memory_space<hbm>> -> memref<128x128xf32, #tpu.memory_space<hbm>>
    %dma_wait3A_594 = arith.constant 768 : i32
    %dma_wait3A_595 = tpu.memref_slice %arg18[%mul3A_2, %dma_wait3A_594] : memref<4096x1024xf32, #tpu.memory_space<hbm>> -> memref<128x128xf32, #tpu.memory_space<hbm>>
    %dma_wait3A_596 = arith.constant 0 : i32
    %dma_wait3A_597 = arith.constant 0 : i32
    %dma_wait3A_598 = tpu.memref_slice %arg20[%dma_wait3A_587, %dma_wait3A_596, %dma_wait3A_597] : memref<4x128x128xf32, #tpu.memory_space<vmem>> -> memref<1x128x128xf32, #tpu.memory_space<vmem>>
    %dma_wait3A_599 = tpu.memref_squeeze %dma_wait3A_598 : memref<1x128x128xf32, #tpu.memory_space<vmem>> -> memref<128x128xf32, #tpu.memory_space<vmem>>
    tpu.wait_dma2 semaphore(%arg23 : memref<!tpu.dma_semaphore, #tpu.memory_space<semaphore_mem>>) src(%dma_wait3A_599 : memref<128x128xf32, #tpu.memory_space<vmem>>) dst(%dma_wait3A_595 : memref<128x128xf32, #tpu.memory_space<hbm>>)
    %dma_wait3A_600 = arith.constant 3 : i32
    %dma_wait3A_601 = arith.constant 0 : i32
    %dma_wait3A_602 = arith.constant 0 : i32
    %dma_wait3A_603 = tpu.memref_slice %arg20[%dma_wait3A_600, %dma_wait3A_601, %dma_wait3A_602] : memref<4x128x128xf32, #tpu.memory_space<vmem>> -> memref<1x128x128xf32, #tpu.memory_space<vmem>>
    %dma_wait3A_604 = tpu.memref_squeeze %dma_wait3A_603 : memref<1x128x128xf32, #tpu.memory_space<vmem>> -> memref<128x128xf32, #tpu.memory_space<vmem>>
    %dma_wait3A_605 = arith.constant 896 : i32
    %dma_wait3A_606 = tpu.memref_slice %arg18[%mul3A_2, %dma_wait3A_605] : memref<4096x1024xf32, #tpu.memory_space<hbm>> -> memref<128x128xf32, #tpu.memory_space<hbm>>
    %dma_wait3A_607 = arith.constant 896 : i32
    %dma_wait3A_608 = tpu.memref_slice %arg18[%mul3A_2, %dma_wait3A_607] : memref<4096x1024xf32, #tpu.memory_space<hbm>> -> memref<128x128xf32, #tpu.memory_space<hbm>>
    %dma_wait3A_609 = arith.constant 0 : i32
    %dma_wait3A_610 = arith.constant 0 : i32
    %dma_wait3A_611 = tpu.memref_slice %arg20[%dma_wait3A_600, %dma_wait3A_609, %dma_wait3A_610] : memref<4x128x128xf32, #tpu.memory_space<vmem>> -> memref<1x128x128xf32, #tpu.memory_space<vmem>>
    %dma_wait3A_612 = tpu.memref_squeeze %dma_wait3A_611 : memref<1x128x128xf32, #tpu.memory_space<vmem>> -> memref<128x128xf32, #tpu.memory_space<vmem>>
    tpu.wait_dma2 semaphore(%arg23 : memref<!tpu.dma_semaphore, #tpu.memory_space<semaphore_mem>>) src(%dma_wait3A_612 : memref<128x128xf32, #tpu.memory_space<vmem>>) dst(%dma_wait3A_608 : memref<128x128xf32, #tpu.memory_space<hbm>>)
    return
  }
}

#map = affine_map<(d0, d1) -> (0, 0)>
module attributes {stable_mosaic.version = 14 : i64} {
  func.func @gather_kernel(%arg0: i32, %arg1: i32, %arg2: memref<128x128xi32, #tpu.memory_space<hbm>>, %arg3: memref<128x128xi32, #tpu.memory_space<hbm>>, %arg4: memref<128x128xi32, #tpu.memory_space<hbm>>, %arg5: memref<128x128xi32, #tpu.memory_space<hbm>>, %arg6: memref<128x128xi32, #tpu.memory_space<hbm>>, %arg7: memref<128x128xi32, #tpu.memory_space<hbm>>, %arg8: memref<128x128xi32, #tpu.memory_space<hbm>>, %arg9: memref<128x128xi32, #tpu.memory_space<hbm>>, %arg10: memref<100000x128xf32, #tpu.memory_space<hbm>>, %arg11: memref<100000x128xf32, #tpu.memory_space<hbm>>, %arg12: memref<100000x128xf32, #tpu.memory_space<hbm>>, %arg13: memref<100000x128xf32, #tpu.memory_space<hbm>>, %arg14: memref<100000x128xf32, #tpu.memory_space<hbm>>, %arg15: memref<100000x128xf32, #tpu.memory_space<hbm>>, %arg16: memref<100000x128xf32, #tpu.memory_space<hbm>>, %arg17: memref<100000x128xf32, #tpu.memory_space<hbm>>, %arg18: memref<4096x1024xf32, #tpu.memory_space<hbm>>, %arg19: memref<8x128xi32, #tpu.memory_space<vmem>>, %arg20: memref<4x128x128xf32, #tpu.memory_space<vmem>>, %arg21: memref<!tpu.dma_semaphore, #tpu.memory_space<semaphore_mem>>, %arg22: memref<!tpu.dma_semaphore, #tpu.memory_space<semaphore_mem>>, %arg23: memref<!tpu.dma_semaphore, #tpu.memory_space<semaphore_mem>>) attributes {dimension_semantics = [#tpu.dimension_semantics<core_parallel>, #tpu.dimension_semantics<subcore_parallel>], iteration_bounds = array<i64: 2, 16>, scalar_prefetch = 0 : i64, scratch_operands = 5 : i64, tpu.core_type = #tpu.core_type<sc_vector_subcore>, window_params = [{transform_indices = #map}, {transform_indices = #map}, {transform_indices = #map}, {transform_indices = #map}, {transform_indices = #map}, {transform_indices = #map}, {transform_indices = #map}, {transform_indices = #map}, {transform_indices = #map}, {transform_indices = #map}, {transform_indices = #map}, {transform_indices = #map}, {transform_indices = #map}, {transform_indices = #map}, {transform_indices = #map}, {transform_indices = #map}, {transform_indices = #map}]} {
    %mul3A = arith.constant 2 : i32
    %mul3A_0 = arith.muli %arg1, %mul3A : i32
    %add3A = arith.addi %mul3A_0, %arg0 : i32
    %mul3A_1 = arith.constant 128 : i32
    %mul3A_2 = arith.muli %add3A, %mul3A_1 : i32
    %mul3A_3 = arith.constant 1 : i32
    %mul3A_4 = arith.muli %add3A, %mul3A_3 : i32
    %add3A_5 = arith.constant 32 : i32
    %add3A_6 = arith.addi %add3A_5, %mul3A_4 : i32
    %dma_start3A = arith.constant 0 : i32
    %dma_start3A_7 = arith.constant 0 : i32
    %dma_start3A_8 = tpu.memref_slice %arg19[%dma_start3A, %dma_start3A_7] : memref<8x128xi32, #tpu.memory_space<vmem>> -> memref<1x128xi32, #tpu.memory_space<vmem>>
    %dma_start3A_9 = arith.constant 0 : i32
    %dma_start3A_10 = tpu.memref_slice %arg2[%add3A_6, %dma_start3A_9] : memref<128x128xi32, #tpu.memory_space<hbm>> -> memref<1x128xi32, #tpu.memory_space<hbm>>
    %dma_start3A_11 = arith.constant 0 : i32
    %dma_start3A_12 = arith.constant 0 : i32
    %dma_start3A_13 = tpu.memref_slice %arg19[%dma_start3A_11, %dma_start3A_12] : memref<8x128xi32, #tpu.memory_space<vmem>> -> memref<1x128xi32, #tpu.memory_space<vmem>>
    %dma_start3A_14 = arith.constant 0 : i32
    %dma_start3A_15 = tpu.memref_slice %arg2[%add3A_6, %dma_start3A_14] : memref<128x128xi32, #tpu.memory_space<hbm>> -> memref<1x128xi32, #tpu.memory_space<hbm>>
    tpu.enqueue_dma source(%dma_start3A_15 : memref<1x128xi32, #tpu.memory_space<hbm>>) target(%dma_start3A_13 : memref<1x128xi32, #tpu.memory_space<vmem>>) target_semaphore(%arg21 : memref<!tpu.dma_semaphore, #tpu.memory_space<semaphore_mem>>)
    %dma_start3A_16 = arith.constant 1 : i32
    %dma_start3A_17 = arith.constant 0 : i32
    %dma_start3A_18 = tpu.memref_slice %arg19[%dma_start3A_16, %dma_start3A_17] : memref<8x128xi32, #tpu.memory_space<vmem>> -> memref<1x128xi32, #tpu.memory_space<vmem>>
    %dma_start3A_19 = arith.constant 0 : i32
    %dma_start3A_20 = tpu.memref_slice %arg3[%add3A_6, %dma_start3A_19] : memref<128x128xi32, #tpu.memory_space<hbm>> -> memref<1x128xi32, #tpu.memory_space<hbm>>
    %dma_start3A_21 = arith.constant 1 : i32
    %dma_start3A_22 = arith.constant 0 : i32
    %dma_start3A_23 = tpu.memref_slice %arg19[%dma_start3A_21, %dma_start3A_22] : memref<8x128xi32, #tpu.memory_space<vmem>> -> memref<1x128xi32, #tpu.memory_space<vmem>>
    %dma_start3A_24 = arith.constant 0 : i32
    %dma_start3A_25 = tpu.memref_slice %arg3[%add3A_6, %dma_start3A_24] : memref<128x128xi32, #tpu.memory_space<hbm>> -> memref<1x128xi32, #tpu.memory_space<hbm>>
    tpu.enqueue_dma source(%dma_start3A_25 : memref<1x128xi32, #tpu.memory_space<hbm>>) target(%dma_start3A_23 : memref<1x128xi32, #tpu.memory_space<vmem>>) target_semaphore(%arg21 : memref<!tpu.dma_semaphore, #tpu.memory_space<semaphore_mem>>)
    %dma_start3A_26 = arith.constant 2 : i32
    %dma_start3A_27 = arith.constant 0 : i32
    %dma_start3A_28 = tpu.memref_slice %arg19[%dma_start3A_26, %dma_start3A_27] : memref<8x128xi32, #tpu.memory_space<vmem>> -> memref<1x128xi32, #tpu.memory_space<vmem>>
    %dma_start3A_29 = arith.constant 0 : i32
    %dma_start3A_30 = tpu.memref_slice %arg4[%add3A_6, %dma_start3A_29] : memref<128x128xi32, #tpu.memory_space<hbm>> -> memref<1x128xi32, #tpu.memory_space<hbm>>
    %dma_start3A_31 = arith.constant 2 : i32
    %dma_start3A_32 = arith.constant 0 : i32
    %dma_start3A_33 = tpu.memref_slice %arg19[%dma_start3A_31, %dma_start3A_32] : memref<8x128xi32, #tpu.memory_space<vmem>> -> memref<1x128xi32, #tpu.memory_space<vmem>>
    %dma_start3A_34 = arith.constant 0 : i32
    %dma_start3A_35 = tpu.memref_slice %arg4[%add3A_6, %dma_start3A_34] : memref<128x128xi32, #tpu.memory_space<hbm>> -> memref<1x128xi32, #tpu.memory_space<hbm>>
    tpu.enqueue_dma source(%dma_start3A_35 : memref<1x128xi32, #tpu.memory_space<hbm>>) target(%dma_start3A_33 : memref<1x128xi32, #tpu.memory_space<vmem>>) target_semaphore(%arg21 : memref<!tpu.dma_semaphore, #tpu.memory_space<semaphore_mem>>)
    %dma_start3A_36 = arith.constant 3 : i32
    %dma_start3A_37 = arith.constant 0 : i32
    %dma_start3A_38 = tpu.memref_slice %arg19[%dma_start3A_36, %dma_start3A_37] : memref<8x128xi32, #tpu.memory_space<vmem>> -> memref<1x128xi32, #tpu.memory_space<vmem>>
    %dma_start3A_39 = arith.constant 0 : i32
    %dma_start3A_40 = tpu.memref_slice %arg5[%add3A_6, %dma_start3A_39] : memref<128x128xi32, #tpu.memory_space<hbm>> -> memref<1x128xi32, #tpu.memory_space<hbm>>
    %dma_start3A_41 = arith.constant 3 : i32
    %dma_start3A_42 = arith.constant 0 : i32
    %dma_start3A_43 = tpu.memref_slice %arg19[%dma_start3A_41, %dma_start3A_42] : memref<8x128xi32, #tpu.memory_space<vmem>> -> memref<1x128xi32, #tpu.memory_space<vmem>>
    %dma_start3A_44 = arith.constant 0 : i32
    %dma_start3A_45 = tpu.memref_slice %arg5[%add3A_6, %dma_start3A_44] : memref<128x128xi32, #tpu.memory_space<hbm>> -> memref<1x128xi32, #tpu.memory_space<hbm>>
    tpu.enqueue_dma source(%dma_start3A_45 : memref<1x128xi32, #tpu.memory_space<hbm>>) target(%dma_start3A_43 : memref<1x128xi32, #tpu.memory_space<vmem>>) target_semaphore(%arg21 : memref<!tpu.dma_semaphore, #tpu.memory_space<semaphore_mem>>)
    %dma_start3A_46 = arith.constant 4 : i32
    %dma_start3A_47 = arith.constant 0 : i32
    %dma_start3A_48 = tpu.memref_slice %arg19[%dma_start3A_46, %dma_start3A_47] : memref<8x128xi32, #tpu.memory_space<vmem>> -> memref<1x128xi32, #tpu.memory_space<vmem>>
    %dma_start3A_49 = arith.constant 0 : i32
    %dma_start3A_50 = tpu.memref_slice %arg6[%add3A_6, %dma_start3A_49] : memref<128x128xi32, #tpu.memory_space<hbm>> -> memref<1x128xi32, #tpu.memory_space<hbm>>
    %dma_start3A_51 = arith.constant 4 : i32
    %dma_start3A_52 = arith.constant 0 : i32
    %dma_start3A_53 = tpu.memref_slice %arg19[%dma_start3A_51, %dma_start3A_52] : memref<8x128xi32, #tpu.memory_space<vmem>> -> memref<1x128xi32, #tpu.memory_space<vmem>>
    %dma_start3A_54 = arith.constant 0 : i32
    %dma_start3A_55 = tpu.memref_slice %arg6[%add3A_6, %dma_start3A_54] : memref<128x128xi32, #tpu.memory_space<hbm>> -> memref<1x128xi32, #tpu.memory_space<hbm>>
    tpu.enqueue_dma source(%dma_start3A_55 : memref<1x128xi32, #tpu.memory_space<hbm>>) target(%dma_start3A_53 : memref<1x128xi32, #tpu.memory_space<vmem>>) target_semaphore(%arg21 : memref<!tpu.dma_semaphore, #tpu.memory_space<semaphore_mem>>)
    %dma_start3A_56 = arith.constant 5 : i32
    %dma_start3A_57 = arith.constant 0 : i32
    %dma_start3A_58 = tpu.memref_slice %arg19[%dma_start3A_56, %dma_start3A_57] : memref<8x128xi32, #tpu.memory_space<vmem>> -> memref<1x128xi32, #tpu.memory_space<vmem>>
    %dma_start3A_59 = arith.constant 0 : i32
    %dma_start3A_60 = tpu.memref_slice %arg7[%add3A_6, %dma_start3A_59] : memref<128x128xi32, #tpu.memory_space<hbm>> -> memref<1x128xi32, #tpu.memory_space<hbm>>
    %dma_start3A_61 = arith.constant 5 : i32
    %dma_start3A_62 = arith.constant 0 : i32
    %dma_start3A_63 = tpu.memref_slice %arg19[%dma_start3A_61, %dma_start3A_62] : memref<8x128xi32, #tpu.memory_space<vmem>> -> memref<1x128xi32, #tpu.memory_space<vmem>>
    %dma_start3A_64 = arith.constant 0 : i32
    %dma_start3A_65 = tpu.memref_slice %arg7[%add3A_6, %dma_start3A_64] : memref<128x128xi32, #tpu.memory_space<hbm>> -> memref<1x128xi32, #tpu.memory_space<hbm>>
    tpu.enqueue_dma source(%dma_start3A_65 : memref<1x128xi32, #tpu.memory_space<hbm>>) target(%dma_start3A_63 : memref<1x128xi32, #tpu.memory_space<vmem>>) target_semaphore(%arg21 : memref<!tpu.dma_semaphore, #tpu.memory_space<semaphore_mem>>)
    %dma_start3A_66 = arith.constant 6 : i32
    %dma_start3A_67 = arith.constant 0 : i32
    %dma_start3A_68 = tpu.memref_slice %arg19[%dma_start3A_66, %dma_start3A_67] : memref<8x128xi32, #tpu.memory_space<vmem>> -> memref<1x128xi32, #tpu.memory_space<vmem>>
    %dma_start3A_69 = arith.constant 0 : i32
    %dma_start3A_70 = tpu.memref_slice %arg8[%add3A_6, %dma_start3A_69] : memref<128x128xi32, #tpu.memory_space<hbm>> -> memref<1x128xi32, #tpu.memory_space<hbm>>
    %dma_start3A_71 = arith.constant 6 : i32
    %dma_start3A_72 = arith.constant 0 : i32
    %dma_start3A_73 = tpu.memref_slice %arg19[%dma_start3A_71, %dma_start3A_72] : memref<8x128xi32, #tpu.memory_space<vmem>> -> memref<1x128xi32, #tpu.memory_space<vmem>>
    %dma_start3A_74 = arith.constant 0 : i32
    %dma_start3A_75 = tpu.memref_slice %arg8[%add3A_6, %dma_start3A_74] : memref<128x128xi32, #tpu.memory_space<hbm>> -> memref<1x128xi32, #tpu.memory_space<hbm>>
    tpu.enqueue_dma source(%dma_start3A_75 : memref<1x128xi32, #tpu.memory_space<hbm>>) target(%dma_start3A_73 : memref<1x128xi32, #tpu.memory_space<vmem>>) target_semaphore(%arg21 : memref<!tpu.dma_semaphore, #tpu.memory_space<semaphore_mem>>)
    %dma_start3A_76 = arith.constant 7 : i32
    %dma_start3A_77 = arith.constant 0 : i32
    %dma_start3A_78 = tpu.memref_slice %arg19[%dma_start3A_76, %dma_start3A_77] : memref<8x128xi32, #tpu.memory_space<vmem>> -> memref<1x128xi32, #tpu.memory_space<vmem>>
    %dma_start3A_79 = arith.constant 0 : i32
    %dma_start3A_80 = tpu.memref_slice %arg9[%add3A_6, %dma_start3A_79] : memref<128x128xi32, #tpu.memory_space<hbm>> -> memref<1x128xi32, #tpu.memory_space<hbm>>
    %dma_start3A_81 = arith.constant 7 : i32
    %dma_start3A_82 = arith.constant 0 : i32
    %dma_start3A_83 = tpu.memref_slice %arg19[%dma_start3A_81, %dma_start3A_82] : memref<8x128xi32, #tpu.memory_space<vmem>> -> memref<1x128xi32, #tpu.memory_space<vmem>>
    %dma_start3A_84 = arith.constant 0 : i32
    %dma_start3A_85 = tpu.memref_slice %arg9[%add3A_6, %dma_start3A_84] : memref<128x128xi32, #tpu.memory_space<hbm>> -> memref<1x128xi32, #tpu.memory_space<hbm>>
    tpu.enqueue_dma source(%dma_start3A_85 : memref<1x128xi32, #tpu.memory_space<hbm>>) target(%dma_start3A_83 : memref<1x128xi32, #tpu.memory_space<vmem>>) target_semaphore(%arg21 : memref<!tpu.dma_semaphore, #tpu.memory_space<semaphore_mem>>)
    %dma_wait3A = arith.constant 0 : i32
    %dma_wait3A_86 = arith.constant 0 : i32
    %dma_wait3A_87 = tpu.memref_slice %arg19[%dma_wait3A, %dma_wait3A_86] : memref<8x128xi32, #tpu.memory_space<vmem>> -> memref<1x128xi32, #tpu.memory_space<vmem>>
    %dma_wait3A_88 = arith.constant 0 : i32
    %dma_wait3A_89 = tpu.memref_slice %arg2[%add3A_6, %dma_wait3A_88] : memref<128x128xi32, #tpu.memory_space<hbm>> -> memref<1x128xi32, #tpu.memory_space<hbm>>
    %dma_wait3A_90 = arith.constant 0 : i32
    %dma_wait3A_91 = arith.constant 0 : i32
    %dma_wait3A_92 = tpu.memref_slice %arg19[%dma_wait3A_90, %dma_wait3A_91] : memref<8x128xi32, #tpu.memory_space<vmem>> -> memref<1x128xi32, #tpu.memory_space<vmem>>
    %dma_wait3A_93 = arith.constant 0 : i32
    %dma_wait3A_94 = tpu.memref_slice %arg2[%add3A_6, %dma_wait3A_93] : memref<128x128xi32, #tpu.memory_space<hbm>> -> memref<1x128xi32, #tpu.memory_space<hbm>>
    tpu.wait_dma2 semaphore(%arg21 : memref<!tpu.dma_semaphore, #tpu.memory_space<semaphore_mem>>) src(%dma_wait3A_94 : memref<1x128xi32, #tpu.memory_space<hbm>>) dst(%dma_wait3A_92 : memref<1x128xi32, #tpu.memory_space<vmem>>)
    %dma_wait3A_95 = arith.constant 1 : i32
    %dma_wait3A_96 = arith.constant 0 : i32
    %dma_wait3A_97 = tpu.memref_slice %arg19[%dma_wait3A_95, %dma_wait3A_96] : memref<8x128xi32, #tpu.memory_space<vmem>> -> memref<1x128xi32, #tpu.memory_space<vmem>>
    %dma_wait3A_98 = arith.constant 0 : i32
    %dma_wait3A_99 = tpu.memref_slice %arg3[%add3A_6, %dma_wait3A_98] : memref<128x128xi32, #tpu.memory_space<hbm>> -> memref<1x128xi32, #tpu.memory_space<hbm>>
    %dma_wait3A_100 = arith.constant 1 : i32
    %dma_wait3A_101 = arith.constant 0 : i32
    %dma_wait3A_102 = tpu.memref_slice %arg19[%dma_wait3A_100, %dma_wait3A_101] : memref<8x128xi32, #tpu.memory_space<vmem>> -> memref<1x128xi32, #tpu.memory_space<vmem>>
    %dma_wait3A_103 = arith.constant 0 : i32
    %dma_wait3A_104 = tpu.memref_slice %arg3[%add3A_6, %dma_wait3A_103] : memref<128x128xi32, #tpu.memory_space<hbm>> -> memref<1x128xi32, #tpu.memory_space<hbm>>
    tpu.wait_dma2 semaphore(%arg21 : memref<!tpu.dma_semaphore, #tpu.memory_space<semaphore_mem>>) src(%dma_wait3A_104 : memref<1x128xi32, #tpu.memory_space<hbm>>) dst(%dma_wait3A_102 : memref<1x128xi32, #tpu.memory_space<vmem>>)
    %dma_wait3A_105 = arith.constant 2 : i32
    %dma_wait3A_106 = arith.constant 0 : i32
    %dma_wait3A_107 = tpu.memref_slice %arg19[%dma_wait3A_105, %dma_wait3A_106] : memref<8x128xi32, #tpu.memory_space<vmem>> -> memref<1x128xi32, #tpu.memory_space<vmem>>
    %dma_wait3A_108 = arith.constant 0 : i32
    %dma_wait3A_109 = tpu.memref_slice %arg4[%add3A_6, %dma_wait3A_108] : memref<128x128xi32, #tpu.memory_space<hbm>> -> memref<1x128xi32, #tpu.memory_space<hbm>>
    %dma_wait3A_110 = arith.constant 2 : i32
    %dma_wait3A_111 = arith.constant 0 : i32
    %dma_wait3A_112 = tpu.memref_slice %arg19[%dma_wait3A_110, %dma_wait3A_111] : memref<8x128xi32, #tpu.memory_space<vmem>> -> memref<1x128xi32, #tpu.memory_space<vmem>>
    %dma_wait3A_113 = arith.constant 0 : i32
    %dma_wait3A_114 = tpu.memref_slice %arg4[%add3A_6, %dma_wait3A_113] : memref<128x128xi32, #tpu.memory_space<hbm>> -> memref<1x128xi32, #tpu.memory_space<hbm>>
    tpu.wait_dma2 semaphore(%arg21 : memref<!tpu.dma_semaphore, #tpu.memory_space<semaphore_mem>>) src(%dma_wait3A_114 : memref<1x128xi32, #tpu.memory_space<hbm>>) dst(%dma_wait3A_112 : memref<1x128xi32, #tpu.memory_space<vmem>>)
    %dma_wait3A_115 = arith.constant 3 : i32
    %dma_wait3A_116 = arith.constant 0 : i32
    %dma_wait3A_117 = tpu.memref_slice %arg19[%dma_wait3A_115, %dma_wait3A_116] : memref<8x128xi32, #tpu.memory_space<vmem>> -> memref<1x128xi32, #tpu.memory_space<vmem>>
    %dma_wait3A_118 = arith.constant 0 : i32
    %dma_wait3A_119 = tpu.memref_slice %arg5[%add3A_6, %dma_wait3A_118] : memref<128x128xi32, #tpu.memory_space<hbm>> -> memref<1x128xi32, #tpu.memory_space<hbm>>
    %dma_wait3A_120 = arith.constant 3 : i32
    %dma_wait3A_121 = arith.constant 0 : i32
    %dma_wait3A_122 = tpu.memref_slice %arg19[%dma_wait3A_120, %dma_wait3A_121] : memref<8x128xi32, #tpu.memory_space<vmem>> -> memref<1x128xi32, #tpu.memory_space<vmem>>
    %dma_wait3A_123 = arith.constant 0 : i32
    %dma_wait3A_124 = tpu.memref_slice %arg5[%add3A_6, %dma_wait3A_123] : memref<128x128xi32, #tpu.memory_space<hbm>> -> memref<1x128xi32, #tpu.memory_space<hbm>>
    tpu.wait_dma2 semaphore(%arg21 : memref<!tpu.dma_semaphore, #tpu.memory_space<semaphore_mem>>) src(%dma_wait3A_124 : memref<1x128xi32, #tpu.memory_space<hbm>>) dst(%dma_wait3A_122 : memref<1x128xi32, #tpu.memory_space<vmem>>)
    %dma_wait3A_125 = arith.constant 4 : i32
    %dma_wait3A_126 = arith.constant 0 : i32
    %dma_wait3A_127 = tpu.memref_slice %arg19[%dma_wait3A_125, %dma_wait3A_126] : memref<8x128xi32, #tpu.memory_space<vmem>> -> memref<1x128xi32, #tpu.memory_space<vmem>>
    %dma_wait3A_128 = arith.constant 0 : i32
    %dma_wait3A_129 = tpu.memref_slice %arg6[%add3A_6, %dma_wait3A_128] : memref<128x128xi32, #tpu.memory_space<hbm>> -> memref<1x128xi32, #tpu.memory_space<hbm>>
    %dma_wait3A_130 = arith.constant 4 : i32
    %dma_wait3A_131 = arith.constant 0 : i32
    %dma_wait3A_132 = tpu.memref_slice %arg19[%dma_wait3A_130, %dma_wait3A_131] : memref<8x128xi32, #tpu.memory_space<vmem>> -> memref<1x128xi32, #tpu.memory_space<vmem>>
    %dma_wait3A_133 = arith.constant 0 : i32
    %dma_wait3A_134 = tpu.memref_slice %arg6[%add3A_6, %dma_wait3A_133] : memref<128x128xi32, #tpu.memory_space<hbm>> -> memref<1x128xi32, #tpu.memory_space<hbm>>
    tpu.wait_dma2 semaphore(%arg21 : memref<!tpu.dma_semaphore, #tpu.memory_space<semaphore_mem>>) src(%dma_wait3A_134 : memref<1x128xi32, #tpu.memory_space<hbm>>) dst(%dma_wait3A_132 : memref<1x128xi32, #tpu.memory_space<vmem>>)
    %dma_wait3A_135 = arith.constant 5 : i32
    %dma_wait3A_136 = arith.constant 0 : i32
    %dma_wait3A_137 = tpu.memref_slice %arg19[%dma_wait3A_135, %dma_wait3A_136] : memref<8x128xi32, #tpu.memory_space<vmem>> -> memref<1x128xi32, #tpu.memory_space<vmem>>
    %dma_wait3A_138 = arith.constant 0 : i32
    %dma_wait3A_139 = tpu.memref_slice %arg7[%add3A_6, %dma_wait3A_138] : memref<128x128xi32, #tpu.memory_space<hbm>> -> memref<1x128xi32, #tpu.memory_space<hbm>>
    %dma_wait3A_140 = arith.constant 5 : i32
    %dma_wait3A_141 = arith.constant 0 : i32
    %dma_wait3A_142 = tpu.memref_slice %arg19[%dma_wait3A_140, %dma_wait3A_141] : memref<8x128xi32, #tpu.memory_space<vmem>> -> memref<1x128xi32, #tpu.memory_space<vmem>>
    %dma_wait3A_143 = arith.constant 0 : i32
    %dma_wait3A_144 = tpu.memref_slice %arg7[%add3A_6, %dma_wait3A_143] : memref<128x128xi32, #tpu.memory_space<hbm>> -> memref<1x128xi32, #tpu.memory_space<hbm>>
    tpu.wait_dma2 semaphore(%arg21 : memref<!tpu.dma_semaphore, #tpu.memory_space<semaphore_mem>>) src(%dma_wait3A_144 : memref<1x128xi32, #tpu.memory_space<hbm>>) dst(%dma_wait3A_142 : memref<1x128xi32, #tpu.memory_space<vmem>>)
    %dma_wait3A_145 = arith.constant 6 : i32
    %dma_wait3A_146 = arith.constant 0 : i32
    %dma_wait3A_147 = tpu.memref_slice %arg19[%dma_wait3A_145, %dma_wait3A_146] : memref<8x128xi32, #tpu.memory_space<vmem>> -> memref<1x128xi32, #tpu.memory_space<vmem>>
    %dma_wait3A_148 = arith.constant 0 : i32
    %dma_wait3A_149 = tpu.memref_slice %arg8[%add3A_6, %dma_wait3A_148] : memref<128x128xi32, #tpu.memory_space<hbm>> -> memref<1x128xi32, #tpu.memory_space<hbm>>
    %dma_wait3A_150 = arith.constant 6 : i32
    %dma_wait3A_151 = arith.constant 0 : i32
    %dma_wait3A_152 = tpu.memref_slice %arg19[%dma_wait3A_150, %dma_wait3A_151] : memref<8x128xi32, #tpu.memory_space<vmem>> -> memref<1x128xi32, #tpu.memory_space<vmem>>
    %dma_wait3A_153 = arith.constant 0 : i32
    %dma_wait3A_154 = tpu.memref_slice %arg8[%add3A_6, %dma_wait3A_153] : memref<128x128xi32, #tpu.memory_space<hbm>> -> memref<1x128xi32, #tpu.memory_space<hbm>>
    tpu.wait_dma2 semaphore(%arg21 : memref<!tpu.dma_semaphore, #tpu.memory_space<semaphore_mem>>) src(%dma_wait3A_154 : memref<1x128xi32, #tpu.memory_space<hbm>>) dst(%dma_wait3A_152 : memref<1x128xi32, #tpu.memory_space<vmem>>)
    %dma_wait3A_155 = arith.constant 7 : i32
    %dma_wait3A_156 = arith.constant 0 : i32
    %dma_wait3A_157 = tpu.memref_slice %arg19[%dma_wait3A_155, %dma_wait3A_156] : memref<8x128xi32, #tpu.memory_space<vmem>> -> memref<1x128xi32, #tpu.memory_space<vmem>>
    %dma_wait3A_158 = arith.constant 0 : i32
    %dma_wait3A_159 = tpu.memref_slice %arg9[%add3A_6, %dma_wait3A_158] : memref<128x128xi32, #tpu.memory_space<hbm>> -> memref<1x128xi32, #tpu.memory_space<hbm>>
    %dma_wait3A_160 = arith.constant 7 : i32
    %dma_wait3A_161 = arith.constant 0 : i32
    %dma_wait3A_162 = tpu.memref_slice %arg19[%dma_wait3A_160, %dma_wait3A_161] : memref<8x128xi32, #tpu.memory_space<vmem>> -> memref<1x128xi32, #tpu.memory_space<vmem>>
    %dma_wait3A_163 = arith.constant 0 : i32
    %dma_wait3A_164 = tpu.memref_slice %arg9[%add3A_6, %dma_wait3A_163] : memref<128x128xi32, #tpu.memory_space<hbm>> -> memref<1x128xi32, #tpu.memory_space<hbm>>
    tpu.wait_dma2 semaphore(%arg21 : memref<!tpu.dma_semaphore, #tpu.memory_space<semaphore_mem>>) src(%dma_wait3A_164 : memref<1x128xi32, #tpu.memory_space<hbm>>) dst(%dma_wait3A_162 : memref<1x128xi32, #tpu.memory_space<vmem>>)
    %dma_start3A_165 = arith.constant 0 : i32
    %dma_start3A_166 = arith.constant 0 : i32
    %dma_start3A_167 = arith.constant 0 : i32
    %dma_start3A_168 = arith.constant 0 : i32
    %dma_start3A_169 = tpu.memref_slice %arg20[%dma_start3A_166, %dma_start3A_167, %dma_start3A_168] : memref<4x128x128xf32, #tpu.memory_space<vmem>> -> memref<1x128x128xf32, #tpu.memory_space<vmem>>
    %dma_start3A_170 = tpu.memref_squeeze %dma_start3A_169 : memref<1x128x128xf32, #tpu.memory_space<vmem>> -> memref<128x128xf32, #tpu.memory_space<vmem>>
    %dma_start3A_171 = arith.constant 0 : i32
    %dma_start3A_172 = arith.constant 0 : i32
    %dma_start3A_173 = tpu.memref_slice %dma_start3A_170[%dma_start3A_171, %dma_start3A_172] : memref<128x128xf32, #tpu.memory_space<vmem>> -> memref<128x128xf32, #tpu.memory_space<vmem>>
    %dma_start3A_174 = arith.constant 0 : i32
    %dma_start3A_175 = tpu.memref_slice %arg19[%dma_start3A_165, %dma_start3A_174] : memref<8x128xi32, #tpu.memory_space<vmem>> -> memref<1x128xi32, #tpu.memory_space<vmem>>
    %dma_start3A_176 = tpu.memref_squeeze %dma_start3A_175 : memref<1x128xi32, #tpu.memory_space<vmem>> -> memref<128xi32, #tpu.memory_space<vmem>>
    %dma_start3A_177 = arith.constant 0 : i32
    %dma_start3A_178 = arith.constant 0 : i32
    %dma_start3A_179 = tpu.memref_slice %arg10[%dma_start3A_177, %dma_start3A_178] : memref<100000x128xf32, #tpu.memory_space<hbm>> -> memref<100000x128xf32, #tpu.memory_space<hbm>>
    tpu.enqueue_indirect_dma source(%dma_start3A_179 : memref<100000x128xf32, #tpu.memory_space<hbm>>) target(%dma_start3A_173 : memref<128x128xf32, #tpu.memory_space<vmem>>) offsets(%dma_start3A_176 : memref<128xi32, #tpu.memory_space<vmem>>) semaphore(%arg22 : memref<!tpu.dma_semaphore, #tpu.memory_space<semaphore_mem>>)
    %dma_start3A_180 = arith.constant 1 : i32
    %dma_start3A_181 = arith.constant 1 : i32
    %dma_start3A_182 = arith.constant 0 : i32
    %dma_start3A_183 = arith.constant 0 : i32
    %dma_start3A_184 = tpu.memref_slice %arg20[%dma_start3A_181, %dma_start3A_182, %dma_start3A_183] : memref<4x128x128xf32, #tpu.memory_space<vmem>> -> memref<1x128x128xf32, #tpu.memory_space<vmem>>
    %dma_start3A_185 = tpu.memref_squeeze %dma_start3A_184 : memref<1x128x128xf32, #tpu.memory_space<vmem>> -> memref<128x128xf32, #tpu.memory_space<vmem>>
    %dma_start3A_186 = arith.constant 0 : i32
    %dma_start3A_187 = arith.constant 0 : i32
    %dma_start3A_188 = tpu.memref_slice %dma_start3A_185[%dma_start3A_186, %dma_start3A_187] : memref<128x128xf32, #tpu.memory_space<vmem>> -> memref<128x128xf32, #tpu.memory_space<vmem>>
    %dma_start3A_189 = arith.constant 0 : i32
    %dma_start3A_190 = tpu.memref_slice %arg19[%dma_start3A_180, %dma_start3A_189] : memref<8x128xi32, #tpu.memory_space<vmem>> -> memref<1x128xi32, #tpu.memory_space<vmem>>
    %dma_start3A_191 = tpu.memref_squeeze %dma_start3A_190 : memref<1x128xi32, #tpu.memory_space<vmem>> -> memref<128xi32, #tpu.memory_space<vmem>>
    %dma_start3A_192 = arith.constant 0 : i32
    %dma_start3A_193 = arith.constant 0 : i32
    %dma_start3A_194 = tpu.memref_slice %arg11[%dma_start3A_192, %dma_start3A_193] : memref<100000x128xf32, #tpu.memory_space<hbm>> -> memref<100000x128xf32, #tpu.memory_space<hbm>>
    tpu.enqueue_indirect_dma source(%dma_start3A_194 : memref<100000x128xf32, #tpu.memory_space<hbm>>) target(%dma_start3A_188 : memref<128x128xf32, #tpu.memory_space<vmem>>) offsets(%dma_start3A_191 : memref<128xi32, #tpu.memory_space<vmem>>) semaphore(%arg22 : memref<!tpu.dma_semaphore, #tpu.memory_space<semaphore_mem>>)
    %dma_start3A_195 = arith.constant 2 : i32
    %dma_start3A_196 = arith.constant 2 : i32
    %dma_start3A_197 = arith.constant 0 : i32
    %dma_start3A_198 = arith.constant 0 : i32
    %dma_start3A_199 = tpu.memref_slice %arg20[%dma_start3A_196, %dma_start3A_197, %dma_start3A_198] : memref<4x128x128xf32, #tpu.memory_space<vmem>> -> memref<1x128x128xf32, #tpu.memory_space<vmem>>
    %dma_start3A_200 = tpu.memref_squeeze %dma_start3A_199 : memref<1x128x128xf32, #tpu.memory_space<vmem>> -> memref<128x128xf32, #tpu.memory_space<vmem>>
    %dma_start3A_201 = arith.constant 0 : i32
    %dma_start3A_202 = arith.constant 0 : i32
    %dma_start3A_203 = tpu.memref_slice %dma_start3A_200[%dma_start3A_201, %dma_start3A_202] : memref<128x128xf32, #tpu.memory_space<vmem>> -> memref<128x128xf32, #tpu.memory_space<vmem>>
    %dma_start3A_204 = arith.constant 0 : i32
    %dma_start3A_205 = tpu.memref_slice %arg19[%dma_start3A_195, %dma_start3A_204] : memref<8x128xi32, #tpu.memory_space<vmem>> -> memref<1x128xi32, #tpu.memory_space<vmem>>
    %dma_start3A_206 = tpu.memref_squeeze %dma_start3A_205 : memref<1x128xi32, #tpu.memory_space<vmem>> -> memref<128xi32, #tpu.memory_space<vmem>>
    %dma_start3A_207 = arith.constant 0 : i32
    %dma_start3A_208 = arith.constant 0 : i32
    %dma_start3A_209 = tpu.memref_slice %arg12[%dma_start3A_207, %dma_start3A_208] : memref<100000x128xf32, #tpu.memory_space<hbm>> -> memref<100000x128xf32, #tpu.memory_space<hbm>>
    tpu.enqueue_indirect_dma source(%dma_start3A_209 : memref<100000x128xf32, #tpu.memory_space<hbm>>) target(%dma_start3A_203 : memref<128x128xf32, #tpu.memory_space<vmem>>) offsets(%dma_start3A_206 : memref<128xi32, #tpu.memory_space<vmem>>) semaphore(%arg22 : memref<!tpu.dma_semaphore, #tpu.memory_space<semaphore_mem>>)
    %dma_start3A_210 = arith.constant 3 : i32
    %dma_start3A_211 = arith.constant 3 : i32
    %dma_start3A_212 = arith.constant 0 : i32
    %dma_start3A_213 = arith.constant 0 : i32
    %dma_start3A_214 = tpu.memref_slice %arg20[%dma_start3A_211, %dma_start3A_212, %dma_start3A_213] : memref<4x128x128xf32, #tpu.memory_space<vmem>> -> memref<1x128x128xf32, #tpu.memory_space<vmem>>
    %dma_start3A_215 = tpu.memref_squeeze %dma_start3A_214 : memref<1x128x128xf32, #tpu.memory_space<vmem>> -> memref<128x128xf32, #tpu.memory_space<vmem>>
    %dma_start3A_216 = arith.constant 0 : i32
    %dma_start3A_217 = arith.constant 0 : i32
    %dma_start3A_218 = tpu.memref_slice %dma_start3A_215[%dma_start3A_216, %dma_start3A_217] : memref<128x128xf32, #tpu.memory_space<vmem>> -> memref<128x128xf32, #tpu.memory_space<vmem>>
    %dma_start3A_219 = arith.constant 0 : i32
    %dma_start3A_220 = tpu.memref_slice %arg19[%dma_start3A_210, %dma_start3A_219] : memref<8x128xi32, #tpu.memory_space<vmem>> -> memref<1x128xi32, #tpu.memory_space<vmem>>
    %dma_start3A_221 = tpu.memref_squeeze %dma_start3A_220 : memref<1x128xi32, #tpu.memory_space<vmem>> -> memref<128xi32, #tpu.memory_space<vmem>>
    %dma_start3A_222 = arith.constant 0 : i32
    %dma_start3A_223 = arith.constant 0 : i32
    %dma_start3A_224 = tpu.memref_slice %arg13[%dma_start3A_222, %dma_start3A_223] : memref<100000x128xf32, #tpu.memory_space<hbm>> -> memref<100000x128xf32, #tpu.memory_space<hbm>>
    tpu.enqueue_indirect_dma source(%dma_start3A_224 : memref<100000x128xf32, #tpu.memory_space<hbm>>) target(%dma_start3A_218 : memref<128x128xf32, #tpu.memory_space<vmem>>) offsets(%dma_start3A_221 : memref<128xi32, #tpu.memory_space<vmem>>) semaphore(%arg22 : memref<!tpu.dma_semaphore, #tpu.memory_space<semaphore_mem>>)
    %dma_wait3A_225 = arith.constant 0 : i32
    %dma_wait3A_226 = arith.constant 0 : i32
    %dma_wait3A_227 = arith.constant 0 : i32
    %dma_wait3A_228 = arith.constant 0 : i32
    %dma_wait3A_229 = tpu.memref_slice %arg20[%dma_wait3A_226, %dma_wait3A_227, %dma_wait3A_228] : memref<4x128x128xf32, #tpu.memory_space<vmem>> -> memref<1x128x128xf32, #tpu.memory_space<vmem>>
    %dma_wait3A_230 = tpu.memref_squeeze %dma_wait3A_229 : memref<1x128x128xf32, #tpu.memory_space<vmem>> -> memref<128x128xf32, #tpu.memory_space<vmem>>
    %dma_wait3A_231 = arith.constant 0 : i32
    %dma_wait3A_232 = arith.constant 0 : i32
    %dma_wait3A_233 = tpu.memref_slice %dma_wait3A_230[%dma_wait3A_231, %dma_wait3A_232] : memref<128x128xf32, #tpu.memory_space<vmem>> -> memref<128x128xf32, #tpu.memory_space<vmem>>
    %dma_wait3A_234 = arith.constant 0 : i32
    %dma_wait3A_235 = tpu.memref_slice %arg19[%dma_wait3A_225, %dma_wait3A_234] : memref<8x128xi32, #tpu.memory_space<vmem>> -> memref<1x128xi32, #tpu.memory_space<vmem>>
    %dma_wait3A_236 = tpu.memref_squeeze %dma_wait3A_235 : memref<1x128xi32, #tpu.memory_space<vmem>> -> memref<128xi32, #tpu.memory_space<vmem>>
    %dma_wait3A_237 = arith.constant 0 : i32
    %dma_wait3A_238 = arith.constant 0 : i32
    %dma_wait3A_239 = tpu.memref_slice %arg10[%dma_wait3A_237, %dma_wait3A_238] : memref<100000x128xf32, #tpu.memory_space<hbm>> -> memref<100000x128xf32, #tpu.memory_space<hbm>>
    tpu.wait_indirect_dma semaphore(%arg22 : memref<!tpu.dma_semaphore, #tpu.memory_space<semaphore_mem>>) src(%dma_wait3A_239 : memref<100000x128xf32, #tpu.memory_space<hbm>>) dst(%dma_wait3A_233 : memref<128x128xf32, #tpu.memory_space<vmem>>)
    %dma_start3A_240 = arith.constant 0 : i32
    %dma_start3A_241 = arith.constant 0 : i32
    %dma_start3A_242 = arith.constant 0 : i32
    %dma_start3A_243 = tpu.memref_slice %arg20[%dma_start3A_240, %dma_start3A_241, %dma_start3A_242] : memref<4x128x128xf32, #tpu.memory_space<vmem>> -> memref<1x128x128xf32, #tpu.memory_space<vmem>>
    %dma_start3A_244 = tpu.memref_squeeze %dma_start3A_243 : memref<1x128x128xf32, #tpu.memory_space<vmem>> -> memref<128x128xf32, #tpu.memory_space<vmem>>
    %dma_start3A_245 = arith.constant 0 : i32
    %dma_start3A_246 = tpu.memref_slice %arg18[%mul3A_2, %dma_start3A_245] : memref<4096x1024xf32, #tpu.memory_space<hbm>> -> memref<128x128xf32, #tpu.memory_space<hbm>>
    %dma_start3A_247 = arith.constant 0 : i32
    %dma_start3A_248 = tpu.memref_slice %arg18[%mul3A_2, %dma_start3A_247] : memref<4096x1024xf32, #tpu.memory_space<hbm>> -> memref<128x128xf32, #tpu.memory_space<hbm>>
    %dma_start3A_249 = arith.constant 0 : i32
    %dma_start3A_250 = arith.constant 0 : i32
    %dma_start3A_251 = tpu.memref_slice %arg20[%dma_start3A_240, %dma_start3A_249, %dma_start3A_250] : memref<4x128x128xf32, #tpu.memory_space<vmem>> -> memref<1x128x128xf32, #tpu.memory_space<vmem>>
    %dma_start3A_252 = tpu.memref_squeeze %dma_start3A_251 : memref<1x128x128xf32, #tpu.memory_space<vmem>> -> memref<128x128xf32, #tpu.memory_space<vmem>>
    tpu.enqueue_dma source(%dma_start3A_252 : memref<128x128xf32, #tpu.memory_space<vmem>>) target(%dma_start3A_248 : memref<128x128xf32, #tpu.memory_space<hbm>>) target_semaphore(%arg23 : memref<!tpu.dma_semaphore, #tpu.memory_space<semaphore_mem>>)
    %dma_wait3A_253 = arith.constant 0 : i32
    %dma_wait3A_254 = arith.constant 0 : i32
    %dma_wait3A_255 = arith.constant 0 : i32
    %dma_wait3A_256 = tpu.memref_slice %arg20[%dma_wait3A_253, %dma_wait3A_254, %dma_wait3A_255] : memref<4x128x128xf32, #tpu.memory_space<vmem>> -> memref<1x128x128xf32, #tpu.memory_space<vmem>>
    %dma_wait3A_257 = tpu.memref_squeeze %dma_wait3A_256 : memref<1x128x128xf32, #tpu.memory_space<vmem>> -> memref<128x128xf32, #tpu.memory_space<vmem>>
    %dma_wait3A_258 = arith.constant 0 : i32
    %dma_wait3A_259 = tpu.memref_slice %arg18[%mul3A_2, %dma_wait3A_258] : memref<4096x1024xf32, #tpu.memory_space<hbm>> -> memref<128x128xf32, #tpu.memory_space<hbm>>
    %dma_wait3A_260 = arith.constant 0 : i32
    %dma_wait3A_261 = tpu.memref_slice %arg18[%mul3A_2, %dma_wait3A_260] : memref<4096x1024xf32, #tpu.memory_space<hbm>> -> memref<128x128xf32, #tpu.memory_space<hbm>>
    %dma_wait3A_262 = arith.constant 0 : i32
    %dma_wait3A_263 = arith.constant 0 : i32
    %dma_wait3A_264 = tpu.memref_slice %arg20[%dma_wait3A_253, %dma_wait3A_262, %dma_wait3A_263] : memref<4x128x128xf32, #tpu.memory_space<vmem>> -> memref<1x128x128xf32, #tpu.memory_space<vmem>>
    %dma_wait3A_265 = tpu.memref_squeeze %dma_wait3A_264 : memref<1x128x128xf32, #tpu.memory_space<vmem>> -> memref<128x128xf32, #tpu.memory_space<vmem>>
    tpu.wait_dma2 semaphore(%arg23 : memref<!tpu.dma_semaphore, #tpu.memory_space<semaphore_mem>>) src(%dma_wait3A_265 : memref<128x128xf32, #tpu.memory_space<vmem>>) dst(%dma_wait3A_261 : memref<128x128xf32, #tpu.memory_space<hbm>>)
    %dma_start3A_266 = arith.constant 4 : i32
    %dma_start3A_267 = arith.constant 0 : i32
    %dma_start3A_268 = arith.constant 0 : i32
    %dma_start3A_269 = arith.constant 0 : i32
    %dma_start3A_270 = tpu.memref_slice %arg20[%dma_start3A_267, %dma_start3A_268, %dma_start3A_269] : memref<4x128x128xf32, #tpu.memory_space<vmem>> -> memref<1x128x128xf32, #tpu.memory_space<vmem>>
    %dma_start3A_271 = tpu.memref_squeeze %dma_start3A_270 : memref<1x128x128xf32, #tpu.memory_space<vmem>> -> memref<128x128xf32, #tpu.memory_space<vmem>>
    %dma_start3A_272 = arith.constant 0 : i32
    %dma_start3A_273 = arith.constant 0 : i32
    %dma_start3A_274 = tpu.memref_slice %dma_start3A_271[%dma_start3A_272, %dma_start3A_273] : memref<128x128xf32, #tpu.memory_space<vmem>> -> memref<128x128xf32, #tpu.memory_space<vmem>>
    %dma_start3A_275 = arith.constant 0 : i32
    %dma_start3A_276 = tpu.memref_slice %arg19[%dma_start3A_266, %dma_start3A_275] : memref<8x128xi32, #tpu.memory_space<vmem>> -> memref<1x128xi32, #tpu.memory_space<vmem>>
    %dma_start3A_277 = tpu.memref_squeeze %dma_start3A_276 : memref<1x128xi32, #tpu.memory_space<vmem>> -> memref<128xi32, #tpu.memory_space<vmem>>
    %dma_start3A_278 = arith.constant 0 : i32
    %dma_start3A_279 = arith.constant 0 : i32
    %dma_start3A_280 = tpu.memref_slice %arg14[%dma_start3A_278, %dma_start3A_279] : memref<100000x128xf32, #tpu.memory_space<hbm>> -> memref<100000x128xf32, #tpu.memory_space<hbm>>
    tpu.enqueue_indirect_dma source(%dma_start3A_280 : memref<100000x128xf32, #tpu.memory_space<hbm>>) target(%dma_start3A_274 : memref<128x128xf32, #tpu.memory_space<vmem>>) offsets(%dma_start3A_277 : memref<128xi32, #tpu.memory_space<vmem>>) semaphore(%arg22 : memref<!tpu.dma_semaphore, #tpu.memory_space<semaphore_mem>>)
    %dma_wait3A_281 = arith.constant 1 : i32
    %dma_wait3A_282 = arith.constant 1 : i32
    %dma_wait3A_283 = arith.constant 0 : i32
    %dma_wait3A_284 = arith.constant 0 : i32
    %dma_wait3A_285 = tpu.memref_slice %arg20[%dma_wait3A_282, %dma_wait3A_283, %dma_wait3A_284] : memref<4x128x128xf32, #tpu.memory_space<vmem>> -> memref<1x128x128xf32, #tpu.memory_space<vmem>>
    %dma_wait3A_286 = tpu.memref_squeeze %dma_wait3A_285 : memref<1x128x128xf32, #tpu.memory_space<vmem>> -> memref<128x128xf32, #tpu.memory_space<vmem>>
    %dma_wait3A_287 = arith.constant 0 : i32
    %dma_wait3A_288 = arith.constant 0 : i32
    %dma_wait3A_289 = tpu.memref_slice %dma_wait3A_286[%dma_wait3A_287, %dma_wait3A_288] : memref<128x128xf32, #tpu.memory_space<vmem>> -> memref<128x128xf32, #tpu.memory_space<vmem>>
    %dma_wait3A_290 = arith.constant 0 : i32
    %dma_wait3A_291 = tpu.memref_slice %arg19[%dma_wait3A_281, %dma_wait3A_290] : memref<8x128xi32, #tpu.memory_space<vmem>> -> memref<1x128xi32, #tpu.memory_space<vmem>>
    %dma_wait3A_292 = tpu.memref_squeeze %dma_wait3A_291 : memref<1x128xi32, #tpu.memory_space<vmem>> -> memref<128xi32, #tpu.memory_space<vmem>>
    %dma_wait3A_293 = arith.constant 0 : i32
    %dma_wait3A_294 = arith.constant 0 : i32
    %dma_wait3A_295 = tpu.memref_slice %arg11[%dma_wait3A_293, %dma_wait3A_294] : memref<100000x128xf32, #tpu.memory_space<hbm>> -> memref<100000x128xf32, #tpu.memory_space<hbm>>
    tpu.wait_indirect_dma semaphore(%arg22 : memref<!tpu.dma_semaphore, #tpu.memory_space<semaphore_mem>>) src(%dma_wait3A_295 : memref<100000x128xf32, #tpu.memory_space<hbm>>) dst(%dma_wait3A_289 : memref<128x128xf32, #tpu.memory_space<vmem>>)
    %dma_start3A_296 = arith.constant 1 : i32
    %dma_start3A_297 = arith.constant 0 : i32
    %dma_start3A_298 = arith.constant 0 : i32
    %dma_start3A_299 = tpu.memref_slice %arg20[%dma_start3A_296, %dma_start3A_297, %dma_start3A_298] : memref<4x128x128xf32, #tpu.memory_space<vmem>> -> memref<1x128x128xf32, #tpu.memory_space<vmem>>
    %dma_start3A_300 = tpu.memref_squeeze %dma_start3A_299 : memref<1x128x128xf32, #tpu.memory_space<vmem>> -> memref<128x128xf32, #tpu.memory_space<vmem>>
    %dma_start3A_301 = arith.constant 128 : i32
    %dma_start3A_302 = tpu.memref_slice %arg18[%mul3A_2, %dma_start3A_301] : memref<4096x1024xf32, #tpu.memory_space<hbm>> -> memref<128x128xf32, #tpu.memory_space<hbm>>
    %dma_start3A_303 = arith.constant 128 : i32
    %dma_start3A_304 = tpu.memref_slice %arg18[%mul3A_2, %dma_start3A_303] : memref<4096x1024xf32, #tpu.memory_space<hbm>> -> memref<128x128xf32, #tpu.memory_space<hbm>>
    %dma_start3A_305 = arith.constant 0 : i32
    %dma_start3A_306 = arith.constant 0 : i32
    %dma_start3A_307 = tpu.memref_slice %arg20[%dma_start3A_296, %dma_start3A_305, %dma_start3A_306] : memref<4x128x128xf32, #tpu.memory_space<vmem>> -> memref<1x128x128xf32, #tpu.memory_space<vmem>>
    %dma_start3A_308 = tpu.memref_squeeze %dma_start3A_307 : memref<1x128x128xf32, #tpu.memory_space<vmem>> -> memref<128x128xf32, #tpu.memory_space<vmem>>
    tpu.enqueue_dma source(%dma_start3A_308 : memref<128x128xf32, #tpu.memory_space<vmem>>) target(%dma_start3A_304 : memref<128x128xf32, #tpu.memory_space<hbm>>) target_semaphore(%arg23 : memref<!tpu.dma_semaphore, #tpu.memory_space<semaphore_mem>>)
    %dma_wait3A_309 = arith.constant 1 : i32
    %dma_wait3A_310 = arith.constant 0 : i32
    %dma_wait3A_311 = arith.constant 0 : i32
    %dma_wait3A_312 = tpu.memref_slice %arg20[%dma_wait3A_309, %dma_wait3A_310, %dma_wait3A_311] : memref<4x128x128xf32, #tpu.memory_space<vmem>> -> memref<1x128x128xf32, #tpu.memory_space<vmem>>
    %dma_wait3A_313 = tpu.memref_squeeze %dma_wait3A_312 : memref<1x128x128xf32, #tpu.memory_space<vmem>> -> memref<128x128xf32, #tpu.memory_space<vmem>>
    %dma_wait3A_314 = arith.constant 128 : i32
    %dma_wait3A_315 = tpu.memref_slice %arg18[%mul3A_2, %dma_wait3A_314] : memref<4096x1024xf32, #tpu.memory_space<hbm>> -> memref<128x128xf32, #tpu.memory_space<hbm>>
    %dma_wait3A_316 = arith.constant 128 : i32
    %dma_wait3A_317 = tpu.memref_slice %arg18[%mul3A_2, %dma_wait3A_316] : memref<4096x1024xf32, #tpu.memory_space<hbm>> -> memref<128x128xf32, #tpu.memory_space<hbm>>
    %dma_wait3A_318 = arith.constant 0 : i32
    %dma_wait3A_319 = arith.constant 0 : i32
    %dma_wait3A_320 = tpu.memref_slice %arg20[%dma_wait3A_309, %dma_wait3A_318, %dma_wait3A_319] : memref<4x128x128xf32, #tpu.memory_space<vmem>> -> memref<1x128x128xf32, #tpu.memory_space<vmem>>
    %dma_wait3A_321 = tpu.memref_squeeze %dma_wait3A_320 : memref<1x128x128xf32, #tpu.memory_space<vmem>> -> memref<128x128xf32, #tpu.memory_space<vmem>>
    tpu.wait_dma2 semaphore(%arg23 : memref<!tpu.dma_semaphore, #tpu.memory_space<semaphore_mem>>) src(%dma_wait3A_321 : memref<128x128xf32, #tpu.memory_space<vmem>>) dst(%dma_wait3A_317 : memref<128x128xf32, #tpu.memory_space<hbm>>)
    %dma_start3A_322 = arith.constant 5 : i32
    %dma_start3A_323 = arith.constant 1 : i32
    %dma_start3A_324 = arith.constant 0 : i32
    %dma_start3A_325 = arith.constant 0 : i32
    %dma_start3A_326 = tpu.memref_slice %arg20[%dma_start3A_323, %dma_start3A_324, %dma_start3A_325] : memref<4x128x128xf32, #tpu.memory_space<vmem>> -> memref<1x128x128xf32, #tpu.memory_space<vmem>>
    %dma_start3A_327 = tpu.memref_squeeze %dma_start3A_326 : memref<1x128x128xf32, #tpu.memory_space<vmem>> -> memref<128x128xf32, #tpu.memory_space<vmem>>
    %dma_start3A_328 = arith.constant 0 : i32
    %dma_start3A_329 = arith.constant 0 : i32
    %dma_start3A_330 = tpu.memref_slice %dma_start3A_327[%dma_start3A_328, %dma_start3A_329] : memref<128x128xf32, #tpu.memory_space<vmem>> -> memref<128x128xf32, #tpu.memory_space<vmem>>
    %dma_start3A_331 = arith.constant 0 : i32
    %dma_start3A_332 = tpu.memref_slice %arg19[%dma_start3A_322, %dma_start3A_331] : memref<8x128xi32, #tpu.memory_space<vmem>> -> memref<1x128xi32, #tpu.memory_space<vmem>>
    %dma_start3A_333 = tpu.memref_squeeze %dma_start3A_332 : memref<1x128xi32, #tpu.memory_space<vmem>> -> memref<128xi32, #tpu.memory_space<vmem>>
    %dma_start3A_334 = arith.constant 0 : i32
    %dma_start3A_335 = arith.constant 0 : i32
    %dma_start3A_336 = tpu.memref_slice %arg15[%dma_start3A_334, %dma_start3A_335] : memref<100000x128xf32, #tpu.memory_space<hbm>> -> memref<100000x128xf32, #tpu.memory_space<hbm>>
    tpu.enqueue_indirect_dma source(%dma_start3A_336 : memref<100000x128xf32, #tpu.memory_space<hbm>>) target(%dma_start3A_330 : memref<128x128xf32, #tpu.memory_space<vmem>>) offsets(%dma_start3A_333 : memref<128xi32, #tpu.memory_space<vmem>>) semaphore(%arg22 : memref<!tpu.dma_semaphore, #tpu.memory_space<semaphore_mem>>)
    %dma_wait3A_337 = arith.constant 2 : i32
    %dma_wait3A_338 = arith.constant 2 : i32
    %dma_wait3A_339 = arith.constant 0 : i32
    %dma_wait3A_340 = arith.constant 0 : i32
    %dma_wait3A_341 = tpu.memref_slice %arg20[%dma_wait3A_338, %dma_wait3A_339, %dma_wait3A_340] : memref<4x128x128xf32, #tpu.memory_space<vmem>> -> memref<1x128x128xf32, #tpu.memory_space<vmem>>
    %dma_wait3A_342 = tpu.memref_squeeze %dma_wait3A_341 : memref<1x128x128xf32, #tpu.memory_space<vmem>> -> memref<128x128xf32, #tpu.memory_space<vmem>>
    %dma_wait3A_343 = arith.constant 0 : i32
    %dma_wait3A_344 = arith.constant 0 : i32
    %dma_wait3A_345 = tpu.memref_slice %dma_wait3A_342[%dma_wait3A_343, %dma_wait3A_344] : memref<128x128xf32, #tpu.memory_space<vmem>> -> memref<128x128xf32, #tpu.memory_space<vmem>>
    %dma_wait3A_346 = arith.constant 0 : i32
    %dma_wait3A_347 = tpu.memref_slice %arg19[%dma_wait3A_337, %dma_wait3A_346] : memref<8x128xi32, #tpu.memory_space<vmem>> -> memref<1x128xi32, #tpu.memory_space<vmem>>
    %dma_wait3A_348 = tpu.memref_squeeze %dma_wait3A_347 : memref<1x128xi32, #tpu.memory_space<vmem>> -> memref<128xi32, #tpu.memory_space<vmem>>
    %dma_wait3A_349 = arith.constant 0 : i32
    %dma_wait3A_350 = arith.constant 0 : i32
    %dma_wait3A_351 = tpu.memref_slice %arg12[%dma_wait3A_349, %dma_wait3A_350] : memref<100000x128xf32, #tpu.memory_space<hbm>> -> memref<100000x128xf32, #tpu.memory_space<hbm>>
    tpu.wait_indirect_dma semaphore(%arg22 : memref<!tpu.dma_semaphore, #tpu.memory_space<semaphore_mem>>) src(%dma_wait3A_351 : memref<100000x128xf32, #tpu.memory_space<hbm>>) dst(%dma_wait3A_345 : memref<128x128xf32, #tpu.memory_space<vmem>>)
    %dma_start3A_352 = arith.constant 2 : i32
    %dma_start3A_353 = arith.constant 0 : i32
    %dma_start3A_354 = arith.constant 0 : i32
    %dma_start3A_355 = tpu.memref_slice %arg20[%dma_start3A_352, %dma_start3A_353, %dma_start3A_354] : memref<4x128x128xf32, #tpu.memory_space<vmem>> -> memref<1x128x128xf32, #tpu.memory_space<vmem>>
    %dma_start3A_356 = tpu.memref_squeeze %dma_start3A_355 : memref<1x128x128xf32, #tpu.memory_space<vmem>> -> memref<128x128xf32, #tpu.memory_space<vmem>>
    %dma_start3A_357 = arith.constant 256 : i32
    %dma_start3A_358 = tpu.memref_slice %arg18[%mul3A_2, %dma_start3A_357] : memref<4096x1024xf32, #tpu.memory_space<hbm>> -> memref<128x128xf32, #tpu.memory_space<hbm>>
    %dma_start3A_359 = arith.constant 256 : i32
    %dma_start3A_360 = tpu.memref_slice %arg18[%mul3A_2, %dma_start3A_359] : memref<4096x1024xf32, #tpu.memory_space<hbm>> -> memref<128x128xf32, #tpu.memory_space<hbm>>
    %dma_start3A_361 = arith.constant 0 : i32
    %dma_start3A_362 = arith.constant 0 : i32
    %dma_start3A_363 = tpu.memref_slice %arg20[%dma_start3A_352, %dma_start3A_361, %dma_start3A_362] : memref<4x128x128xf32, #tpu.memory_space<vmem>> -> memref<1x128x128xf32, #tpu.memory_space<vmem>>
    %dma_start3A_364 = tpu.memref_squeeze %dma_start3A_363 : memref<1x128x128xf32, #tpu.memory_space<vmem>> -> memref<128x128xf32, #tpu.memory_space<vmem>>
    tpu.enqueue_dma source(%dma_start3A_364 : memref<128x128xf32, #tpu.memory_space<vmem>>) target(%dma_start3A_360 : memref<128x128xf32, #tpu.memory_space<hbm>>) target_semaphore(%arg23 : memref<!tpu.dma_semaphore, #tpu.memory_space<semaphore_mem>>)
    %dma_wait3A_365 = arith.constant 2 : i32
    %dma_wait3A_366 = arith.constant 0 : i32
    %dma_wait3A_367 = arith.constant 0 : i32
    %dma_wait3A_368 = tpu.memref_slice %arg20[%dma_wait3A_365, %dma_wait3A_366, %dma_wait3A_367] : memref<4x128x128xf32, #tpu.memory_space<vmem>> -> memref<1x128x128xf32, #tpu.memory_space<vmem>>
    %dma_wait3A_369 = tpu.memref_squeeze %dma_wait3A_368 : memref<1x128x128xf32, #tpu.memory_space<vmem>> -> memref<128x128xf32, #tpu.memory_space<vmem>>
    %dma_wait3A_370 = arith.constant 256 : i32
    %dma_wait3A_371 = tpu.memref_slice %arg18[%mul3A_2, %dma_wait3A_370] : memref<4096x1024xf32, #tpu.memory_space<hbm>> -> memref<128x128xf32, #tpu.memory_space<hbm>>
    %dma_wait3A_372 = arith.constant 256 : i32
    %dma_wait3A_373 = tpu.memref_slice %arg18[%mul3A_2, %dma_wait3A_372] : memref<4096x1024xf32, #tpu.memory_space<hbm>> -> memref<128x128xf32, #tpu.memory_space<hbm>>
    %dma_wait3A_374 = arith.constant 0 : i32
    %dma_wait3A_375 = arith.constant 0 : i32
    %dma_wait3A_376 = tpu.memref_slice %arg20[%dma_wait3A_365, %dma_wait3A_374, %dma_wait3A_375] : memref<4x128x128xf32, #tpu.memory_space<vmem>> -> memref<1x128x128xf32, #tpu.memory_space<vmem>>
    %dma_wait3A_377 = tpu.memref_squeeze %dma_wait3A_376 : memref<1x128x128xf32, #tpu.memory_space<vmem>> -> memref<128x128xf32, #tpu.memory_space<vmem>>
    tpu.wait_dma2 semaphore(%arg23 : memref<!tpu.dma_semaphore, #tpu.memory_space<semaphore_mem>>) src(%dma_wait3A_377 : memref<128x128xf32, #tpu.memory_space<vmem>>) dst(%dma_wait3A_373 : memref<128x128xf32, #tpu.memory_space<hbm>>)
    %dma_start3A_378 = arith.constant 6 : i32
    %dma_start3A_379 = arith.constant 2 : i32
    %dma_start3A_380 = arith.constant 0 : i32
    %dma_start3A_381 = arith.constant 0 : i32
    %dma_start3A_382 = tpu.memref_slice %arg20[%dma_start3A_379, %dma_start3A_380, %dma_start3A_381] : memref<4x128x128xf32, #tpu.memory_space<vmem>> -> memref<1x128x128xf32, #tpu.memory_space<vmem>>
    %dma_start3A_383 = tpu.memref_squeeze %dma_start3A_382 : memref<1x128x128xf32, #tpu.memory_space<vmem>> -> memref<128x128xf32, #tpu.memory_space<vmem>>
    %dma_start3A_384 = arith.constant 0 : i32
    %dma_start3A_385 = arith.constant 0 : i32
    %dma_start3A_386 = tpu.memref_slice %dma_start3A_383[%dma_start3A_384, %dma_start3A_385] : memref<128x128xf32, #tpu.memory_space<vmem>> -> memref<128x128xf32, #tpu.memory_space<vmem>>
    %dma_start3A_387 = arith.constant 0 : i32
    %dma_start3A_388 = tpu.memref_slice %arg19[%dma_start3A_378, %dma_start3A_387] : memref<8x128xi32, #tpu.memory_space<vmem>> -> memref<1x128xi32, #tpu.memory_space<vmem>>
    %dma_start3A_389 = tpu.memref_squeeze %dma_start3A_388 : memref<1x128xi32, #tpu.memory_space<vmem>> -> memref<128xi32, #tpu.memory_space<vmem>>
    %dma_start3A_390 = arith.constant 0 : i32
    %dma_start3A_391 = arith.constant 0 : i32
    %dma_start3A_392 = tpu.memref_slice %arg16[%dma_start3A_390, %dma_start3A_391] : memref<100000x128xf32, #tpu.memory_space<hbm>> -> memref<100000x128xf32, #tpu.memory_space<hbm>>
    tpu.enqueue_indirect_dma source(%dma_start3A_392 : memref<100000x128xf32, #tpu.memory_space<hbm>>) target(%dma_start3A_386 : memref<128x128xf32, #tpu.memory_space<vmem>>) offsets(%dma_start3A_389 : memref<128xi32, #tpu.memory_space<vmem>>) semaphore(%arg22 : memref<!tpu.dma_semaphore, #tpu.memory_space<semaphore_mem>>)
    %dma_wait3A_393 = arith.constant 3 : i32
    %dma_wait3A_394 = arith.constant 3 : i32
    %dma_wait3A_395 = arith.constant 0 : i32
    %dma_wait3A_396 = arith.constant 0 : i32
    %dma_wait3A_397 = tpu.memref_slice %arg20[%dma_wait3A_394, %dma_wait3A_395, %dma_wait3A_396] : memref<4x128x128xf32, #tpu.memory_space<vmem>> -> memref<1x128x128xf32, #tpu.memory_space<vmem>>
    %dma_wait3A_398 = tpu.memref_squeeze %dma_wait3A_397 : memref<1x128x128xf32, #tpu.memory_space<vmem>> -> memref<128x128xf32, #tpu.memory_space<vmem>>
    %dma_wait3A_399 = arith.constant 0 : i32
    %dma_wait3A_400 = arith.constant 0 : i32
    %dma_wait3A_401 = tpu.memref_slice %dma_wait3A_398[%dma_wait3A_399, %dma_wait3A_400] : memref<128x128xf32, #tpu.memory_space<vmem>> -> memref<128x128xf32, #tpu.memory_space<vmem>>
    %dma_wait3A_402 = arith.constant 0 : i32
    %dma_wait3A_403 = tpu.memref_slice %arg19[%dma_wait3A_393, %dma_wait3A_402] : memref<8x128xi32, #tpu.memory_space<vmem>> -> memref<1x128xi32, #tpu.memory_space<vmem>>
    %dma_wait3A_404 = tpu.memref_squeeze %dma_wait3A_403 : memref<1x128xi32, #tpu.memory_space<vmem>> -> memref<128xi32, #tpu.memory_space<vmem>>
    %dma_wait3A_405 = arith.constant 0 : i32
    %dma_wait3A_406 = arith.constant 0 : i32
    %dma_wait3A_407 = tpu.memref_slice %arg13[%dma_wait3A_405, %dma_wait3A_406] : memref<100000x128xf32, #tpu.memory_space<hbm>> -> memref<100000x128xf32, #tpu.memory_space<hbm>>
    tpu.wait_indirect_dma semaphore(%arg22 : memref<!tpu.dma_semaphore, #tpu.memory_space<semaphore_mem>>) src(%dma_wait3A_407 : memref<100000x128xf32, #tpu.memory_space<hbm>>) dst(%dma_wait3A_401 : memref<128x128xf32, #tpu.memory_space<vmem>>)
    %dma_start3A_408 = arith.constant 3 : i32
    %dma_start3A_409 = arith.constant 0 : i32
    %dma_start3A_410 = arith.constant 0 : i32
    %dma_start3A_411 = tpu.memref_slice %arg20[%dma_start3A_408, %dma_start3A_409, %dma_start3A_410] : memref<4x128x128xf32, #tpu.memory_space<vmem>> -> memref<1x128x128xf32, #tpu.memory_space<vmem>>
    %dma_start3A_412 = tpu.memref_squeeze %dma_start3A_411 : memref<1x128x128xf32, #tpu.memory_space<vmem>> -> memref<128x128xf32, #tpu.memory_space<vmem>>
    %dma_start3A_413 = arith.constant 384 : i32
    %dma_start3A_414 = tpu.memref_slice %arg18[%mul3A_2, %dma_start3A_413] : memref<4096x1024xf32, #tpu.memory_space<hbm>> -> memref<128x128xf32, #tpu.memory_space<hbm>>
    %dma_start3A_415 = arith.constant 384 : i32
    %dma_start3A_416 = tpu.memref_slice %arg18[%mul3A_2, %dma_start3A_415] : memref<4096x1024xf32, #tpu.memory_space<hbm>> -> memref<128x128xf32, #tpu.memory_space<hbm>>
    %dma_start3A_417 = arith.constant 0 : i32
    %dma_start3A_418 = arith.constant 0 : i32
    %dma_start3A_419 = tpu.memref_slice %arg20[%dma_start3A_408, %dma_start3A_417, %dma_start3A_418] : memref<4x128x128xf32, #tpu.memory_space<vmem>> -> memref<1x128x128xf32, #tpu.memory_space<vmem>>
    %dma_start3A_420 = tpu.memref_squeeze %dma_start3A_419 : memref<1x128x128xf32, #tpu.memory_space<vmem>> -> memref<128x128xf32, #tpu.memory_space<vmem>>
    tpu.enqueue_dma source(%dma_start3A_420 : memref<128x128xf32, #tpu.memory_space<vmem>>) target(%dma_start3A_416 : memref<128x128xf32, #tpu.memory_space<hbm>>) target_semaphore(%arg23 : memref<!tpu.dma_semaphore, #tpu.memory_space<semaphore_mem>>)
    %dma_wait3A_421 = arith.constant 3 : i32
    %dma_wait3A_422 = arith.constant 0 : i32
    %dma_wait3A_423 = arith.constant 0 : i32
    %dma_wait3A_424 = tpu.memref_slice %arg20[%dma_wait3A_421, %dma_wait3A_422, %dma_wait3A_423] : memref<4x128x128xf32, #tpu.memory_space<vmem>> -> memref<1x128x128xf32, #tpu.memory_space<vmem>>
    %dma_wait3A_425 = tpu.memref_squeeze %dma_wait3A_424 : memref<1x128x128xf32, #tpu.memory_space<vmem>> -> memref<128x128xf32, #tpu.memory_space<vmem>>
    %dma_wait3A_426 = arith.constant 384 : i32
    %dma_wait3A_427 = tpu.memref_slice %arg18[%mul3A_2, %dma_wait3A_426] : memref<4096x1024xf32, #tpu.memory_space<hbm>> -> memref<128x128xf32, #tpu.memory_space<hbm>>
    %dma_wait3A_428 = arith.constant 384 : i32
    %dma_wait3A_429 = tpu.memref_slice %arg18[%mul3A_2, %dma_wait3A_428] : memref<4096x1024xf32, #tpu.memory_space<hbm>> -> memref<128x128xf32, #tpu.memory_space<hbm>>
    %dma_wait3A_430 = arith.constant 0 : i32
    %dma_wait3A_431 = arith.constant 0 : i32
    %dma_wait3A_432 = tpu.memref_slice %arg20[%dma_wait3A_421, %dma_wait3A_430, %dma_wait3A_431] : memref<4x128x128xf32, #tpu.memory_space<vmem>> -> memref<1x128x128xf32, #tpu.memory_space<vmem>>
    %dma_wait3A_433 = tpu.memref_squeeze %dma_wait3A_432 : memref<1x128x128xf32, #tpu.memory_space<vmem>> -> memref<128x128xf32, #tpu.memory_space<vmem>>
    tpu.wait_dma2 semaphore(%arg23 : memref<!tpu.dma_semaphore, #tpu.memory_space<semaphore_mem>>) src(%dma_wait3A_433 : memref<128x128xf32, #tpu.memory_space<vmem>>) dst(%dma_wait3A_429 : memref<128x128xf32, #tpu.memory_space<hbm>>)
    %dma_start3A_434 = arith.constant 7 : i32
    %dma_start3A_435 = arith.constant 3 : i32
    %dma_start3A_436 = arith.constant 0 : i32
    %dma_start3A_437 = arith.constant 0 : i32
    %dma_start3A_438 = tpu.memref_slice %arg20[%dma_start3A_435, %dma_start3A_436, %dma_start3A_437] : memref<4x128x128xf32, #tpu.memory_space<vmem>> -> memref<1x128x128xf32, #tpu.memory_space<vmem>>
    %dma_start3A_439 = tpu.memref_squeeze %dma_start3A_438 : memref<1x128x128xf32, #tpu.memory_space<vmem>> -> memref<128x128xf32, #tpu.memory_space<vmem>>
    %dma_start3A_440 = arith.constant 0 : i32
    %dma_start3A_441 = arith.constant 0 : i32
    %dma_start3A_442 = tpu.memref_slice %dma_start3A_439[%dma_start3A_440, %dma_start3A_441] : memref<128x128xf32, #tpu.memory_space<vmem>> -> memref<128x128xf32, #tpu.memory_space<vmem>>
    %dma_start3A_443 = arith.constant 0 : i32
    %dma_start3A_444 = tpu.memref_slice %arg19[%dma_start3A_434, %dma_start3A_443] : memref<8x128xi32, #tpu.memory_space<vmem>> -> memref<1x128xi32, #tpu.memory_space<vmem>>
    %dma_start3A_445 = tpu.memref_squeeze %dma_start3A_444 : memref<1x128xi32, #tpu.memory_space<vmem>> -> memref<128xi32, #tpu.memory_space<vmem>>
    %dma_start3A_446 = arith.constant 0 : i32
    %dma_start3A_447 = arith.constant 0 : i32
    %dma_start3A_448 = tpu.memref_slice %arg17[%dma_start3A_446, %dma_start3A_447] : memref<100000x128xf32, #tpu.memory_space<hbm>> -> memref<100000x128xf32, #tpu.memory_space<hbm>>
    tpu.enqueue_indirect_dma source(%dma_start3A_448 : memref<100000x128xf32, #tpu.memory_space<hbm>>) target(%dma_start3A_442 : memref<128x128xf32, #tpu.memory_space<vmem>>) offsets(%dma_start3A_445 : memref<128xi32, #tpu.memory_space<vmem>>) semaphore(%arg22 : memref<!tpu.dma_semaphore, #tpu.memory_space<semaphore_mem>>)
    %dma_wait3A_449 = arith.constant 4 : i32
    %dma_wait3A_450 = arith.constant 0 : i32
    %dma_wait3A_451 = arith.constant 0 : i32
    %dma_wait3A_452 = arith.constant 0 : i32
    %dma_wait3A_453 = tpu.memref_slice %arg20[%dma_wait3A_450, %dma_wait3A_451, %dma_wait3A_452] : memref<4x128x128xf32, #tpu.memory_space<vmem>> -> memref<1x128x128xf32, #tpu.memory_space<vmem>>
    %dma_wait3A_454 = tpu.memref_squeeze %dma_wait3A_453 : memref<1x128x128xf32, #tpu.memory_space<vmem>> -> memref<128x128xf32, #tpu.memory_space<vmem>>
    %dma_wait3A_455 = arith.constant 0 : i32
    %dma_wait3A_456 = arith.constant 0 : i32
    %dma_wait3A_457 = tpu.memref_slice %dma_wait3A_454[%dma_wait3A_455, %dma_wait3A_456] : memref<128x128xf32, #tpu.memory_space<vmem>> -> memref<128x128xf32, #tpu.memory_space<vmem>>
    %dma_wait3A_458 = arith.constant 0 : i32
    %dma_wait3A_459 = tpu.memref_slice %arg19[%dma_wait3A_449, %dma_wait3A_458] : memref<8x128xi32, #tpu.memory_space<vmem>> -> memref<1x128xi32, #tpu.memory_space<vmem>>
    %dma_wait3A_460 = tpu.memref_squeeze %dma_wait3A_459 : memref<1x128xi32, #tpu.memory_space<vmem>> -> memref<128xi32, #tpu.memory_space<vmem>>
    %dma_wait3A_461 = arith.constant 0 : i32
    %dma_wait3A_462 = arith.constant 0 : i32
    %dma_wait3A_463 = tpu.memref_slice %arg14[%dma_wait3A_461, %dma_wait3A_462] : memref<100000x128xf32, #tpu.memory_space<hbm>> -> memref<100000x128xf32, #tpu.memory_space<hbm>>
    tpu.wait_indirect_dma semaphore(%arg22 : memref<!tpu.dma_semaphore, #tpu.memory_space<semaphore_mem>>) src(%dma_wait3A_463 : memref<100000x128xf32, #tpu.memory_space<hbm>>) dst(%dma_wait3A_457 : memref<128x128xf32, #tpu.memory_space<vmem>>)
    %dma_start3A_464 = arith.constant 0 : i32
    %dma_start3A_465 = arith.constant 0 : i32
    %dma_start3A_466 = arith.constant 0 : i32
    %dma_start3A_467 = tpu.memref_slice %arg20[%dma_start3A_464, %dma_start3A_465, %dma_start3A_466] : memref<4x128x128xf32, #tpu.memory_space<vmem>> -> memref<1x128x128xf32, #tpu.memory_space<vmem>>
    %dma_start3A_468 = tpu.memref_squeeze %dma_start3A_467 : memref<1x128x128xf32, #tpu.memory_space<vmem>> -> memref<128x128xf32, #tpu.memory_space<vmem>>
    %dma_start3A_469 = arith.constant 512 : i32
    %dma_start3A_470 = tpu.memref_slice %arg18[%mul3A_2, %dma_start3A_469] : memref<4096x1024xf32, #tpu.memory_space<hbm>> -> memref<128x128xf32, #tpu.memory_space<hbm>>
    %dma_start3A_471 = arith.constant 512 : i32
    %dma_start3A_472 = tpu.memref_slice %arg18[%mul3A_2, %dma_start3A_471] : memref<4096x1024xf32, #tpu.memory_space<hbm>> -> memref<128x128xf32, #tpu.memory_space<hbm>>
    %dma_start3A_473 = arith.constant 0 : i32
    %dma_start3A_474 = arith.constant 0 : i32
    %dma_start3A_475 = tpu.memref_slice %arg20[%dma_start3A_464, %dma_start3A_473, %dma_start3A_474] : memref<4x128x128xf32, #tpu.memory_space<vmem>> -> memref<1x128x128xf32, #tpu.memory_space<vmem>>
    %dma_start3A_476 = tpu.memref_squeeze %dma_start3A_475 : memref<1x128x128xf32, #tpu.memory_space<vmem>> -> memref<128x128xf32, #tpu.memory_space<vmem>>
    tpu.enqueue_dma source(%dma_start3A_476 : memref<128x128xf32, #tpu.memory_space<vmem>>) target(%dma_start3A_472 : memref<128x128xf32, #tpu.memory_space<hbm>>) target_semaphore(%arg23 : memref<!tpu.dma_semaphore, #tpu.memory_space<semaphore_mem>>)
    %dma_wait3A_477 = arith.constant 5 : i32
    %dma_wait3A_478 = arith.constant 1 : i32
    %dma_wait3A_479 = arith.constant 0 : i32
    %dma_wait3A_480 = arith.constant 0 : i32
    %dma_wait3A_481 = tpu.memref_slice %arg20[%dma_wait3A_478, %dma_wait3A_479, %dma_wait3A_480] : memref<4x128x128xf32, #tpu.memory_space<vmem>> -> memref<1x128x128xf32, #tpu.memory_space<vmem>>
    %dma_wait3A_482 = tpu.memref_squeeze %dma_wait3A_481 : memref<1x128x128xf32, #tpu.memory_space<vmem>> -> memref<128x128xf32, #tpu.memory_space<vmem>>
    %dma_wait3A_483 = arith.constant 0 : i32
    %dma_wait3A_484 = arith.constant 0 : i32
    %dma_wait3A_485 = tpu.memref_slice %dma_wait3A_482[%dma_wait3A_483, %dma_wait3A_484] : memref<128x128xf32, #tpu.memory_space<vmem>> -> memref<128x128xf32, #tpu.memory_space<vmem>>
    %dma_wait3A_486 = arith.constant 0 : i32
    %dma_wait3A_487 = tpu.memref_slice %arg19[%dma_wait3A_477, %dma_wait3A_486] : memref<8x128xi32, #tpu.memory_space<vmem>> -> memref<1x128xi32, #tpu.memory_space<vmem>>
    %dma_wait3A_488 = tpu.memref_squeeze %dma_wait3A_487 : memref<1x128xi32, #tpu.memory_space<vmem>> -> memref<128xi32, #tpu.memory_space<vmem>>
    %dma_wait3A_489 = arith.constant 0 : i32
    %dma_wait3A_490 = arith.constant 0 : i32
    %dma_wait3A_491 = tpu.memref_slice %arg15[%dma_wait3A_489, %dma_wait3A_490] : memref<100000x128xf32, #tpu.memory_space<hbm>> -> memref<100000x128xf32, #tpu.memory_space<hbm>>
    tpu.wait_indirect_dma semaphore(%arg22 : memref<!tpu.dma_semaphore, #tpu.memory_space<semaphore_mem>>) src(%dma_wait3A_491 : memref<100000x128xf32, #tpu.memory_space<hbm>>) dst(%dma_wait3A_485 : memref<128x128xf32, #tpu.memory_space<vmem>>)
    %dma_start3A_492 = arith.constant 1 : i32
    %dma_start3A_493 = arith.constant 0 : i32
    %dma_start3A_494 = arith.constant 0 : i32
    %dma_start3A_495 = tpu.memref_slice %arg20[%dma_start3A_492, %dma_start3A_493, %dma_start3A_494] : memref<4x128x128xf32, #tpu.memory_space<vmem>> -> memref<1x128x128xf32, #tpu.memory_space<vmem>>
    %dma_start3A_496 = tpu.memref_squeeze %dma_start3A_495 : memref<1x128x128xf32, #tpu.memory_space<vmem>> -> memref<128x128xf32, #tpu.memory_space<vmem>>
    %dma_start3A_497 = arith.constant 640 : i32
    %dma_start3A_498 = tpu.memref_slice %arg18[%mul3A_2, %dma_start3A_497] : memref<4096x1024xf32, #tpu.memory_space<hbm>> -> memref<128x128xf32, #tpu.memory_space<hbm>>
    %dma_start3A_499 = arith.constant 640 : i32
    %dma_start3A_500 = tpu.memref_slice %arg18[%mul3A_2, %dma_start3A_499] : memref<4096x1024xf32, #tpu.memory_space<hbm>> -> memref<128x128xf32, #tpu.memory_space<hbm>>
    %dma_start3A_501 = arith.constant 0 : i32
    %dma_start3A_502 = arith.constant 0 : i32
    %dma_start3A_503 = tpu.memref_slice %arg20[%dma_start3A_492, %dma_start3A_501, %dma_start3A_502] : memref<4x128x128xf32, #tpu.memory_space<vmem>> -> memref<1x128x128xf32, #tpu.memory_space<vmem>>
    %dma_start3A_504 = tpu.memref_squeeze %dma_start3A_503 : memref<1x128x128xf32, #tpu.memory_space<vmem>> -> memref<128x128xf32, #tpu.memory_space<vmem>>
    tpu.enqueue_dma source(%dma_start3A_504 : memref<128x128xf32, #tpu.memory_space<vmem>>) target(%dma_start3A_500 : memref<128x128xf32, #tpu.memory_space<hbm>>) target_semaphore(%arg23 : memref<!tpu.dma_semaphore, #tpu.memory_space<semaphore_mem>>)
    %dma_wait3A_505 = arith.constant 6 : i32
    %dma_wait3A_506 = arith.constant 2 : i32
    %dma_wait3A_507 = arith.constant 0 : i32
    %dma_wait3A_508 = arith.constant 0 : i32
    %dma_wait3A_509 = tpu.memref_slice %arg20[%dma_wait3A_506, %dma_wait3A_507, %dma_wait3A_508] : memref<4x128x128xf32, #tpu.memory_space<vmem>> -> memref<1x128x128xf32, #tpu.memory_space<vmem>>
    %dma_wait3A_510 = tpu.memref_squeeze %dma_wait3A_509 : memref<1x128x128xf32, #tpu.memory_space<vmem>> -> memref<128x128xf32, #tpu.memory_space<vmem>>
    %dma_wait3A_511 = arith.constant 0 : i32
    %dma_wait3A_512 = arith.constant 0 : i32
    %dma_wait3A_513 = tpu.memref_slice %dma_wait3A_510[%dma_wait3A_511, %dma_wait3A_512] : memref<128x128xf32, #tpu.memory_space<vmem>> -> memref<128x128xf32, #tpu.memory_space<vmem>>
    %dma_wait3A_514 = arith.constant 0 : i32
    %dma_wait3A_515 = tpu.memref_slice %arg19[%dma_wait3A_505, %dma_wait3A_514] : memref<8x128xi32, #tpu.memory_space<vmem>> -> memref<1x128xi32, #tpu.memory_space<vmem>>
    %dma_wait3A_516 = tpu.memref_squeeze %dma_wait3A_515 : memref<1x128xi32, #tpu.memory_space<vmem>> -> memref<128xi32, #tpu.memory_space<vmem>>
    %dma_wait3A_517 = arith.constant 0 : i32
    %dma_wait3A_518 = arith.constant 0 : i32
    %dma_wait3A_519 = tpu.memref_slice %arg16[%dma_wait3A_517, %dma_wait3A_518] : memref<100000x128xf32, #tpu.memory_space<hbm>> -> memref<100000x128xf32, #tpu.memory_space<hbm>>
    tpu.wait_indirect_dma semaphore(%arg22 : memref<!tpu.dma_semaphore, #tpu.memory_space<semaphore_mem>>) src(%dma_wait3A_519 : memref<100000x128xf32, #tpu.memory_space<hbm>>) dst(%dma_wait3A_513 : memref<128x128xf32, #tpu.memory_space<vmem>>)
    %dma_start3A_520 = arith.constant 2 : i32
    %dma_start3A_521 = arith.constant 0 : i32
    %dma_start3A_522 = arith.constant 0 : i32
    %dma_start3A_523 = tpu.memref_slice %arg20[%dma_start3A_520, %dma_start3A_521, %dma_start3A_522] : memref<4x128x128xf32, #tpu.memory_space<vmem>> -> memref<1x128x128xf32, #tpu.memory_space<vmem>>
    %dma_start3A_524 = tpu.memref_squeeze %dma_start3A_523 : memref<1x128x128xf32, #tpu.memory_space<vmem>> -> memref<128x128xf32, #tpu.memory_space<vmem>>
    %dma_start3A_525 = arith.constant 768 : i32
    %dma_start3A_526 = tpu.memref_slice %arg18[%mul3A_2, %dma_start3A_525] : memref<4096x1024xf32, #tpu.memory_space<hbm>> -> memref<128x128xf32, #tpu.memory_space<hbm>>
    %dma_start3A_527 = arith.constant 768 : i32
    %dma_start3A_528 = tpu.memref_slice %arg18[%mul3A_2, %dma_start3A_527] : memref<4096x1024xf32, #tpu.memory_space<hbm>> -> memref<128x128xf32, #tpu.memory_space<hbm>>
    %dma_start3A_529 = arith.constant 0 : i32
    %dma_start3A_530 = arith.constant 0 : i32
    %dma_start3A_531 = tpu.memref_slice %arg20[%dma_start3A_520, %dma_start3A_529, %dma_start3A_530] : memref<4x128x128xf32, #tpu.memory_space<vmem>> -> memref<1x128x128xf32, #tpu.memory_space<vmem>>
    %dma_start3A_532 = tpu.memref_squeeze %dma_start3A_531 : memref<1x128x128xf32, #tpu.memory_space<vmem>> -> memref<128x128xf32, #tpu.memory_space<vmem>>
    tpu.enqueue_dma source(%dma_start3A_532 : memref<128x128xf32, #tpu.memory_space<vmem>>) target(%dma_start3A_528 : memref<128x128xf32, #tpu.memory_space<hbm>>) target_semaphore(%arg23 : memref<!tpu.dma_semaphore, #tpu.memory_space<semaphore_mem>>)
    %dma_wait3A_533 = arith.constant 7 : i32
    %dma_wait3A_534 = arith.constant 3 : i32
    %dma_wait3A_535 = arith.constant 0 : i32
    %dma_wait3A_536 = arith.constant 0 : i32
    %dma_wait3A_537 = tpu.memref_slice %arg20[%dma_wait3A_534, %dma_wait3A_535, %dma_wait3A_536] : memref<4x128x128xf32, #tpu.memory_space<vmem>> -> memref<1x128x128xf32, #tpu.memory_space<vmem>>
    %dma_wait3A_538 = tpu.memref_squeeze %dma_wait3A_537 : memref<1x128x128xf32, #tpu.memory_space<vmem>> -> memref<128x128xf32, #tpu.memory_space<vmem>>
    %dma_wait3A_539 = arith.constant 0 : i32
    %dma_wait3A_540 = arith.constant 0 : i32
    %dma_wait3A_541 = tpu.memref_slice %dma_wait3A_538[%dma_wait3A_539, %dma_wait3A_540] : memref<128x128xf32, #tpu.memory_space<vmem>> -> memref<128x128xf32, #tpu.memory_space<vmem>>
    %dma_wait3A_542 = arith.constant 0 : i32
    %dma_wait3A_543 = tpu.memref_slice %arg19[%dma_wait3A_533, %dma_wait3A_542] : memref<8x128xi32, #tpu.memory_space<vmem>> -> memref<1x128xi32, #tpu.memory_space<vmem>>
    %dma_wait3A_544 = tpu.memref_squeeze %dma_wait3A_543 : memref<1x128xi32, #tpu.memory_space<vmem>> -> memref<128xi32, #tpu.memory_space<vmem>>
    %dma_wait3A_545 = arith.constant 0 : i32
    %dma_wait3A_546 = arith.constant 0 : i32
    %dma_wait3A_547 = tpu.memref_slice %arg17[%dma_wait3A_545, %dma_wait3A_546] : memref<100000x128xf32, #tpu.memory_space<hbm>> -> memref<100000x128xf32, #tpu.memory_space<hbm>>
    tpu.wait_indirect_dma semaphore(%arg22 : memref<!tpu.dma_semaphore, #tpu.memory_space<semaphore_mem>>) src(%dma_wait3A_547 : memref<100000x128xf32, #tpu.memory_space<hbm>>) dst(%dma_wait3A_541 : memref<128x128xf32, #tpu.memory_space<vmem>>)
    %dma_start3A_548 = arith.constant 3 : i32
    %dma_start3A_549 = arith.constant 0 : i32
    %dma_start3A_550 = arith.constant 0 : i32
    %dma_start3A_551 = tpu.memref_slice %arg20[%dma_start3A_548, %dma_start3A_549, %dma_start3A_550] : memref<4x128x128xf32, #tpu.memory_space<vmem>> -> memref<1x128x128xf32, #tpu.memory_space<vmem>>
    %dma_start3A_552 = tpu.memref_squeeze %dma_start3A_551 : memref<1x128x128xf32, #tpu.memory_space<vmem>> -> memref<128x128xf32, #tpu.memory_space<vmem>>
    %dma_start3A_553 = arith.constant 896 : i32
    %dma_start3A_554 = tpu.memref_slice %arg18[%mul3A_2, %dma_start3A_553] : memref<4096x1024xf32, #tpu.memory_space<hbm>> -> memref<128x128xf32, #tpu.memory_space<hbm>>
    %dma_start3A_555 = arith.constant 896 : i32
    %dma_start3A_556 = tpu.memref_slice %arg18[%mul3A_2, %dma_start3A_555] : memref<4096x1024xf32, #tpu.memory_space<hbm>> -> memref<128x128xf32, #tpu.memory_space<hbm>>
    %dma_start3A_557 = arith.constant 0 : i32
    %dma_start3A_558 = arith.constant 0 : i32
    %dma_start3A_559 = tpu.memref_slice %arg20[%dma_start3A_548, %dma_start3A_557, %dma_start3A_558] : memref<4x128x128xf32, #tpu.memory_space<vmem>> -> memref<1x128x128xf32, #tpu.memory_space<vmem>>
    %dma_start3A_560 = tpu.memref_squeeze %dma_start3A_559 : memref<1x128x128xf32, #tpu.memory_space<vmem>> -> memref<128x128xf32, #tpu.memory_space<vmem>>
    tpu.enqueue_dma source(%dma_start3A_560 : memref<128x128xf32, #tpu.memory_space<vmem>>) target(%dma_start3A_556 : memref<128x128xf32, #tpu.memory_space<hbm>>) target_semaphore(%arg23 : memref<!tpu.dma_semaphore, #tpu.memory_space<semaphore_mem>>)
    %dma_wait3A_561 = arith.constant 0 : i32
    %dma_wait3A_562 = arith.constant 0 : i32
    %dma_wait3A_563 = arith.constant 0 : i32
    %dma_wait3A_564 = tpu.memref_slice %arg20[%dma_wait3A_561, %dma_wait3A_562, %dma_wait3A_563] : memref<4x128x128xf32, #tpu.memory_space<vmem>> -> memref<1x128x128xf32, #tpu.memory_space<vmem>>
    %dma_wait3A_565 = tpu.memref_squeeze %dma_wait3A_564 : memref<1x128x128xf32, #tpu.memory_space<vmem>> -> memref<128x128xf32, #tpu.memory_space<vmem>>
    %dma_wait3A_566 = arith.constant 512 : i32
    %dma_wait3A_567 = tpu.memref_slice %arg18[%mul3A_2, %dma_wait3A_566] : memref<4096x1024xf32, #tpu.memory_space<hbm>> -> memref<128x128xf32, #tpu.memory_space<hbm>>
    %dma_wait3A_568 = arith.constant 512 : i32
    %dma_wait3A_569 = tpu.memref_slice %arg18[%mul3A_2, %dma_wait3A_568] : memref<4096x1024xf32, #tpu.memory_space<hbm>> -> memref<128x128xf32, #tpu.memory_space<hbm>>
    %dma_wait3A_570 = arith.constant 0 : i32
    %dma_wait3A_571 = arith.constant 0 : i32
    %dma_wait3A_572 = tpu.memref_slice %arg20[%dma_wait3A_561, %dma_wait3A_570, %dma_wait3A_571] : memref<4x128x128xf32, #tpu.memory_space<vmem>> -> memref<1x128x128xf32, #tpu.memory_space<vmem>>
    %dma_wait3A_573 = tpu.memref_squeeze %dma_wait3A_572 : memref<1x128x128xf32, #tpu.memory_space<vmem>> -> memref<128x128xf32, #tpu.memory_space<vmem>>
    tpu.wait_dma2 semaphore(%arg23 : memref<!tpu.dma_semaphore, #tpu.memory_space<semaphore_mem>>) src(%dma_wait3A_573 : memref<128x128xf32, #tpu.memory_space<vmem>>) dst(%dma_wait3A_569 : memref<128x128xf32, #tpu.memory_space<hbm>>)
    %dma_wait3A_574 = arith.constant 1 : i32
    %dma_wait3A_575 = arith.constant 0 : i32
    %dma_wait3A_576 = arith.constant 0 : i32
    %dma_wait3A_577 = tpu.memref_slice %arg20[%dma_wait3A_574, %dma_wait3A_575, %dma_wait3A_576] : memref<4x128x128xf32, #tpu.memory_space<vmem>> -> memref<1x128x128xf32, #tpu.memory_space<vmem>>
    %dma_wait3A_578 = tpu.memref_squeeze %dma_wait3A_577 : memref<1x128x128xf32, #tpu.memory_space<vmem>> -> memref<128x128xf32, #tpu.memory_space<vmem>>
    %dma_wait3A_579 = arith.constant 640 : i32
    %dma_wait3A_580 = tpu.memref_slice %arg18[%mul3A_2, %dma_wait3A_579] : memref<4096x1024xf32, #tpu.memory_space<hbm>> -> memref<128x128xf32, #tpu.memory_space<hbm>>
    %dma_wait3A_581 = arith.constant 640 : i32
    %dma_wait3A_582 = tpu.memref_slice %arg18[%mul3A_2, %dma_wait3A_581] : memref<4096x1024xf32, #tpu.memory_space<hbm>> -> memref<128x128xf32, #tpu.memory_space<hbm>>
    %dma_wait3A_583 = arith.constant 0 : i32
    %dma_wait3A_584 = arith.constant 0 : i32
    %dma_wait3A_585 = tpu.memref_slice %arg20[%dma_wait3A_574, %dma_wait3A_583, %dma_wait3A_584] : memref<4x128x128xf32, #tpu.memory_space<vmem>> -> memref<1x128x128xf32, #tpu.memory_space<vmem>>
    %dma_wait3A_586 = tpu.memref_squeeze %dma_wait3A_585 : memref<1x128x128xf32, #tpu.memory_space<vmem>> -> memref<128x128xf32, #tpu.memory_space<vmem>>
    tpu.wait_dma2 semaphore(%arg23 : memref<!tpu.dma_semaphore, #tpu.memory_space<semaphore_mem>>) src(%dma_wait3A_586 : memref<128x128xf32, #tpu.memory_space<vmem>>) dst(%dma_wait3A_582 : memref<128x128xf32, #tpu.memory_space<hbm>>)
    %dma_wait3A_587 = arith.constant 2 : i32
    %dma_wait3A_588 = arith.constant 0 : i32
    %dma_wait3A_589 = arith.constant 0 : i32
    %dma_wait3A_590 = tpu.memref_slice %arg20[%dma_wait3A_587, %dma_wait3A_588, %dma_wait3A_589] : memref<4x128x128xf32, #tpu.memory_space<vmem>> -> memref<1x128x128xf32, #tpu.memory_space<vmem>>
    %dma_wait3A_591 = tpu.memref_squeeze %dma_wait3A_590 : memref<1x128x128xf32, #tpu.memory_space<vmem>> -> memref<128x128xf32, #tpu.memory_space<vmem>>
    %dma_wait3A_592 = arith.constant 768 : i32
    %dma_wait3A_593 = tpu.memref_slice %arg18[%mul3A_2, %dma_wait3A_592] : memref<4096x1024xf32, #tpu.memory_space<hbm>> -> memref<128x128xf32, #tpu.memory_space<hbm>>
    %dma_wait3A_594 = arith.constant 768 : i32
    %dma_wait3A_595 = tpu.memref_slice %arg18[%mul3A_2, %dma_wait3A_594] : memref<4096x1024xf32, #tpu.memory_space<hbm>> -> memref<128x128xf32, #tpu.memory_space<hbm>>
    %dma_wait3A_596 = arith.constant 0 : i32
    %dma_wait3A_597 = arith.constant 0 : i32
    %dma_wait3A_598 = tpu.memref_slice %arg20[%dma_wait3A_587, %dma_wait3A_596, %dma_wait3A_597] : memref<4x128x128xf32, #tpu.memory_space<vmem>> -> memref<1x128x128xf32, #tpu.memory_space<vmem>>
    %dma_wait3A_599 = tpu.memref_squeeze %dma_wait3A_598 : memref<1x128x128xf32, #tpu.memory_space<vmem>> -> memref<128x128xf32, #tpu.memory_space<vmem>>
    tpu.wait_dma2 semaphore(%arg23 : memref<!tpu.dma_semaphore, #tpu.memory_space<semaphore_mem>>) src(%dma_wait3A_599 : memref<128x128xf32, #tpu.memory_space<vmem>>) dst(%dma_wait3A_595 : memref<128x128xf32, #tpu.memory_space<hbm>>)
    %dma_wait3A_600 = arith.constant 3 : i32
    %dma_wait3A_601 = arith.constant 0 : i32
    %dma_wait3A_602 = arith.constant 0 : i32
    %dma_wait3A_603 = tpu.memref_slice %arg20[%dma_wait3A_600, %dma_wait3A_601, %dma_wait3A_602] : memref<4x128x128xf32, #tpu.memory_space<vmem>> -> memref<1x128x128xf32, #tpu.memory_space<vmem>>
    %dma_wait3A_604 = tpu.memref_squeeze %dma_wait3A_603 : memref<1x128x128xf32, #tpu.memory_space<vmem>> -> memref<128x128xf32, #tpu.memory_space<vmem>>
    %dma_wait3A_605 = arith.constant 896 : i32
    %dma_wait3A_606 = tpu.memref_slice %arg18[%mul3A_2, %dma_wait3A_605] : memref<4096x1024xf32, #tpu.memory_space<hbm>> -> memref<128x128xf32, #tpu.memory_space<hbm>>
    %dma_wait3A_607 = arith.constant 896 : i32
    %dma_wait3A_608 = tpu.memref_slice %arg18[%mul3A_2, %dma_wait3A_607] : memref<4096x1024xf32, #tpu.memory_space<hbm>> -> memref<128x128xf32, #tpu.memory_space<hbm>>
    %dma_wait3A_609 = arith.constant 0 : i32
    %dma_wait3A_610 = arith.constant 0 : i32
    %dma_wait3A_611 = tpu.memref_slice %arg20[%dma_wait3A_600, %dma_wait3A_609, %dma_wait3A_610] : memref<4x128x128xf32, #tpu.memory_space<vmem>> -> memref<1x128x128xf32, #tpu.memory_space<vmem>>
    %dma_wait3A_612 = tpu.memref_squeeze %dma_wait3A_611 : memref<1x128x128xf32, #tpu.memory_space<vmem>> -> memref<128x128xf32, #tpu.memory_space<vmem>>
    tpu.wait_dma2 semaphore(%arg23 : memref<!tpu.dma_semaphore, #tpu.memory_space<semaphore_mem>>) src(%dma_wait3A_612 : memref<128x128xf32, #tpu.memory_space<vmem>>) dst(%dma_wait3A_608 : memref<128x128xf32, #tpu.memory_space<hbm>>)
    return
  }
}

#map = affine_map<(d0, d1) -> (0, 0)>
module attributes {stable_mosaic.version = 14 : i64} {
  func.func @gather_kernel(%arg0: i32, %arg1: i32, %arg2: memref<128x128xi32, #tpu.memory_space<hbm>>, %arg3: memref<128x128xi32, #tpu.memory_space<hbm>>, %arg4: memref<128x128xi32, #tpu.memory_space<hbm>>, %arg5: memref<128x128xi32, #tpu.memory_space<hbm>>, %arg6: memref<128x128xi32, #tpu.memory_space<hbm>>, %arg7: memref<128x128xi32, #tpu.memory_space<hbm>>, %arg8: memref<128x128xi32, #tpu.memory_space<hbm>>, %arg9: memref<128x128xi32, #tpu.memory_space<hbm>>, %arg10: memref<100000x128xf32, #tpu.memory_space<hbm>>, %arg11: memref<100000x128xf32, #tpu.memory_space<hbm>>, %arg12: memref<100000x128xf32, #tpu.memory_space<hbm>>, %arg13: memref<100000x128xf32, #tpu.memory_space<hbm>>, %arg14: memref<100000x128xf32, #tpu.memory_space<hbm>>, %arg15: memref<100000x128xf32, #tpu.memory_space<hbm>>, %arg16: memref<100000x128xf32, #tpu.memory_space<hbm>>, %arg17: memref<100000x128xf32, #tpu.memory_space<hbm>>, %arg18: memref<4096x1024xf32, #tpu.memory_space<hbm>>, %arg19: memref<8x128xi32, #tpu.memory_space<vmem>>, %arg20: memref<4x128x128xf32, #tpu.memory_space<vmem>>, %arg21: memref<!tpu.dma_semaphore, #tpu.memory_space<semaphore_mem>>, %arg22: memref<!tpu.dma_semaphore, #tpu.memory_space<semaphore_mem>>, %arg23: memref<!tpu.dma_semaphore, #tpu.memory_space<semaphore_mem>>) attributes {dimension_semantics = [#tpu.dimension_semantics<core_parallel>, #tpu.dimension_semantics<subcore_parallel>], iteration_bounds = array<i64: 2, 16>, scalar_prefetch = 0 : i64, scratch_operands = 5 : i64, tpu.core_type = #tpu.core_type<sc_vector_subcore>, window_params = [{transform_indices = #map}, {transform_indices = #map}, {transform_indices = #map}, {transform_indices = #map}, {transform_indices = #map}, {transform_indices = #map}, {transform_indices = #map}, {transform_indices = #map}, {transform_indices = #map}, {transform_indices = #map}, {transform_indices = #map}, {transform_indices = #map}, {transform_indices = #map}, {transform_indices = #map}, {transform_indices = #map}, {transform_indices = #map}, {transform_indices = #map}]} {
    %mul3A = arith.constant 2 : i32
    %mul3A_0 = arith.muli %arg1, %mul3A : i32
    %add3A = arith.addi %mul3A_0, %arg0 : i32
    %mul3A_1 = arith.constant 128 : i32
    %mul3A_2 = arith.muli %add3A, %mul3A_1 : i32
    %mul3A_3 = arith.constant 1 : i32
    %mul3A_4 = arith.muli %add3A, %mul3A_3 : i32
    %add3A_5 = arith.constant 64 : i32
    %add3A_6 = arith.addi %add3A_5, %mul3A_4 : i32
    %dma_start3A = arith.constant 0 : i32
    %dma_start3A_7 = arith.constant 0 : i32
    %dma_start3A_8 = tpu.memref_slice %arg19[%dma_start3A, %dma_start3A_7] : memref<8x128xi32, #tpu.memory_space<vmem>> -> memref<1x128xi32, #tpu.memory_space<vmem>>
    %dma_start3A_9 = arith.constant 0 : i32
    %dma_start3A_10 = tpu.memref_slice %arg2[%add3A_6, %dma_start3A_9] : memref<128x128xi32, #tpu.memory_space<hbm>> -> memref<1x128xi32, #tpu.memory_space<hbm>>
    %dma_start3A_11 = arith.constant 0 : i32
    %dma_start3A_12 = arith.constant 0 : i32
    %dma_start3A_13 = tpu.memref_slice %arg19[%dma_start3A_11, %dma_start3A_12] : memref<8x128xi32, #tpu.memory_space<vmem>> -> memref<1x128xi32, #tpu.memory_space<vmem>>
    %dma_start3A_14 = arith.constant 0 : i32
    %dma_start3A_15 = tpu.memref_slice %arg2[%add3A_6, %dma_start3A_14] : memref<128x128xi32, #tpu.memory_space<hbm>> -> memref<1x128xi32, #tpu.memory_space<hbm>>
    tpu.enqueue_dma source(%dma_start3A_15 : memref<1x128xi32, #tpu.memory_space<hbm>>) target(%dma_start3A_13 : memref<1x128xi32, #tpu.memory_space<vmem>>) target_semaphore(%arg21 : memref<!tpu.dma_semaphore, #tpu.memory_space<semaphore_mem>>)
    %dma_start3A_16 = arith.constant 1 : i32
    %dma_start3A_17 = arith.constant 0 : i32
    %dma_start3A_18 = tpu.memref_slice %arg19[%dma_start3A_16, %dma_start3A_17] : memref<8x128xi32, #tpu.memory_space<vmem>> -> memref<1x128xi32, #tpu.memory_space<vmem>>
    %dma_start3A_19 = arith.constant 0 : i32
    %dma_start3A_20 = tpu.memref_slice %arg3[%add3A_6, %dma_start3A_19] : memref<128x128xi32, #tpu.memory_space<hbm>> -> memref<1x128xi32, #tpu.memory_space<hbm>>
    %dma_start3A_21 = arith.constant 1 : i32
    %dma_start3A_22 = arith.constant 0 : i32
    %dma_start3A_23 = tpu.memref_slice %arg19[%dma_start3A_21, %dma_start3A_22] : memref<8x128xi32, #tpu.memory_space<vmem>> -> memref<1x128xi32, #tpu.memory_space<vmem>>
    %dma_start3A_24 = arith.constant 0 : i32
    %dma_start3A_25 = tpu.memref_slice %arg3[%add3A_6, %dma_start3A_24] : memref<128x128xi32, #tpu.memory_space<hbm>> -> memref<1x128xi32, #tpu.memory_space<hbm>>
    tpu.enqueue_dma source(%dma_start3A_25 : memref<1x128xi32, #tpu.memory_space<hbm>>) target(%dma_start3A_23 : memref<1x128xi32, #tpu.memory_space<vmem>>) target_semaphore(%arg21 : memref<!tpu.dma_semaphore, #tpu.memory_space<semaphore_mem>>)
    %dma_start3A_26 = arith.constant 2 : i32
    %dma_start3A_27 = arith.constant 0 : i32
    %dma_start3A_28 = tpu.memref_slice %arg19[%dma_start3A_26, %dma_start3A_27] : memref<8x128xi32, #tpu.memory_space<vmem>> -> memref<1x128xi32, #tpu.memory_space<vmem>>
    %dma_start3A_29 = arith.constant 0 : i32
    %dma_start3A_30 = tpu.memref_slice %arg4[%add3A_6, %dma_start3A_29] : memref<128x128xi32, #tpu.memory_space<hbm>> -> memref<1x128xi32, #tpu.memory_space<hbm>>
    %dma_start3A_31 = arith.constant 2 : i32
    %dma_start3A_32 = arith.constant 0 : i32
    %dma_start3A_33 = tpu.memref_slice %arg19[%dma_start3A_31, %dma_start3A_32] : memref<8x128xi32, #tpu.memory_space<vmem>> -> memref<1x128xi32, #tpu.memory_space<vmem>>
    %dma_start3A_34 = arith.constant 0 : i32
    %dma_start3A_35 = tpu.memref_slice %arg4[%add3A_6, %dma_start3A_34] : memref<128x128xi32, #tpu.memory_space<hbm>> -> memref<1x128xi32, #tpu.memory_space<hbm>>
    tpu.enqueue_dma source(%dma_start3A_35 : memref<1x128xi32, #tpu.memory_space<hbm>>) target(%dma_start3A_33 : memref<1x128xi32, #tpu.memory_space<vmem>>) target_semaphore(%arg21 : memref<!tpu.dma_semaphore, #tpu.memory_space<semaphore_mem>>)
    %dma_start3A_36 = arith.constant 3 : i32
    %dma_start3A_37 = arith.constant 0 : i32
    %dma_start3A_38 = tpu.memref_slice %arg19[%dma_start3A_36, %dma_start3A_37] : memref<8x128xi32, #tpu.memory_space<vmem>> -> memref<1x128xi32, #tpu.memory_space<vmem>>
    %dma_start3A_39 = arith.constant 0 : i32
    %dma_start3A_40 = tpu.memref_slice %arg5[%add3A_6, %dma_start3A_39] : memref<128x128xi32, #tpu.memory_space<hbm>> -> memref<1x128xi32, #tpu.memory_space<hbm>>
    %dma_start3A_41 = arith.constant 3 : i32
    %dma_start3A_42 = arith.constant 0 : i32
    %dma_start3A_43 = tpu.memref_slice %arg19[%dma_start3A_41, %dma_start3A_42] : memref<8x128xi32, #tpu.memory_space<vmem>> -> memref<1x128xi32, #tpu.memory_space<vmem>>
    %dma_start3A_44 = arith.constant 0 : i32
    %dma_start3A_45 = tpu.memref_slice %arg5[%add3A_6, %dma_start3A_44] : memref<128x128xi32, #tpu.memory_space<hbm>> -> memref<1x128xi32, #tpu.memory_space<hbm>>
    tpu.enqueue_dma source(%dma_start3A_45 : memref<1x128xi32, #tpu.memory_space<hbm>>) target(%dma_start3A_43 : memref<1x128xi32, #tpu.memory_space<vmem>>) target_semaphore(%arg21 : memref<!tpu.dma_semaphore, #tpu.memory_space<semaphore_mem>>)
    %dma_start3A_46 = arith.constant 4 : i32
    %dma_start3A_47 = arith.constant 0 : i32
    %dma_start3A_48 = tpu.memref_slice %arg19[%dma_start3A_46, %dma_start3A_47] : memref<8x128xi32, #tpu.memory_space<vmem>> -> memref<1x128xi32, #tpu.memory_space<vmem>>
    %dma_start3A_49 = arith.constant 0 : i32
    %dma_start3A_50 = tpu.memref_slice %arg6[%add3A_6, %dma_start3A_49] : memref<128x128xi32, #tpu.memory_space<hbm>> -> memref<1x128xi32, #tpu.memory_space<hbm>>
    %dma_start3A_51 = arith.constant 4 : i32
    %dma_start3A_52 = arith.constant 0 : i32
    %dma_start3A_53 = tpu.memref_slice %arg19[%dma_start3A_51, %dma_start3A_52] : memref<8x128xi32, #tpu.memory_space<vmem>> -> memref<1x128xi32, #tpu.memory_space<vmem>>
    %dma_start3A_54 = arith.constant 0 : i32
    %dma_start3A_55 = tpu.memref_slice %arg6[%add3A_6, %dma_start3A_54] : memref<128x128xi32, #tpu.memory_space<hbm>> -> memref<1x128xi32, #tpu.memory_space<hbm>>
    tpu.enqueue_dma source(%dma_start3A_55 : memref<1x128xi32, #tpu.memory_space<hbm>>) target(%dma_start3A_53 : memref<1x128xi32, #tpu.memory_space<vmem>>) target_semaphore(%arg21 : memref<!tpu.dma_semaphore, #tpu.memory_space<semaphore_mem>>)
    %dma_start3A_56 = arith.constant 5 : i32
    %dma_start3A_57 = arith.constant 0 : i32
    %dma_start3A_58 = tpu.memref_slice %arg19[%dma_start3A_56, %dma_start3A_57] : memref<8x128xi32, #tpu.memory_space<vmem>> -> memref<1x128xi32, #tpu.memory_space<vmem>>
    %dma_start3A_59 = arith.constant 0 : i32
    %dma_start3A_60 = tpu.memref_slice %arg7[%add3A_6, %dma_start3A_59] : memref<128x128xi32, #tpu.memory_space<hbm>> -> memref<1x128xi32, #tpu.memory_space<hbm>>
    %dma_start3A_61 = arith.constant 5 : i32
    %dma_start3A_62 = arith.constant 0 : i32
    %dma_start3A_63 = tpu.memref_slice %arg19[%dma_start3A_61, %dma_start3A_62] : memref<8x128xi32, #tpu.memory_space<vmem>> -> memref<1x128xi32, #tpu.memory_space<vmem>>
    %dma_start3A_64 = arith.constant 0 : i32
    %dma_start3A_65 = tpu.memref_slice %arg7[%add3A_6, %dma_start3A_64] : memref<128x128xi32, #tpu.memory_space<hbm>> -> memref<1x128xi32, #tpu.memory_space<hbm>>
    tpu.enqueue_dma source(%dma_start3A_65 : memref<1x128xi32, #tpu.memory_space<hbm>>) target(%dma_start3A_63 : memref<1x128xi32, #tpu.memory_space<vmem>>) target_semaphore(%arg21 : memref<!tpu.dma_semaphore, #tpu.memory_space<semaphore_mem>>)
    %dma_start3A_66 = arith.constant 6 : i32
    %dma_start3A_67 = arith.constant 0 : i32
    %dma_start3A_68 = tpu.memref_slice %arg19[%dma_start3A_66, %dma_start3A_67] : memref<8x128xi32, #tpu.memory_space<vmem>> -> memref<1x128xi32, #tpu.memory_space<vmem>>
    %dma_start3A_69 = arith.constant 0 : i32
    %dma_start3A_70 = tpu.memref_slice %arg8[%add3A_6, %dma_start3A_69] : memref<128x128xi32, #tpu.memory_space<hbm>> -> memref<1x128xi32, #tpu.memory_space<hbm>>
    %dma_start3A_71 = arith.constant 6 : i32
    %dma_start3A_72 = arith.constant 0 : i32
    %dma_start3A_73 = tpu.memref_slice %arg19[%dma_start3A_71, %dma_start3A_72] : memref<8x128xi32, #tpu.memory_space<vmem>> -> memref<1x128xi32, #tpu.memory_space<vmem>>
    %dma_start3A_74 = arith.constant 0 : i32
    %dma_start3A_75 = tpu.memref_slice %arg8[%add3A_6, %dma_start3A_74] : memref<128x128xi32, #tpu.memory_space<hbm>> -> memref<1x128xi32, #tpu.memory_space<hbm>>
    tpu.enqueue_dma source(%dma_start3A_75 : memref<1x128xi32, #tpu.memory_space<hbm>>) target(%dma_start3A_73 : memref<1x128xi32, #tpu.memory_space<vmem>>) target_semaphore(%arg21 : memref<!tpu.dma_semaphore, #tpu.memory_space<semaphore_mem>>)
    %dma_start3A_76 = arith.constant 7 : i32
    %dma_start3A_77 = arith.constant 0 : i32
    %dma_start3A_78 = tpu.memref_slice %arg19[%dma_start3A_76, %dma_start3A_77] : memref<8x128xi32, #tpu.memory_space<vmem>> -> memref<1x128xi32, #tpu.memory_space<vmem>>
    %dma_start3A_79 = arith.constant 0 : i32
    %dma_start3A_80 = tpu.memref_slice %arg9[%add3A_6, %dma_start3A_79] : memref<128x128xi32, #tpu.memory_space<hbm>> -> memref<1x128xi32, #tpu.memory_space<hbm>>
    %dma_start3A_81 = arith.constant 7 : i32
    %dma_start3A_82 = arith.constant 0 : i32
    %dma_start3A_83 = tpu.memref_slice %arg19[%dma_start3A_81, %dma_start3A_82] : memref<8x128xi32, #tpu.memory_space<vmem>> -> memref<1x128xi32, #tpu.memory_space<vmem>>
    %dma_start3A_84 = arith.constant 0 : i32
    %dma_start3A_85 = tpu.memref_slice %arg9[%add3A_6, %dma_start3A_84] : memref<128x128xi32, #tpu.memory_space<hbm>> -> memref<1x128xi32, #tpu.memory_space<hbm>>
    tpu.enqueue_dma source(%dma_start3A_85 : memref<1x128xi32, #tpu.memory_space<hbm>>) target(%dma_start3A_83 : memref<1x128xi32, #tpu.memory_space<vmem>>) target_semaphore(%arg21 : memref<!tpu.dma_semaphore, #tpu.memory_space<semaphore_mem>>)
    %dma_wait3A = arith.constant 0 : i32
    %dma_wait3A_86 = arith.constant 0 : i32
    %dma_wait3A_87 = tpu.memref_slice %arg19[%dma_wait3A, %dma_wait3A_86] : memref<8x128xi32, #tpu.memory_space<vmem>> -> memref<1x128xi32, #tpu.memory_space<vmem>>
    %dma_wait3A_88 = arith.constant 0 : i32
    %dma_wait3A_89 = tpu.memref_slice %arg2[%add3A_6, %dma_wait3A_88] : memref<128x128xi32, #tpu.memory_space<hbm>> -> memref<1x128xi32, #tpu.memory_space<hbm>>
    %dma_wait3A_90 = arith.constant 0 : i32
    %dma_wait3A_91 = arith.constant 0 : i32
    %dma_wait3A_92 = tpu.memref_slice %arg19[%dma_wait3A_90, %dma_wait3A_91] : memref<8x128xi32, #tpu.memory_space<vmem>> -> memref<1x128xi32, #tpu.memory_space<vmem>>
    %dma_wait3A_93 = arith.constant 0 : i32
    %dma_wait3A_94 = tpu.memref_slice %arg2[%add3A_6, %dma_wait3A_93] : memref<128x128xi32, #tpu.memory_space<hbm>> -> memref<1x128xi32, #tpu.memory_space<hbm>>
    tpu.wait_dma2 semaphore(%arg21 : memref<!tpu.dma_semaphore, #tpu.memory_space<semaphore_mem>>) src(%dma_wait3A_94 : memref<1x128xi32, #tpu.memory_space<hbm>>) dst(%dma_wait3A_92 : memref<1x128xi32, #tpu.memory_space<vmem>>)
    %dma_wait3A_95 = arith.constant 1 : i32
    %dma_wait3A_96 = arith.constant 0 : i32
    %dma_wait3A_97 = tpu.memref_slice %arg19[%dma_wait3A_95, %dma_wait3A_96] : memref<8x128xi32, #tpu.memory_space<vmem>> -> memref<1x128xi32, #tpu.memory_space<vmem>>
    %dma_wait3A_98 = arith.constant 0 : i32
    %dma_wait3A_99 = tpu.memref_slice %arg3[%add3A_6, %dma_wait3A_98] : memref<128x128xi32, #tpu.memory_space<hbm>> -> memref<1x128xi32, #tpu.memory_space<hbm>>
    %dma_wait3A_100 = arith.constant 1 : i32
    %dma_wait3A_101 = arith.constant 0 : i32
    %dma_wait3A_102 = tpu.memref_slice %arg19[%dma_wait3A_100, %dma_wait3A_101] : memref<8x128xi32, #tpu.memory_space<vmem>> -> memref<1x128xi32, #tpu.memory_space<vmem>>
    %dma_wait3A_103 = arith.constant 0 : i32
    %dma_wait3A_104 = tpu.memref_slice %arg3[%add3A_6, %dma_wait3A_103] : memref<128x128xi32, #tpu.memory_space<hbm>> -> memref<1x128xi32, #tpu.memory_space<hbm>>
    tpu.wait_dma2 semaphore(%arg21 : memref<!tpu.dma_semaphore, #tpu.memory_space<semaphore_mem>>) src(%dma_wait3A_104 : memref<1x128xi32, #tpu.memory_space<hbm>>) dst(%dma_wait3A_102 : memref<1x128xi32, #tpu.memory_space<vmem>>)
    %dma_wait3A_105 = arith.constant 2 : i32
    %dma_wait3A_106 = arith.constant 0 : i32
    %dma_wait3A_107 = tpu.memref_slice %arg19[%dma_wait3A_105, %dma_wait3A_106] : memref<8x128xi32, #tpu.memory_space<vmem>> -> memref<1x128xi32, #tpu.memory_space<vmem>>
    %dma_wait3A_108 = arith.constant 0 : i32
    %dma_wait3A_109 = tpu.memref_slice %arg4[%add3A_6, %dma_wait3A_108] : memref<128x128xi32, #tpu.memory_space<hbm>> -> memref<1x128xi32, #tpu.memory_space<hbm>>
    %dma_wait3A_110 = arith.constant 2 : i32
    %dma_wait3A_111 = arith.constant 0 : i32
    %dma_wait3A_112 = tpu.memref_slice %arg19[%dma_wait3A_110, %dma_wait3A_111] : memref<8x128xi32, #tpu.memory_space<vmem>> -> memref<1x128xi32, #tpu.memory_space<vmem>>
    %dma_wait3A_113 = arith.constant 0 : i32
    %dma_wait3A_114 = tpu.memref_slice %arg4[%add3A_6, %dma_wait3A_113] : memref<128x128xi32, #tpu.memory_space<hbm>> -> memref<1x128xi32, #tpu.memory_space<hbm>>
    tpu.wait_dma2 semaphore(%arg21 : memref<!tpu.dma_semaphore, #tpu.memory_space<semaphore_mem>>) src(%dma_wait3A_114 : memref<1x128xi32, #tpu.memory_space<hbm>>) dst(%dma_wait3A_112 : memref<1x128xi32, #tpu.memory_space<vmem>>)
    %dma_wait3A_115 = arith.constant 3 : i32
    %dma_wait3A_116 = arith.constant 0 : i32
    %dma_wait3A_117 = tpu.memref_slice %arg19[%dma_wait3A_115, %dma_wait3A_116] : memref<8x128xi32, #tpu.memory_space<vmem>> -> memref<1x128xi32, #tpu.memory_space<vmem>>
    %dma_wait3A_118 = arith.constant 0 : i32
    %dma_wait3A_119 = tpu.memref_slice %arg5[%add3A_6, %dma_wait3A_118] : memref<128x128xi32, #tpu.memory_space<hbm>> -> memref<1x128xi32, #tpu.memory_space<hbm>>
    %dma_wait3A_120 = arith.constant 3 : i32
    %dma_wait3A_121 = arith.constant 0 : i32
    %dma_wait3A_122 = tpu.memref_slice %arg19[%dma_wait3A_120, %dma_wait3A_121] : memref<8x128xi32, #tpu.memory_space<vmem>> -> memref<1x128xi32, #tpu.memory_space<vmem>>
    %dma_wait3A_123 = arith.constant 0 : i32
    %dma_wait3A_124 = tpu.memref_slice %arg5[%add3A_6, %dma_wait3A_123] : memref<128x128xi32, #tpu.memory_space<hbm>> -> memref<1x128xi32, #tpu.memory_space<hbm>>
    tpu.wait_dma2 semaphore(%arg21 : memref<!tpu.dma_semaphore, #tpu.memory_space<semaphore_mem>>) src(%dma_wait3A_124 : memref<1x128xi32, #tpu.memory_space<hbm>>) dst(%dma_wait3A_122 : memref<1x128xi32, #tpu.memory_space<vmem>>)
    %dma_wait3A_125 = arith.constant 4 : i32
    %dma_wait3A_126 = arith.constant 0 : i32
    %dma_wait3A_127 = tpu.memref_slice %arg19[%dma_wait3A_125, %dma_wait3A_126] : memref<8x128xi32, #tpu.memory_space<vmem>> -> memref<1x128xi32, #tpu.memory_space<vmem>>
    %dma_wait3A_128 = arith.constant 0 : i32
    %dma_wait3A_129 = tpu.memref_slice %arg6[%add3A_6, %dma_wait3A_128] : memref<128x128xi32, #tpu.memory_space<hbm>> -> memref<1x128xi32, #tpu.memory_space<hbm>>
    %dma_wait3A_130 = arith.constant 4 : i32
    %dma_wait3A_131 = arith.constant 0 : i32
    %dma_wait3A_132 = tpu.memref_slice %arg19[%dma_wait3A_130, %dma_wait3A_131] : memref<8x128xi32, #tpu.memory_space<vmem>> -> memref<1x128xi32, #tpu.memory_space<vmem>>
    %dma_wait3A_133 = arith.constant 0 : i32
    %dma_wait3A_134 = tpu.memref_slice %arg6[%add3A_6, %dma_wait3A_133] : memref<128x128xi32, #tpu.memory_space<hbm>> -> memref<1x128xi32, #tpu.memory_space<hbm>>
    tpu.wait_dma2 semaphore(%arg21 : memref<!tpu.dma_semaphore, #tpu.memory_space<semaphore_mem>>) src(%dma_wait3A_134 : memref<1x128xi32, #tpu.memory_space<hbm>>) dst(%dma_wait3A_132 : memref<1x128xi32, #tpu.memory_space<vmem>>)
    %dma_wait3A_135 = arith.constant 5 : i32
    %dma_wait3A_136 = arith.constant 0 : i32
    %dma_wait3A_137 = tpu.memref_slice %arg19[%dma_wait3A_135, %dma_wait3A_136] : memref<8x128xi32, #tpu.memory_space<vmem>> -> memref<1x128xi32, #tpu.memory_space<vmem>>
    %dma_wait3A_138 = arith.constant 0 : i32
    %dma_wait3A_139 = tpu.memref_slice %arg7[%add3A_6, %dma_wait3A_138] : memref<128x128xi32, #tpu.memory_space<hbm>> -> memref<1x128xi32, #tpu.memory_space<hbm>>
    %dma_wait3A_140 = arith.constant 5 : i32
    %dma_wait3A_141 = arith.constant 0 : i32
    %dma_wait3A_142 = tpu.memref_slice %arg19[%dma_wait3A_140, %dma_wait3A_141] : memref<8x128xi32, #tpu.memory_space<vmem>> -> memref<1x128xi32, #tpu.memory_space<vmem>>
    %dma_wait3A_143 = arith.constant 0 : i32
    %dma_wait3A_144 = tpu.memref_slice %arg7[%add3A_6, %dma_wait3A_143] : memref<128x128xi32, #tpu.memory_space<hbm>> -> memref<1x128xi32, #tpu.memory_space<hbm>>
    tpu.wait_dma2 semaphore(%arg21 : memref<!tpu.dma_semaphore, #tpu.memory_space<semaphore_mem>>) src(%dma_wait3A_144 : memref<1x128xi32, #tpu.memory_space<hbm>>) dst(%dma_wait3A_142 : memref<1x128xi32, #tpu.memory_space<vmem>>)
    %dma_wait3A_145 = arith.constant 6 : i32
    %dma_wait3A_146 = arith.constant 0 : i32
    %dma_wait3A_147 = tpu.memref_slice %arg19[%dma_wait3A_145, %dma_wait3A_146] : memref<8x128xi32, #tpu.memory_space<vmem>> -> memref<1x128xi32, #tpu.memory_space<vmem>>
    %dma_wait3A_148 = arith.constant 0 : i32
    %dma_wait3A_149 = tpu.memref_slice %arg8[%add3A_6, %dma_wait3A_148] : memref<128x128xi32, #tpu.memory_space<hbm>> -> memref<1x128xi32, #tpu.memory_space<hbm>>
    %dma_wait3A_150 = arith.constant 6 : i32
    %dma_wait3A_151 = arith.constant 0 : i32
    %dma_wait3A_152 = tpu.memref_slice %arg19[%dma_wait3A_150, %dma_wait3A_151] : memref<8x128xi32, #tpu.memory_space<vmem>> -> memref<1x128xi32, #tpu.memory_space<vmem>>
    %dma_wait3A_153 = arith.constant 0 : i32
    %dma_wait3A_154 = tpu.memref_slice %arg8[%add3A_6, %dma_wait3A_153] : memref<128x128xi32, #tpu.memory_space<hbm>> -> memref<1x128xi32, #tpu.memory_space<hbm>>
    tpu.wait_dma2 semaphore(%arg21 : memref<!tpu.dma_semaphore, #tpu.memory_space<semaphore_mem>>) src(%dma_wait3A_154 : memref<1x128xi32, #tpu.memory_space<hbm>>) dst(%dma_wait3A_152 : memref<1x128xi32, #tpu.memory_space<vmem>>)
    %dma_wait3A_155 = arith.constant 7 : i32
    %dma_wait3A_156 = arith.constant 0 : i32
    %dma_wait3A_157 = tpu.memref_slice %arg19[%dma_wait3A_155, %dma_wait3A_156] : memref<8x128xi32, #tpu.memory_space<vmem>> -> memref<1x128xi32, #tpu.memory_space<vmem>>
    %dma_wait3A_158 = arith.constant 0 : i32
    %dma_wait3A_159 = tpu.memref_slice %arg9[%add3A_6, %dma_wait3A_158] : memref<128x128xi32, #tpu.memory_space<hbm>> -> memref<1x128xi32, #tpu.memory_space<hbm>>
    %dma_wait3A_160 = arith.constant 7 : i32
    %dma_wait3A_161 = arith.constant 0 : i32
    %dma_wait3A_162 = tpu.memref_slice %arg19[%dma_wait3A_160, %dma_wait3A_161] : memref<8x128xi32, #tpu.memory_space<vmem>> -> memref<1x128xi32, #tpu.memory_space<vmem>>
    %dma_wait3A_163 = arith.constant 0 : i32
    %dma_wait3A_164 = tpu.memref_slice %arg9[%add3A_6, %dma_wait3A_163] : memref<128x128xi32, #tpu.memory_space<hbm>> -> memref<1x128xi32, #tpu.memory_space<hbm>>
    tpu.wait_dma2 semaphore(%arg21 : memref<!tpu.dma_semaphore, #tpu.memory_space<semaphore_mem>>) src(%dma_wait3A_164 : memref<1x128xi32, #tpu.memory_space<hbm>>) dst(%dma_wait3A_162 : memref<1x128xi32, #tpu.memory_space<vmem>>)
    %dma_start3A_165 = arith.constant 0 : i32
    %dma_start3A_166 = arith.constant 0 : i32
    %dma_start3A_167 = arith.constant 0 : i32
    %dma_start3A_168 = arith.constant 0 : i32
    %dma_start3A_169 = tpu.memref_slice %arg20[%dma_start3A_166, %dma_start3A_167, %dma_start3A_168] : memref<4x128x128xf32, #tpu.memory_space<vmem>> -> memref<1x128x128xf32, #tpu.memory_space<vmem>>
    %dma_start3A_170 = tpu.memref_squeeze %dma_start3A_169 : memref<1x128x128xf32, #tpu.memory_space<vmem>> -> memref<128x128xf32, #tpu.memory_space<vmem>>
    %dma_start3A_171 = arith.constant 0 : i32
    %dma_start3A_172 = arith.constant 0 : i32
    %dma_start3A_173 = tpu.memref_slice %dma_start3A_170[%dma_start3A_171, %dma_start3A_172] : memref<128x128xf32, #tpu.memory_space<vmem>> -> memref<128x128xf32, #tpu.memory_space<vmem>>
    %dma_start3A_174 = arith.constant 0 : i32
    %dma_start3A_175 = tpu.memref_slice %arg19[%dma_start3A_165, %dma_start3A_174] : memref<8x128xi32, #tpu.memory_space<vmem>> -> memref<1x128xi32, #tpu.memory_space<vmem>>
    %dma_start3A_176 = tpu.memref_squeeze %dma_start3A_175 : memref<1x128xi32, #tpu.memory_space<vmem>> -> memref<128xi32, #tpu.memory_space<vmem>>
    %dma_start3A_177 = arith.constant 0 : i32
    %dma_start3A_178 = arith.constant 0 : i32
    %dma_start3A_179 = tpu.memref_slice %arg10[%dma_start3A_177, %dma_start3A_178] : memref<100000x128xf32, #tpu.memory_space<hbm>> -> memref<100000x128xf32, #tpu.memory_space<hbm>>
    tpu.enqueue_indirect_dma source(%dma_start3A_179 : memref<100000x128xf32, #tpu.memory_space<hbm>>) target(%dma_start3A_173 : memref<128x128xf32, #tpu.memory_space<vmem>>) offsets(%dma_start3A_176 : memref<128xi32, #tpu.memory_space<vmem>>) semaphore(%arg22 : memref<!tpu.dma_semaphore, #tpu.memory_space<semaphore_mem>>)
    %dma_start3A_180 = arith.constant 1 : i32
    %dma_start3A_181 = arith.constant 1 : i32
    %dma_start3A_182 = arith.constant 0 : i32
    %dma_start3A_183 = arith.constant 0 : i32
    %dma_start3A_184 = tpu.memref_slice %arg20[%dma_start3A_181, %dma_start3A_182, %dma_start3A_183] : memref<4x128x128xf32, #tpu.memory_space<vmem>> -> memref<1x128x128xf32, #tpu.memory_space<vmem>>
    %dma_start3A_185 = tpu.memref_squeeze %dma_start3A_184 : memref<1x128x128xf32, #tpu.memory_space<vmem>> -> memref<128x128xf32, #tpu.memory_space<vmem>>
    %dma_start3A_186 = arith.constant 0 : i32
    %dma_start3A_187 = arith.constant 0 : i32
    %dma_start3A_188 = tpu.memref_slice %dma_start3A_185[%dma_start3A_186, %dma_start3A_187] : memref<128x128xf32, #tpu.memory_space<vmem>> -> memref<128x128xf32, #tpu.memory_space<vmem>>
    %dma_start3A_189 = arith.constant 0 : i32
    %dma_start3A_190 = tpu.memref_slice %arg19[%dma_start3A_180, %dma_start3A_189] : memref<8x128xi32, #tpu.memory_space<vmem>> -> memref<1x128xi32, #tpu.memory_space<vmem>>
    %dma_start3A_191 = tpu.memref_squeeze %dma_start3A_190 : memref<1x128xi32, #tpu.memory_space<vmem>> -> memref<128xi32, #tpu.memory_space<vmem>>
    %dma_start3A_192 = arith.constant 0 : i32
    %dma_start3A_193 = arith.constant 0 : i32
    %dma_start3A_194 = tpu.memref_slice %arg11[%dma_start3A_192, %dma_start3A_193] : memref<100000x128xf32, #tpu.memory_space<hbm>> -> memref<100000x128xf32, #tpu.memory_space<hbm>>
    tpu.enqueue_indirect_dma source(%dma_start3A_194 : memref<100000x128xf32, #tpu.memory_space<hbm>>) target(%dma_start3A_188 : memref<128x128xf32, #tpu.memory_space<vmem>>) offsets(%dma_start3A_191 : memref<128xi32, #tpu.memory_space<vmem>>) semaphore(%arg22 : memref<!tpu.dma_semaphore, #tpu.memory_space<semaphore_mem>>)
    %dma_start3A_195 = arith.constant 2 : i32
    %dma_start3A_196 = arith.constant 2 : i32
    %dma_start3A_197 = arith.constant 0 : i32
    %dma_start3A_198 = arith.constant 0 : i32
    %dma_start3A_199 = tpu.memref_slice %arg20[%dma_start3A_196, %dma_start3A_197, %dma_start3A_198] : memref<4x128x128xf32, #tpu.memory_space<vmem>> -> memref<1x128x128xf32, #tpu.memory_space<vmem>>
    %dma_start3A_200 = tpu.memref_squeeze %dma_start3A_199 : memref<1x128x128xf32, #tpu.memory_space<vmem>> -> memref<128x128xf32, #tpu.memory_space<vmem>>
    %dma_start3A_201 = arith.constant 0 : i32
    %dma_start3A_202 = arith.constant 0 : i32
    %dma_start3A_203 = tpu.memref_slice %dma_start3A_200[%dma_start3A_201, %dma_start3A_202] : memref<128x128xf32, #tpu.memory_space<vmem>> -> memref<128x128xf32, #tpu.memory_space<vmem>>
    %dma_start3A_204 = arith.constant 0 : i32
    %dma_start3A_205 = tpu.memref_slice %arg19[%dma_start3A_195, %dma_start3A_204] : memref<8x128xi32, #tpu.memory_space<vmem>> -> memref<1x128xi32, #tpu.memory_space<vmem>>
    %dma_start3A_206 = tpu.memref_squeeze %dma_start3A_205 : memref<1x128xi32, #tpu.memory_space<vmem>> -> memref<128xi32, #tpu.memory_space<vmem>>
    %dma_start3A_207 = arith.constant 0 : i32
    %dma_start3A_208 = arith.constant 0 : i32
    %dma_start3A_209 = tpu.memref_slice %arg12[%dma_start3A_207, %dma_start3A_208] : memref<100000x128xf32, #tpu.memory_space<hbm>> -> memref<100000x128xf32, #tpu.memory_space<hbm>>
    tpu.enqueue_indirect_dma source(%dma_start3A_209 : memref<100000x128xf32, #tpu.memory_space<hbm>>) target(%dma_start3A_203 : memref<128x128xf32, #tpu.memory_space<vmem>>) offsets(%dma_start3A_206 : memref<128xi32, #tpu.memory_space<vmem>>) semaphore(%arg22 : memref<!tpu.dma_semaphore, #tpu.memory_space<semaphore_mem>>)
    %dma_start3A_210 = arith.constant 3 : i32
    %dma_start3A_211 = arith.constant 3 : i32
    %dma_start3A_212 = arith.constant 0 : i32
    %dma_start3A_213 = arith.constant 0 : i32
    %dma_start3A_214 = tpu.memref_slice %arg20[%dma_start3A_211, %dma_start3A_212, %dma_start3A_213] : memref<4x128x128xf32, #tpu.memory_space<vmem>> -> memref<1x128x128xf32, #tpu.memory_space<vmem>>
    %dma_start3A_215 = tpu.memref_squeeze %dma_start3A_214 : memref<1x128x128xf32, #tpu.memory_space<vmem>> -> memref<128x128xf32, #tpu.memory_space<vmem>>
    %dma_start3A_216 = arith.constant 0 : i32
    %dma_start3A_217 = arith.constant 0 : i32
    %dma_start3A_218 = tpu.memref_slice %dma_start3A_215[%dma_start3A_216, %dma_start3A_217] : memref<128x128xf32, #tpu.memory_space<vmem>> -> memref<128x128xf32, #tpu.memory_space<vmem>>
    %dma_start3A_219 = arith.constant 0 : i32
    %dma_start3A_220 = tpu.memref_slice %arg19[%dma_start3A_210, %dma_start3A_219] : memref<8x128xi32, #tpu.memory_space<vmem>> -> memref<1x128xi32, #tpu.memory_space<vmem>>
    %dma_start3A_221 = tpu.memref_squeeze %dma_start3A_220 : memref<1x128xi32, #tpu.memory_space<vmem>> -> memref<128xi32, #tpu.memory_space<vmem>>
    %dma_start3A_222 = arith.constant 0 : i32
    %dma_start3A_223 = arith.constant 0 : i32
    %dma_start3A_224 = tpu.memref_slice %arg13[%dma_start3A_222, %dma_start3A_223] : memref<100000x128xf32, #tpu.memory_space<hbm>> -> memref<100000x128xf32, #tpu.memory_space<hbm>>
    tpu.enqueue_indirect_dma source(%dma_start3A_224 : memref<100000x128xf32, #tpu.memory_space<hbm>>) target(%dma_start3A_218 : memref<128x128xf32, #tpu.memory_space<vmem>>) offsets(%dma_start3A_221 : memref<128xi32, #tpu.memory_space<vmem>>) semaphore(%arg22 : memref<!tpu.dma_semaphore, #tpu.memory_space<semaphore_mem>>)
    %dma_wait3A_225 = arith.constant 0 : i32
    %dma_wait3A_226 = arith.constant 0 : i32
    %dma_wait3A_227 = arith.constant 0 : i32
    %dma_wait3A_228 = arith.constant 0 : i32
    %dma_wait3A_229 = tpu.memref_slice %arg20[%dma_wait3A_226, %dma_wait3A_227, %dma_wait3A_228] : memref<4x128x128xf32, #tpu.memory_space<vmem>> -> memref<1x128x128xf32, #tpu.memory_space<vmem>>
    %dma_wait3A_230 = tpu.memref_squeeze %dma_wait3A_229 : memref<1x128x128xf32, #tpu.memory_space<vmem>> -> memref<128x128xf32, #tpu.memory_space<vmem>>
    %dma_wait3A_231 = arith.constant 0 : i32
    %dma_wait3A_232 = arith.constant 0 : i32
    %dma_wait3A_233 = tpu.memref_slice %dma_wait3A_230[%dma_wait3A_231, %dma_wait3A_232] : memref<128x128xf32, #tpu.memory_space<vmem>> -> memref<128x128xf32, #tpu.memory_space<vmem>>
    %dma_wait3A_234 = arith.constant 0 : i32
    %dma_wait3A_235 = tpu.memref_slice %arg19[%dma_wait3A_225, %dma_wait3A_234] : memref<8x128xi32, #tpu.memory_space<vmem>> -> memref<1x128xi32, #tpu.memory_space<vmem>>
    %dma_wait3A_236 = tpu.memref_squeeze %dma_wait3A_235 : memref<1x128xi32, #tpu.memory_space<vmem>> -> memref<128xi32, #tpu.memory_space<vmem>>
    %dma_wait3A_237 = arith.constant 0 : i32
    %dma_wait3A_238 = arith.constant 0 : i32
    %dma_wait3A_239 = tpu.memref_slice %arg10[%dma_wait3A_237, %dma_wait3A_238] : memref<100000x128xf32, #tpu.memory_space<hbm>> -> memref<100000x128xf32, #tpu.memory_space<hbm>>
    tpu.wait_indirect_dma semaphore(%arg22 : memref<!tpu.dma_semaphore, #tpu.memory_space<semaphore_mem>>) src(%dma_wait3A_239 : memref<100000x128xf32, #tpu.memory_space<hbm>>) dst(%dma_wait3A_233 : memref<128x128xf32, #tpu.memory_space<vmem>>)
    %dma_start3A_240 = arith.constant 0 : i32
    %dma_start3A_241 = arith.constant 0 : i32
    %dma_start3A_242 = arith.constant 0 : i32
    %dma_start3A_243 = tpu.memref_slice %arg20[%dma_start3A_240, %dma_start3A_241, %dma_start3A_242] : memref<4x128x128xf32, #tpu.memory_space<vmem>> -> memref<1x128x128xf32, #tpu.memory_space<vmem>>
    %dma_start3A_244 = tpu.memref_squeeze %dma_start3A_243 : memref<1x128x128xf32, #tpu.memory_space<vmem>> -> memref<128x128xf32, #tpu.memory_space<vmem>>
    %dma_start3A_245 = arith.constant 0 : i32
    %dma_start3A_246 = tpu.memref_slice %arg18[%mul3A_2, %dma_start3A_245] : memref<4096x1024xf32, #tpu.memory_space<hbm>> -> memref<128x128xf32, #tpu.memory_space<hbm>>
    %dma_start3A_247 = arith.constant 0 : i32
    %dma_start3A_248 = tpu.memref_slice %arg18[%mul3A_2, %dma_start3A_247] : memref<4096x1024xf32, #tpu.memory_space<hbm>> -> memref<128x128xf32, #tpu.memory_space<hbm>>
    %dma_start3A_249 = arith.constant 0 : i32
    %dma_start3A_250 = arith.constant 0 : i32
    %dma_start3A_251 = tpu.memref_slice %arg20[%dma_start3A_240, %dma_start3A_249, %dma_start3A_250] : memref<4x128x128xf32, #tpu.memory_space<vmem>> -> memref<1x128x128xf32, #tpu.memory_space<vmem>>
    %dma_start3A_252 = tpu.memref_squeeze %dma_start3A_251 : memref<1x128x128xf32, #tpu.memory_space<vmem>> -> memref<128x128xf32, #tpu.memory_space<vmem>>
    tpu.enqueue_dma source(%dma_start3A_252 : memref<128x128xf32, #tpu.memory_space<vmem>>) target(%dma_start3A_248 : memref<128x128xf32, #tpu.memory_space<hbm>>) target_semaphore(%arg23 : memref<!tpu.dma_semaphore, #tpu.memory_space<semaphore_mem>>)
    %dma_wait3A_253 = arith.constant 0 : i32
    %dma_wait3A_254 = arith.constant 0 : i32
    %dma_wait3A_255 = arith.constant 0 : i32
    %dma_wait3A_256 = tpu.memref_slice %arg20[%dma_wait3A_253, %dma_wait3A_254, %dma_wait3A_255] : memref<4x128x128xf32, #tpu.memory_space<vmem>> -> memref<1x128x128xf32, #tpu.memory_space<vmem>>
    %dma_wait3A_257 = tpu.memref_squeeze %dma_wait3A_256 : memref<1x128x128xf32, #tpu.memory_space<vmem>> -> memref<128x128xf32, #tpu.memory_space<vmem>>
    %dma_wait3A_258 = arith.constant 0 : i32
    %dma_wait3A_259 = tpu.memref_slice %arg18[%mul3A_2, %dma_wait3A_258] : memref<4096x1024xf32, #tpu.memory_space<hbm>> -> memref<128x128xf32, #tpu.memory_space<hbm>>
    %dma_wait3A_260 = arith.constant 0 : i32
    %dma_wait3A_261 = tpu.memref_slice %arg18[%mul3A_2, %dma_wait3A_260] : memref<4096x1024xf32, #tpu.memory_space<hbm>> -> memref<128x128xf32, #tpu.memory_space<hbm>>
    %dma_wait3A_262 = arith.constant 0 : i32
    %dma_wait3A_263 = arith.constant 0 : i32
    %dma_wait3A_264 = tpu.memref_slice %arg20[%dma_wait3A_253, %dma_wait3A_262, %dma_wait3A_263] : memref<4x128x128xf32, #tpu.memory_space<vmem>> -> memref<1x128x128xf32, #tpu.memory_space<vmem>>
    %dma_wait3A_265 = tpu.memref_squeeze %dma_wait3A_264 : memref<1x128x128xf32, #tpu.memory_space<vmem>> -> memref<128x128xf32, #tpu.memory_space<vmem>>
    tpu.wait_dma2 semaphore(%arg23 : memref<!tpu.dma_semaphore, #tpu.memory_space<semaphore_mem>>) src(%dma_wait3A_265 : memref<128x128xf32, #tpu.memory_space<vmem>>) dst(%dma_wait3A_261 : memref<128x128xf32, #tpu.memory_space<hbm>>)
    %dma_start3A_266 = arith.constant 4 : i32
    %dma_start3A_267 = arith.constant 0 : i32
    %dma_start3A_268 = arith.constant 0 : i32
    %dma_start3A_269 = arith.constant 0 : i32
    %dma_start3A_270 = tpu.memref_slice %arg20[%dma_start3A_267, %dma_start3A_268, %dma_start3A_269] : memref<4x128x128xf32, #tpu.memory_space<vmem>> -> memref<1x128x128xf32, #tpu.memory_space<vmem>>
    %dma_start3A_271 = tpu.memref_squeeze %dma_start3A_270 : memref<1x128x128xf32, #tpu.memory_space<vmem>> -> memref<128x128xf32, #tpu.memory_space<vmem>>
    %dma_start3A_272 = arith.constant 0 : i32
    %dma_start3A_273 = arith.constant 0 : i32
    %dma_start3A_274 = tpu.memref_slice %dma_start3A_271[%dma_start3A_272, %dma_start3A_273] : memref<128x128xf32, #tpu.memory_space<vmem>> -> memref<128x128xf32, #tpu.memory_space<vmem>>
    %dma_start3A_275 = arith.constant 0 : i32
    %dma_start3A_276 = tpu.memref_slice %arg19[%dma_start3A_266, %dma_start3A_275] : memref<8x128xi32, #tpu.memory_space<vmem>> -> memref<1x128xi32, #tpu.memory_space<vmem>>
    %dma_start3A_277 = tpu.memref_squeeze %dma_start3A_276 : memref<1x128xi32, #tpu.memory_space<vmem>> -> memref<128xi32, #tpu.memory_space<vmem>>
    %dma_start3A_278 = arith.constant 0 : i32
    %dma_start3A_279 = arith.constant 0 : i32
    %dma_start3A_280 = tpu.memref_slice %arg14[%dma_start3A_278, %dma_start3A_279] : memref<100000x128xf32, #tpu.memory_space<hbm>> -> memref<100000x128xf32, #tpu.memory_space<hbm>>
    tpu.enqueue_indirect_dma source(%dma_start3A_280 : memref<100000x128xf32, #tpu.memory_space<hbm>>) target(%dma_start3A_274 : memref<128x128xf32, #tpu.memory_space<vmem>>) offsets(%dma_start3A_277 : memref<128xi32, #tpu.memory_space<vmem>>) semaphore(%arg22 : memref<!tpu.dma_semaphore, #tpu.memory_space<semaphore_mem>>)
    %dma_wait3A_281 = arith.constant 1 : i32
    %dma_wait3A_282 = arith.constant 1 : i32
    %dma_wait3A_283 = arith.constant 0 : i32
    %dma_wait3A_284 = arith.constant 0 : i32
    %dma_wait3A_285 = tpu.memref_slice %arg20[%dma_wait3A_282, %dma_wait3A_283, %dma_wait3A_284] : memref<4x128x128xf32, #tpu.memory_space<vmem>> -> memref<1x128x128xf32, #tpu.memory_space<vmem>>
    %dma_wait3A_286 = tpu.memref_squeeze %dma_wait3A_285 : memref<1x128x128xf32, #tpu.memory_space<vmem>> -> memref<128x128xf32, #tpu.memory_space<vmem>>
    %dma_wait3A_287 = arith.constant 0 : i32
    %dma_wait3A_288 = arith.constant 0 : i32
    %dma_wait3A_289 = tpu.memref_slice %dma_wait3A_286[%dma_wait3A_287, %dma_wait3A_288] : memref<128x128xf32, #tpu.memory_space<vmem>> -> memref<128x128xf32, #tpu.memory_space<vmem>>
    %dma_wait3A_290 = arith.constant 0 : i32
    %dma_wait3A_291 = tpu.memref_slice %arg19[%dma_wait3A_281, %dma_wait3A_290] : memref<8x128xi32, #tpu.memory_space<vmem>> -> memref<1x128xi32, #tpu.memory_space<vmem>>
    %dma_wait3A_292 = tpu.memref_squeeze %dma_wait3A_291 : memref<1x128xi32, #tpu.memory_space<vmem>> -> memref<128xi32, #tpu.memory_space<vmem>>
    %dma_wait3A_293 = arith.constant 0 : i32
    %dma_wait3A_294 = arith.constant 0 : i32
    %dma_wait3A_295 = tpu.memref_slice %arg11[%dma_wait3A_293, %dma_wait3A_294] : memref<100000x128xf32, #tpu.memory_space<hbm>> -> memref<100000x128xf32, #tpu.memory_space<hbm>>
    tpu.wait_indirect_dma semaphore(%arg22 : memref<!tpu.dma_semaphore, #tpu.memory_space<semaphore_mem>>) src(%dma_wait3A_295 : memref<100000x128xf32, #tpu.memory_space<hbm>>) dst(%dma_wait3A_289 : memref<128x128xf32, #tpu.memory_space<vmem>>)
    %dma_start3A_296 = arith.constant 1 : i32
    %dma_start3A_297 = arith.constant 0 : i32
    %dma_start3A_298 = arith.constant 0 : i32
    %dma_start3A_299 = tpu.memref_slice %arg20[%dma_start3A_296, %dma_start3A_297, %dma_start3A_298] : memref<4x128x128xf32, #tpu.memory_space<vmem>> -> memref<1x128x128xf32, #tpu.memory_space<vmem>>
    %dma_start3A_300 = tpu.memref_squeeze %dma_start3A_299 : memref<1x128x128xf32, #tpu.memory_space<vmem>> -> memref<128x128xf32, #tpu.memory_space<vmem>>
    %dma_start3A_301 = arith.constant 128 : i32
    %dma_start3A_302 = tpu.memref_slice %arg18[%mul3A_2, %dma_start3A_301] : memref<4096x1024xf32, #tpu.memory_space<hbm>> -> memref<128x128xf32, #tpu.memory_space<hbm>>
    %dma_start3A_303 = arith.constant 128 : i32
    %dma_start3A_304 = tpu.memref_slice %arg18[%mul3A_2, %dma_start3A_303] : memref<4096x1024xf32, #tpu.memory_space<hbm>> -> memref<128x128xf32, #tpu.memory_space<hbm>>
    %dma_start3A_305 = arith.constant 0 : i32
    %dma_start3A_306 = arith.constant 0 : i32
    %dma_start3A_307 = tpu.memref_slice %arg20[%dma_start3A_296, %dma_start3A_305, %dma_start3A_306] : memref<4x128x128xf32, #tpu.memory_space<vmem>> -> memref<1x128x128xf32, #tpu.memory_space<vmem>>
    %dma_start3A_308 = tpu.memref_squeeze %dma_start3A_307 : memref<1x128x128xf32, #tpu.memory_space<vmem>> -> memref<128x128xf32, #tpu.memory_space<vmem>>
    tpu.enqueue_dma source(%dma_start3A_308 : memref<128x128xf32, #tpu.memory_space<vmem>>) target(%dma_start3A_304 : memref<128x128xf32, #tpu.memory_space<hbm>>) target_semaphore(%arg23 : memref<!tpu.dma_semaphore, #tpu.memory_space<semaphore_mem>>)
    %dma_wait3A_309 = arith.constant 1 : i32
    %dma_wait3A_310 = arith.constant 0 : i32
    %dma_wait3A_311 = arith.constant 0 : i32
    %dma_wait3A_312 = tpu.memref_slice %arg20[%dma_wait3A_309, %dma_wait3A_310, %dma_wait3A_311] : memref<4x128x128xf32, #tpu.memory_space<vmem>> -> memref<1x128x128xf32, #tpu.memory_space<vmem>>
    %dma_wait3A_313 = tpu.memref_squeeze %dma_wait3A_312 : memref<1x128x128xf32, #tpu.memory_space<vmem>> -> memref<128x128xf32, #tpu.memory_space<vmem>>
    %dma_wait3A_314 = arith.constant 128 : i32
    %dma_wait3A_315 = tpu.memref_slice %arg18[%mul3A_2, %dma_wait3A_314] : memref<4096x1024xf32, #tpu.memory_space<hbm>> -> memref<128x128xf32, #tpu.memory_space<hbm>>
    %dma_wait3A_316 = arith.constant 128 : i32
    %dma_wait3A_317 = tpu.memref_slice %arg18[%mul3A_2, %dma_wait3A_316] : memref<4096x1024xf32, #tpu.memory_space<hbm>> -> memref<128x128xf32, #tpu.memory_space<hbm>>
    %dma_wait3A_318 = arith.constant 0 : i32
    %dma_wait3A_319 = arith.constant 0 : i32
    %dma_wait3A_320 = tpu.memref_slice %arg20[%dma_wait3A_309, %dma_wait3A_318, %dma_wait3A_319] : memref<4x128x128xf32, #tpu.memory_space<vmem>> -> memref<1x128x128xf32, #tpu.memory_space<vmem>>
    %dma_wait3A_321 = tpu.memref_squeeze %dma_wait3A_320 : memref<1x128x128xf32, #tpu.memory_space<vmem>> -> memref<128x128xf32, #tpu.memory_space<vmem>>
    tpu.wait_dma2 semaphore(%arg23 : memref<!tpu.dma_semaphore, #tpu.memory_space<semaphore_mem>>) src(%dma_wait3A_321 : memref<128x128xf32, #tpu.memory_space<vmem>>) dst(%dma_wait3A_317 : memref<128x128xf32, #tpu.memory_space<hbm>>)
    %dma_start3A_322 = arith.constant 5 : i32
    %dma_start3A_323 = arith.constant 1 : i32
    %dma_start3A_324 = arith.constant 0 : i32
    %dma_start3A_325 = arith.constant 0 : i32
    %dma_start3A_326 = tpu.memref_slice %arg20[%dma_start3A_323, %dma_start3A_324, %dma_start3A_325] : memref<4x128x128xf32, #tpu.memory_space<vmem>> -> memref<1x128x128xf32, #tpu.memory_space<vmem>>
    %dma_start3A_327 = tpu.memref_squeeze %dma_start3A_326 : memref<1x128x128xf32, #tpu.memory_space<vmem>> -> memref<128x128xf32, #tpu.memory_space<vmem>>
    %dma_start3A_328 = arith.constant 0 : i32
    %dma_start3A_329 = arith.constant 0 : i32
    %dma_start3A_330 = tpu.memref_slice %dma_start3A_327[%dma_start3A_328, %dma_start3A_329] : memref<128x128xf32, #tpu.memory_space<vmem>> -> memref<128x128xf32, #tpu.memory_space<vmem>>
    %dma_start3A_331 = arith.constant 0 : i32
    %dma_start3A_332 = tpu.memref_slice %arg19[%dma_start3A_322, %dma_start3A_331] : memref<8x128xi32, #tpu.memory_space<vmem>> -> memref<1x128xi32, #tpu.memory_space<vmem>>
    %dma_start3A_333 = tpu.memref_squeeze %dma_start3A_332 : memref<1x128xi32, #tpu.memory_space<vmem>> -> memref<128xi32, #tpu.memory_space<vmem>>
    %dma_start3A_334 = arith.constant 0 : i32
    %dma_start3A_335 = arith.constant 0 : i32
    %dma_start3A_336 = tpu.memref_slice %arg15[%dma_start3A_334, %dma_start3A_335] : memref<100000x128xf32, #tpu.memory_space<hbm>> -> memref<100000x128xf32, #tpu.memory_space<hbm>>
    tpu.enqueue_indirect_dma source(%dma_start3A_336 : memref<100000x128xf32, #tpu.memory_space<hbm>>) target(%dma_start3A_330 : memref<128x128xf32, #tpu.memory_space<vmem>>) offsets(%dma_start3A_333 : memref<128xi32, #tpu.memory_space<vmem>>) semaphore(%arg22 : memref<!tpu.dma_semaphore, #tpu.memory_space<semaphore_mem>>)
    %dma_wait3A_337 = arith.constant 2 : i32
    %dma_wait3A_338 = arith.constant 2 : i32
    %dma_wait3A_339 = arith.constant 0 : i32
    %dma_wait3A_340 = arith.constant 0 : i32
    %dma_wait3A_341 = tpu.memref_slice %arg20[%dma_wait3A_338, %dma_wait3A_339, %dma_wait3A_340] : memref<4x128x128xf32, #tpu.memory_space<vmem>> -> memref<1x128x128xf32, #tpu.memory_space<vmem>>
    %dma_wait3A_342 = tpu.memref_squeeze %dma_wait3A_341 : memref<1x128x128xf32, #tpu.memory_space<vmem>> -> memref<128x128xf32, #tpu.memory_space<vmem>>
    %dma_wait3A_343 = arith.constant 0 : i32
    %dma_wait3A_344 = arith.constant 0 : i32
    %dma_wait3A_345 = tpu.memref_slice %dma_wait3A_342[%dma_wait3A_343, %dma_wait3A_344] : memref<128x128xf32, #tpu.memory_space<vmem>> -> memref<128x128xf32, #tpu.memory_space<vmem>>
    %dma_wait3A_346 = arith.constant 0 : i32
    %dma_wait3A_347 = tpu.memref_slice %arg19[%dma_wait3A_337, %dma_wait3A_346] : memref<8x128xi32, #tpu.memory_space<vmem>> -> memref<1x128xi32, #tpu.memory_space<vmem>>
    %dma_wait3A_348 = tpu.memref_squeeze %dma_wait3A_347 : memref<1x128xi32, #tpu.memory_space<vmem>> -> memref<128xi32, #tpu.memory_space<vmem>>
    %dma_wait3A_349 = arith.constant 0 : i32
    %dma_wait3A_350 = arith.constant 0 : i32
    %dma_wait3A_351 = tpu.memref_slice %arg12[%dma_wait3A_349, %dma_wait3A_350] : memref<100000x128xf32, #tpu.memory_space<hbm>> -> memref<100000x128xf32, #tpu.memory_space<hbm>>
    tpu.wait_indirect_dma semaphore(%arg22 : memref<!tpu.dma_semaphore, #tpu.memory_space<semaphore_mem>>) src(%dma_wait3A_351 : memref<100000x128xf32, #tpu.memory_space<hbm>>) dst(%dma_wait3A_345 : memref<128x128xf32, #tpu.memory_space<vmem>>)
    %dma_start3A_352 = arith.constant 2 : i32
    %dma_start3A_353 = arith.constant 0 : i32
    %dma_start3A_354 = arith.constant 0 : i32
    %dma_start3A_355 = tpu.memref_slice %arg20[%dma_start3A_352, %dma_start3A_353, %dma_start3A_354] : memref<4x128x128xf32, #tpu.memory_space<vmem>> -> memref<1x128x128xf32, #tpu.memory_space<vmem>>
    %dma_start3A_356 = tpu.memref_squeeze %dma_start3A_355 : memref<1x128x128xf32, #tpu.memory_space<vmem>> -> memref<128x128xf32, #tpu.memory_space<vmem>>
    %dma_start3A_357 = arith.constant 256 : i32
    %dma_start3A_358 = tpu.memref_slice %arg18[%mul3A_2, %dma_start3A_357] : memref<4096x1024xf32, #tpu.memory_space<hbm>> -> memref<128x128xf32, #tpu.memory_space<hbm>>
    %dma_start3A_359 = arith.constant 256 : i32
    %dma_start3A_360 = tpu.memref_slice %arg18[%mul3A_2, %dma_start3A_359] : memref<4096x1024xf32, #tpu.memory_space<hbm>> -> memref<128x128xf32, #tpu.memory_space<hbm>>
    %dma_start3A_361 = arith.constant 0 : i32
    %dma_start3A_362 = arith.constant 0 : i32
    %dma_start3A_363 = tpu.memref_slice %arg20[%dma_start3A_352, %dma_start3A_361, %dma_start3A_362] : memref<4x128x128xf32, #tpu.memory_space<vmem>> -> memref<1x128x128xf32, #tpu.memory_space<vmem>>
    %dma_start3A_364 = tpu.memref_squeeze %dma_start3A_363 : memref<1x128x128xf32, #tpu.memory_space<vmem>> -> memref<128x128xf32, #tpu.memory_space<vmem>>
    tpu.enqueue_dma source(%dma_start3A_364 : memref<128x128xf32, #tpu.memory_space<vmem>>) target(%dma_start3A_360 : memref<128x128xf32, #tpu.memory_space<hbm>>) target_semaphore(%arg23 : memref<!tpu.dma_semaphore, #tpu.memory_space<semaphore_mem>>)
    %dma_wait3A_365 = arith.constant 2 : i32
    %dma_wait3A_366 = arith.constant 0 : i32
    %dma_wait3A_367 = arith.constant 0 : i32
    %dma_wait3A_368 = tpu.memref_slice %arg20[%dma_wait3A_365, %dma_wait3A_366, %dma_wait3A_367] : memref<4x128x128xf32, #tpu.memory_space<vmem>> -> memref<1x128x128xf32, #tpu.memory_space<vmem>>
    %dma_wait3A_369 = tpu.memref_squeeze %dma_wait3A_368 : memref<1x128x128xf32, #tpu.memory_space<vmem>> -> memref<128x128xf32, #tpu.memory_space<vmem>>
    %dma_wait3A_370 = arith.constant 256 : i32
    %dma_wait3A_371 = tpu.memref_slice %arg18[%mul3A_2, %dma_wait3A_370] : memref<4096x1024xf32, #tpu.memory_space<hbm>> -> memref<128x128xf32, #tpu.memory_space<hbm>>
    %dma_wait3A_372 = arith.constant 256 : i32
    %dma_wait3A_373 = tpu.memref_slice %arg18[%mul3A_2, %dma_wait3A_372] : memref<4096x1024xf32, #tpu.memory_space<hbm>> -> memref<128x128xf32, #tpu.memory_space<hbm>>
    %dma_wait3A_374 = arith.constant 0 : i32
    %dma_wait3A_375 = arith.constant 0 : i32
    %dma_wait3A_376 = tpu.memref_slice %arg20[%dma_wait3A_365, %dma_wait3A_374, %dma_wait3A_375] : memref<4x128x128xf32, #tpu.memory_space<vmem>> -> memref<1x128x128xf32, #tpu.memory_space<vmem>>
    %dma_wait3A_377 = tpu.memref_squeeze %dma_wait3A_376 : memref<1x128x128xf32, #tpu.memory_space<vmem>> -> memref<128x128xf32, #tpu.memory_space<vmem>>
    tpu.wait_dma2 semaphore(%arg23 : memref<!tpu.dma_semaphore, #tpu.memory_space<semaphore_mem>>) src(%dma_wait3A_377 : memref<128x128xf32, #tpu.memory_space<vmem>>) dst(%dma_wait3A_373 : memref<128x128xf32, #tpu.memory_space<hbm>>)
    %dma_start3A_378 = arith.constant 6 : i32
    %dma_start3A_379 = arith.constant 2 : i32
    %dma_start3A_380 = arith.constant 0 : i32
    %dma_start3A_381 = arith.constant 0 : i32
    %dma_start3A_382 = tpu.memref_slice %arg20[%dma_start3A_379, %dma_start3A_380, %dma_start3A_381] : memref<4x128x128xf32, #tpu.memory_space<vmem>> -> memref<1x128x128xf32, #tpu.memory_space<vmem>>
    %dma_start3A_383 = tpu.memref_squeeze %dma_start3A_382 : memref<1x128x128xf32, #tpu.memory_space<vmem>> -> memref<128x128xf32, #tpu.memory_space<vmem>>
    %dma_start3A_384 = arith.constant 0 : i32
    %dma_start3A_385 = arith.constant 0 : i32
    %dma_start3A_386 = tpu.memref_slice %dma_start3A_383[%dma_start3A_384, %dma_start3A_385] : memref<128x128xf32, #tpu.memory_space<vmem>> -> memref<128x128xf32, #tpu.memory_space<vmem>>
    %dma_start3A_387 = arith.constant 0 : i32
    %dma_start3A_388 = tpu.memref_slice %arg19[%dma_start3A_378, %dma_start3A_387] : memref<8x128xi32, #tpu.memory_space<vmem>> -> memref<1x128xi32, #tpu.memory_space<vmem>>
    %dma_start3A_389 = tpu.memref_squeeze %dma_start3A_388 : memref<1x128xi32, #tpu.memory_space<vmem>> -> memref<128xi32, #tpu.memory_space<vmem>>
    %dma_start3A_390 = arith.constant 0 : i32
    %dma_start3A_391 = arith.constant 0 : i32
    %dma_start3A_392 = tpu.memref_slice %arg16[%dma_start3A_390, %dma_start3A_391] : memref<100000x128xf32, #tpu.memory_space<hbm>> -> memref<100000x128xf32, #tpu.memory_space<hbm>>
    tpu.enqueue_indirect_dma source(%dma_start3A_392 : memref<100000x128xf32, #tpu.memory_space<hbm>>) target(%dma_start3A_386 : memref<128x128xf32, #tpu.memory_space<vmem>>) offsets(%dma_start3A_389 : memref<128xi32, #tpu.memory_space<vmem>>) semaphore(%arg22 : memref<!tpu.dma_semaphore, #tpu.memory_space<semaphore_mem>>)
    %dma_wait3A_393 = arith.constant 3 : i32
    %dma_wait3A_394 = arith.constant 3 : i32
    %dma_wait3A_395 = arith.constant 0 : i32
    %dma_wait3A_396 = arith.constant 0 : i32
    %dma_wait3A_397 = tpu.memref_slice %arg20[%dma_wait3A_394, %dma_wait3A_395, %dma_wait3A_396] : memref<4x128x128xf32, #tpu.memory_space<vmem>> -> memref<1x128x128xf32, #tpu.memory_space<vmem>>
    %dma_wait3A_398 = tpu.memref_squeeze %dma_wait3A_397 : memref<1x128x128xf32, #tpu.memory_space<vmem>> -> memref<128x128xf32, #tpu.memory_space<vmem>>
    %dma_wait3A_399 = arith.constant 0 : i32
    %dma_wait3A_400 = arith.constant 0 : i32
    %dma_wait3A_401 = tpu.memref_slice %dma_wait3A_398[%dma_wait3A_399, %dma_wait3A_400] : memref<128x128xf32, #tpu.memory_space<vmem>> -> memref<128x128xf32, #tpu.memory_space<vmem>>
    %dma_wait3A_402 = arith.constant 0 : i32
    %dma_wait3A_403 = tpu.memref_slice %arg19[%dma_wait3A_393, %dma_wait3A_402] : memref<8x128xi32, #tpu.memory_space<vmem>> -> memref<1x128xi32, #tpu.memory_space<vmem>>
    %dma_wait3A_404 = tpu.memref_squeeze %dma_wait3A_403 : memref<1x128xi32, #tpu.memory_space<vmem>> -> memref<128xi32, #tpu.memory_space<vmem>>
    %dma_wait3A_405 = arith.constant 0 : i32
    %dma_wait3A_406 = arith.constant 0 : i32
    %dma_wait3A_407 = tpu.memref_slice %arg13[%dma_wait3A_405, %dma_wait3A_406] : memref<100000x128xf32, #tpu.memory_space<hbm>> -> memref<100000x128xf32, #tpu.memory_space<hbm>>
    tpu.wait_indirect_dma semaphore(%arg22 : memref<!tpu.dma_semaphore, #tpu.memory_space<semaphore_mem>>) src(%dma_wait3A_407 : memref<100000x128xf32, #tpu.memory_space<hbm>>) dst(%dma_wait3A_401 : memref<128x128xf32, #tpu.memory_space<vmem>>)
    %dma_start3A_408 = arith.constant 3 : i32
    %dma_start3A_409 = arith.constant 0 : i32
    %dma_start3A_410 = arith.constant 0 : i32
    %dma_start3A_411 = tpu.memref_slice %arg20[%dma_start3A_408, %dma_start3A_409, %dma_start3A_410] : memref<4x128x128xf32, #tpu.memory_space<vmem>> -> memref<1x128x128xf32, #tpu.memory_space<vmem>>
    %dma_start3A_412 = tpu.memref_squeeze %dma_start3A_411 : memref<1x128x128xf32, #tpu.memory_space<vmem>> -> memref<128x128xf32, #tpu.memory_space<vmem>>
    %dma_start3A_413 = arith.constant 384 : i32
    %dma_start3A_414 = tpu.memref_slice %arg18[%mul3A_2, %dma_start3A_413] : memref<4096x1024xf32, #tpu.memory_space<hbm>> -> memref<128x128xf32, #tpu.memory_space<hbm>>
    %dma_start3A_415 = arith.constant 384 : i32
    %dma_start3A_416 = tpu.memref_slice %arg18[%mul3A_2, %dma_start3A_415] : memref<4096x1024xf32, #tpu.memory_space<hbm>> -> memref<128x128xf32, #tpu.memory_space<hbm>>
    %dma_start3A_417 = arith.constant 0 : i32
    %dma_start3A_418 = arith.constant 0 : i32
    %dma_start3A_419 = tpu.memref_slice %arg20[%dma_start3A_408, %dma_start3A_417, %dma_start3A_418] : memref<4x128x128xf32, #tpu.memory_space<vmem>> -> memref<1x128x128xf32, #tpu.memory_space<vmem>>
    %dma_start3A_420 = tpu.memref_squeeze %dma_start3A_419 : memref<1x128x128xf32, #tpu.memory_space<vmem>> -> memref<128x128xf32, #tpu.memory_space<vmem>>
    tpu.enqueue_dma source(%dma_start3A_420 : memref<128x128xf32, #tpu.memory_space<vmem>>) target(%dma_start3A_416 : memref<128x128xf32, #tpu.memory_space<hbm>>) target_semaphore(%arg23 : memref<!tpu.dma_semaphore, #tpu.memory_space<semaphore_mem>>)
    %dma_wait3A_421 = arith.constant 3 : i32
    %dma_wait3A_422 = arith.constant 0 : i32
    %dma_wait3A_423 = arith.constant 0 : i32
    %dma_wait3A_424 = tpu.memref_slice %arg20[%dma_wait3A_421, %dma_wait3A_422, %dma_wait3A_423] : memref<4x128x128xf32, #tpu.memory_space<vmem>> -> memref<1x128x128xf32, #tpu.memory_space<vmem>>
    %dma_wait3A_425 = tpu.memref_squeeze %dma_wait3A_424 : memref<1x128x128xf32, #tpu.memory_space<vmem>> -> memref<128x128xf32, #tpu.memory_space<vmem>>
    %dma_wait3A_426 = arith.constant 384 : i32
    %dma_wait3A_427 = tpu.memref_slice %arg18[%mul3A_2, %dma_wait3A_426] : memref<4096x1024xf32, #tpu.memory_space<hbm>> -> memref<128x128xf32, #tpu.memory_space<hbm>>
    %dma_wait3A_428 = arith.constant 384 : i32
    %dma_wait3A_429 = tpu.memref_slice %arg18[%mul3A_2, %dma_wait3A_428] : memref<4096x1024xf32, #tpu.memory_space<hbm>> -> memref<128x128xf32, #tpu.memory_space<hbm>>
    %dma_wait3A_430 = arith.constant 0 : i32
    %dma_wait3A_431 = arith.constant 0 : i32
    %dma_wait3A_432 = tpu.memref_slice %arg20[%dma_wait3A_421, %dma_wait3A_430, %dma_wait3A_431] : memref<4x128x128xf32, #tpu.memory_space<vmem>> -> memref<1x128x128xf32, #tpu.memory_space<vmem>>
    %dma_wait3A_433 = tpu.memref_squeeze %dma_wait3A_432 : memref<1x128x128xf32, #tpu.memory_space<vmem>> -> memref<128x128xf32, #tpu.memory_space<vmem>>
    tpu.wait_dma2 semaphore(%arg23 : memref<!tpu.dma_semaphore, #tpu.memory_space<semaphore_mem>>) src(%dma_wait3A_433 : memref<128x128xf32, #tpu.memory_space<vmem>>) dst(%dma_wait3A_429 : memref<128x128xf32, #tpu.memory_space<hbm>>)
    %dma_start3A_434 = arith.constant 7 : i32
    %dma_start3A_435 = arith.constant 3 : i32
    %dma_start3A_436 = arith.constant 0 : i32
    %dma_start3A_437 = arith.constant 0 : i32
    %dma_start3A_438 = tpu.memref_slice %arg20[%dma_start3A_435, %dma_start3A_436, %dma_start3A_437] : memref<4x128x128xf32, #tpu.memory_space<vmem>> -> memref<1x128x128xf32, #tpu.memory_space<vmem>>
    %dma_start3A_439 = tpu.memref_squeeze %dma_start3A_438 : memref<1x128x128xf32, #tpu.memory_space<vmem>> -> memref<128x128xf32, #tpu.memory_space<vmem>>
    %dma_start3A_440 = arith.constant 0 : i32
    %dma_start3A_441 = arith.constant 0 : i32
    %dma_start3A_442 = tpu.memref_slice %dma_start3A_439[%dma_start3A_440, %dma_start3A_441] : memref<128x128xf32, #tpu.memory_space<vmem>> -> memref<128x128xf32, #tpu.memory_space<vmem>>
    %dma_start3A_443 = arith.constant 0 : i32
    %dma_start3A_444 = tpu.memref_slice %arg19[%dma_start3A_434, %dma_start3A_443] : memref<8x128xi32, #tpu.memory_space<vmem>> -> memref<1x128xi32, #tpu.memory_space<vmem>>
    %dma_start3A_445 = tpu.memref_squeeze %dma_start3A_444 : memref<1x128xi32, #tpu.memory_space<vmem>> -> memref<128xi32, #tpu.memory_space<vmem>>
    %dma_start3A_446 = arith.constant 0 : i32
    %dma_start3A_447 = arith.constant 0 : i32
    %dma_start3A_448 = tpu.memref_slice %arg17[%dma_start3A_446, %dma_start3A_447] : memref<100000x128xf32, #tpu.memory_space<hbm>> -> memref<100000x128xf32, #tpu.memory_space<hbm>>
    tpu.enqueue_indirect_dma source(%dma_start3A_448 : memref<100000x128xf32, #tpu.memory_space<hbm>>) target(%dma_start3A_442 : memref<128x128xf32, #tpu.memory_space<vmem>>) offsets(%dma_start3A_445 : memref<128xi32, #tpu.memory_space<vmem>>) semaphore(%arg22 : memref<!tpu.dma_semaphore, #tpu.memory_space<semaphore_mem>>)
    %dma_wait3A_449 = arith.constant 4 : i32
    %dma_wait3A_450 = arith.constant 0 : i32
    %dma_wait3A_451 = arith.constant 0 : i32
    %dma_wait3A_452 = arith.constant 0 : i32
    %dma_wait3A_453 = tpu.memref_slice %arg20[%dma_wait3A_450, %dma_wait3A_451, %dma_wait3A_452] : memref<4x128x128xf32, #tpu.memory_space<vmem>> -> memref<1x128x128xf32, #tpu.memory_space<vmem>>
    %dma_wait3A_454 = tpu.memref_squeeze %dma_wait3A_453 : memref<1x128x128xf32, #tpu.memory_space<vmem>> -> memref<128x128xf32, #tpu.memory_space<vmem>>
    %dma_wait3A_455 = arith.constant 0 : i32
    %dma_wait3A_456 = arith.constant 0 : i32
    %dma_wait3A_457 = tpu.memref_slice %dma_wait3A_454[%dma_wait3A_455, %dma_wait3A_456] : memref<128x128xf32, #tpu.memory_space<vmem>> -> memref<128x128xf32, #tpu.memory_space<vmem>>
    %dma_wait3A_458 = arith.constant 0 : i32
    %dma_wait3A_459 = tpu.memref_slice %arg19[%dma_wait3A_449, %dma_wait3A_458] : memref<8x128xi32, #tpu.memory_space<vmem>> -> memref<1x128xi32, #tpu.memory_space<vmem>>
    %dma_wait3A_460 = tpu.memref_squeeze %dma_wait3A_459 : memref<1x128xi32, #tpu.memory_space<vmem>> -> memref<128xi32, #tpu.memory_space<vmem>>
    %dma_wait3A_461 = arith.constant 0 : i32
    %dma_wait3A_462 = arith.constant 0 : i32
    %dma_wait3A_463 = tpu.memref_slice %arg14[%dma_wait3A_461, %dma_wait3A_462] : memref<100000x128xf32, #tpu.memory_space<hbm>> -> memref<100000x128xf32, #tpu.memory_space<hbm>>
    tpu.wait_indirect_dma semaphore(%arg22 : memref<!tpu.dma_semaphore, #tpu.memory_space<semaphore_mem>>) src(%dma_wait3A_463 : memref<100000x128xf32, #tpu.memory_space<hbm>>) dst(%dma_wait3A_457 : memref<128x128xf32, #tpu.memory_space<vmem>>)
    %dma_start3A_464 = arith.constant 0 : i32
    %dma_start3A_465 = arith.constant 0 : i32
    %dma_start3A_466 = arith.constant 0 : i32
    %dma_start3A_467 = tpu.memref_slice %arg20[%dma_start3A_464, %dma_start3A_465, %dma_start3A_466] : memref<4x128x128xf32, #tpu.memory_space<vmem>> -> memref<1x128x128xf32, #tpu.memory_space<vmem>>
    %dma_start3A_468 = tpu.memref_squeeze %dma_start3A_467 : memref<1x128x128xf32, #tpu.memory_space<vmem>> -> memref<128x128xf32, #tpu.memory_space<vmem>>
    %dma_start3A_469 = arith.constant 512 : i32
    %dma_start3A_470 = tpu.memref_slice %arg18[%mul3A_2, %dma_start3A_469] : memref<4096x1024xf32, #tpu.memory_space<hbm>> -> memref<128x128xf32, #tpu.memory_space<hbm>>
    %dma_start3A_471 = arith.constant 512 : i32
    %dma_start3A_472 = tpu.memref_slice %arg18[%mul3A_2, %dma_start3A_471] : memref<4096x1024xf32, #tpu.memory_space<hbm>> -> memref<128x128xf32, #tpu.memory_space<hbm>>
    %dma_start3A_473 = arith.constant 0 : i32
    %dma_start3A_474 = arith.constant 0 : i32
    %dma_start3A_475 = tpu.memref_slice %arg20[%dma_start3A_464, %dma_start3A_473, %dma_start3A_474] : memref<4x128x128xf32, #tpu.memory_space<vmem>> -> memref<1x128x128xf32, #tpu.memory_space<vmem>>
    %dma_start3A_476 = tpu.memref_squeeze %dma_start3A_475 : memref<1x128x128xf32, #tpu.memory_space<vmem>> -> memref<128x128xf32, #tpu.memory_space<vmem>>
    tpu.enqueue_dma source(%dma_start3A_476 : memref<128x128xf32, #tpu.memory_space<vmem>>) target(%dma_start3A_472 : memref<128x128xf32, #tpu.memory_space<hbm>>) target_semaphore(%arg23 : memref<!tpu.dma_semaphore, #tpu.memory_space<semaphore_mem>>)
    %dma_wait3A_477 = arith.constant 5 : i32
    %dma_wait3A_478 = arith.constant 1 : i32
    %dma_wait3A_479 = arith.constant 0 : i32
    %dma_wait3A_480 = arith.constant 0 : i32
    %dma_wait3A_481 = tpu.memref_slice %arg20[%dma_wait3A_478, %dma_wait3A_479, %dma_wait3A_480] : memref<4x128x128xf32, #tpu.memory_space<vmem>> -> memref<1x128x128xf32, #tpu.memory_space<vmem>>
    %dma_wait3A_482 = tpu.memref_squeeze %dma_wait3A_481 : memref<1x128x128xf32, #tpu.memory_space<vmem>> -> memref<128x128xf32, #tpu.memory_space<vmem>>
    %dma_wait3A_483 = arith.constant 0 : i32
    %dma_wait3A_484 = arith.constant 0 : i32
    %dma_wait3A_485 = tpu.memref_slice %dma_wait3A_482[%dma_wait3A_483, %dma_wait3A_484] : memref<128x128xf32, #tpu.memory_space<vmem>> -> memref<128x128xf32, #tpu.memory_space<vmem>>
    %dma_wait3A_486 = arith.constant 0 : i32
    %dma_wait3A_487 = tpu.memref_slice %arg19[%dma_wait3A_477, %dma_wait3A_486] : memref<8x128xi32, #tpu.memory_space<vmem>> -> memref<1x128xi32, #tpu.memory_space<vmem>>
    %dma_wait3A_488 = tpu.memref_squeeze %dma_wait3A_487 : memref<1x128xi32, #tpu.memory_space<vmem>> -> memref<128xi32, #tpu.memory_space<vmem>>
    %dma_wait3A_489 = arith.constant 0 : i32
    %dma_wait3A_490 = arith.constant 0 : i32
    %dma_wait3A_491 = tpu.memref_slice %arg15[%dma_wait3A_489, %dma_wait3A_490] : memref<100000x128xf32, #tpu.memory_space<hbm>> -> memref<100000x128xf32, #tpu.memory_space<hbm>>
    tpu.wait_indirect_dma semaphore(%arg22 : memref<!tpu.dma_semaphore, #tpu.memory_space<semaphore_mem>>) src(%dma_wait3A_491 : memref<100000x128xf32, #tpu.memory_space<hbm>>) dst(%dma_wait3A_485 : memref<128x128xf32, #tpu.memory_space<vmem>>)
    %dma_start3A_492 = arith.constant 1 : i32
    %dma_start3A_493 = arith.constant 0 : i32
    %dma_start3A_494 = arith.constant 0 : i32
    %dma_start3A_495 = tpu.memref_slice %arg20[%dma_start3A_492, %dma_start3A_493, %dma_start3A_494] : memref<4x128x128xf32, #tpu.memory_space<vmem>> -> memref<1x128x128xf32, #tpu.memory_space<vmem>>
    %dma_start3A_496 = tpu.memref_squeeze %dma_start3A_495 : memref<1x128x128xf32, #tpu.memory_space<vmem>> -> memref<128x128xf32, #tpu.memory_space<vmem>>
    %dma_start3A_497 = arith.constant 640 : i32
    %dma_start3A_498 = tpu.memref_slice %arg18[%mul3A_2, %dma_start3A_497] : memref<4096x1024xf32, #tpu.memory_space<hbm>> -> memref<128x128xf32, #tpu.memory_space<hbm>>
    %dma_start3A_499 = arith.constant 640 : i32
    %dma_start3A_500 = tpu.memref_slice %arg18[%mul3A_2, %dma_start3A_499] : memref<4096x1024xf32, #tpu.memory_space<hbm>> -> memref<128x128xf32, #tpu.memory_space<hbm>>
    %dma_start3A_501 = arith.constant 0 : i32
    %dma_start3A_502 = arith.constant 0 : i32
    %dma_start3A_503 = tpu.memref_slice %arg20[%dma_start3A_492, %dma_start3A_501, %dma_start3A_502] : memref<4x128x128xf32, #tpu.memory_space<vmem>> -> memref<1x128x128xf32, #tpu.memory_space<vmem>>
    %dma_start3A_504 = tpu.memref_squeeze %dma_start3A_503 : memref<1x128x128xf32, #tpu.memory_space<vmem>> -> memref<128x128xf32, #tpu.memory_space<vmem>>
    tpu.enqueue_dma source(%dma_start3A_504 : memref<128x128xf32, #tpu.memory_space<vmem>>) target(%dma_start3A_500 : memref<128x128xf32, #tpu.memory_space<hbm>>) target_semaphore(%arg23 : memref<!tpu.dma_semaphore, #tpu.memory_space<semaphore_mem>>)
    %dma_wait3A_505 = arith.constant 6 : i32
    %dma_wait3A_506 = arith.constant 2 : i32
    %dma_wait3A_507 = arith.constant 0 : i32
    %dma_wait3A_508 = arith.constant 0 : i32
    %dma_wait3A_509 = tpu.memref_slice %arg20[%dma_wait3A_506, %dma_wait3A_507, %dma_wait3A_508] : memref<4x128x128xf32, #tpu.memory_space<vmem>> -> memref<1x128x128xf32, #tpu.memory_space<vmem>>
    %dma_wait3A_510 = tpu.memref_squeeze %dma_wait3A_509 : memref<1x128x128xf32, #tpu.memory_space<vmem>> -> memref<128x128xf32, #tpu.memory_space<vmem>>
    %dma_wait3A_511 = arith.constant 0 : i32
    %dma_wait3A_512 = arith.constant 0 : i32
    %dma_wait3A_513 = tpu.memref_slice %dma_wait3A_510[%dma_wait3A_511, %dma_wait3A_512] : memref<128x128xf32, #tpu.memory_space<vmem>> -> memref<128x128xf32, #tpu.memory_space<vmem>>
    %dma_wait3A_514 = arith.constant 0 : i32
    %dma_wait3A_515 = tpu.memref_slice %arg19[%dma_wait3A_505, %dma_wait3A_514] : memref<8x128xi32, #tpu.memory_space<vmem>> -> memref<1x128xi32, #tpu.memory_space<vmem>>
    %dma_wait3A_516 = tpu.memref_squeeze %dma_wait3A_515 : memref<1x128xi32, #tpu.memory_space<vmem>> -> memref<128xi32, #tpu.memory_space<vmem>>
    %dma_wait3A_517 = arith.constant 0 : i32
    %dma_wait3A_518 = arith.constant 0 : i32
    %dma_wait3A_519 = tpu.memref_slice %arg16[%dma_wait3A_517, %dma_wait3A_518] : memref<100000x128xf32, #tpu.memory_space<hbm>> -> memref<100000x128xf32, #tpu.memory_space<hbm>>
    tpu.wait_indirect_dma semaphore(%arg22 : memref<!tpu.dma_semaphore, #tpu.memory_space<semaphore_mem>>) src(%dma_wait3A_519 : memref<100000x128xf32, #tpu.memory_space<hbm>>) dst(%dma_wait3A_513 : memref<128x128xf32, #tpu.memory_space<vmem>>)
    %dma_start3A_520 = arith.constant 2 : i32
    %dma_start3A_521 = arith.constant 0 : i32
    %dma_start3A_522 = arith.constant 0 : i32
    %dma_start3A_523 = tpu.memref_slice %arg20[%dma_start3A_520, %dma_start3A_521, %dma_start3A_522] : memref<4x128x128xf32, #tpu.memory_space<vmem>> -> memref<1x128x128xf32, #tpu.memory_space<vmem>>
    %dma_start3A_524 = tpu.memref_squeeze %dma_start3A_523 : memref<1x128x128xf32, #tpu.memory_space<vmem>> -> memref<128x128xf32, #tpu.memory_space<vmem>>
    %dma_start3A_525 = arith.constant 768 : i32
    %dma_start3A_526 = tpu.memref_slice %arg18[%mul3A_2, %dma_start3A_525] : memref<4096x1024xf32, #tpu.memory_space<hbm>> -> memref<128x128xf32, #tpu.memory_space<hbm>>
    %dma_start3A_527 = arith.constant 768 : i32
    %dma_start3A_528 = tpu.memref_slice %arg18[%mul3A_2, %dma_start3A_527] : memref<4096x1024xf32, #tpu.memory_space<hbm>> -> memref<128x128xf32, #tpu.memory_space<hbm>>
    %dma_start3A_529 = arith.constant 0 : i32
    %dma_start3A_530 = arith.constant 0 : i32
    %dma_start3A_531 = tpu.memref_slice %arg20[%dma_start3A_520, %dma_start3A_529, %dma_start3A_530] : memref<4x128x128xf32, #tpu.memory_space<vmem>> -> memref<1x128x128xf32, #tpu.memory_space<vmem>>
    %dma_start3A_532 = tpu.memref_squeeze %dma_start3A_531 : memref<1x128x128xf32, #tpu.memory_space<vmem>> -> memref<128x128xf32, #tpu.memory_space<vmem>>
    tpu.enqueue_dma source(%dma_start3A_532 : memref<128x128xf32, #tpu.memory_space<vmem>>) target(%dma_start3A_528 : memref<128x128xf32, #tpu.memory_space<hbm>>) target_semaphore(%arg23 : memref<!tpu.dma_semaphore, #tpu.memory_space<semaphore_mem>>)
    %dma_wait3A_533 = arith.constant 7 : i32
    %dma_wait3A_534 = arith.constant 3 : i32
    %dma_wait3A_535 = arith.constant 0 : i32
    %dma_wait3A_536 = arith.constant 0 : i32
    %dma_wait3A_537 = tpu.memref_slice %arg20[%dma_wait3A_534, %dma_wait3A_535, %dma_wait3A_536] : memref<4x128x128xf32, #tpu.memory_space<vmem>> -> memref<1x128x128xf32, #tpu.memory_space<vmem>>
    %dma_wait3A_538 = tpu.memref_squeeze %dma_wait3A_537 : memref<1x128x128xf32, #tpu.memory_space<vmem>> -> memref<128x128xf32, #tpu.memory_space<vmem>>
    %dma_wait3A_539 = arith.constant 0 : i32
    %dma_wait3A_540 = arith.constant 0 : i32
    %dma_wait3A_541 = tpu.memref_slice %dma_wait3A_538[%dma_wait3A_539, %dma_wait3A_540] : memref<128x128xf32, #tpu.memory_space<vmem>> -> memref<128x128xf32, #tpu.memory_space<vmem>>
    %dma_wait3A_542 = arith.constant 0 : i32
    %dma_wait3A_543 = tpu.memref_slice %arg19[%dma_wait3A_533, %dma_wait3A_542] : memref<8x128xi32, #tpu.memory_space<vmem>> -> memref<1x128xi32, #tpu.memory_space<vmem>>
    %dma_wait3A_544 = tpu.memref_squeeze %dma_wait3A_543 : memref<1x128xi32, #tpu.memory_space<vmem>> -> memref<128xi32, #tpu.memory_space<vmem>>
    %dma_wait3A_545 = arith.constant 0 : i32
    %dma_wait3A_546 = arith.constant 0 : i32
    %dma_wait3A_547 = tpu.memref_slice %arg17[%dma_wait3A_545, %dma_wait3A_546] : memref<100000x128xf32, #tpu.memory_space<hbm>> -> memref<100000x128xf32, #tpu.memory_space<hbm>>
    tpu.wait_indirect_dma semaphore(%arg22 : memref<!tpu.dma_semaphore, #tpu.memory_space<semaphore_mem>>) src(%dma_wait3A_547 : memref<100000x128xf32, #tpu.memory_space<hbm>>) dst(%dma_wait3A_541 : memref<128x128xf32, #tpu.memory_space<vmem>>)
    %dma_start3A_548 = arith.constant 3 : i32
    %dma_start3A_549 = arith.constant 0 : i32
    %dma_start3A_550 = arith.constant 0 : i32
    %dma_start3A_551 = tpu.memref_slice %arg20[%dma_start3A_548, %dma_start3A_549, %dma_start3A_550] : memref<4x128x128xf32, #tpu.memory_space<vmem>> -> memref<1x128x128xf32, #tpu.memory_space<vmem>>
    %dma_start3A_552 = tpu.memref_squeeze %dma_start3A_551 : memref<1x128x128xf32, #tpu.memory_space<vmem>> -> memref<128x128xf32, #tpu.memory_space<vmem>>
    %dma_start3A_553 = arith.constant 896 : i32
    %dma_start3A_554 = tpu.memref_slice %arg18[%mul3A_2, %dma_start3A_553] : memref<4096x1024xf32, #tpu.memory_space<hbm>> -> memref<128x128xf32, #tpu.memory_space<hbm>>
    %dma_start3A_555 = arith.constant 896 : i32
    %dma_start3A_556 = tpu.memref_slice %arg18[%mul3A_2, %dma_start3A_555] : memref<4096x1024xf32, #tpu.memory_space<hbm>> -> memref<128x128xf32, #tpu.memory_space<hbm>>
    %dma_start3A_557 = arith.constant 0 : i32
    %dma_start3A_558 = arith.constant 0 : i32
    %dma_start3A_559 = tpu.memref_slice %arg20[%dma_start3A_548, %dma_start3A_557, %dma_start3A_558] : memref<4x128x128xf32, #tpu.memory_space<vmem>> -> memref<1x128x128xf32, #tpu.memory_space<vmem>>
    %dma_start3A_560 = tpu.memref_squeeze %dma_start3A_559 : memref<1x128x128xf32, #tpu.memory_space<vmem>> -> memref<128x128xf32, #tpu.memory_space<vmem>>
    tpu.enqueue_dma source(%dma_start3A_560 : memref<128x128xf32, #tpu.memory_space<vmem>>) target(%dma_start3A_556 : memref<128x128xf32, #tpu.memory_space<hbm>>) target_semaphore(%arg23 : memref<!tpu.dma_semaphore, #tpu.memory_space<semaphore_mem>>)
    %dma_wait3A_561 = arith.constant 0 : i32
    %dma_wait3A_562 = arith.constant 0 : i32
    %dma_wait3A_563 = arith.constant 0 : i32
    %dma_wait3A_564 = tpu.memref_slice %arg20[%dma_wait3A_561, %dma_wait3A_562, %dma_wait3A_563] : memref<4x128x128xf32, #tpu.memory_space<vmem>> -> memref<1x128x128xf32, #tpu.memory_space<vmem>>
    %dma_wait3A_565 = tpu.memref_squeeze %dma_wait3A_564 : memref<1x128x128xf32, #tpu.memory_space<vmem>> -> memref<128x128xf32, #tpu.memory_space<vmem>>
    %dma_wait3A_566 = arith.constant 512 : i32
    %dma_wait3A_567 = tpu.memref_slice %arg18[%mul3A_2, %dma_wait3A_566] : memref<4096x1024xf32, #tpu.memory_space<hbm>> -> memref<128x128xf32, #tpu.memory_space<hbm>>
    %dma_wait3A_568 = arith.constant 512 : i32
    %dma_wait3A_569 = tpu.memref_slice %arg18[%mul3A_2, %dma_wait3A_568] : memref<4096x1024xf32, #tpu.memory_space<hbm>> -> memref<128x128xf32, #tpu.memory_space<hbm>>
    %dma_wait3A_570 = arith.constant 0 : i32
    %dma_wait3A_571 = arith.constant 0 : i32
    %dma_wait3A_572 = tpu.memref_slice %arg20[%dma_wait3A_561, %dma_wait3A_570, %dma_wait3A_571] : memref<4x128x128xf32, #tpu.memory_space<vmem>> -> memref<1x128x128xf32, #tpu.memory_space<vmem>>
    %dma_wait3A_573 = tpu.memref_squeeze %dma_wait3A_572 : memref<1x128x128xf32, #tpu.memory_space<vmem>> -> memref<128x128xf32, #tpu.memory_space<vmem>>
    tpu.wait_dma2 semaphore(%arg23 : memref<!tpu.dma_semaphore, #tpu.memory_space<semaphore_mem>>) src(%dma_wait3A_573 : memref<128x128xf32, #tpu.memory_space<vmem>>) dst(%dma_wait3A_569 : memref<128x128xf32, #tpu.memory_space<hbm>>)
    %dma_wait3A_574 = arith.constant 1 : i32
    %dma_wait3A_575 = arith.constant 0 : i32
    %dma_wait3A_576 = arith.constant 0 : i32
    %dma_wait3A_577 = tpu.memref_slice %arg20[%dma_wait3A_574, %dma_wait3A_575, %dma_wait3A_576] : memref<4x128x128xf32, #tpu.memory_space<vmem>> -> memref<1x128x128xf32, #tpu.memory_space<vmem>>
    %dma_wait3A_578 = tpu.memref_squeeze %dma_wait3A_577 : memref<1x128x128xf32, #tpu.memory_space<vmem>> -> memref<128x128xf32, #tpu.memory_space<vmem>>
    %dma_wait3A_579 = arith.constant 640 : i32
    %dma_wait3A_580 = tpu.memref_slice %arg18[%mul3A_2, %dma_wait3A_579] : memref<4096x1024xf32, #tpu.memory_space<hbm>> -> memref<128x128xf32, #tpu.memory_space<hbm>>
    %dma_wait3A_581 = arith.constant 640 : i32
    %dma_wait3A_582 = tpu.memref_slice %arg18[%mul3A_2, %dma_wait3A_581] : memref<4096x1024xf32, #tpu.memory_space<hbm>> -> memref<128x128xf32, #tpu.memory_space<hbm>>
    %dma_wait3A_583 = arith.constant 0 : i32
    %dma_wait3A_584 = arith.constant 0 : i32
    %dma_wait3A_585 = tpu.memref_slice %arg20[%dma_wait3A_574, %dma_wait3A_583, %dma_wait3A_584] : memref<4x128x128xf32, #tpu.memory_space<vmem>> -> memref<1x128x128xf32, #tpu.memory_space<vmem>>
    %dma_wait3A_586 = tpu.memref_squeeze %dma_wait3A_585 : memref<1x128x128xf32, #tpu.memory_space<vmem>> -> memref<128x128xf32, #tpu.memory_space<vmem>>
    tpu.wait_dma2 semaphore(%arg23 : memref<!tpu.dma_semaphore, #tpu.memory_space<semaphore_mem>>) src(%dma_wait3A_586 : memref<128x128xf32, #tpu.memory_space<vmem>>) dst(%dma_wait3A_582 : memref<128x128xf32, #tpu.memory_space<hbm>>)
    %dma_wait3A_587 = arith.constant 2 : i32
    %dma_wait3A_588 = arith.constant 0 : i32
    %dma_wait3A_589 = arith.constant 0 : i32
    %dma_wait3A_590 = tpu.memref_slice %arg20[%dma_wait3A_587, %dma_wait3A_588, %dma_wait3A_589] : memref<4x128x128xf32, #tpu.memory_space<vmem>> -> memref<1x128x128xf32, #tpu.memory_space<vmem>>
    %dma_wait3A_591 = tpu.memref_squeeze %dma_wait3A_590 : memref<1x128x128xf32, #tpu.memory_space<vmem>> -> memref<128x128xf32, #tpu.memory_space<vmem>>
    %dma_wait3A_592 = arith.constant 768 : i32
    %dma_wait3A_593 = tpu.memref_slice %arg18[%mul3A_2, %dma_wait3A_592] : memref<4096x1024xf32, #tpu.memory_space<hbm>> -> memref<128x128xf32, #tpu.memory_space<hbm>>
    %dma_wait3A_594 = arith.constant 768 : i32
    %dma_wait3A_595 = tpu.memref_slice %arg18[%mul3A_2, %dma_wait3A_594] : memref<4096x1024xf32, #tpu.memory_space<hbm>> -> memref<128x128xf32, #tpu.memory_space<hbm>>
    %dma_wait3A_596 = arith.constant 0 : i32
    %dma_wait3A_597 = arith.constant 0 : i32
    %dma_wait3A_598 = tpu.memref_slice %arg20[%dma_wait3A_587, %dma_wait3A_596, %dma_wait3A_597] : memref<4x128x128xf32, #tpu.memory_space<vmem>> -> memref<1x128x128xf32, #tpu.memory_space<vmem>>
    %dma_wait3A_599 = tpu.memref_squeeze %dma_wait3A_598 : memref<1x128x128xf32, #tpu.memory_space<vmem>> -> memref<128x128xf32, #tpu.memory_space<vmem>>
    tpu.wait_dma2 semaphore(%arg23 : memref<!tpu.dma_semaphore, #tpu.memory_space<semaphore_mem>>) src(%dma_wait3A_599 : memref<128x128xf32, #tpu.memory_space<vmem>>) dst(%dma_wait3A_595 : memref<128x128xf32, #tpu.memory_space<hbm>>)
    %dma_wait3A_600 = arith.constant 3 : i32
    %dma_wait3A_601 = arith.constant 0 : i32
    %dma_wait3A_602 = arith.constant 0 : i32
    %dma_wait3A_603 = tpu.memref_slice %arg20[%dma_wait3A_600, %dma_wait3A_601, %dma_wait3A_602] : memref<4x128x128xf32, #tpu.memory_space<vmem>> -> memref<1x128x128xf32, #tpu.memory_space<vmem>>
    %dma_wait3A_604 = tpu.memref_squeeze %dma_wait3A_603 : memref<1x128x128xf32, #tpu.memory_space<vmem>> -> memref<128x128xf32, #tpu.memory_space<vmem>>
    %dma_wait3A_605 = arith.constant 896 : i32
    %dma_wait3A_606 = tpu.memref_slice %arg18[%mul3A_2, %dma_wait3A_605] : memref<4096x1024xf32, #tpu.memory_space<hbm>> -> memref<128x128xf32, #tpu.memory_space<hbm>>
    %dma_wait3A_607 = arith.constant 896 : i32
    %dma_wait3A_608 = tpu.memref_slice %arg18[%mul3A_2, %dma_wait3A_607] : memref<4096x1024xf32, #tpu.memory_space<hbm>> -> memref<128x128xf32, #tpu.memory_space<hbm>>
    %dma_wait3A_609 = arith.constant 0 : i32
    %dma_wait3A_610 = arith.constant 0 : i32
    %dma_wait3A_611 = tpu.memref_slice %arg20[%dma_wait3A_600, %dma_wait3A_609, %dma_wait3A_610] : memref<4x128x128xf32, #tpu.memory_space<vmem>> -> memref<1x128x128xf32, #tpu.memory_space<vmem>>
    %dma_wait3A_612 = tpu.memref_squeeze %dma_wait3A_611 : memref<1x128x128xf32, #tpu.memory_space<vmem>> -> memref<128x128xf32, #tpu.memory_space<vmem>>
    tpu.wait_dma2 semaphore(%arg23 : memref<!tpu.dma_semaphore, #tpu.memory_space<semaphore_mem>>) src(%dma_wait3A_612 : memref<128x128xf32, #tpu.memory_space<vmem>>) dst(%dma_wait3A_608 : memref<128x128xf32, #tpu.memory_space<hbm>>)
    return
  }
}

#map = affine_map<(d0, d1) -> (0, 0)>
module attributes {stable_mosaic.version = 14 : i64} {
  func.func @gather_kernel(%arg0: i32, %arg1: i32, %arg2: memref<128x128xi32, #tpu.memory_space<hbm>>, %arg3: memref<128x128xi32, #tpu.memory_space<hbm>>, %arg4: memref<128x128xi32, #tpu.memory_space<hbm>>, %arg5: memref<128x128xi32, #tpu.memory_space<hbm>>, %arg6: memref<128x128xi32, #tpu.memory_space<hbm>>, %arg7: memref<128x128xi32, #tpu.memory_space<hbm>>, %arg8: memref<128x128xi32, #tpu.memory_space<hbm>>, %arg9: memref<128x128xi32, #tpu.memory_space<hbm>>, %arg10: memref<100000x128xf32, #tpu.memory_space<hbm>>, %arg11: memref<100000x128xf32, #tpu.memory_space<hbm>>, %arg12: memref<100000x128xf32, #tpu.memory_space<hbm>>, %arg13: memref<100000x128xf32, #tpu.memory_space<hbm>>, %arg14: memref<100000x128xf32, #tpu.memory_space<hbm>>, %arg15: memref<100000x128xf32, #tpu.memory_space<hbm>>, %arg16: memref<100000x128xf32, #tpu.memory_space<hbm>>, %arg17: memref<100000x128xf32, #tpu.memory_space<hbm>>, %arg18: memref<4096x1024xf32, #tpu.memory_space<hbm>>, %arg19: memref<8x128xi32, #tpu.memory_space<vmem>>, %arg20: memref<4x128x128xf32, #tpu.memory_space<vmem>>, %arg21: memref<!tpu.dma_semaphore, #tpu.memory_space<semaphore_mem>>, %arg22: memref<!tpu.dma_semaphore, #tpu.memory_space<semaphore_mem>>, %arg23: memref<!tpu.dma_semaphore, #tpu.memory_space<semaphore_mem>>) attributes {dimension_semantics = [#tpu.dimension_semantics<core_parallel>, #tpu.dimension_semantics<subcore_parallel>], iteration_bounds = array<i64: 2, 16>, scalar_prefetch = 0 : i64, scratch_operands = 5 : i64, tpu.core_type = #tpu.core_type<sc_vector_subcore>, window_params = [{transform_indices = #map}, {transform_indices = #map}, {transform_indices = #map}, {transform_indices = #map}, {transform_indices = #map}, {transform_indices = #map}, {transform_indices = #map}, {transform_indices = #map}, {transform_indices = #map}, {transform_indices = #map}, {transform_indices = #map}, {transform_indices = #map}, {transform_indices = #map}, {transform_indices = #map}, {transform_indices = #map}, {transform_indices = #map}, {transform_indices = #map}]} {
    %mul3A = arith.constant 2 : i32
    %mul3A_0 = arith.muli %arg1, %mul3A : i32
    %add3A = arith.addi %mul3A_0, %arg0 : i32
    %mul3A_1 = arith.constant 128 : i32
    %mul3A_2 = arith.muli %add3A, %mul3A_1 : i32
    %mul3A_3 = arith.constant 1 : i32
    %mul3A_4 = arith.muli %add3A, %mul3A_3 : i32
    %add3A_5 = arith.constant 96 : i32
    %add3A_6 = arith.addi %add3A_5, %mul3A_4 : i32
    %dma_start3A = arith.constant 0 : i32
    %dma_start3A_7 = arith.constant 0 : i32
    %dma_start3A_8 = tpu.memref_slice %arg19[%dma_start3A, %dma_start3A_7] : memref<8x128xi32, #tpu.memory_space<vmem>> -> memref<1x128xi32, #tpu.memory_space<vmem>>
    %dma_start3A_9 = arith.constant 0 : i32
    %dma_start3A_10 = tpu.memref_slice %arg2[%add3A_6, %dma_start3A_9] : memref<128x128xi32, #tpu.memory_space<hbm>> -> memref<1x128xi32, #tpu.memory_space<hbm>>
    %dma_start3A_11 = arith.constant 0 : i32
    %dma_start3A_12 = arith.constant 0 : i32
    %dma_start3A_13 = tpu.memref_slice %arg19[%dma_start3A_11, %dma_start3A_12] : memref<8x128xi32, #tpu.memory_space<vmem>> -> memref<1x128xi32, #tpu.memory_space<vmem>>
    %dma_start3A_14 = arith.constant 0 : i32
    %dma_start3A_15 = tpu.memref_slice %arg2[%add3A_6, %dma_start3A_14] : memref<128x128xi32, #tpu.memory_space<hbm>> -> memref<1x128xi32, #tpu.memory_space<hbm>>
    tpu.enqueue_dma source(%dma_start3A_15 : memref<1x128xi32, #tpu.memory_space<hbm>>) target(%dma_start3A_13 : memref<1x128xi32, #tpu.memory_space<vmem>>) target_semaphore(%arg21 : memref<!tpu.dma_semaphore, #tpu.memory_space<semaphore_mem>>)
    %dma_start3A_16 = arith.constant 1 : i32
    %dma_start3A_17 = arith.constant 0 : i32
    %dma_start3A_18 = tpu.memref_slice %arg19[%dma_start3A_16, %dma_start3A_17] : memref<8x128xi32, #tpu.memory_space<vmem>> -> memref<1x128xi32, #tpu.memory_space<vmem>>
    %dma_start3A_19 = arith.constant 0 : i32
    %dma_start3A_20 = tpu.memref_slice %arg3[%add3A_6, %dma_start3A_19] : memref<128x128xi32, #tpu.memory_space<hbm>> -> memref<1x128xi32, #tpu.memory_space<hbm>>
    %dma_start3A_21 = arith.constant 1 : i32
    %dma_start3A_22 = arith.constant 0 : i32
    %dma_start3A_23 = tpu.memref_slice %arg19[%dma_start3A_21, %dma_start3A_22] : memref<8x128xi32, #tpu.memory_space<vmem>> -> memref<1x128xi32, #tpu.memory_space<vmem>>
    %dma_start3A_24 = arith.constant 0 : i32
    %dma_start3A_25 = tpu.memref_slice %arg3[%add3A_6, %dma_start3A_24] : memref<128x128xi32, #tpu.memory_space<hbm>> -> memref<1x128xi32, #tpu.memory_space<hbm>>
    tpu.enqueue_dma source(%dma_start3A_25 : memref<1x128xi32, #tpu.memory_space<hbm>>) target(%dma_start3A_23 : memref<1x128xi32, #tpu.memory_space<vmem>>) target_semaphore(%arg21 : memref<!tpu.dma_semaphore, #tpu.memory_space<semaphore_mem>>)
    %dma_start3A_26 = arith.constant 2 : i32
    %dma_start3A_27 = arith.constant 0 : i32
    %dma_start3A_28 = tpu.memref_slice %arg19[%dma_start3A_26, %dma_start3A_27] : memref<8x128xi32, #tpu.memory_space<vmem>> -> memref<1x128xi32, #tpu.memory_space<vmem>>
    %dma_start3A_29 = arith.constant 0 : i32
    %dma_start3A_30 = tpu.memref_slice %arg4[%add3A_6, %dma_start3A_29] : memref<128x128xi32, #tpu.memory_space<hbm>> -> memref<1x128xi32, #tpu.memory_space<hbm>>
    %dma_start3A_31 = arith.constant 2 : i32
    %dma_start3A_32 = arith.constant 0 : i32
    %dma_start3A_33 = tpu.memref_slice %arg19[%dma_start3A_31, %dma_start3A_32] : memref<8x128xi32, #tpu.memory_space<vmem>> -> memref<1x128xi32, #tpu.memory_space<vmem>>
    %dma_start3A_34 = arith.constant 0 : i32
    %dma_start3A_35 = tpu.memref_slice %arg4[%add3A_6, %dma_start3A_34] : memref<128x128xi32, #tpu.memory_space<hbm>> -> memref<1x128xi32, #tpu.memory_space<hbm>>
    tpu.enqueue_dma source(%dma_start3A_35 : memref<1x128xi32, #tpu.memory_space<hbm>>) target(%dma_start3A_33 : memref<1x128xi32, #tpu.memory_space<vmem>>) target_semaphore(%arg21 : memref<!tpu.dma_semaphore, #tpu.memory_space<semaphore_mem>>)
    %dma_start3A_36 = arith.constant 3 : i32
    %dma_start3A_37 = arith.constant 0 : i32
    %dma_start3A_38 = tpu.memref_slice %arg19[%dma_start3A_36, %dma_start3A_37] : memref<8x128xi32, #tpu.memory_space<vmem>> -> memref<1x128xi32, #tpu.memory_space<vmem>>
    %dma_start3A_39 = arith.constant 0 : i32
    %dma_start3A_40 = tpu.memref_slice %arg5[%add3A_6, %dma_start3A_39] : memref<128x128xi32, #tpu.memory_space<hbm>> -> memref<1x128xi32, #tpu.memory_space<hbm>>
    %dma_start3A_41 = arith.constant 3 : i32
    %dma_start3A_42 = arith.constant 0 : i32
    %dma_start3A_43 = tpu.memref_slice %arg19[%dma_start3A_41, %dma_start3A_42] : memref<8x128xi32, #tpu.memory_space<vmem>> -> memref<1x128xi32, #tpu.memory_space<vmem>>
    %dma_start3A_44 = arith.constant 0 : i32
    %dma_start3A_45 = tpu.memref_slice %arg5[%add3A_6, %dma_start3A_44] : memref<128x128xi32, #tpu.memory_space<hbm>> -> memref<1x128xi32, #tpu.memory_space<hbm>>
    tpu.enqueue_dma source(%dma_start3A_45 : memref<1x128xi32, #tpu.memory_space<hbm>>) target(%dma_start3A_43 : memref<1x128xi32, #tpu.memory_space<vmem>>) target_semaphore(%arg21 : memref<!tpu.dma_semaphore, #tpu.memory_space<semaphore_mem>>)
    %dma_start3A_46 = arith.constant 4 : i32
    %dma_start3A_47 = arith.constant 0 : i32
    %dma_start3A_48 = tpu.memref_slice %arg19[%dma_start3A_46, %dma_start3A_47] : memref<8x128xi32, #tpu.memory_space<vmem>> -> memref<1x128xi32, #tpu.memory_space<vmem>>
    %dma_start3A_49 = arith.constant 0 : i32
    %dma_start3A_50 = tpu.memref_slice %arg6[%add3A_6, %dma_start3A_49] : memref<128x128xi32, #tpu.memory_space<hbm>> -> memref<1x128xi32, #tpu.memory_space<hbm>>
    %dma_start3A_51 = arith.constant 4 : i32
    %dma_start3A_52 = arith.constant 0 : i32
    %dma_start3A_53 = tpu.memref_slice %arg19[%dma_start3A_51, %dma_start3A_52] : memref<8x128xi32, #tpu.memory_space<vmem>> -> memref<1x128xi32, #tpu.memory_space<vmem>>
    %dma_start3A_54 = arith.constant 0 : i32
    %dma_start3A_55 = tpu.memref_slice %arg6[%add3A_6, %dma_start3A_54] : memref<128x128xi32, #tpu.memory_space<hbm>> -> memref<1x128xi32, #tpu.memory_space<hbm>>
    tpu.enqueue_dma source(%dma_start3A_55 : memref<1x128xi32, #tpu.memory_space<hbm>>) target(%dma_start3A_53 : memref<1x128xi32, #tpu.memory_space<vmem>>) target_semaphore(%arg21 : memref<!tpu.dma_semaphore, #tpu.memory_space<semaphore_mem>>)
    %dma_start3A_56 = arith.constant 5 : i32
    %dma_start3A_57 = arith.constant 0 : i32
    %dma_start3A_58 = tpu.memref_slice %arg19[%dma_start3A_56, %dma_start3A_57] : memref<8x128xi32, #tpu.memory_space<vmem>> -> memref<1x128xi32, #tpu.memory_space<vmem>>
    %dma_start3A_59 = arith.constant 0 : i32
    %dma_start3A_60 = tpu.memref_slice %arg7[%add3A_6, %dma_start3A_59] : memref<128x128xi32, #tpu.memory_space<hbm>> -> memref<1x128xi32, #tpu.memory_space<hbm>>
    %dma_start3A_61 = arith.constant 5 : i32
    %dma_start3A_62 = arith.constant 0 : i32
    %dma_start3A_63 = tpu.memref_slice %arg19[%dma_start3A_61, %dma_start3A_62] : memref<8x128xi32, #tpu.memory_space<vmem>> -> memref<1x128xi32, #tpu.memory_space<vmem>>
    %dma_start3A_64 = arith.constant 0 : i32
    %dma_start3A_65 = tpu.memref_slice %arg7[%add3A_6, %dma_start3A_64] : memref<128x128xi32, #tpu.memory_space<hbm>> -> memref<1x128xi32, #tpu.memory_space<hbm>>
    tpu.enqueue_dma source(%dma_start3A_65 : memref<1x128xi32, #tpu.memory_space<hbm>>) target(%dma_start3A_63 : memref<1x128xi32, #tpu.memory_space<vmem>>) target_semaphore(%arg21 : memref<!tpu.dma_semaphore, #tpu.memory_space<semaphore_mem>>)
    %dma_start3A_66 = arith.constant 6 : i32
    %dma_start3A_67 = arith.constant 0 : i32
    %dma_start3A_68 = tpu.memref_slice %arg19[%dma_start3A_66, %dma_start3A_67] : memref<8x128xi32, #tpu.memory_space<vmem>> -> memref<1x128xi32, #tpu.memory_space<vmem>>
    %dma_start3A_69 = arith.constant 0 : i32
    %dma_start3A_70 = tpu.memref_slice %arg8[%add3A_6, %dma_start3A_69] : memref<128x128xi32, #tpu.memory_space<hbm>> -> memref<1x128xi32, #tpu.memory_space<hbm>>
    %dma_start3A_71 = arith.constant 6 : i32
    %dma_start3A_72 = arith.constant 0 : i32
    %dma_start3A_73 = tpu.memref_slice %arg19[%dma_start3A_71, %dma_start3A_72] : memref<8x128xi32, #tpu.memory_space<vmem>> -> memref<1x128xi32, #tpu.memory_space<vmem>>
    %dma_start3A_74 = arith.constant 0 : i32
    %dma_start3A_75 = tpu.memref_slice %arg8[%add3A_6, %dma_start3A_74] : memref<128x128xi32, #tpu.memory_space<hbm>> -> memref<1x128xi32, #tpu.memory_space<hbm>>
    tpu.enqueue_dma source(%dma_start3A_75 : memref<1x128xi32, #tpu.memory_space<hbm>>) target(%dma_start3A_73 : memref<1x128xi32, #tpu.memory_space<vmem>>) target_semaphore(%arg21 : memref<!tpu.dma_semaphore, #tpu.memory_space<semaphore_mem>>)
    %dma_start3A_76 = arith.constant 7 : i32
    %dma_start3A_77 = arith.constant 0 : i32
    %dma_start3A_78 = tpu.memref_slice %arg19[%dma_start3A_76, %dma_start3A_77] : memref<8x128xi32, #tpu.memory_space<vmem>> -> memref<1x128xi32, #tpu.memory_space<vmem>>
    %dma_start3A_79 = arith.constant 0 : i32
    %dma_start3A_80 = tpu.memref_slice %arg9[%add3A_6, %dma_start3A_79] : memref<128x128xi32, #tpu.memory_space<hbm>> -> memref<1x128xi32, #tpu.memory_space<hbm>>
    %dma_start3A_81 = arith.constant 7 : i32
    %dma_start3A_82 = arith.constant 0 : i32
    %dma_start3A_83 = tpu.memref_slice %arg19[%dma_start3A_81, %dma_start3A_82] : memref<8x128xi32, #tpu.memory_space<vmem>> -> memref<1x128xi32, #tpu.memory_space<vmem>>
    %dma_start3A_84 = arith.constant 0 : i32
    %dma_start3A_85 = tpu.memref_slice %arg9[%add3A_6, %dma_start3A_84] : memref<128x128xi32, #tpu.memory_space<hbm>> -> memref<1x128xi32, #tpu.memory_space<hbm>>
    tpu.enqueue_dma source(%dma_start3A_85 : memref<1x128xi32, #tpu.memory_space<hbm>>) target(%dma_start3A_83 : memref<1x128xi32, #tpu.memory_space<vmem>>) target_semaphore(%arg21 : memref<!tpu.dma_semaphore, #tpu.memory_space<semaphore_mem>>)
    %dma_wait3A = arith.constant 0 : i32
    %dma_wait3A_86 = arith.constant 0 : i32
    %dma_wait3A_87 = tpu.memref_slice %arg19[%dma_wait3A, %dma_wait3A_86] : memref<8x128xi32, #tpu.memory_space<vmem>> -> memref<1x128xi32, #tpu.memory_space<vmem>>
    %dma_wait3A_88 = arith.constant 0 : i32
    %dma_wait3A_89 = tpu.memref_slice %arg2[%add3A_6, %dma_wait3A_88] : memref<128x128xi32, #tpu.memory_space<hbm>> -> memref<1x128xi32, #tpu.memory_space<hbm>>
    %dma_wait3A_90 = arith.constant 0 : i32
    %dma_wait3A_91 = arith.constant 0 : i32
    %dma_wait3A_92 = tpu.memref_slice %arg19[%dma_wait3A_90, %dma_wait3A_91] : memref<8x128xi32, #tpu.memory_space<vmem>> -> memref<1x128xi32, #tpu.memory_space<vmem>>
    %dma_wait3A_93 = arith.constant 0 : i32
    %dma_wait3A_94 = tpu.memref_slice %arg2[%add3A_6, %dma_wait3A_93] : memref<128x128xi32, #tpu.memory_space<hbm>> -> memref<1x128xi32, #tpu.memory_space<hbm>>
    tpu.wait_dma2 semaphore(%arg21 : memref<!tpu.dma_semaphore, #tpu.memory_space<semaphore_mem>>) src(%dma_wait3A_94 : memref<1x128xi32, #tpu.memory_space<hbm>>) dst(%dma_wait3A_92 : memref<1x128xi32, #tpu.memory_space<vmem>>)
    %dma_wait3A_95 = arith.constant 1 : i32
    %dma_wait3A_96 = arith.constant 0 : i32
    %dma_wait3A_97 = tpu.memref_slice %arg19[%dma_wait3A_95, %dma_wait3A_96] : memref<8x128xi32, #tpu.memory_space<vmem>> -> memref<1x128xi32, #tpu.memory_space<vmem>>
    %dma_wait3A_98 = arith.constant 0 : i32
    %dma_wait3A_99 = tpu.memref_slice %arg3[%add3A_6, %dma_wait3A_98] : memref<128x128xi32, #tpu.memory_space<hbm>> -> memref<1x128xi32, #tpu.memory_space<hbm>>
    %dma_wait3A_100 = arith.constant 1 : i32
    %dma_wait3A_101 = arith.constant 0 : i32
    %dma_wait3A_102 = tpu.memref_slice %arg19[%dma_wait3A_100, %dma_wait3A_101] : memref<8x128xi32, #tpu.memory_space<vmem>> -> memref<1x128xi32, #tpu.memory_space<vmem>>
    %dma_wait3A_103 = arith.constant 0 : i32
    %dma_wait3A_104 = tpu.memref_slice %arg3[%add3A_6, %dma_wait3A_103] : memref<128x128xi32, #tpu.memory_space<hbm>> -> memref<1x128xi32, #tpu.memory_space<hbm>>
    tpu.wait_dma2 semaphore(%arg21 : memref<!tpu.dma_semaphore, #tpu.memory_space<semaphore_mem>>) src(%dma_wait3A_104 : memref<1x128xi32, #tpu.memory_space<hbm>>) dst(%dma_wait3A_102 : memref<1x128xi32, #tpu.memory_space<vmem>>)
    %dma_wait3A_105 = arith.constant 2 : i32
    %dma_wait3A_106 = arith.constant 0 : i32
    %dma_wait3A_107 = tpu.memref_slice %arg19[%dma_wait3A_105, %dma_wait3A_106] : memref<8x128xi32, #tpu.memory_space<vmem>> -> memref<1x128xi32, #tpu.memory_space<vmem>>
    %dma_wait3A_108 = arith.constant 0 : i32
    %dma_wait3A_109 = tpu.memref_slice %arg4[%add3A_6, %dma_wait3A_108] : memref<128x128xi32, #tpu.memory_space<hbm>> -> memref<1x128xi32, #tpu.memory_space<hbm>>
    %dma_wait3A_110 = arith.constant 2 : i32
    %dma_wait3A_111 = arith.constant 0 : i32
    %dma_wait3A_112 = tpu.memref_slice %arg19[%dma_wait3A_110, %dma_wait3A_111] : memref<8x128xi32, #tpu.memory_space<vmem>> -> memref<1x128xi32, #tpu.memory_space<vmem>>
    %dma_wait3A_113 = arith.constant 0 : i32
    %dma_wait3A_114 = tpu.memref_slice %arg4[%add3A_6, %dma_wait3A_113] : memref<128x128xi32, #tpu.memory_space<hbm>> -> memref<1x128xi32, #tpu.memory_space<hbm>>
    tpu.wait_dma2 semaphore(%arg21 : memref<!tpu.dma_semaphore, #tpu.memory_space<semaphore_mem>>) src(%dma_wait3A_114 : memref<1x128xi32, #tpu.memory_space<hbm>>) dst(%dma_wait3A_112 : memref<1x128xi32, #tpu.memory_space<vmem>>)
    %dma_wait3A_115 = arith.constant 3 : i32
    %dma_wait3A_116 = arith.constant 0 : i32
    %dma_wait3A_117 = tpu.memref_slice %arg19[%dma_wait3A_115, %dma_wait3A_116] : memref<8x128xi32, #tpu.memory_space<vmem>> -> memref<1x128xi32, #tpu.memory_space<vmem>>
    %dma_wait3A_118 = arith.constant 0 : i32
    %dma_wait3A_119 = tpu.memref_slice %arg5[%add3A_6, %dma_wait3A_118] : memref<128x128xi32, #tpu.memory_space<hbm>> -> memref<1x128xi32, #tpu.memory_space<hbm>>
    %dma_wait3A_120 = arith.constant 3 : i32
    %dma_wait3A_121 = arith.constant 0 : i32
    %dma_wait3A_122 = tpu.memref_slice %arg19[%dma_wait3A_120, %dma_wait3A_121] : memref<8x128xi32, #tpu.memory_space<vmem>> -> memref<1x128xi32, #tpu.memory_space<vmem>>
    %dma_wait3A_123 = arith.constant 0 : i32
    %dma_wait3A_124 = tpu.memref_slice %arg5[%add3A_6, %dma_wait3A_123] : memref<128x128xi32, #tpu.memory_space<hbm>> -> memref<1x128xi32, #tpu.memory_space<hbm>>
    tpu.wait_dma2 semaphore(%arg21 : memref<!tpu.dma_semaphore, #tpu.memory_space<semaphore_mem>>) src(%dma_wait3A_124 : memref<1x128xi32, #tpu.memory_space<hbm>>) dst(%dma_wait3A_122 : memref<1x128xi32, #tpu.memory_space<vmem>>)
    %dma_wait3A_125 = arith.constant 4 : i32
    %dma_wait3A_126 = arith.constant 0 : i32
    %dma_wait3A_127 = tpu.memref_slice %arg19[%dma_wait3A_125, %dma_wait3A_126] : memref<8x128xi32, #tpu.memory_space<vmem>> -> memref<1x128xi32, #tpu.memory_space<vmem>>
    %dma_wait3A_128 = arith.constant 0 : i32
    %dma_wait3A_129 = tpu.memref_slice %arg6[%add3A_6, %dma_wait3A_128] : memref<128x128xi32, #tpu.memory_space<hbm>> -> memref<1x128xi32, #tpu.memory_space<hbm>>
    %dma_wait3A_130 = arith.constant 4 : i32
    %dma_wait3A_131 = arith.constant 0 : i32
    %dma_wait3A_132 = tpu.memref_slice %arg19[%dma_wait3A_130, %dma_wait3A_131] : memref<8x128xi32, #tpu.memory_space<vmem>> -> memref<1x128xi32, #tpu.memory_space<vmem>>
    %dma_wait3A_133 = arith.constant 0 : i32
    %dma_wait3A_134 = tpu.memref_slice %arg6[%add3A_6, %dma_wait3A_133] : memref<128x128xi32, #tpu.memory_space<hbm>> -> memref<1x128xi32, #tpu.memory_space<hbm>>
    tpu.wait_dma2 semaphore(%arg21 : memref<!tpu.dma_semaphore, #tpu.memory_space<semaphore_mem>>) src(%dma_wait3A_134 : memref<1x128xi32, #tpu.memory_space<hbm>>) dst(%dma_wait3A_132 : memref<1x128xi32, #tpu.memory_space<vmem>>)
    %dma_wait3A_135 = arith.constant 5 : i32
    %dma_wait3A_136 = arith.constant 0 : i32
    %dma_wait3A_137 = tpu.memref_slice %arg19[%dma_wait3A_135, %dma_wait3A_136] : memref<8x128xi32, #tpu.memory_space<vmem>> -> memref<1x128xi32, #tpu.memory_space<vmem>>
    %dma_wait3A_138 = arith.constant 0 : i32
    %dma_wait3A_139 = tpu.memref_slice %arg7[%add3A_6, %dma_wait3A_138] : memref<128x128xi32, #tpu.memory_space<hbm>> -> memref<1x128xi32, #tpu.memory_space<hbm>>
    %dma_wait3A_140 = arith.constant 5 : i32
    %dma_wait3A_141 = arith.constant 0 : i32
    %dma_wait3A_142 = tpu.memref_slice %arg19[%dma_wait3A_140, %dma_wait3A_141] : memref<8x128xi32, #tpu.memory_space<vmem>> -> memref<1x128xi32, #tpu.memory_space<vmem>>
    %dma_wait3A_143 = arith.constant 0 : i32
    %dma_wait3A_144 = tpu.memref_slice %arg7[%add3A_6, %dma_wait3A_143] : memref<128x128xi32, #tpu.memory_space<hbm>> -> memref<1x128xi32, #tpu.memory_space<hbm>>
    tpu.wait_dma2 semaphore(%arg21 : memref<!tpu.dma_semaphore, #tpu.memory_space<semaphore_mem>>) src(%dma_wait3A_144 : memref<1x128xi32, #tpu.memory_space<hbm>>) dst(%dma_wait3A_142 : memref<1x128xi32, #tpu.memory_space<vmem>>)
    %dma_wait3A_145 = arith.constant 6 : i32
    %dma_wait3A_146 = arith.constant 0 : i32
    %dma_wait3A_147 = tpu.memref_slice %arg19[%dma_wait3A_145, %dma_wait3A_146] : memref<8x128xi32, #tpu.memory_space<vmem>> -> memref<1x128xi32, #tpu.memory_space<vmem>>
    %dma_wait3A_148 = arith.constant 0 : i32
    %dma_wait3A_149 = tpu.memref_slice %arg8[%add3A_6, %dma_wait3A_148] : memref<128x128xi32, #tpu.memory_space<hbm>> -> memref<1x128xi32, #tpu.memory_space<hbm>>
    %dma_wait3A_150 = arith.constant 6 : i32
    %dma_wait3A_151 = arith.constant 0 : i32
    %dma_wait3A_152 = tpu.memref_slice %arg19[%dma_wait3A_150, %dma_wait3A_151] : memref<8x128xi32, #tpu.memory_space<vmem>> -> memref<1x128xi32, #tpu.memory_space<vmem>>
    %dma_wait3A_153 = arith.constant 0 : i32
    %dma_wait3A_154 = tpu.memref_slice %arg8[%add3A_6, %dma_wait3A_153] : memref<128x128xi32, #tpu.memory_space<hbm>> -> memref<1x128xi32, #tpu.memory_space<hbm>>
    tpu.wait_dma2 semaphore(%arg21 : memref<!tpu.dma_semaphore, #tpu.memory_space<semaphore_mem>>) src(%dma_wait3A_154 : memref<1x128xi32, #tpu.memory_space<hbm>>) dst(%dma_wait3A_152 : memref<1x128xi32, #tpu.memory_space<vmem>>)
    %dma_wait3A_155 = arith.constant 7 : i32
    %dma_wait3A_156 = arith.constant 0 : i32
    %dma_wait3A_157 = tpu.memref_slice %arg19[%dma_wait3A_155, %dma_wait3A_156] : memref<8x128xi32, #tpu.memory_space<vmem>> -> memref<1x128xi32, #tpu.memory_space<vmem>>
    %dma_wait3A_158 = arith.constant 0 : i32
    %dma_wait3A_159 = tpu.memref_slice %arg9[%add3A_6, %dma_wait3A_158] : memref<128x128xi32, #tpu.memory_space<hbm>> -> memref<1x128xi32, #tpu.memory_space<hbm>>
    %dma_wait3A_160 = arith.constant 7 : i32
    %dma_wait3A_161 = arith.constant 0 : i32
    %dma_wait3A_162 = tpu.memref_slice %arg19[%dma_wait3A_160, %dma_wait3A_161] : memref<8x128xi32, #tpu.memory_space<vmem>> -> memref<1x128xi32, #tpu.memory_space<vmem>>
    %dma_wait3A_163 = arith.constant 0 : i32
    %dma_wait3A_164 = tpu.memref_slice %arg9[%add3A_6, %dma_wait3A_163] : memref<128x128xi32, #tpu.memory_space<hbm>> -> memref<1x128xi32, #tpu.memory_space<hbm>>
    tpu.wait_dma2 semaphore(%arg21 : memref<!tpu.dma_semaphore, #tpu.memory_space<semaphore_mem>>) src(%dma_wait3A_164 : memref<1x128xi32, #tpu.memory_space<hbm>>) dst(%dma_wait3A_162 : memref<1x128xi32, #tpu.memory_space<vmem>>)
    %dma_start3A_165 = arith.constant 0 : i32
    %dma_start3A_166 = arith.constant 0 : i32
    %dma_start3A_167 = arith.constant 0 : i32
    %dma_start3A_168 = arith.constant 0 : i32
    %dma_start3A_169 = tpu.memref_slice %arg20[%dma_start3A_166, %dma_start3A_167, %dma_start3A_168] : memref<4x128x128xf32, #tpu.memory_space<vmem>> -> memref<1x128x128xf32, #tpu.memory_space<vmem>>
    %dma_start3A_170 = tpu.memref_squeeze %dma_start3A_169 : memref<1x128x128xf32, #tpu.memory_space<vmem>> -> memref<128x128xf32, #tpu.memory_space<vmem>>
    %dma_start3A_171 = arith.constant 0 : i32
    %dma_start3A_172 = arith.constant 0 : i32
    %dma_start3A_173 = tpu.memref_slice %dma_start3A_170[%dma_start3A_171, %dma_start3A_172] : memref<128x128xf32, #tpu.memory_space<vmem>> -> memref<128x128xf32, #tpu.memory_space<vmem>>
    %dma_start3A_174 = arith.constant 0 : i32
    %dma_start3A_175 = tpu.memref_slice %arg19[%dma_start3A_165, %dma_start3A_174] : memref<8x128xi32, #tpu.memory_space<vmem>> -> memref<1x128xi32, #tpu.memory_space<vmem>>
    %dma_start3A_176 = tpu.memref_squeeze %dma_start3A_175 : memref<1x128xi32, #tpu.memory_space<vmem>> -> memref<128xi32, #tpu.memory_space<vmem>>
    %dma_start3A_177 = arith.constant 0 : i32
    %dma_start3A_178 = arith.constant 0 : i32
    %dma_start3A_179 = tpu.memref_slice %arg10[%dma_start3A_177, %dma_start3A_178] : memref<100000x128xf32, #tpu.memory_space<hbm>> -> memref<100000x128xf32, #tpu.memory_space<hbm>>
    tpu.enqueue_indirect_dma source(%dma_start3A_179 : memref<100000x128xf32, #tpu.memory_space<hbm>>) target(%dma_start3A_173 : memref<128x128xf32, #tpu.memory_space<vmem>>) offsets(%dma_start3A_176 : memref<128xi32, #tpu.memory_space<vmem>>) semaphore(%arg22 : memref<!tpu.dma_semaphore, #tpu.memory_space<semaphore_mem>>)
    %dma_start3A_180 = arith.constant 1 : i32
    %dma_start3A_181 = arith.constant 1 : i32
    %dma_start3A_182 = arith.constant 0 : i32
    %dma_start3A_183 = arith.constant 0 : i32
    %dma_start3A_184 = tpu.memref_slice %arg20[%dma_start3A_181, %dma_start3A_182, %dma_start3A_183] : memref<4x128x128xf32, #tpu.memory_space<vmem>> -> memref<1x128x128xf32, #tpu.memory_space<vmem>>
    %dma_start3A_185 = tpu.memref_squeeze %dma_start3A_184 : memref<1x128x128xf32, #tpu.memory_space<vmem>> -> memref<128x128xf32, #tpu.memory_space<vmem>>
    %dma_start3A_186 = arith.constant 0 : i32
    %dma_start3A_187 = arith.constant 0 : i32
    %dma_start3A_188 = tpu.memref_slice %dma_start3A_185[%dma_start3A_186, %dma_start3A_187] : memref<128x128xf32, #tpu.memory_space<vmem>> -> memref<128x128xf32, #tpu.memory_space<vmem>>
    %dma_start3A_189 = arith.constant 0 : i32
    %dma_start3A_190 = tpu.memref_slice %arg19[%dma_start3A_180, %dma_start3A_189] : memref<8x128xi32, #tpu.memory_space<vmem>> -> memref<1x128xi32, #tpu.memory_space<vmem>>
    %dma_start3A_191 = tpu.memref_squeeze %dma_start3A_190 : memref<1x128xi32, #tpu.memory_space<vmem>> -> memref<128xi32, #tpu.memory_space<vmem>>
    %dma_start3A_192 = arith.constant 0 : i32
    %dma_start3A_193 = arith.constant 0 : i32
    %dma_start3A_194 = tpu.memref_slice %arg11[%dma_start3A_192, %dma_start3A_193] : memref<100000x128xf32, #tpu.memory_space<hbm>> -> memref<100000x128xf32, #tpu.memory_space<hbm>>
    tpu.enqueue_indirect_dma source(%dma_start3A_194 : memref<100000x128xf32, #tpu.memory_space<hbm>>) target(%dma_start3A_188 : memref<128x128xf32, #tpu.memory_space<vmem>>) offsets(%dma_start3A_191 : memref<128xi32, #tpu.memory_space<vmem>>) semaphore(%arg22 : memref<!tpu.dma_semaphore, #tpu.memory_space<semaphore_mem>>)
    %dma_start3A_195 = arith.constant 2 : i32
    %dma_start3A_196 = arith.constant 2 : i32
    %dma_start3A_197 = arith.constant 0 : i32
    %dma_start3A_198 = arith.constant 0 : i32
    %dma_start3A_199 = tpu.memref_slice %arg20[%dma_start3A_196, %dma_start3A_197, %dma_start3A_198] : memref<4x128x128xf32, #tpu.memory_space<vmem>> -> memref<1x128x128xf32, #tpu.memory_space<vmem>>
    %dma_start3A_200 = tpu.memref_squeeze %dma_start3A_199 : memref<1x128x128xf32, #tpu.memory_space<vmem>> -> memref<128x128xf32, #tpu.memory_space<vmem>>
    %dma_start3A_201 = arith.constant 0 : i32
    %dma_start3A_202 = arith.constant 0 : i32
    %dma_start3A_203 = tpu.memref_slice %dma_start3A_200[%dma_start3A_201, %dma_start3A_202] : memref<128x128xf32, #tpu.memory_space<vmem>> -> memref<128x128xf32, #tpu.memory_space<vmem>>
    %dma_start3A_204 = arith.constant 0 : i32
    %dma_start3A_205 = tpu.memref_slice %arg19[%dma_start3A_195, %dma_start3A_204] : memref<8x128xi32, #tpu.memory_space<vmem>> -> memref<1x128xi32, #tpu.memory_space<vmem>>
    %dma_start3A_206 = tpu.memref_squeeze %dma_start3A_205 : memref<1x128xi32, #tpu.memory_space<vmem>> -> memref<128xi32, #tpu.memory_space<vmem>>
    %dma_start3A_207 = arith.constant 0 : i32
    %dma_start3A_208 = arith.constant 0 : i32
    %dma_start3A_209 = tpu.memref_slice %arg12[%dma_start3A_207, %dma_start3A_208] : memref<100000x128xf32, #tpu.memory_space<hbm>> -> memref<100000x128xf32, #tpu.memory_space<hbm>>
    tpu.enqueue_indirect_dma source(%dma_start3A_209 : memref<100000x128xf32, #tpu.memory_space<hbm>>) target(%dma_start3A_203 : memref<128x128xf32, #tpu.memory_space<vmem>>) offsets(%dma_start3A_206 : memref<128xi32, #tpu.memory_space<vmem>>) semaphore(%arg22 : memref<!tpu.dma_semaphore, #tpu.memory_space<semaphore_mem>>)
    %dma_start3A_210 = arith.constant 3 : i32
    %dma_start3A_211 = arith.constant 3 : i32
    %dma_start3A_212 = arith.constant 0 : i32
    %dma_start3A_213 = arith.constant 0 : i32
    %dma_start3A_214 = tpu.memref_slice %arg20[%dma_start3A_211, %dma_start3A_212, %dma_start3A_213] : memref<4x128x128xf32, #tpu.memory_space<vmem>> -> memref<1x128x128xf32, #tpu.memory_space<vmem>>
    %dma_start3A_215 = tpu.memref_squeeze %dma_start3A_214 : memref<1x128x128xf32, #tpu.memory_space<vmem>> -> memref<128x128xf32, #tpu.memory_space<vmem>>
    %dma_start3A_216 = arith.constant 0 : i32
    %dma_start3A_217 = arith.constant 0 : i32
    %dma_start3A_218 = tpu.memref_slice %dma_start3A_215[%dma_start3A_216, %dma_start3A_217] : memref<128x128xf32, #tpu.memory_space<vmem>> -> memref<128x128xf32, #tpu.memory_space<vmem>>
    %dma_start3A_219 = arith.constant 0 : i32
    %dma_start3A_220 = tpu.memref_slice %arg19[%dma_start3A_210, %dma_start3A_219] : memref<8x128xi32, #tpu.memory_space<vmem>> -> memref<1x128xi32, #tpu.memory_space<vmem>>
    %dma_start3A_221 = tpu.memref_squeeze %dma_start3A_220 : memref<1x128xi32, #tpu.memory_space<vmem>> -> memref<128xi32, #tpu.memory_space<vmem>>
    %dma_start3A_222 = arith.constant 0 : i32
    %dma_start3A_223 = arith.constant 0 : i32
    %dma_start3A_224 = tpu.memref_slice %arg13[%dma_start3A_222, %dma_start3A_223] : memref<100000x128xf32, #tpu.memory_space<hbm>> -> memref<100000x128xf32, #tpu.memory_space<hbm>>
    tpu.enqueue_indirect_dma source(%dma_start3A_224 : memref<100000x128xf32, #tpu.memory_space<hbm>>) target(%dma_start3A_218 : memref<128x128xf32, #tpu.memory_space<vmem>>) offsets(%dma_start3A_221 : memref<128xi32, #tpu.memory_space<vmem>>) semaphore(%arg22 : memref<!tpu.dma_semaphore, #tpu.memory_space<semaphore_mem>>)
    %dma_wait3A_225 = arith.constant 0 : i32
    %dma_wait3A_226 = arith.constant 0 : i32
    %dma_wait3A_227 = arith.constant 0 : i32
    %dma_wait3A_228 = arith.constant 0 : i32
    %dma_wait3A_229 = tpu.memref_slice %arg20[%dma_wait3A_226, %dma_wait3A_227, %dma_wait3A_228] : memref<4x128x128xf32, #tpu.memory_space<vmem>> -> memref<1x128x128xf32, #tpu.memory_space<vmem>>
    %dma_wait3A_230 = tpu.memref_squeeze %dma_wait3A_229 : memref<1x128x128xf32, #tpu.memory_space<vmem>> -> memref<128x128xf32, #tpu.memory_space<vmem>>
    %dma_wait3A_231 = arith.constant 0 : i32
    %dma_wait3A_232 = arith.constant 0 : i32
    %dma_wait3A_233 = tpu.memref_slice %dma_wait3A_230[%dma_wait3A_231, %dma_wait3A_232] : memref<128x128xf32, #tpu.memory_space<vmem>> -> memref<128x128xf32, #tpu.memory_space<vmem>>
    %dma_wait3A_234 = arith.constant 0 : i32
    %dma_wait3A_235 = tpu.memref_slice %arg19[%dma_wait3A_225, %dma_wait3A_234] : memref<8x128xi32, #tpu.memory_space<vmem>> -> memref<1x128xi32, #tpu.memory_space<vmem>>
    %dma_wait3A_236 = tpu.memref_squeeze %dma_wait3A_235 : memref<1x128xi32, #tpu.memory_space<vmem>> -> memref<128xi32, #tpu.memory_space<vmem>>
    %dma_wait3A_237 = arith.constant 0 : i32
    %dma_wait3A_238 = arith.constant 0 : i32
    %dma_wait3A_239 = tpu.memref_slice %arg10[%dma_wait3A_237, %dma_wait3A_238] : memref<100000x128xf32, #tpu.memory_space<hbm>> -> memref<100000x128xf32, #tpu.memory_space<hbm>>
    tpu.wait_indirect_dma semaphore(%arg22 : memref<!tpu.dma_semaphore, #tpu.memory_space<semaphore_mem>>) src(%dma_wait3A_239 : memref<100000x128xf32, #tpu.memory_space<hbm>>) dst(%dma_wait3A_233 : memref<128x128xf32, #tpu.memory_space<vmem>>)
    %dma_start3A_240 = arith.constant 0 : i32
    %dma_start3A_241 = arith.constant 0 : i32
    %dma_start3A_242 = arith.constant 0 : i32
    %dma_start3A_243 = tpu.memref_slice %arg20[%dma_start3A_240, %dma_start3A_241, %dma_start3A_242] : memref<4x128x128xf32, #tpu.memory_space<vmem>> -> memref<1x128x128xf32, #tpu.memory_space<vmem>>
    %dma_start3A_244 = tpu.memref_squeeze %dma_start3A_243 : memref<1x128x128xf32, #tpu.memory_space<vmem>> -> memref<128x128xf32, #tpu.memory_space<vmem>>
    %dma_start3A_245 = arith.constant 0 : i32
    %dma_start3A_246 = tpu.memref_slice %arg18[%mul3A_2, %dma_start3A_245] : memref<4096x1024xf32, #tpu.memory_space<hbm>> -> memref<128x128xf32, #tpu.memory_space<hbm>>
    %dma_start3A_247 = arith.constant 0 : i32
    %dma_start3A_248 = tpu.memref_slice %arg18[%mul3A_2, %dma_start3A_247] : memref<4096x1024xf32, #tpu.memory_space<hbm>> -> memref<128x128xf32, #tpu.memory_space<hbm>>
    %dma_start3A_249 = arith.constant 0 : i32
    %dma_start3A_250 = arith.constant 0 : i32
    %dma_start3A_251 = tpu.memref_slice %arg20[%dma_start3A_240, %dma_start3A_249, %dma_start3A_250] : memref<4x128x128xf32, #tpu.memory_space<vmem>> -> memref<1x128x128xf32, #tpu.memory_space<vmem>>
    %dma_start3A_252 = tpu.memref_squeeze %dma_start3A_251 : memref<1x128x128xf32, #tpu.memory_space<vmem>> -> memref<128x128xf32, #tpu.memory_space<vmem>>
    tpu.enqueue_dma source(%dma_start3A_252 : memref<128x128xf32, #tpu.memory_space<vmem>>) target(%dma_start3A_248 : memref<128x128xf32, #tpu.memory_space<hbm>>) target_semaphore(%arg23 : memref<!tpu.dma_semaphore, #tpu.memory_space<semaphore_mem>>)
    %dma_wait3A_253 = arith.constant 0 : i32
    %dma_wait3A_254 = arith.constant 0 : i32
    %dma_wait3A_255 = arith.constant 0 : i32
    %dma_wait3A_256 = tpu.memref_slice %arg20[%dma_wait3A_253, %dma_wait3A_254, %dma_wait3A_255] : memref<4x128x128xf32, #tpu.memory_space<vmem>> -> memref<1x128x128xf32, #tpu.memory_space<vmem>>
    %dma_wait3A_257 = tpu.memref_squeeze %dma_wait3A_256 : memref<1x128x128xf32, #tpu.memory_space<vmem>> -> memref<128x128xf32, #tpu.memory_space<vmem>>
    %dma_wait3A_258 = arith.constant 0 : i32
    %dma_wait3A_259 = tpu.memref_slice %arg18[%mul3A_2, %dma_wait3A_258] : memref<4096x1024xf32, #tpu.memory_space<hbm>> -> memref<128x128xf32, #tpu.memory_space<hbm>>
    %dma_wait3A_260 = arith.constant 0 : i32
    %dma_wait3A_261 = tpu.memref_slice %arg18[%mul3A_2, %dma_wait3A_260] : memref<4096x1024xf32, #tpu.memory_space<hbm>> -> memref<128x128xf32, #tpu.memory_space<hbm>>
    %dma_wait3A_262 = arith.constant 0 : i32
    %dma_wait3A_263 = arith.constant 0 : i32
    %dma_wait3A_264 = tpu.memref_slice %arg20[%dma_wait3A_253, %dma_wait3A_262, %dma_wait3A_263] : memref<4x128x128xf32, #tpu.memory_space<vmem>> -> memref<1x128x128xf32, #tpu.memory_space<vmem>>
    %dma_wait3A_265 = tpu.memref_squeeze %dma_wait3A_264 : memref<1x128x128xf32, #tpu.memory_space<vmem>> -> memref<128x128xf32, #tpu.memory_space<vmem>>
    tpu.wait_dma2 semaphore(%arg23 : memref<!tpu.dma_semaphore, #tpu.memory_space<semaphore_mem>>) src(%dma_wait3A_265 : memref<128x128xf32, #tpu.memory_space<vmem>>) dst(%dma_wait3A_261 : memref<128x128xf32, #tpu.memory_space<hbm>>)
    %dma_start3A_266 = arith.constant 4 : i32
    %dma_start3A_267 = arith.constant 0 : i32
    %dma_start3A_268 = arith.constant 0 : i32
    %dma_start3A_269 = arith.constant 0 : i32
    %dma_start3A_270 = tpu.memref_slice %arg20[%dma_start3A_267, %dma_start3A_268, %dma_start3A_269] : memref<4x128x128xf32, #tpu.memory_space<vmem>> -> memref<1x128x128xf32, #tpu.memory_space<vmem>>
    %dma_start3A_271 = tpu.memref_squeeze %dma_start3A_270 : memref<1x128x128xf32, #tpu.memory_space<vmem>> -> memref<128x128xf32, #tpu.memory_space<vmem>>
    %dma_start3A_272 = arith.constant 0 : i32
    %dma_start3A_273 = arith.constant 0 : i32
    %dma_start3A_274 = tpu.memref_slice %dma_start3A_271[%dma_start3A_272, %dma_start3A_273] : memref<128x128xf32, #tpu.memory_space<vmem>> -> memref<128x128xf32, #tpu.memory_space<vmem>>
    %dma_start3A_275 = arith.constant 0 : i32
    %dma_start3A_276 = tpu.memref_slice %arg19[%dma_start3A_266, %dma_start3A_275] : memref<8x128xi32, #tpu.memory_space<vmem>> -> memref<1x128xi32, #tpu.memory_space<vmem>>
    %dma_start3A_277 = tpu.memref_squeeze %dma_start3A_276 : memref<1x128xi32, #tpu.memory_space<vmem>> -> memref<128xi32, #tpu.memory_space<vmem>>
    %dma_start3A_278 = arith.constant 0 : i32
    %dma_start3A_279 = arith.constant 0 : i32
    %dma_start3A_280 = tpu.memref_slice %arg14[%dma_start3A_278, %dma_start3A_279] : memref<100000x128xf32, #tpu.memory_space<hbm>> -> memref<100000x128xf32, #tpu.memory_space<hbm>>
    tpu.enqueue_indirect_dma source(%dma_start3A_280 : memref<100000x128xf32, #tpu.memory_space<hbm>>) target(%dma_start3A_274 : memref<128x128xf32, #tpu.memory_space<vmem>>) offsets(%dma_start3A_277 : memref<128xi32, #tpu.memory_space<vmem>>) semaphore(%arg22 : memref<!tpu.dma_semaphore, #tpu.memory_space<semaphore_mem>>)
    %dma_wait3A_281 = arith.constant 1 : i32
    %dma_wait3A_282 = arith.constant 1 : i32
    %dma_wait3A_283 = arith.constant 0 : i32
    %dma_wait3A_284 = arith.constant 0 : i32
    %dma_wait3A_285 = tpu.memref_slice %arg20[%dma_wait3A_282, %dma_wait3A_283, %dma_wait3A_284] : memref<4x128x128xf32, #tpu.memory_space<vmem>> -> memref<1x128x128xf32, #tpu.memory_space<vmem>>
    %dma_wait3A_286 = tpu.memref_squeeze %dma_wait3A_285 : memref<1x128x128xf32, #tpu.memory_space<vmem>> -> memref<128x128xf32, #tpu.memory_space<vmem>>
    %dma_wait3A_287 = arith.constant 0 : i32
    %dma_wait3A_288 = arith.constant 0 : i32
    %dma_wait3A_289 = tpu.memref_slice %dma_wait3A_286[%dma_wait3A_287, %dma_wait3A_288] : memref<128x128xf32, #tpu.memory_space<vmem>> -> memref<128x128xf32, #tpu.memory_space<vmem>>
    %dma_wait3A_290 = arith.constant 0 : i32
    %dma_wait3A_291 = tpu.memref_slice %arg19[%dma_wait3A_281, %dma_wait3A_290] : memref<8x128xi32, #tpu.memory_space<vmem>> -> memref<1x128xi32, #tpu.memory_space<vmem>>
    %dma_wait3A_292 = tpu.memref_squeeze %dma_wait3A_291 : memref<1x128xi32, #tpu.memory_space<vmem>> -> memref<128xi32, #tpu.memory_space<vmem>>
    %dma_wait3A_293 = arith.constant 0 : i32
    %dma_wait3A_294 = arith.constant 0 : i32
    %dma_wait3A_295 = tpu.memref_slice %arg11[%dma_wait3A_293, %dma_wait3A_294] : memref<100000x128xf32, #tpu.memory_space<hbm>> -> memref<100000x128xf32, #tpu.memory_space<hbm>>
    tpu.wait_indirect_dma semaphore(%arg22 : memref<!tpu.dma_semaphore, #tpu.memory_space<semaphore_mem>>) src(%dma_wait3A_295 : memref<100000x128xf32, #tpu.memory_space<hbm>>) dst(%dma_wait3A_289 : memref<128x128xf32, #tpu.memory_space<vmem>>)
    %dma_start3A_296 = arith.constant 1 : i32
    %dma_start3A_297 = arith.constant 0 : i32
    %dma_start3A_298 = arith.constant 0 : i32
    %dma_start3A_299 = tpu.memref_slice %arg20[%dma_start3A_296, %dma_start3A_297, %dma_start3A_298] : memref<4x128x128xf32, #tpu.memory_space<vmem>> -> memref<1x128x128xf32, #tpu.memory_space<vmem>>
    %dma_start3A_300 = tpu.memref_squeeze %dma_start3A_299 : memref<1x128x128xf32, #tpu.memory_space<vmem>> -> memref<128x128xf32, #tpu.memory_space<vmem>>
    %dma_start3A_301 = arith.constant 128 : i32
    %dma_start3A_302 = tpu.memref_slice %arg18[%mul3A_2, %dma_start3A_301] : memref<4096x1024xf32, #tpu.memory_space<hbm>> -> memref<128x128xf32, #tpu.memory_space<hbm>>
    %dma_start3A_303 = arith.constant 128 : i32
    %dma_start3A_304 = tpu.memref_slice %arg18[%mul3A_2, %dma_start3A_303] : memref<4096x1024xf32, #tpu.memory_space<hbm>> -> memref<128x128xf32, #tpu.memory_space<hbm>>
    %dma_start3A_305 = arith.constant 0 : i32
    %dma_start3A_306 = arith.constant 0 : i32
    %dma_start3A_307 = tpu.memref_slice %arg20[%dma_start3A_296, %dma_start3A_305, %dma_start3A_306] : memref<4x128x128xf32, #tpu.memory_space<vmem>> -> memref<1x128x128xf32, #tpu.memory_space<vmem>>
    %dma_start3A_308 = tpu.memref_squeeze %dma_start3A_307 : memref<1x128x128xf32, #tpu.memory_space<vmem>> -> memref<128x128xf32, #tpu.memory_space<vmem>>
    tpu.enqueue_dma source(%dma_start3A_308 : memref<128x128xf32, #tpu.memory_space<vmem>>) target(%dma_start3A_304 : memref<128x128xf32, #tpu.memory_space<hbm>>) target_semaphore(%arg23 : memref<!tpu.dma_semaphore, #tpu.memory_space<semaphore_mem>>)
    %dma_wait3A_309 = arith.constant 1 : i32
    %dma_wait3A_310 = arith.constant 0 : i32
    %dma_wait3A_311 = arith.constant 0 : i32
    %dma_wait3A_312 = tpu.memref_slice %arg20[%dma_wait3A_309, %dma_wait3A_310, %dma_wait3A_311] : memref<4x128x128xf32, #tpu.memory_space<vmem>> -> memref<1x128x128xf32, #tpu.memory_space<vmem>>
    %dma_wait3A_313 = tpu.memref_squeeze %dma_wait3A_312 : memref<1x128x128xf32, #tpu.memory_space<vmem>> -> memref<128x128xf32, #tpu.memory_space<vmem>>
    %dma_wait3A_314 = arith.constant 128 : i32
    %dma_wait3A_315 = tpu.memref_slice %arg18[%mul3A_2, %dma_wait3A_314] : memref<4096x1024xf32, #tpu.memory_space<hbm>> -> memref<128x128xf32, #tpu.memory_space<hbm>>
    %dma_wait3A_316 = arith.constant 128 : i32
    %dma_wait3A_317 = tpu.memref_slice %arg18[%mul3A_2, %dma_wait3A_316] : memref<4096x1024xf32, #tpu.memory_space<hbm>> -> memref<128x128xf32, #tpu.memory_space<hbm>>
    %dma_wait3A_318 = arith.constant 0 : i32
    %dma_wait3A_319 = arith.constant 0 : i32
    %dma_wait3A_320 = tpu.memref_slice %arg20[%dma_wait3A_309, %dma_wait3A_318, %dma_wait3A_319] : memref<4x128x128xf32, #tpu.memory_space<vmem>> -> memref<1x128x128xf32, #tpu.memory_space<vmem>>
    %dma_wait3A_321 = tpu.memref_squeeze %dma_wait3A_320 : memref<1x128x128xf32, #tpu.memory_space<vmem>> -> memref<128x128xf32, #tpu.memory_space<vmem>>
    tpu.wait_dma2 semaphore(%arg23 : memref<!tpu.dma_semaphore, #tpu.memory_space<semaphore_mem>>) src(%dma_wait3A_321 : memref<128x128xf32, #tpu.memory_space<vmem>>) dst(%dma_wait3A_317 : memref<128x128xf32, #tpu.memory_space<hbm>>)
    %dma_start3A_322 = arith.constant 5 : i32
    %dma_start3A_323 = arith.constant 1 : i32
    %dma_start3A_324 = arith.constant 0 : i32
    %dma_start3A_325 = arith.constant 0 : i32
    %dma_start3A_326 = tpu.memref_slice %arg20[%dma_start3A_323, %dma_start3A_324, %dma_start3A_325] : memref<4x128x128xf32, #tpu.memory_space<vmem>> -> memref<1x128x128xf32, #tpu.memory_space<vmem>>
    %dma_start3A_327 = tpu.memref_squeeze %dma_start3A_326 : memref<1x128x128xf32, #tpu.memory_space<vmem>> -> memref<128x128xf32, #tpu.memory_space<vmem>>
    %dma_start3A_328 = arith.constant 0 : i32
    %dma_start3A_329 = arith.constant 0 : i32
    %dma_start3A_330 = tpu.memref_slice %dma_start3A_327[%dma_start3A_328, %dma_start3A_329] : memref<128x128xf32, #tpu.memory_space<vmem>> -> memref<128x128xf32, #tpu.memory_space<vmem>>
    %dma_start3A_331 = arith.constant 0 : i32
    %dma_start3A_332 = tpu.memref_slice %arg19[%dma_start3A_322, %dma_start3A_331] : memref<8x128xi32, #tpu.memory_space<vmem>> -> memref<1x128xi32, #tpu.memory_space<vmem>>
    %dma_start3A_333 = tpu.memref_squeeze %dma_start3A_332 : memref<1x128xi32, #tpu.memory_space<vmem>> -> memref<128xi32, #tpu.memory_space<vmem>>
    %dma_start3A_334 = arith.constant 0 : i32
    %dma_start3A_335 = arith.constant 0 : i32
    %dma_start3A_336 = tpu.memref_slice %arg15[%dma_start3A_334, %dma_start3A_335] : memref<100000x128xf32, #tpu.memory_space<hbm>> -> memref<100000x128xf32, #tpu.memory_space<hbm>>
    tpu.enqueue_indirect_dma source(%dma_start3A_336 : memref<100000x128xf32, #tpu.memory_space<hbm>>) target(%dma_start3A_330 : memref<128x128xf32, #tpu.memory_space<vmem>>) offsets(%dma_start3A_333 : memref<128xi32, #tpu.memory_space<vmem>>) semaphore(%arg22 : memref<!tpu.dma_semaphore, #tpu.memory_space<semaphore_mem>>)
    %dma_wait3A_337 = arith.constant 2 : i32
    %dma_wait3A_338 = arith.constant 2 : i32
    %dma_wait3A_339 = arith.constant 0 : i32
    %dma_wait3A_340 = arith.constant 0 : i32
    %dma_wait3A_341 = tpu.memref_slice %arg20[%dma_wait3A_338, %dma_wait3A_339, %dma_wait3A_340] : memref<4x128x128xf32, #tpu.memory_space<vmem>> -> memref<1x128x128xf32, #tpu.memory_space<vmem>>
    %dma_wait3A_342 = tpu.memref_squeeze %dma_wait3A_341 : memref<1x128x128xf32, #tpu.memory_space<vmem>> -> memref<128x128xf32, #tpu.memory_space<vmem>>
    %dma_wait3A_343 = arith.constant 0 : i32
    %dma_wait3A_344 = arith.constant 0 : i32
    %dma_wait3A_345 = tpu.memref_slice %dma_wait3A_342[%dma_wait3A_343, %dma_wait3A_344] : memref<128x128xf32, #tpu.memory_space<vmem>> -> memref<128x128xf32, #tpu.memory_space<vmem>>
    %dma_wait3A_346 = arith.constant 0 : i32
    %dma_wait3A_347 = tpu.memref_slice %arg19[%dma_wait3A_337, %dma_wait3A_346] : memref<8x128xi32, #tpu.memory_space<vmem>> -> memref<1x128xi32, #tpu.memory_space<vmem>>
    %dma_wait3A_348 = tpu.memref_squeeze %dma_wait3A_347 : memref<1x128xi32, #tpu.memory_space<vmem>> -> memref<128xi32, #tpu.memory_space<vmem>>
    %dma_wait3A_349 = arith.constant 0 : i32
    %dma_wait3A_350 = arith.constant 0 : i32
    %dma_wait3A_351 = tpu.memref_slice %arg12[%dma_wait3A_349, %dma_wait3A_350] : memref<100000x128xf32, #tpu.memory_space<hbm>> -> memref<100000x128xf32, #tpu.memory_space<hbm>>
    tpu.wait_indirect_dma semaphore(%arg22 : memref<!tpu.dma_semaphore, #tpu.memory_space<semaphore_mem>>) src(%dma_wait3A_351 : memref<100000x128xf32, #tpu.memory_space<hbm>>) dst(%dma_wait3A_345 : memref<128x128xf32, #tpu.memory_space<vmem>>)
    %dma_start3A_352 = arith.constant 2 : i32
    %dma_start3A_353 = arith.constant 0 : i32
    %dma_start3A_354 = arith.constant 0 : i32
    %dma_start3A_355 = tpu.memref_slice %arg20[%dma_start3A_352, %dma_start3A_353, %dma_start3A_354] : memref<4x128x128xf32, #tpu.memory_space<vmem>> -> memref<1x128x128xf32, #tpu.memory_space<vmem>>
    %dma_start3A_356 = tpu.memref_squeeze %dma_start3A_355 : memref<1x128x128xf32, #tpu.memory_space<vmem>> -> memref<128x128xf32, #tpu.memory_space<vmem>>
    %dma_start3A_357 = arith.constant 256 : i32
    %dma_start3A_358 = tpu.memref_slice %arg18[%mul3A_2, %dma_start3A_357] : memref<4096x1024xf32, #tpu.memory_space<hbm>> -> memref<128x128xf32, #tpu.memory_space<hbm>>
    %dma_start3A_359 = arith.constant 256 : i32
    %dma_start3A_360 = tpu.memref_slice %arg18[%mul3A_2, %dma_start3A_359] : memref<4096x1024xf32, #tpu.memory_space<hbm>> -> memref<128x128xf32, #tpu.memory_space<hbm>>
    %dma_start3A_361 = arith.constant 0 : i32
    %dma_start3A_362 = arith.constant 0 : i32
    %dma_start3A_363 = tpu.memref_slice %arg20[%dma_start3A_352, %dma_start3A_361, %dma_start3A_362] : memref<4x128x128xf32, #tpu.memory_space<vmem>> -> memref<1x128x128xf32, #tpu.memory_space<vmem>>
    %dma_start3A_364 = tpu.memref_squeeze %dma_start3A_363 : memref<1x128x128xf32, #tpu.memory_space<vmem>> -> memref<128x128xf32, #tpu.memory_space<vmem>>
    tpu.enqueue_dma source(%dma_start3A_364 : memref<128x128xf32, #tpu.memory_space<vmem>>) target(%dma_start3A_360 : memref<128x128xf32, #tpu.memory_space<hbm>>) target_semaphore(%arg23 : memref<!tpu.dma_semaphore, #tpu.memory_space<semaphore_mem>>)
    %dma_wait3A_365 = arith.constant 2 : i32
    %dma_wait3A_366 = arith.constant 0 : i32
    %dma_wait3A_367 = arith.constant 0 : i32
    %dma_wait3A_368 = tpu.memref_slice %arg20[%dma_wait3A_365, %dma_wait3A_366, %dma_wait3A_367] : memref<4x128x128xf32, #tpu.memory_space<vmem>> -> memref<1x128x128xf32, #tpu.memory_space<vmem>>
    %dma_wait3A_369 = tpu.memref_squeeze %dma_wait3A_368 : memref<1x128x128xf32, #tpu.memory_space<vmem>> -> memref<128x128xf32, #tpu.memory_space<vmem>>
    %dma_wait3A_370 = arith.constant 256 : i32
    %dma_wait3A_371 = tpu.memref_slice %arg18[%mul3A_2, %dma_wait3A_370] : memref<4096x1024xf32, #tpu.memory_space<hbm>> -> memref<128x128xf32, #tpu.memory_space<hbm>>
    %dma_wait3A_372 = arith.constant 256 : i32
    %dma_wait3A_373 = tpu.memref_slice %arg18[%mul3A_2, %dma_wait3A_372] : memref<4096x1024xf32, #tpu.memory_space<hbm>> -> memref<128x128xf32, #tpu.memory_space<hbm>>
    %dma_wait3A_374 = arith.constant 0 : i32
    %dma_wait3A_375 = arith.constant 0 : i32
    %dma_wait3A_376 = tpu.memref_slice %arg20[%dma_wait3A_365, %dma_wait3A_374, %dma_wait3A_375] : memref<4x128x128xf32, #tpu.memory_space<vmem>> -> memref<1x128x128xf32, #tpu.memory_space<vmem>>
    %dma_wait3A_377 = tpu.memref_squeeze %dma_wait3A_376 : memref<1x128x128xf32, #tpu.memory_space<vmem>> -> memref<128x128xf32, #tpu.memory_space<vmem>>
    tpu.wait_dma2 semaphore(%arg23 : memref<!tpu.dma_semaphore, #tpu.memory_space<semaphore_mem>>) src(%dma_wait3A_377 : memref<128x128xf32, #tpu.memory_space<vmem>>) dst(%dma_wait3A_373 : memref<128x128xf32, #tpu.memory_space<hbm>>)
    %dma_start3A_378 = arith.constant 6 : i32
    %dma_start3A_379 = arith.constant 2 : i32
    %dma_start3A_380 = arith.constant 0 : i32
    %dma_start3A_381 = arith.constant 0 : i32
    %dma_start3A_382 = tpu.memref_slice %arg20[%dma_start3A_379, %dma_start3A_380, %dma_start3A_381] : memref<4x128x128xf32, #tpu.memory_space<vmem>> -> memref<1x128x128xf32, #tpu.memory_space<vmem>>
    %dma_start3A_383 = tpu.memref_squeeze %dma_start3A_382 : memref<1x128x128xf32, #tpu.memory_space<vmem>> -> memref<128x128xf32, #tpu.memory_space<vmem>>
    %dma_start3A_384 = arith.constant 0 : i32
    %dma_start3A_385 = arith.constant 0 : i32
    %dma_start3A_386 = tpu.memref_slice %dma_start3A_383[%dma_start3A_384, %dma_start3A_385] : memref<128x128xf32, #tpu.memory_space<vmem>> -> memref<128x128xf32, #tpu.memory_space<vmem>>
    %dma_start3A_387 = arith.constant 0 : i32
    %dma_start3A_388 = tpu.memref_slice %arg19[%dma_start3A_378, %dma_start3A_387] : memref<8x128xi32, #tpu.memory_space<vmem>> -> memref<1x128xi32, #tpu.memory_space<vmem>>
    %dma_start3A_389 = tpu.memref_squeeze %dma_start3A_388 : memref<1x128xi32, #tpu.memory_space<vmem>> -> memref<128xi32, #tpu.memory_space<vmem>>
    %dma_start3A_390 = arith.constant 0 : i32
    %dma_start3A_391 = arith.constant 0 : i32
    %dma_start3A_392 = tpu.memref_slice %arg16[%dma_start3A_390, %dma_start3A_391] : memref<100000x128xf32, #tpu.memory_space<hbm>> -> memref<100000x128xf32, #tpu.memory_space<hbm>>
    tpu.enqueue_indirect_dma source(%dma_start3A_392 : memref<100000x128xf32, #tpu.memory_space<hbm>>) target(%dma_start3A_386 : memref<128x128xf32, #tpu.memory_space<vmem>>) offsets(%dma_start3A_389 : memref<128xi32, #tpu.memory_space<vmem>>) semaphore(%arg22 : memref<!tpu.dma_semaphore, #tpu.memory_space<semaphore_mem>>)
    %dma_wait3A_393 = arith.constant 3 : i32
    %dma_wait3A_394 = arith.constant 3 : i32
    %dma_wait3A_395 = arith.constant 0 : i32
    %dma_wait3A_396 = arith.constant 0 : i32
    %dma_wait3A_397 = tpu.memref_slice %arg20[%dma_wait3A_394, %dma_wait3A_395, %dma_wait3A_396] : memref<4x128x128xf32, #tpu.memory_space<vmem>> -> memref<1x128x128xf32, #tpu.memory_space<vmem>>
    %dma_wait3A_398 = tpu.memref_squeeze %dma_wait3A_397 : memref<1x128x128xf32, #tpu.memory_space<vmem>> -> memref<128x128xf32, #tpu.memory_space<vmem>>
    %dma_wait3A_399 = arith.constant 0 : i32
    %dma_wait3A_400 = arith.constant 0 : i32
    %dma_wait3A_401 = tpu.memref_slice %dma_wait3A_398[%dma_wait3A_399, %dma_wait3A_400] : memref<128x128xf32, #tpu.memory_space<vmem>> -> memref<128x128xf32, #tpu.memory_space<vmem>>
    %dma_wait3A_402 = arith.constant 0 : i32
    %dma_wait3A_403 = tpu.memref_slice %arg19[%dma_wait3A_393, %dma_wait3A_402] : memref<8x128xi32, #tpu.memory_space<vmem>> -> memref<1x128xi32, #tpu.memory_space<vmem>>
    %dma_wait3A_404 = tpu.memref_squeeze %dma_wait3A_403 : memref<1x128xi32, #tpu.memory_space<vmem>> -> memref<128xi32, #tpu.memory_space<vmem>>
    %dma_wait3A_405 = arith.constant 0 : i32
    %dma_wait3A_406 = arith.constant 0 : i32
    %dma_wait3A_407 = tpu.memref_slice %arg13[%dma_wait3A_405, %dma_wait3A_406] : memref<100000x128xf32, #tpu.memory_space<hbm>> -> memref<100000x128xf32, #tpu.memory_space<hbm>>
    tpu.wait_indirect_dma semaphore(%arg22 : memref<!tpu.dma_semaphore, #tpu.memory_space<semaphore_mem>>) src(%dma_wait3A_407 : memref<100000x128xf32, #tpu.memory_space<hbm>>) dst(%dma_wait3A_401 : memref<128x128xf32, #tpu.memory_space<vmem>>)
    %dma_start3A_408 = arith.constant 3 : i32
    %dma_start3A_409 = arith.constant 0 : i32
    %dma_start3A_410 = arith.constant 0 : i32
    %dma_start3A_411 = tpu.memref_slice %arg20[%dma_start3A_408, %dma_start3A_409, %dma_start3A_410] : memref<4x128x128xf32, #tpu.memory_space<vmem>> -> memref<1x128x128xf32, #tpu.memory_space<vmem>>
    %dma_start3A_412 = tpu.memref_squeeze %dma_start3A_411 : memref<1x128x128xf32, #tpu.memory_space<vmem>> -> memref<128x128xf32, #tpu.memory_space<vmem>>
    %dma_start3A_413 = arith.constant 384 : i32
    %dma_start3A_414 = tpu.memref_slice %arg18[%mul3A_2, %dma_start3A_413] : memref<4096x1024xf32, #tpu.memory_space<hbm>> -> memref<128x128xf32, #tpu.memory_space<hbm>>
    %dma_start3A_415 = arith.constant 384 : i32
    %dma_start3A_416 = tpu.memref_slice %arg18[%mul3A_2, %dma_start3A_415] : memref<4096x1024xf32, #tpu.memory_space<hbm>> -> memref<128x128xf32, #tpu.memory_space<hbm>>
    %dma_start3A_417 = arith.constant 0 : i32
    %dma_start3A_418 = arith.constant 0 : i32
    %dma_start3A_419 = tpu.memref_slice %arg20[%dma_start3A_408, %dma_start3A_417, %dma_start3A_418] : memref<4x128x128xf32, #tpu.memory_space<vmem>> -> memref<1x128x128xf32, #tpu.memory_space<vmem>>
    %dma_start3A_420 = tpu.memref_squeeze %dma_start3A_419 : memref<1x128x128xf32, #tpu.memory_space<vmem>> -> memref<128x128xf32, #tpu.memory_space<vmem>>
    tpu.enqueue_dma source(%dma_start3A_420 : memref<128x128xf32, #tpu.memory_space<vmem>>) target(%dma_start3A_416 : memref<128x128xf32, #tpu.memory_space<hbm>>) target_semaphore(%arg23 : memref<!tpu.dma_semaphore, #tpu.memory_space<semaphore_mem>>)
    %dma_wait3A_421 = arith.constant 3 : i32
    %dma_wait3A_422 = arith.constant 0 : i32
    %dma_wait3A_423 = arith.constant 0 : i32
    %dma_wait3A_424 = tpu.memref_slice %arg20[%dma_wait3A_421, %dma_wait3A_422, %dma_wait3A_423] : memref<4x128x128xf32, #tpu.memory_space<vmem>> -> memref<1x128x128xf32, #tpu.memory_space<vmem>>
    %dma_wait3A_425 = tpu.memref_squeeze %dma_wait3A_424 : memref<1x128x128xf32, #tpu.memory_space<vmem>> -> memref<128x128xf32, #tpu.memory_space<vmem>>
    %dma_wait3A_426 = arith.constant 384 : i32
    %dma_wait3A_427 = tpu.memref_slice %arg18[%mul3A_2, %dma_wait3A_426] : memref<4096x1024xf32, #tpu.memory_space<hbm>> -> memref<128x128xf32, #tpu.memory_space<hbm>>
    %dma_wait3A_428 = arith.constant 384 : i32
    %dma_wait3A_429 = tpu.memref_slice %arg18[%mul3A_2, %dma_wait3A_428] : memref<4096x1024xf32, #tpu.memory_space<hbm>> -> memref<128x128xf32, #tpu.memory_space<hbm>>
    %dma_wait3A_430 = arith.constant 0 : i32
    %dma_wait3A_431 = arith.constant 0 : i32
    %dma_wait3A_432 = tpu.memref_slice %arg20[%dma_wait3A_421, %dma_wait3A_430, %dma_wait3A_431] : memref<4x128x128xf32, #tpu.memory_space<vmem>> -> memref<1x128x128xf32, #tpu.memory_space<vmem>>
    %dma_wait3A_433 = tpu.memref_squeeze %dma_wait3A_432 : memref<1x128x128xf32, #tpu.memory_space<vmem>> -> memref<128x128xf32, #tpu.memory_space<vmem>>
    tpu.wait_dma2 semaphore(%arg23 : memref<!tpu.dma_semaphore, #tpu.memory_space<semaphore_mem>>) src(%dma_wait3A_433 : memref<128x128xf32, #tpu.memory_space<vmem>>) dst(%dma_wait3A_429 : memref<128x128xf32, #tpu.memory_space<hbm>>)
    %dma_start3A_434 = arith.constant 7 : i32
    %dma_start3A_435 = arith.constant 3 : i32
    %dma_start3A_436 = arith.constant 0 : i32
    %dma_start3A_437 = arith.constant 0 : i32
    %dma_start3A_438 = tpu.memref_slice %arg20[%dma_start3A_435, %dma_start3A_436, %dma_start3A_437] : memref<4x128x128xf32, #tpu.memory_space<vmem>> -> memref<1x128x128xf32, #tpu.memory_space<vmem>>
    %dma_start3A_439 = tpu.memref_squeeze %dma_start3A_438 : memref<1x128x128xf32, #tpu.memory_space<vmem>> -> memref<128x128xf32, #tpu.memory_space<vmem>>
    %dma_start3A_440 = arith.constant 0 : i32
    %dma_start3A_441 = arith.constant 0 : i32
    %dma_start3A_442 = tpu.memref_slice %dma_start3A_439[%dma_start3A_440, %dma_start3A_441] : memref<128x128xf32, #tpu.memory_space<vmem>> -> memref<128x128xf32, #tpu.memory_space<vmem>>
    %dma_start3A_443 = arith.constant 0 : i32
    %dma_start3A_444 = tpu.memref_slice %arg19[%dma_start3A_434, %dma_start3A_443] : memref<8x128xi32, #tpu.memory_space<vmem>> -> memref<1x128xi32, #tpu.memory_space<vmem>>
    %dma_start3A_445 = tpu.memref_squeeze %dma_start3A_444 : memref<1x128xi32, #tpu.memory_space<vmem>> -> memref<128xi32, #tpu.memory_space<vmem>>
    %dma_start3A_446 = arith.constant 0 : i32
    %dma_start3A_447 = arith.constant 0 : i32
    %dma_start3A_448 = tpu.memref_slice %arg17[%dma_start3A_446, %dma_start3A_447] : memref<100000x128xf32, #tpu.memory_space<hbm>> -> memref<100000x128xf32, #tpu.memory_space<hbm>>
    tpu.enqueue_indirect_dma source(%dma_start3A_448 : memref<100000x128xf32, #tpu.memory_space<hbm>>) target(%dma_start3A_442 : memref<128x128xf32, #tpu.memory_space<vmem>>) offsets(%dma_start3A_445 : memref<128xi32, #tpu.memory_space<vmem>>) semaphore(%arg22 : memref<!tpu.dma_semaphore, #tpu.memory_space<semaphore_mem>>)
    %dma_wait3A_449 = arith.constant 4 : i32
    %dma_wait3A_450 = arith.constant 0 : i32
    %dma_wait3A_451 = arith.constant 0 : i32
    %dma_wait3A_452 = arith.constant 0 : i32
    %dma_wait3A_453 = tpu.memref_slice %arg20[%dma_wait3A_450, %dma_wait3A_451, %dma_wait3A_452] : memref<4x128x128xf32, #tpu.memory_space<vmem>> -> memref<1x128x128xf32, #tpu.memory_space<vmem>>
    %dma_wait3A_454 = tpu.memref_squeeze %dma_wait3A_453 : memref<1x128x128xf32, #tpu.memory_space<vmem>> -> memref<128x128xf32, #tpu.memory_space<vmem>>
    %dma_wait3A_455 = arith.constant 0 : i32
    %dma_wait3A_456 = arith.constant 0 : i32
    %dma_wait3A_457 = tpu.memref_slice %dma_wait3A_454[%dma_wait3A_455, %dma_wait3A_456] : memref<128x128xf32, #tpu.memory_space<vmem>> -> memref<128x128xf32, #tpu.memory_space<vmem>>
    %dma_wait3A_458 = arith.constant 0 : i32
    %dma_wait3A_459 = tpu.memref_slice %arg19[%dma_wait3A_449, %dma_wait3A_458] : memref<8x128xi32, #tpu.memory_space<vmem>> -> memref<1x128xi32, #tpu.memory_space<vmem>>
    %dma_wait3A_460 = tpu.memref_squeeze %dma_wait3A_459 : memref<1x128xi32, #tpu.memory_space<vmem>> -> memref<128xi32, #tpu.memory_space<vmem>>
    %dma_wait3A_461 = arith.constant 0 : i32
    %dma_wait3A_462 = arith.constant 0 : i32
    %dma_wait3A_463 = tpu.memref_slice %arg14[%dma_wait3A_461, %dma_wait3A_462] : memref<100000x128xf32, #tpu.memory_space<hbm>> -> memref<100000x128xf32, #tpu.memory_space<hbm>>
    tpu.wait_indirect_dma semaphore(%arg22 : memref<!tpu.dma_semaphore, #tpu.memory_space<semaphore_mem>>) src(%dma_wait3A_463 : memref<100000x128xf32, #tpu.memory_space<hbm>>) dst(%dma_wait3A_457 : memref<128x128xf32, #tpu.memory_space<vmem>>)
    %dma_start3A_464 = arith.constant 0 : i32
    %dma_start3A_465 = arith.constant 0 : i32
    %dma_start3A_466 = arith.constant 0 : i32
    %dma_start3A_467 = tpu.memref_slice %arg20[%dma_start3A_464, %dma_start3A_465, %dma_start3A_466] : memref<4x128x128xf32, #tpu.memory_space<vmem>> -> memref<1x128x128xf32, #tpu.memory_space<vmem>>
    %dma_start3A_468 = tpu.memref_squeeze %dma_start3A_467 : memref<1x128x128xf32, #tpu.memory_space<vmem>> -> memref<128x128xf32, #tpu.memory_space<vmem>>
    %dma_start3A_469 = arith.constant 512 : i32
    %dma_start3A_470 = tpu.memref_slice %arg18[%mul3A_2, %dma_start3A_469] : memref<4096x1024xf32, #tpu.memory_space<hbm>> -> memref<128x128xf32, #tpu.memory_space<hbm>>
    %dma_start3A_471 = arith.constant 512 : i32
    %dma_start3A_472 = tpu.memref_slice %arg18[%mul3A_2, %dma_start3A_471] : memref<4096x1024xf32, #tpu.memory_space<hbm>> -> memref<128x128xf32, #tpu.memory_space<hbm>>
    %dma_start3A_473 = arith.constant 0 : i32
    %dma_start3A_474 = arith.constant 0 : i32
    %dma_start3A_475 = tpu.memref_slice %arg20[%dma_start3A_464, %dma_start3A_473, %dma_start3A_474] : memref<4x128x128xf32, #tpu.memory_space<vmem>> -> memref<1x128x128xf32, #tpu.memory_space<vmem>>
    %dma_start3A_476 = tpu.memref_squeeze %dma_start3A_475 : memref<1x128x128xf32, #tpu.memory_space<vmem>> -> memref<128x128xf32, #tpu.memory_space<vmem>>
    tpu.enqueue_dma source(%dma_start3A_476 : memref<128x128xf32, #tpu.memory_space<vmem>>) target(%dma_start3A_472 : memref<128x128xf32, #tpu.memory_space<hbm>>) target_semaphore(%arg23 : memref<!tpu.dma_semaphore, #tpu.memory_space<semaphore_mem>>)
    %dma_wait3A_477 = arith.constant 5 : i32
    %dma_wait3A_478 = arith.constant 1 : i32
    %dma_wait3A_479 = arith.constant 0 : i32
    %dma_wait3A_480 = arith.constant 0 : i32
    %dma_wait3A_481 = tpu.memref_slice %arg20[%dma_wait3A_478, %dma_wait3A_479, %dma_wait3A_480] : memref<4x128x128xf32, #tpu.memory_space<vmem>> -> memref<1x128x128xf32, #tpu.memory_space<vmem>>
    %dma_wait3A_482 = tpu.memref_squeeze %dma_wait3A_481 : memref<1x128x128xf32, #tpu.memory_space<vmem>> -> memref<128x128xf32, #tpu.memory_space<vmem>>
    %dma_wait3A_483 = arith.constant 0 : i32
    %dma_wait3A_484 = arith.constant 0 : i32
    %dma_wait3A_485 = tpu.memref_slice %dma_wait3A_482[%dma_wait3A_483, %dma_wait3A_484] : memref<128x128xf32, #tpu.memory_space<vmem>> -> memref<128x128xf32, #tpu.memory_space<vmem>>
    %dma_wait3A_486 = arith.constant 0 : i32
    %dma_wait3A_487 = tpu.memref_slice %arg19[%dma_wait3A_477, %dma_wait3A_486] : memref<8x128xi32, #tpu.memory_space<vmem>> -> memref<1x128xi32, #tpu.memory_space<vmem>>
    %dma_wait3A_488 = tpu.memref_squeeze %dma_wait3A_487 : memref<1x128xi32, #tpu.memory_space<vmem>> -> memref<128xi32, #tpu.memory_space<vmem>>
    %dma_wait3A_489 = arith.constant 0 : i32
    %dma_wait3A_490 = arith.constant 0 : i32
    %dma_wait3A_491 = tpu.memref_slice %arg15[%dma_wait3A_489, %dma_wait3A_490] : memref<100000x128xf32, #tpu.memory_space<hbm>> -> memref<100000x128xf32, #tpu.memory_space<hbm>>
    tpu.wait_indirect_dma semaphore(%arg22 : memref<!tpu.dma_semaphore, #tpu.memory_space<semaphore_mem>>) src(%dma_wait3A_491 : memref<100000x128xf32, #tpu.memory_space<hbm>>) dst(%dma_wait3A_485 : memref<128x128xf32, #tpu.memory_space<vmem>>)
    %dma_start3A_492 = arith.constant 1 : i32
    %dma_start3A_493 = arith.constant 0 : i32
    %dma_start3A_494 = arith.constant 0 : i32
    %dma_start3A_495 = tpu.memref_slice %arg20[%dma_start3A_492, %dma_start3A_493, %dma_start3A_494] : memref<4x128x128xf32, #tpu.memory_space<vmem>> -> memref<1x128x128xf32, #tpu.memory_space<vmem>>
    %dma_start3A_496 = tpu.memref_squeeze %dma_start3A_495 : memref<1x128x128xf32, #tpu.memory_space<vmem>> -> memref<128x128xf32, #tpu.memory_space<vmem>>
    %dma_start3A_497 = arith.constant 640 : i32
    %dma_start3A_498 = tpu.memref_slice %arg18[%mul3A_2, %dma_start3A_497] : memref<4096x1024xf32, #tpu.memory_space<hbm>> -> memref<128x128xf32, #tpu.memory_space<hbm>>
    %dma_start3A_499 = arith.constant 640 : i32
    %dma_start3A_500 = tpu.memref_slice %arg18[%mul3A_2, %dma_start3A_499] : memref<4096x1024xf32, #tpu.memory_space<hbm>> -> memref<128x128xf32, #tpu.memory_space<hbm>>
    %dma_start3A_501 = arith.constant 0 : i32
    %dma_start3A_502 = arith.constant 0 : i32
    %dma_start3A_503 = tpu.memref_slice %arg20[%dma_start3A_492, %dma_start3A_501, %dma_start3A_502] : memref<4x128x128xf32, #tpu.memory_space<vmem>> -> memref<1x128x128xf32, #tpu.memory_space<vmem>>
    %dma_start3A_504 = tpu.memref_squeeze %dma_start3A_503 : memref<1x128x128xf32, #tpu.memory_space<vmem>> -> memref<128x128xf32, #tpu.memory_space<vmem>>
    tpu.enqueue_dma source(%dma_start3A_504 : memref<128x128xf32, #tpu.memory_space<vmem>>) target(%dma_start3A_500 : memref<128x128xf32, #tpu.memory_space<hbm>>) target_semaphore(%arg23 : memref<!tpu.dma_semaphore, #tpu.memory_space<semaphore_mem>>)
    %dma_wait3A_505 = arith.constant 6 : i32
    %dma_wait3A_506 = arith.constant 2 : i32
    %dma_wait3A_507 = arith.constant 0 : i32
    %dma_wait3A_508 = arith.constant 0 : i32
    %dma_wait3A_509 = tpu.memref_slice %arg20[%dma_wait3A_506, %dma_wait3A_507, %dma_wait3A_508] : memref<4x128x128xf32, #tpu.memory_space<vmem>> -> memref<1x128x128xf32, #tpu.memory_space<vmem>>
    %dma_wait3A_510 = tpu.memref_squeeze %dma_wait3A_509 : memref<1x128x128xf32, #tpu.memory_space<vmem>> -> memref<128x128xf32, #tpu.memory_space<vmem>>
    %dma_wait3A_511 = arith.constant 0 : i32
    %dma_wait3A_512 = arith.constant 0 : i32
    %dma_wait3A_513 = tpu.memref_slice %dma_wait3A_510[%dma_wait3A_511, %dma_wait3A_512] : memref<128x128xf32, #tpu.memory_space<vmem>> -> memref<128x128xf32, #tpu.memory_space<vmem>>
    %dma_wait3A_514 = arith.constant 0 : i32
    %dma_wait3A_515 = tpu.memref_slice %arg19[%dma_wait3A_505, %dma_wait3A_514] : memref<8x128xi32, #tpu.memory_space<vmem>> -> memref<1x128xi32, #tpu.memory_space<vmem>>
    %dma_wait3A_516 = tpu.memref_squeeze %dma_wait3A_515 : memref<1x128xi32, #tpu.memory_space<vmem>> -> memref<128xi32, #tpu.memory_space<vmem>>
    %dma_wait3A_517 = arith.constant 0 : i32
    %dma_wait3A_518 = arith.constant 0 : i32
    %dma_wait3A_519 = tpu.memref_slice %arg16[%dma_wait3A_517, %dma_wait3A_518] : memref<100000x128xf32, #tpu.memory_space<hbm>> -> memref<100000x128xf32, #tpu.memory_space<hbm>>
    tpu.wait_indirect_dma semaphore(%arg22 : memref<!tpu.dma_semaphore, #tpu.memory_space<semaphore_mem>>) src(%dma_wait3A_519 : memref<100000x128xf32, #tpu.memory_space<hbm>>) dst(%dma_wait3A_513 : memref<128x128xf32, #tpu.memory_space<vmem>>)
    %dma_start3A_520 = arith.constant 2 : i32
    %dma_start3A_521 = arith.constant 0 : i32
    %dma_start3A_522 = arith.constant 0 : i32
    %dma_start3A_523 = tpu.memref_slice %arg20[%dma_start3A_520, %dma_start3A_521, %dma_start3A_522] : memref<4x128x128xf32, #tpu.memory_space<vmem>> -> memref<1x128x128xf32, #tpu.memory_space<vmem>>
    %dma_start3A_524 = tpu.memref_squeeze %dma_start3A_523 : memref<1x128x128xf32, #tpu.memory_space<vmem>> -> memref<128x128xf32, #tpu.memory_space<vmem>>
    %dma_start3A_525 = arith.constant 768 : i32
    %dma_start3A_526 = tpu.memref_slice %arg18[%mul3A_2, %dma_start3A_525] : memref<4096x1024xf32, #tpu.memory_space<hbm>> -> memref<128x128xf32, #tpu.memory_space<hbm>>
    %dma_start3A_527 = arith.constant 768 : i32
    %dma_start3A_528 = tpu.memref_slice %arg18[%mul3A_2, %dma_start3A_527] : memref<4096x1024xf32, #tpu.memory_space<hbm>> -> memref<128x128xf32, #tpu.memory_space<hbm>>
    %dma_start3A_529 = arith.constant 0 : i32
    %dma_start3A_530 = arith.constant 0 : i32
    %dma_start3A_531 = tpu.memref_slice %arg20[%dma_start3A_520, %dma_start3A_529, %dma_start3A_530] : memref<4x128x128xf32, #tpu.memory_space<vmem>> -> memref<1x128x128xf32, #tpu.memory_space<vmem>>
    %dma_start3A_532 = tpu.memref_squeeze %dma_start3A_531 : memref<1x128x128xf32, #tpu.memory_space<vmem>> -> memref<128x128xf32, #tpu.memory_space<vmem>>
    tpu.enqueue_dma source(%dma_start3A_532 : memref<128x128xf32, #tpu.memory_space<vmem>>) target(%dma_start3A_528 : memref<128x128xf32, #tpu.memory_space<hbm>>) target_semaphore(%arg23 : memref<!tpu.dma_semaphore, #tpu.memory_space<semaphore_mem>>)
    %dma_wait3A_533 = arith.constant 7 : i32
    %dma_wait3A_534 = arith.constant 3 : i32
    %dma_wait3A_535 = arith.constant 0 : i32
    %dma_wait3A_536 = arith.constant 0 : i32
    %dma_wait3A_537 = tpu.memref_slice %arg20[%dma_wait3A_534, %dma_wait3A_535, %dma_wait3A_536] : memref<4x128x128xf32, #tpu.memory_space<vmem>> -> memref<1x128x128xf32, #tpu.memory_space<vmem>>
    %dma_wait3A_538 = tpu.memref_squeeze %dma_wait3A_537 : memref<1x128x128xf32, #tpu.memory_space<vmem>> -> memref<128x128xf32, #tpu.memory_space<vmem>>
    %dma_wait3A_539 = arith.constant 0 : i32
    %dma_wait3A_540 = arith.constant 0 : i32
    %dma_wait3A_541 = tpu.memref_slice %dma_wait3A_538[%dma_wait3A_539, %dma_wait3A_540] : memref<128x128xf32, #tpu.memory_space<vmem>> -> memref<128x128xf32, #tpu.memory_space<vmem>>
    %dma_wait3A_542 = arith.constant 0 : i32
    %dma_wait3A_543 = tpu.memref_slice %arg19[%dma_wait3A_533, %dma_wait3A_542] : memref<8x128xi32, #tpu.memory_space<vmem>> -> memref<1x128xi32, #tpu.memory_space<vmem>>
    %dma_wait3A_544 = tpu.memref_squeeze %dma_wait3A_543 : memref<1x128xi32, #tpu.memory_space<vmem>> -> memref<128xi32, #tpu.memory_space<vmem>>
    %dma_wait3A_545 = arith.constant 0 : i32
    %dma_wait3A_546 = arith.constant 0 : i32
    %dma_wait3A_547 = tpu.memref_slice %arg17[%dma_wait3A_545, %dma_wait3A_546] : memref<100000x128xf32, #tpu.memory_space<hbm>> -> memref<100000x128xf32, #tpu.memory_space<hbm>>
    tpu.wait_indirect_dma semaphore(%arg22 : memref<!tpu.dma_semaphore, #tpu.memory_space<semaphore_mem>>) src(%dma_wait3A_547 : memref<100000x128xf32, #tpu.memory_space<hbm>>) dst(%dma_wait3A_541 : memref<128x128xf32, #tpu.memory_space<vmem>>)
    %dma_start3A_548 = arith.constant 3 : i32
    %dma_start3A_549 = arith.constant 0 : i32
    %dma_start3A_550 = arith.constant 0 : i32
    %dma_start3A_551 = tpu.memref_slice %arg20[%dma_start3A_548, %dma_start3A_549, %dma_start3A_550] : memref<4x128x128xf32, #tpu.memory_space<vmem>> -> memref<1x128x128xf32, #tpu.memory_space<vmem>>
    %dma_start3A_552 = tpu.memref_squeeze %dma_start3A_551 : memref<1x128x128xf32, #tpu.memory_space<vmem>> -> memref<128x128xf32, #tpu.memory_space<vmem>>
    %dma_start3A_553 = arith.constant 896 : i32
    %dma_start3A_554 = tpu.memref_slice %arg18[%mul3A_2, %dma_start3A_553] : memref<4096x1024xf32, #tpu.memory_space<hbm>> -> memref<128x128xf32, #tpu.memory_space<hbm>>
    %dma_start3A_555 = arith.constant 896 : i32
    %dma_start3A_556 = tpu.memref_slice %arg18[%mul3A_2, %dma_start3A_555] : memref<4096x1024xf32, #tpu.memory_space<hbm>> -> memref<128x128xf32, #tpu.memory_space<hbm>>
    %dma_start3A_557 = arith.constant 0 : i32
    %dma_start3A_558 = arith.constant 0 : i32
    %dma_start3A_559 = tpu.memref_slice %arg20[%dma_start3A_548, %dma_start3A_557, %dma_start3A_558] : memref<4x128x128xf32, #tpu.memory_space<vmem>> -> memref<1x128x128xf32, #tpu.memory_space<vmem>>
    %dma_start3A_560 = tpu.memref_squeeze %dma_start3A_559 : memref<1x128x128xf32, #tpu.memory_space<vmem>> -> memref<128x128xf32, #tpu.memory_space<vmem>>
    tpu.enqueue_dma source(%dma_start3A_560 : memref<128x128xf32, #tpu.memory_space<vmem>>) target(%dma_start3A_556 : memref<128x128xf32, #tpu.memory_space<hbm>>) target_semaphore(%arg23 : memref<!tpu.dma_semaphore, #tpu.memory_space<semaphore_mem>>)
    %dma_wait3A_561 = arith.constant 0 : i32
    %dma_wait3A_562 = arith.constant 0 : i32
    %dma_wait3A_563 = arith.constant 0 : i32
    %dma_wait3A_564 = tpu.memref_slice %arg20[%dma_wait3A_561, %dma_wait3A_562, %dma_wait3A_563] : memref<4x128x128xf32, #tpu.memory_space<vmem>> -> memref<1x128x128xf32, #tpu.memory_space<vmem>>
    %dma_wait3A_565 = tpu.memref_squeeze %dma_wait3A_564 : memref<1x128x128xf32, #tpu.memory_space<vmem>> -> memref<128x128xf32, #tpu.memory_space<vmem>>
    %dma_wait3A_566 = arith.constant 512 : i32
    %dma_wait3A_567 = tpu.memref_slice %arg18[%mul3A_2, %dma_wait3A_566] : memref<4096x1024xf32, #tpu.memory_space<hbm>> -> memref<128x128xf32, #tpu.memory_space<hbm>>
    %dma_wait3A_568 = arith.constant 512 : i32
    %dma_wait3A_569 = tpu.memref_slice %arg18[%mul3A_2, %dma_wait3A_568] : memref<4096x1024xf32, #tpu.memory_space<hbm>> -> memref<128x128xf32, #tpu.memory_space<hbm>>
    %dma_wait3A_570 = arith.constant 0 : i32
    %dma_wait3A_571 = arith.constant 0 : i32
    %dma_wait3A_572 = tpu.memref_slice %arg20[%dma_wait3A_561, %dma_wait3A_570, %dma_wait3A_571] : memref<4x128x128xf32, #tpu.memory_space<vmem>> -> memref<1x128x128xf32, #tpu.memory_space<vmem>>
    %dma_wait3A_573 = tpu.memref_squeeze %dma_wait3A_572 : memref<1x128x128xf32, #tpu.memory_space<vmem>> -> memref<128x128xf32, #tpu.memory_space<vmem>>
    tpu.wait_dma2 semaphore(%arg23 : memref<!tpu.dma_semaphore, #tpu.memory_space<semaphore_mem>>) src(%dma_wait3A_573 : memref<128x128xf32, #tpu.memory_space<vmem>>) dst(%dma_wait3A_569 : memref<128x128xf32, #tpu.memory_space<hbm>>)
    %dma_wait3A_574 = arith.constant 1 : i32
    %dma_wait3A_575 = arith.constant 0 : i32
    %dma_wait3A_576 = arith.constant 0 : i32
    %dma_wait3A_577 = tpu.memref_slice %arg20[%dma_wait3A_574, %dma_wait3A_575, %dma_wait3A_576] : memref<4x128x128xf32, #tpu.memory_space<vmem>> -> memref<1x128x128xf32, #tpu.memory_space<vmem>>
    %dma_wait3A_578 = tpu.memref_squeeze %dma_wait3A_577 : memref<1x128x128xf32, #tpu.memory_space<vmem>> -> memref<128x128xf32, #tpu.memory_space<vmem>>
    %dma_wait3A_579 = arith.constant 640 : i32
    %dma_wait3A_580 = tpu.memref_slice %arg18[%mul3A_2, %dma_wait3A_579] : memref<4096x1024xf32, #tpu.memory_space<hbm>> -> memref<128x128xf32, #tpu.memory_space<hbm>>
    %dma_wait3A_581 = arith.constant 640 : i32
    %dma_wait3A_582 = tpu.memref_slice %arg18[%mul3A_2, %dma_wait3A_581] : memref<4096x1024xf32, #tpu.memory_space<hbm>> -> memref<128x128xf32, #tpu.memory_space<hbm>>
    %dma_wait3A_583 = arith.constant 0 : i32
    %dma_wait3A_584 = arith.constant 0 : i32
    %dma_wait3A_585 = tpu.memref_slice %arg20[%dma_wait3A_574, %dma_wait3A_583, %dma_wait3A_584] : memref<4x128x128xf32, #tpu.memory_space<vmem>> -> memref<1x128x128xf32, #tpu.memory_space<vmem>>
    %dma_wait3A_586 = tpu.memref_squeeze %dma_wait3A_585 : memref<1x128x128xf32, #tpu.memory_space<vmem>> -> memref<128x128xf32, #tpu.memory_space<vmem>>
    tpu.wait_dma2 semaphore(%arg23 : memref<!tpu.dma_semaphore, #tpu.memory_space<semaphore_mem>>) src(%dma_wait3A_586 : memref<128x128xf32, #tpu.memory_space<vmem>>) dst(%dma_wait3A_582 : memref<128x128xf32, #tpu.memory_space<hbm>>)
    %dma_wait3A_587 = arith.constant 2 : i32
    %dma_wait3A_588 = arith.constant 0 : i32
    %dma_wait3A_589 = arith.constant 0 : i32
    %dma_wait3A_590 = tpu.memref_slice %arg20[%dma_wait3A_587, %dma_wait3A_588, %dma_wait3A_589] : memref<4x128x128xf32, #tpu.memory_space<vmem>> -> memref<1x128x128xf32, #tpu.memory_space<vmem>>
    %dma_wait3A_591 = tpu.memref_squeeze %dma_wait3A_590 : memref<1x128x128xf32, #tpu.memory_space<vmem>> -> memref<128x128xf32, #tpu.memory_space<vmem>>
    %dma_wait3A_592 = arith.constant 768 : i32
    %dma_wait3A_593 = tpu.memref_slice %arg18[%mul3A_2, %dma_wait3A_592] : memref<4096x1024xf32, #tpu.memory_space<hbm>> -> memref<128x128xf32, #tpu.memory_space<hbm>>
    %dma_wait3A_594 = arith.constant 768 : i32
    %dma_wait3A_595 = tpu.memref_slice %arg18[%mul3A_2, %dma_wait3A_594] : memref<4096x1024xf32, #tpu.memory_space<hbm>> -> memref<128x128xf32, #tpu.memory_space<hbm>>
    %dma_wait3A_596 = arith.constant 0 : i32
    %dma_wait3A_597 = arith.constant 0 : i32
    %dma_wait3A_598 = tpu.memref_slice %arg20[%dma_wait3A_587, %dma_wait3A_596, %dma_wait3A_597] : memref<4x128x128xf32, #tpu.memory_space<vmem>> -> memref<1x128x128xf32, #tpu.memory_space<vmem>>
    %dma_wait3A_599 = tpu.memref_squeeze %dma_wait3A_598 : memref<1x128x128xf32, #tpu.memory_space<vmem>> -> memref<128x128xf32, #tpu.memory_space<vmem>>
    tpu.wait_dma2 semaphore(%arg23 : memref<!tpu.dma_semaphore, #tpu.memory_space<semaphore_mem>>) src(%dma_wait3A_599 : memref<128x128xf32, #tpu.memory_space<vmem>>) dst(%dma_wait3A_595 : memref<128x128xf32, #tpu.memory_space<hbm>>)
    %dma_wait3A_600 = arith.constant 3 : i32
    %dma_wait3A_601 = arith.constant 0 : i32
    %dma_wait3A_602 = arith.constant 0 : i32
    %dma_wait3A_603 = tpu.memref_slice %arg20[%dma_wait3A_600, %dma_wait3A_601, %dma_wait3A_602] : memref<4x128x128xf32, #tpu.memory_space<vmem>> -> memref<1x128x128xf32, #tpu.memory_space<vmem>>
    %dma_wait3A_604 = tpu.memref_squeeze %dma_wait3A_603 : memref<1x128x128xf32, #tpu.memory_space<vmem>> -> memref<128x128xf32, #tpu.memory_space<vmem>>
    %dma_wait3A_605 = arith.constant 896 : i32
    %dma_wait3A_606 = tpu.memref_slice %arg18[%mul3A_2, %dma_wait3A_605] : memref<4096x1024xf32, #tpu.memory_space<hbm>> -> memref<128x128xf32, #tpu.memory_space<hbm>>
    %dma_wait3A_607 = arith.constant 896 : i32
    %dma_wait3A_608 = tpu.memref_slice %arg18[%mul3A_2, %dma_wait3A_607] : memref<4096x1024xf32, #tpu.memory_space<hbm>> -> memref<128x128xf32, #tpu.memory_space<hbm>>
    %dma_wait3A_609 = arith.constant 0 : i32
    %dma_wait3A_610 = arith.constant 0 : i32
    %dma_wait3A_611 = tpu.memref_slice %arg20[%dma_wait3A_600, %dma_wait3A_609, %dma_wait3A_610] : memref<4x128x128xf32, #tpu.memory_space<vmem>> -> memref<1x128x128xf32, #tpu.memory_space<vmem>>
    %dma_wait3A_612 = tpu.memref_squeeze %dma_wait3A_611 : memref<1x128x128xf32, #tpu.memory_space<vmem>> -> memref<128x128xf32, #tpu.memory_space<vmem>>
    tpu.wait_dma2 semaphore(%arg23 : memref<!tpu.dma_semaphore, #tpu.memory_space<semaphore_mem>>) src(%dma_wait3A_612 : memref<128x128xf32, #tpu.memory_space<vmem>>) dst(%dma_wait3A_608 : memref<128x128xf32, #tpu.memory_space<hbm>>)
    return
  }
}

module attributes {stable_mosaic.version = 14 : i64} {
  func.func @_mlp_body(%arg0: i32, %arg1: memref<1024x1024xf32, #tpu.memory_space<vmem>>, %arg2: memref<1024x1xf32, #tpu.memory_space<vmem>>, %arg3: memref<1024x1024xbf16, #tpu.memory_space<vmem>>, %arg4: memref<1x1024xf32, #tpu.memory_space<vmem>>, %arg5: memref<1x1024xf32, #tpu.memory_space<vmem>>, %arg6: memref<1024x1024xbf16, #tpu.memory_space<vmem>>, %arg7: memref<1x1024xf32, #tpu.memory_space<vmem>>, %arg8: memref<16384x1024xf32, #tpu.memory_space<any>>, %arg9: memref<1024x1024xf32, #tpu.memory_space<vmem>>) attributes {dimension_semantics = [#tpu.dimension_semantics<arbitrary>], iteration_bounds = array<i64: 4>, scalar_prefetch = 0 : i64, scratch_operands = 0 : i64, tpu.core_type = #tpu.core_type<tc>, window_params = [{transform_indices = @transform_0, window_bounds = array<i64: 1024, 1024>}, {transform_indices = @transform_1, window_bounds = array<i64: 1024, 1>}, {pipeline_mode = #tpu.pipeline_mode<synchronous>, transform_indices = @transform_2, window_bounds = array<i64: 1024, 1024>}, {pipeline_mode = #tpu.pipeline_mode<synchronous>, transform_indices = @transform_3, window_bounds = array<i64: 1, 1024>}, {pipeline_mode = #tpu.pipeline_mode<synchronous>, transform_indices = @transform_4, window_bounds = array<i64: 1, 1024>}, {pipeline_mode = #tpu.pipeline_mode<synchronous>, transform_indices = @transform_5, window_bounds = array<i64: 1024, 1024>}, {pipeline_mode = #tpu.pipeline_mode<synchronous>, transform_indices = @transform_6, window_bounds = array<i64: 1, 1024>}, {}, {transform_indices = @transform_8, window_bounds = array<i64: 1024, 1024>}]} {
    %get3A = arith.constant 0 : index
    %get3A_0 = arith.constant 0 : index
    %get3A_1 = vector.load %arg1[%get3A, %get3A_0] : memref<1024x1024xf32, #tpu.memory_space<vmem>>, vector<1024x1024xf32>
    %convert_element_type3A = arith.truncf %get3A_1 : vector<1024x1024xf32> to vector<1024x1024xbf16>
    %get3A_2 = arith.constant 0 : index
    %get3A_3 = arith.constant 0 : index
    %get3A_4 = vector.load %arg3[%get3A_2, %get3A_3] : memref<1024x1024xbf16, #tpu.memory_space<vmem>>, vector<1024x1024xbf16>
    %dot_general3A = arith.constant dense<0.000000e+00> : vector<1024x1024xf32>
    %dot_general3A_5 = tpu.matmul %convert_element_type3A, %get3A_4, %dot_general3A {dimension_numbers = #tpu.dot_dimension_numbers<[1], [0], [0], [1], [0, 0, 1, 1], [], []>, transpose_lhs_hint = false} : vector<1024x1024xbf16>, vector<1024x1024xbf16>, vector<1024x1024xf32> -> vector<1024x1024xf32>
    %get3A_6 = arith.constant 0 : index
    %get3A_7 = arith.constant 0 : index
    %get3A_8 = vector.load %arg2[%get3A_6, %get3A_7] : memref<1024x1xf32, #tpu.memory_space<vmem>>, vector<1024x1xf32>
    %get3A_9 = arith.constant 0 : index
    %get3A_10 = arith.constant 0 : index
    %get3A_11 = vector.load %arg4[%get3A_9, %get3A_10] : memref<1x1024xf32, #tpu.memory_space<vmem>>, vector<1x1024xf32>
    %mul3A = vector.broadcast %get3A_8 : vector<1024x1xf32> to vector<1024x1024xf32>
    %mul3A_12 = vector.broadcast %get3A_11 : vector<1x1024xf32> to vector<1024x1024xf32>
    %mul3A_13 = arith.mulf %mul3A, %mul3A_12 : vector<1024x1024xf32>
    %add3A = arith.addf %dot_general3A_5, %mul3A_13 : vector<1024x1024xf32>
    %get3A_14 = arith.constant 0 : index
    %get3A_15 = arith.constant 0 : index
    %get3A_16 = vector.load %arg5[%get3A_14, %get3A_15] : memref<1x1024xf32, #tpu.memory_space<vmem>>, vector<1x1024xf32>
    %add3A_17 = vector.broadcast %get3A_16 : vector<1x1024xf32> to vector<1024x1024xf32>
    %add3A_18 = arith.addf %add3A, %add3A_17 : vector<1024x1024xf32>
    %max3A = arith.constant 0.000000e+00 : f32
    %max3A_19 = vector.broadcast %max3A : f32 to vector<1024x1024xf32>
    %max3A_20 = arith.maximumf %add3A_18, %max3A_19 : vector<1024x1024xf32>
    %convert_element_type3A_21 = arith.truncf %max3A_20 : vector<1024x1024xf32> to vector<1024x1024xbf16>
    %get3A_22 = arith.constant 0 : index
    %get3A_23 = arith.constant 0 : index
    %get3A_24 = vector.load %arg6[%get3A_22, %get3A_23] : memref<1024x1024xbf16, #tpu.memory_space<vmem>>, vector<1024x1024xbf16>
    %dot_general3A_25 = arith.constant dense<0.000000e+00> : vector<1024x1024xf32>
    %dot_general3A_26 = tpu.matmul %convert_element_type3A_21, %get3A_24, %dot_general3A_25 {dimension_numbers = #tpu.dot_dimension_numbers<[1], [0], [0], [1], [0, 0, 1, 1], [], []>, transpose_lhs_hint = false} : vector<1024x1024xbf16>, vector<1024x1024xbf16>, vector<1024x1024xf32> -> vector<1024x1024xf32>
    %get3A_27 = arith.constant 0 : index
    %get3A_28 = arith.constant 0 : index
    %get3A_29 = vector.load %arg7[%get3A_27, %get3A_28] : memref<1x1024xf32, #tpu.memory_space<vmem>>, vector<1x1024xf32>
    %add3A_30 = vector.broadcast %get3A_29 : vector<1x1024xf32> to vector<1024x1024xf32>
    %add3A_31 = arith.addf %dot_general3A_26, %add3A_30 : vector<1024x1024xf32>
    %max3A_32 = arith.constant 0.000000e+00 : f32
    %max3A_33 = vector.broadcast %max3A_32 : f32 to vector<1024x1024xf32>
    %max3A_34 = arith.maximumf %add3A_31, %max3A_33 : vector<1024x1024xf32>
    %swap3A = arith.constant 0 : index
    %swap3A_35 = arith.constant 0 : index
    %swap3A_36 = vector.load %arg9[%swap3A, %swap3A_35] : memref<1024x1024xf32, #tpu.memory_space<vmem>>, vector<1024x1024xf32>
    tpu.vector_store %arg9[%swap3A, %swap3A_35], %max3A_34 {strides = array<i32>} : memref<1024x1024xf32, #tpu.memory_space<vmem>>, vector<1024x1024xf32>,
    return
  }
  func.func @transform_0(%arg0: i32) -> (i32, i32) {
    %c0_i32 = arith.constant 0 : i32
    %c0_i32_0 = arith.constant 0 : i32
    return %arg0, %c0_i32 : i32, i32
  }
  func.func @transform_1(%arg0: i32) -> (i32, i32) {
    %c0_i32 = arith.constant 0 : i32
    %c0_i32_0 = arith.constant 0 : i32
    return %arg0, %c0_i32 : i32, i32
  }
  func.func @transform_2(%arg0: i32) -> (i32, i32) {
    %c0_i32 = arith.constant 0 : i32
    %c0_i32_0 = arith.constant 0 : i32
    %c0_i32_1 = arith.constant 0 : i32
    return %c0_i32, %c0_i32_0 : i32, i32
  }
  func.func @transform_3(%arg0: i32) -> (i32, i32) {
    %c0_i32 = arith.constant 0 : i32
    %c0_i32_0 = arith.constant 0 : i32
    %c0_i32_1 = arith.constant 0 : i32
    return %c0_i32, %c0_i32_0 : i32, i32
  }
  func.func @transform_4(%arg0: i32) -> (i32, i32) {
    %c0_i32 = arith.constant 0 : i32
    %c0_i32_0 = arith.constant 0 : i32
    %c0_i32_1 = arith.constant 0 : i32
    return %c0_i32, %c0_i32_0 : i32, i32
  }
  func.func @transform_5(%arg0: i32) -> (i32, i32) {
    %c0_i32 = arith.constant 0 : i32
    %c0_i32_0 = arith.constant 0 : i32
    %c0_i32_1 = arith.constant 0 : i32
    return %c0_i32, %c0_i32_0 : i32, i32
  }
  func.func @transform_6(%arg0: i32) -> (i32, i32) {
    %c0_i32 = arith.constant 0 : i32
    %c0_i32_0 = arith.constant 0 : i32
    %c0_i32_1 = arith.constant 0 : i32
    return %c0_i32, %c0_i32_0 : i32, i32
  }
  func.func @transform_8(%arg0: i32) -> (i32, i32) {
    %add3A = arith.constant 4 : i32
    %add3A_0 = arith.addi %add3A, %arg0 : i32
    %c0_i32 = arith.constant 0 : i32
    %c0_i32_1 = arith.constant 0 : i32
    return %add3A_0, %c0_i32 : i32, i32
  }
}

module attributes {stable_mosaic.version = 14 : i64} {
  func.func @_mlp_body(%arg0: i32, %arg1: memref<1024x1024xf32, #tpu.memory_space<vmem>>, %arg2: memref<1024x1xf32, #tpu.memory_space<vmem>>, %arg3: memref<1024x1024xbf16, #tpu.memory_space<vmem>>, %arg4: memref<1x1024xf32, #tpu.memory_space<vmem>>, %arg5: memref<1x1024xf32, #tpu.memory_space<vmem>>, %arg6: memref<1024x1024xbf16, #tpu.memory_space<vmem>>, %arg7: memref<1x1024xf32, #tpu.memory_space<vmem>>, %arg8: memref<1024x1024xf32, #tpu.memory_space<vmem>>) attributes {dimension_semantics = [#tpu.dimension_semantics<arbitrary>], iteration_bounds = array<i64: 4>, scalar_prefetch = 0 : i64, scratch_operands = 0 : i64, tpu.core_type = #tpu.core_type<tc>, window_params = [{transform_indices = @transform_0, window_bounds = array<i64: 1024, 1024>}, {transform_indices = @transform_1, window_bounds = array<i64: 1024, 1>}, {pipeline_mode = #tpu.pipeline_mode<synchronous>, transform_indices = @transform_2, window_bounds = array<i64: 1024, 1024>}, {pipeline_mode = #tpu.pipeline_mode<synchronous>, transform_indices = @transform_3, window_bounds = array<i64: 1, 1024>}, {pipeline_mode = #tpu.pipeline_mode<synchronous>, transform_indices = @transform_4, window_bounds = array<i64: 1, 1024>}, {pipeline_mode = #tpu.pipeline_mode<synchronous>, transform_indices = @transform_5, window_bounds = array<i64: 1024, 1024>}, {pipeline_mode = #tpu.pipeline_mode<synchronous>, transform_indices = @transform_6, window_bounds = array<i64: 1, 1024>}, {transform_indices = @transform_7, window_bounds = array<i64: 1024, 1024>}]} {
    %get3A = arith.constant 0 : index
    %get3A_0 = arith.constant 0 : index
    %get3A_1 = vector.load %arg1[%get3A, %get3A_0] : memref<1024x1024xf32, #tpu.memory_space<vmem>>, vector<1024x1024xf32>
    %convert_element_type3A = arith.truncf %get3A_1 : vector<1024x1024xf32> to vector<1024x1024xbf16>
    %get3A_2 = arith.constant 0 : index
    %get3A_3 = arith.constant 0 : index
    %get3A_4 = vector.load %arg3[%get3A_2, %get3A_3] : memref<1024x1024xbf16, #tpu.memory_space<vmem>>, vector<1024x1024xbf16>
    %dot_general3A = arith.constant dense<0.000000e+00> : vector<1024x1024xf32>
    %dot_general3A_5 = tpu.matmul %convert_element_type3A, %get3A_4, %dot_general3A {dimension_numbers = #tpu.dot_dimension_numbers<[1], [0], [0], [1], [0, 0, 1, 1], [], []>, transpose_lhs_hint = false} : vector<1024x1024xbf16>, vector<1024x1024xbf16>, vector<1024x1024xf32> -> vector<1024x1024xf32>
    %get3A_6 = arith.constant 0 : index
    %get3A_7 = arith.constant 0 : index
    %get3A_8 = vector.load %arg2[%get3A_6, %get3A_7] : memref<1024x1xf32, #tpu.memory_space<vmem>>, vector<1024x1xf32>
    %get3A_9 = arith.constant 0 : index
    %get3A_10 = arith.constant 0 : index
    %get3A_11 = vector.load %arg4[%get3A_9, %get3A_10] : memref<1x1024xf32, #tpu.memory_space<vmem>>, vector<1x1024xf32>
    %mul3A = vector.broadcast %get3A_8 : vector<1024x1xf32> to vector<1024x1024xf32>
    %mul3A_12 = vector.broadcast %get3A_11 : vector<1x1024xf32> to vector<1024x1024xf32>
    %mul3A_13 = arith.mulf %mul3A, %mul3A_12 : vector<1024x1024xf32>
    %add3A = arith.addf %dot_general3A_5, %mul3A_13 : vector<1024x1024xf32>
    %get3A_14 = arith.constant 0 : index
    %get3A_15 = arith.constant 0 : index
    %get3A_16 = vector.load %arg5[%get3A_14, %get3A_15] : memref<1x1024xf32, #tpu.memory_space<vmem>>, vector<1x1024xf32>
    %add3A_17 = vector.broadcast %get3A_16 : vector<1x1024xf32> to vector<1024x1024xf32>
    %add3A_18 = arith.addf %add3A, %add3A_17 : vector<1024x1024xf32>
    %max3A = arith.constant 0.000000e+00 : f32
    %max3A_19 = vector.broadcast %max3A : f32 to vector<1024x1024xf32>
    %max3A_20 = arith.maximumf %add3A_18, %max3A_19 : vector<1024x1024xf32>
    %convert_element_type3A_21 = arith.truncf %max3A_20 : vector<1024x1024xf32> to vector<1024x1024xbf16>
    %get3A_22 = arith.constant 0 : index
    %get3A_23 = arith.constant 0 : index
    %get3A_24 = vector.load %arg6[%get3A_22, %get3A_23] : memref<1024x1024xbf16, #tpu.memory_space<vmem>>, vector<1024x1024xbf16>
    %dot_general3A_25 = arith.constant dense<0.000000e+00> : vector<1024x1024xf32>
    %dot_general3A_26 = tpu.matmul %convert_element_type3A_21, %get3A_24, %dot_general3A_25 {dimension_numbers = #tpu.dot_dimension_numbers<[1], [0], [0], [1], [0, 0, 1, 1], [], []>, transpose_lhs_hint = false} : vector<1024x1024xbf16>, vector<1024x1024xbf16>, vector<1024x1024xf32> -> vector<1024x1024xf32>
    %get3A_27 = arith.constant 0 : index
    %get3A_28 = arith.constant 0 : index
    %get3A_29 = vector.load %arg7[%get3A_27, %get3A_28] : memref<1x1024xf32, #tpu.memory_space<vmem>>, vector<1x1024xf32>
    %add3A_30 = vector.broadcast %get3A_29 : vector<1x1024xf32> to vector<1024x1024xf32>
    %add3A_31 = arith.addf %dot_general3A_26, %add3A_30 : vector<1024x1024xf32>
    %max3A_32 = arith.constant 0.000000e+00 : f32
    %max3A_33 = vector.broadcast %max3A_32 : f32 to vector<1024x1024xf32>
    %max3A_34 = arith.maximumf %add3A_31, %max3A_33 : vector<1024x1024xf32>
    %swap3A = arith.constant 0 : index
    %swap3A_35 = arith.constant 0 : index
    %swap3A_36 = vector.load %arg8[%swap3A, %swap3A_35] : memref<1024x1024xf32, #tpu.memory_space<vmem>>, vector<1024x1024xf32>
    tpu.vector_store %arg8[%swap3A, %swap3A_35], %max3A_34 {strides = array<i32>} : memref<1024x1024xf32, #tpu.memory_space<vmem>>, vector<1024x1024xf32>,
    return
  }
  func.func @transform_0(%arg0: i32) -> (i32, i32) {
    %c0_i32 = arith.constant 0 : i32
    %c0_i32_0 = arith.constant 0 : i32
    return %arg0, %c0_i32 : i32, i32
  }
  func.func @transform_1(%arg0: i32) -> (i32, i32) {
    %c0_i32 = arith.constant 0 : i32
    %c0_i32_0 = arith.constant 0 : i32
    return %arg0, %c0_i32 : i32, i32
  }
  func.func @transform_2(%arg0: i32) -> (i32, i32) {
    %c0_i32 = arith.constant 0 : i32
    %c0_i32_0 = arith.constant 0 : i32
    %c0_i32_1 = arith.constant 0 : i32
    return %c0_i32, %c0_i32_0 : i32, i32
  }
  func.func @transform_3(%arg0: i32) -> (i32, i32) {
    %c0_i32 = arith.constant 0 : i32
    %c0_i32_0 = arith.constant 0 : i32
    %c0_i32_1 = arith.constant 0 : i32
    return %c0_i32, %c0_i32_0 : i32, i32
  }
  func.func @transform_4(%arg0: i32) -> (i32, i32) {
    %c0_i32 = arith.constant 0 : i32
    %c0_i32_0 = arith.constant 0 : i32
    %c0_i32_1 = arith.constant 0 : i32
    return %c0_i32, %c0_i32_0 : i32, i32
  }
  func.func @transform_5(%arg0: i32) -> (i32, i32) {
    %c0_i32 = arith.constant 0 : i32
    %c0_i32_0 = arith.constant 0 : i32
    %c0_i32_1 = arith.constant 0 : i32
    return %c0_i32, %c0_i32_0 : i32, i32
  }
  func.func @transform_6(%arg0: i32) -> (i32, i32) {
    %c0_i32 = arith.constant 0 : i32
    %c0_i32_0 = arith.constant 0 : i32
    %c0_i32_1 = arith.constant 0 : i32
    return %c0_i32, %c0_i32_0 : i32, i32
  }
  func.func @transform_7(%arg0: i32) -> (i32, i32) {
    %add3A = arith.constant 0 : i32
    %add3A_0 = arith.addi %add3A, %arg0 : i32
    %c0_i32 = arith.constant 0 : i32
    %c0_i32_1 = arith.constant 0 : i32
    return %add3A_0, %c0_i32 : i32, i32
  }
}

module attributes {stable_mosaic.version = 14 : i64} {
  func.func @_mlp_body(%arg0: i32, %arg1: memref<1024x1024xf32, #tpu.memory_space<vmem>>, %arg2: memref<1024x1xf32, #tpu.memory_space<vmem>>, %arg3: memref<1024x1024xbf16, #tpu.memory_space<vmem>>, %arg4: memref<1x1024xf32, #tpu.memory_space<vmem>>, %arg5: memref<1x1024xf32, #tpu.memory_space<vmem>>, %arg6: memref<1024x1024xbf16, #tpu.memory_space<vmem>>, %arg7: memref<1x1024xf32, #tpu.memory_space<vmem>>, %arg8: memref<16384x1024xf32, #tpu.memory_space<any>>, %arg9: memref<1024x1024xf32, #tpu.memory_space<vmem>>) attributes {dimension_semantics = [#tpu.dimension_semantics<arbitrary>], iteration_bounds = array<i64: 4>, scalar_prefetch = 0 : i64, scratch_operands = 0 : i64, tpu.core_type = #tpu.core_type<tc>, window_params = [{transform_indices = @transform_0, window_bounds = array<i64: 1024, 1024>}, {transform_indices = @transform_1, window_bounds = array<i64: 1024, 1>}, {pipeline_mode = #tpu.pipeline_mode<synchronous>, transform_indices = @transform_2, window_bounds = array<i64: 1024, 1024>}, {pipeline_mode = #tpu.pipeline_mode<synchronous>, transform_indices = @transform_3, window_bounds = array<i64: 1, 1024>}, {pipeline_mode = #tpu.pipeline_mode<synchronous>, transform_indices = @transform_4, window_bounds = array<i64: 1, 1024>}, {pipeline_mode = #tpu.pipeline_mode<synchronous>, transform_indices = @transform_5, window_bounds = array<i64: 1024, 1024>}, {pipeline_mode = #tpu.pipeline_mode<synchronous>, transform_indices = @transform_6, window_bounds = array<i64: 1, 1024>}, {}, {transform_indices = @transform_8, window_bounds = array<i64: 1024, 1024>}]} {
    %get3A = arith.constant 0 : index
    %get3A_0 = arith.constant 0 : index
    %get3A_1 = vector.load %arg1[%get3A, %get3A_0] : memref<1024x1024xf32, #tpu.memory_space<vmem>>, vector<1024x1024xf32>
    %convert_element_type3A = arith.truncf %get3A_1 : vector<1024x1024xf32> to vector<1024x1024xbf16>
    %get3A_2 = arith.constant 0 : index
    %get3A_3 = arith.constant 0 : index
    %get3A_4 = vector.load %arg3[%get3A_2, %get3A_3] : memref<1024x1024xbf16, #tpu.memory_space<vmem>>, vector<1024x1024xbf16>
    %dot_general3A = arith.constant dense<0.000000e+00> : vector<1024x1024xf32>
    %dot_general3A_5 = tpu.matmul %convert_element_type3A, %get3A_4, %dot_general3A {dimension_numbers = #tpu.dot_dimension_numbers<[1], [0], [0], [1], [0, 0, 1, 1], [], []>, transpose_lhs_hint = false} : vector<1024x1024xbf16>, vector<1024x1024xbf16>, vector<1024x1024xf32> -> vector<1024x1024xf32>
    %get3A_6 = arith.constant 0 : index
    %get3A_7 = arith.constant 0 : index
    %get3A_8 = vector.load %arg2[%get3A_6, %get3A_7] : memref<1024x1xf32, #tpu.memory_space<vmem>>, vector<1024x1xf32>
    %get3A_9 = arith.constant 0 : index
    %get3A_10 = arith.constant 0 : index
    %get3A_11 = vector.load %arg4[%get3A_9, %get3A_10] : memref<1x1024xf32, #tpu.memory_space<vmem>>, vector<1x1024xf32>
    %mul3A = vector.broadcast %get3A_8 : vector<1024x1xf32> to vector<1024x1024xf32>
    %mul3A_12 = vector.broadcast %get3A_11 : vector<1x1024xf32> to vector<1024x1024xf32>
    %mul3A_13 = arith.mulf %mul3A, %mul3A_12 : vector<1024x1024xf32>
    %add3A = arith.addf %dot_general3A_5, %mul3A_13 : vector<1024x1024xf32>
    %get3A_14 = arith.constant 0 : index
    %get3A_15 = arith.constant 0 : index
    %get3A_16 = vector.load %arg5[%get3A_14, %get3A_15] : memref<1x1024xf32, #tpu.memory_space<vmem>>, vector<1x1024xf32>
    %add3A_17 = vector.broadcast %get3A_16 : vector<1x1024xf32> to vector<1024x1024xf32>
    %add3A_18 = arith.addf %add3A, %add3A_17 : vector<1024x1024xf32>
    %max3A = arith.constant 0.000000e+00 : f32
    %max3A_19 = vector.broadcast %max3A : f32 to vector<1024x1024xf32>
    %max3A_20 = arith.maximumf %add3A_18, %max3A_19 : vector<1024x1024xf32>
    %convert_element_type3A_21 = arith.truncf %max3A_20 : vector<1024x1024xf32> to vector<1024x1024xbf16>
    %get3A_22 = arith.constant 0 : index
    %get3A_23 = arith.constant 0 : index
    %get3A_24 = vector.load %arg6[%get3A_22, %get3A_23] : memref<1024x1024xbf16, #tpu.memory_space<vmem>>, vector<1024x1024xbf16>
    %dot_general3A_25 = arith.constant dense<0.000000e+00> : vector<1024x1024xf32>
    %dot_general3A_26 = tpu.matmul %convert_element_type3A_21, %get3A_24, %dot_general3A_25 {dimension_numbers = #tpu.dot_dimension_numbers<[1], [0], [0], [1], [0, 0, 1, 1], [], []>, transpose_lhs_hint = false} : vector<1024x1024xbf16>, vector<1024x1024xbf16>, vector<1024x1024xf32> -> vector<1024x1024xf32>
    %get3A_27 = arith.constant 0 : index
    %get3A_28 = arith.constant 0 : index
    %get3A_29 = vector.load %arg7[%get3A_27, %get3A_28] : memref<1x1024xf32, #tpu.memory_space<vmem>>, vector<1x1024xf32>
    %add3A_30 = vector.broadcast %get3A_29 : vector<1x1024xf32> to vector<1024x1024xf32>
    %add3A_31 = arith.addf %dot_general3A_26, %add3A_30 : vector<1024x1024xf32>
    %max3A_32 = arith.constant 0.000000e+00 : f32
    %max3A_33 = vector.broadcast %max3A_32 : f32 to vector<1024x1024xf32>
    %max3A_34 = arith.maximumf %add3A_31, %max3A_33 : vector<1024x1024xf32>
    %swap3A = arith.constant 0 : index
    %swap3A_35 = arith.constant 0 : index
    %swap3A_36 = vector.load %arg9[%swap3A, %swap3A_35] : memref<1024x1024xf32, #tpu.memory_space<vmem>>, vector<1024x1024xf32>
    tpu.vector_store %arg9[%swap3A, %swap3A_35], %max3A_34 {strides = array<i32>} : memref<1024x1024xf32, #tpu.memory_space<vmem>>, vector<1024x1024xf32>,
    return
  }
  func.func @transform_0(%arg0: i32) -> (i32, i32) {
    %c0_i32 = arith.constant 0 : i32
    %c0_i32_0 = arith.constant 0 : i32
    return %arg0, %c0_i32 : i32, i32
  }
  func.func @transform_1(%arg0: i32) -> (i32, i32) {
    %c0_i32 = arith.constant 0 : i32
    %c0_i32_0 = arith.constant 0 : i32
    return %arg0, %c0_i32 : i32, i32
  }
  func.func @transform_2(%arg0: i32) -> (i32, i32) {
    %c0_i32 = arith.constant 0 : i32
    %c0_i32_0 = arith.constant 0 : i32
    %c0_i32_1 = arith.constant 0 : i32
    return %c0_i32, %c0_i32_0 : i32, i32
  }
  func.func @transform_3(%arg0: i32) -> (i32, i32) {
    %c0_i32 = arith.constant 0 : i32
    %c0_i32_0 = arith.constant 0 : i32
    %c0_i32_1 = arith.constant 0 : i32
    return %c0_i32, %c0_i32_0 : i32, i32
  }
  func.func @transform_4(%arg0: i32) -> (i32, i32) {
    %c0_i32 = arith.constant 0 : i32
    %c0_i32_0 = arith.constant 0 : i32
    %c0_i32_1 = arith.constant 0 : i32
    return %c0_i32, %c0_i32_0 : i32, i32
  }
  func.func @transform_5(%arg0: i32) -> (i32, i32) {
    %c0_i32 = arith.constant 0 : i32
    %c0_i32_0 = arith.constant 0 : i32
    %c0_i32_1 = arith.constant 0 : i32
    return %c0_i32, %c0_i32_0 : i32, i32
  }
  func.func @transform_6(%arg0: i32) -> (i32, i32) {
    %c0_i32 = arith.constant 0 : i32
    %c0_i32_0 = arith.constant 0 : i32
    %c0_i32_1 = arith.constant 0 : i32
    return %c0_i32, %c0_i32_0 : i32, i32
  }
  func.func @transform_8(%arg0: i32) -> (i32, i32) {
    %add3A = arith.constant 8 : i32
    %add3A_0 = arith.addi %add3A, %arg0 : i32
    %c0_i32 = arith.constant 0 : i32
    %c0_i32_1 = arith.constant 0 : i32
    return %add3A_0, %c0_i32 : i32, i32
  }
}

module attributes {stable_mosaic.version = 14 : i64} {
  func.func @_mlp_body(%arg0: i32, %arg1: memref<1024x1024xf32, #tpu.memory_space<vmem>>, %arg2: memref<1024x1xf32, #tpu.memory_space<vmem>>, %arg3: memref<1024x1024xbf16, #tpu.memory_space<vmem>>, %arg4: memref<1x1024xf32, #tpu.memory_space<vmem>>, %arg5: memref<1x1024xf32, #tpu.memory_space<vmem>>, %arg6: memref<1024x1024xbf16, #tpu.memory_space<vmem>>, %arg7: memref<1x1024xf32, #tpu.memory_space<vmem>>, %arg8: memref<16384x1024xf32, #tpu.memory_space<any>>, %arg9: memref<1024x1024xf32, #tpu.memory_space<vmem>>) attributes {dimension_semantics = [#tpu.dimension_semantics<arbitrary>], iteration_bounds = array<i64: 4>, scalar_prefetch = 0 : i64, scratch_operands = 0 : i64, tpu.core_type = #tpu.core_type<tc>, window_params = [{transform_indices = @transform_0, window_bounds = array<i64: 1024, 1024>}, {transform_indices = @transform_1, window_bounds = array<i64: 1024, 1>}, {pipeline_mode = #tpu.pipeline_mode<synchronous>, transform_indices = @transform_2, window_bounds = array<i64: 1024, 1024>}, {pipeline_mode = #tpu.pipeline_mode<synchronous>, transform_indices = @transform_3, window_bounds = array<i64: 1, 1024>}, {pipeline_mode = #tpu.pipeline_mode<synchronous>, transform_indices = @transform_4, window_bounds = array<i64: 1, 1024>}, {pipeline_mode = #tpu.pipeline_mode<synchronous>, transform_indices = @transform_5, window_bounds = array<i64: 1024, 1024>}, {pipeline_mode = #tpu.pipeline_mode<synchronous>, transform_indices = @transform_6, window_bounds = array<i64: 1, 1024>}, {}, {transform_indices = @transform_8, window_bounds = array<i64: 1024, 1024>}]} {
    %get3A = arith.constant 0 : index
    %get3A_0 = arith.constant 0 : index
    %get3A_1 = vector.load %arg1[%get3A, %get3A_0] : memref<1024x1024xf32, #tpu.memory_space<vmem>>, vector<1024x1024xf32>
    %convert_element_type3A = arith.truncf %get3A_1 : vector<1024x1024xf32> to vector<1024x1024xbf16>
    %get3A_2 = arith.constant 0 : index
    %get3A_3 = arith.constant 0 : index
    %get3A_4 = vector.load %arg3[%get3A_2, %get3A_3] : memref<1024x1024xbf16, #tpu.memory_space<vmem>>, vector<1024x1024xbf16>
    %dot_general3A = arith.constant dense<0.000000e+00> : vector<1024x1024xf32>
    %dot_general3A_5 = tpu.matmul %convert_element_type3A, %get3A_4, %dot_general3A {dimension_numbers = #tpu.dot_dimension_numbers<[1], [0], [0], [1], [0, 0, 1, 1], [], []>, transpose_lhs_hint = false} : vector<1024x1024xbf16>, vector<1024x1024xbf16>, vector<1024x1024xf32> -> vector<1024x1024xf32>
    %get3A_6 = arith.constant 0 : index
    %get3A_7 = arith.constant 0 : index
    %get3A_8 = vector.load %arg2[%get3A_6, %get3A_7] : memref<1024x1xf32, #tpu.memory_space<vmem>>, vector<1024x1xf32>
    %get3A_9 = arith.constant 0 : index
    %get3A_10 = arith.constant 0 : index
    %get3A_11 = vector.load %arg4[%get3A_9, %get3A_10] : memref<1x1024xf32, #tpu.memory_space<vmem>>, vector<1x1024xf32>
    %mul3A = vector.broadcast %get3A_8 : vector<1024x1xf32> to vector<1024x1024xf32>
    %mul3A_12 = vector.broadcast %get3A_11 : vector<1x1024xf32> to vector<1024x1024xf32>
    %mul3A_13 = arith.mulf %mul3A, %mul3A_12 : vector<1024x1024xf32>
    %add3A = arith.addf %dot_general3A_5, %mul3A_13 : vector<1024x1024xf32>
    %get3A_14 = arith.constant 0 : index
    %get3A_15 = arith.constant 0 : index
    %get3A_16 = vector.load %arg5[%get3A_14, %get3A_15] : memref<1x1024xf32, #tpu.memory_space<vmem>>, vector<1x1024xf32>
    %add3A_17 = vector.broadcast %get3A_16 : vector<1x1024xf32> to vector<1024x1024xf32>
    %add3A_18 = arith.addf %add3A, %add3A_17 : vector<1024x1024xf32>
    %max3A = arith.constant 0.000000e+00 : f32
    %max3A_19 = vector.broadcast %max3A : f32 to vector<1024x1024xf32>
    %max3A_20 = arith.maximumf %add3A_18, %max3A_19 : vector<1024x1024xf32>
    %convert_element_type3A_21 = arith.truncf %max3A_20 : vector<1024x1024xf32> to vector<1024x1024xbf16>
    %get3A_22 = arith.constant 0 : index
    %get3A_23 = arith.constant 0 : index
    %get3A_24 = vector.load %arg6[%get3A_22, %get3A_23] : memref<1024x1024xbf16, #tpu.memory_space<vmem>>, vector<1024x1024xbf16>
    %dot_general3A_25 = arith.constant dense<0.000000e+00> : vector<1024x1024xf32>
    %dot_general3A_26 = tpu.matmul %convert_element_type3A_21, %get3A_24, %dot_general3A_25 {dimension_numbers = #tpu.dot_dimension_numbers<[1], [0], [0], [1], [0, 0, 1, 1], [], []>, transpose_lhs_hint = false} : vector<1024x1024xbf16>, vector<1024x1024xbf16>, vector<1024x1024xf32> -> vector<1024x1024xf32>
    %get3A_27 = arith.constant 0 : index
    %get3A_28 = arith.constant 0 : index
    %get3A_29 = vector.load %arg7[%get3A_27, %get3A_28] : memref<1x1024xf32, #tpu.memory_space<vmem>>, vector<1x1024xf32>
    %add3A_30 = vector.broadcast %get3A_29 : vector<1x1024xf32> to vector<1024x1024xf32>
    %add3A_31 = arith.addf %dot_general3A_26, %add3A_30 : vector<1024x1024xf32>
    %max3A_32 = arith.constant 0.000000e+00 : f32
    %max3A_33 = vector.broadcast %max3A_32 : f32 to vector<1024x1024xf32>
    %max3A_34 = arith.maximumf %add3A_31, %max3A_33 : vector<1024x1024xf32>
    %swap3A = arith.constant 0 : index
    %swap3A_35 = arith.constant 0 : index
    %swap3A_36 = vector.load %arg9[%swap3A, %swap3A_35] : memref<1024x1024xf32, #tpu.memory_space<vmem>>, vector<1024x1024xf32>
    tpu.vector_store %arg9[%swap3A, %swap3A_35], %max3A_34 {strides = array<i32>} : memref<1024x1024xf32, #tpu.memory_space<vmem>>, vector<1024x1024xf32>,
    return
  }
  func.func @transform_0(%arg0: i32) -> (i32, i32) {
    %c0_i32 = arith.constant 0 : i32
    %c0_i32_0 = arith.constant 0 : i32
    return %arg0, %c0_i32 : i32, i32
  }
  func.func @transform_1(%arg0: i32) -> (i32, i32) {
    %c0_i32 = arith.constant 0 : i32
    %c0_i32_0 = arith.constant 0 : i32
    return %arg0, %c0_i32 : i32, i32
  }
  func.func @transform_2(%arg0: i32) -> (i32, i32) {
    %c0_i32 = arith.constant 0 : i32
    %c0_i32_0 = arith.constant 0 : i32
    %c0_i32_1 = arith.constant 0 : i32
    return %c0_i32, %c0_i32_0 : i32, i32
  }
  func.func @transform_3(%arg0: i32) -> (i32, i32) {
    %c0_i32 = arith.constant 0 : i32
    %c0_i32_0 = arith.constant 0 : i32
    %c0_i32_1 = arith.constant 0 : i32
    return %c0_i32, %c0_i32_0 : i32, i32
  }
  func.func @transform_4(%arg0: i32) -> (i32, i32) {
    %c0_i32 = arith.constant 0 : i32
    %c0_i32_0 = arith.constant 0 : i32
    %c0_i32_1 = arith.constant 0 : i32
    return %c0_i32, %c0_i32_0 : i32, i32
  }
  func.func @transform_5(%arg0: i32) -> (i32, i32) {
    %c0_i32 = arith.constant 0 : i32
    %c0_i32_0 = arith.constant 0 : i32
    %c0_i32_1 = arith.constant 0 : i32
    return %c0_i32, %c0_i32_0 : i32, i32
  }
  func.func @transform_6(%arg0: i32) -> (i32, i32) {
    %c0_i32 = arith.constant 0 : i32
    %c0_i32_0 = arith.constant 0 : i32
    %c0_i32_1 = arith.constant 0 : i32
    return %c0_i32, %c0_i32_0 : i32, i32
  }
  func.func @transform_8(%arg0: i32) -> (i32, i32) {
    %add3A = arith.constant 12 : i32
    %add3A_0 = arith.addi %add3A, %arg0 : i32
    %c0_i32 = arith.constant 0 : i32
    %c0_i32_1 = arith.constant 0 : i32
    return %add3A_0, %c0_i32 : i32, i32
  }
}

</mosaic_0001>

<sc_bundles>
// kernel: kernel.10.cloned.1.call-start
scs
__scs_entry_jumppad:
0x0: {  	(pc) =	sbr.rel $0x88, $3  }
0x1: {  	(tag) =	ssettag $0x0;
	lr =	simm.s32 $0x1  }
0x2: {  	[smem:$0x3F8C] =	sst lr;
	_ =	strace $0xD0000000  }
0x3: {  	_ = 	snop  }
0x4: {  	_ = 	snop  }
0x5: {  	_ = 	snop  }
0x6: {  	_ = 	snop  }
0x7: {  	_ = 	snop  }
__scs_overlays_trampoline_lowered:
0x8: {  	[smem:$0x3F9B] =	sst s0  }
0x9: {  	[smem:$0x3F9C] =	sst s1  }
0xa: {  	[smem:$0x3F9D] =	sst s2  }
0xb: {  	[smem:$0x3F9E] =	sst s3  }
0xc: {  	[smem:$0x3F9F] =	sst s4  }
0xd: {  	[smem:$0x3FA0] =	sst s5  }
0xe: {  	[smem:$0x3FA1] =	sst s6  }
0xf: {  	[smem:$0x3FA2] =	sst s7  }
0x10: {  	[smem:$0x3FA3] =	sst s8  }
0x11: {  	[smem:$0x3FA4] =	sst s9;
	s0 =	simm.s32 @!p0 $0x0  }
0x12: {  	s1 =	sld [smem:$0x3F8A];
	s0 =	simm.s32 @p0 $0x1  }
0x13: {  	[smem:$0x3FA5] =	sst s0;
	s0 =	simm.s32 @!p1 $0x0  }
0x14: {  	s2 =	sld [smem:$0x3F89];
	s0 =	simm.s32 @p1 $0x1  }
0x15: {  	[smem:$0x3FA6] =	sst s0;
	s0 =	simm.s32 @!p2 $0x0  }
0x16: {  	s3 =	sld [smem:$0x3FDB];
	s0 =	simm.s32 @p2 $0x1  }
0x17: {  	s4 =	simm.s32 $0x1BF5;
	[smem:$0x3FA8] =	sst s0  }
0x18: {  	s0 =	sld [smem:$0x3F8B];
	_ =	swait.ge [sflag:s4], $0x0  }
0x19: {  	s7 =	sld [smem:$0x3F8C]  }
0x1a: {  	s8 =	sadd.s32 $0xFFFFE003, lr  }
0x1b: {  	s9 =	sadd.s32 $0xFFFFFEF7, lr;
	s5 =	simm.s32 $0xFFFFFFFF;
	p2 =	slt.u32 s8, $0xFFFFF086  }
0x1c: {  	p1 =	slt.u32 s9, $0xF7A;
	s5 =	simm.s32 @!p2 $0x0  }
0x1d: {  	s5 =	simm.s32 @p1 $0x1;
	p0 =	seq.s32 s7, s2  }
0x1e: {  	s7 =	smul.u32 @!p0 $0xF7A, s2;
	p2 =	seq.s32 @!p0 s5, $0x0  }
0x1f: {  	s9 =	smul.u32 $0xF7A, s1;
	s8 =	simm.s32 @!p0 $0x1BF5;
	p2 =	por !p2, p0  }
0x20: {  	[sflag:s8] =	ssyncset.s32 @!p0 $0xFFFFF086;
	s6 =	sadd.s32 @!p0 s3, s7;
	s7 =	simm.s32 @!p0 $0x108  }
0x21: {  	s3 =	sadd.s32 s3, s9;
	s6 =	sadd.s32 @!p0 $0x88, s6;
	s7 =	simm.s32 @p2 $0x1082  }
0x22: {  	[simem:s7], [sflag:s8] =	dma.local @!p0 [hbm:s6], $0xF7A  }
0x23: {  	s9 =	sor.u32 $0xD0000000, s2;
	s6 =	simm.s32 $0x108;
	_ =	swait.ge @!p0 [sflag:s8], $0x0  }
0x24: {  	s3 =	sadd.s32 $0x88, s3;
	s6 =	simm.s32 @!p1 $0x1082;
	[sflag:s4] =	ssyncset.s32 $0xFFFFF086  }
0x25: {  	[simem:s6], [sflag:s4] =	dma.local [hbm:s3], $0xF7A  }
0x26: {  	[smem:$0x3F8C] =	sst s1;
	(tag) =	ssettag s2;
	_ =	strace s9  }
0x27: {  	s1 =	sld [smem:$0x3F9C]  }
0x28: {  	s2 =	sld [smem:$0x3F9D]  }
0x29: {  	s4 =	sld [smem:$0x3F9F]  }
0x2a: {  	p0 =	seq.s32 s5, $0x0;
	s5 =	sld [smem:$0x3FA0]  }
0x2b: {  	s6 =	sld [smem:$0x3FA1]  }
0x2c: {  	s7 =	sld [smem:$0x3FA2]  }
0x2d: {  	s3 =	simm.s32 $0x108;
	s8 =	sld [smem:$0x3FA3]  }
0x2e: {  	s3 =	simm.s32 @!p0 $0x1082;
	s9 =	sld [smem:$0x3FA4]  }
0x2f: {  	lr =	sadd.s32 s0, s3;
	s0 =	sld [smem:$0x3F9B]  }
0x30: {  	s3 =	sld [smem:$0x3F9E]  }
0x31: {  	[smem:$0x3FA7] =	sst s10  }
0x32: {  	s10 =	sld [smem:$0x3FA5];
	_ =	sdelay $0x3  }
0x33: {  	p0 =	seq.s32 s10, $0x1;
	s10 =	sld [smem:$0x3FA7];
	_ =	sdelay $0x3  }
0x34: {  	[smem:$0x3FA7] =	sst s10  }
0x35: {  	s10 =	sld [smem:$0x3FA6];
	_ =	sdelay $0x3  }
0x36: {  	p1 =	seq.s32 s10, $0x1;
	s10 =	sld [smem:$0x3FA7];
	_ =	sdelay $0x3  }
0x37: {  	[smem:$0x3FA7] =	sst s10  }
0x38: {  	s10 =	sld [smem:$0x3FA8]  }
0x39: {  	_ = 	snop;
	(pc) =	sbr.ind lr, $3  }
0x3a: {  	_ = 	snop  }
0x3b: {  	_ = 	snop  }
0x3c: {  	p2 =	seq.s32 s10, $0x1;
	s10 =	sld [smem:$0x3FA7]  }
0x3d: {  	_ =	shalt  }
0x3e: {  	_ =	shalt  }
0x3f: {  	_ =	shalt  }
0x40: {  	_ =	shalt  }
0x41: {  	_ =	shalt  }
0x42: {  	_ =	shalt  }
0x43: {  	_ =	shalt  }
0x44: {  	_ =	shalt  }
0x45: {  	_ =	shalt  }
0x46: {  	_ =	shalt  }
0x47: {  	_ =	shalt  }
0x48: {  	_ =	shalt  }
0x49: {  	_ =	shalt  }
0x4a: {  	_ =	shalt  }
0x4b: {  	_ =	shalt  }
0x4c: {  	_ =	shalt  }
0x4d: {  	_ =	shalt  }
0x4e: {  	_ =	shalt  }
0x4f: {  	_ =	shalt  }
0x50: {  	_ =	shalt  }
0x51: {  	_ =	shalt  }
0x52: {  	_ =	shalt  }
0x53: {  	_ =	shalt  }
0x54: {  	_ =	shalt  }
0x55: {  	_ =	shalt  }
0x56: {  	_ =	shalt  }
0x57: {  	_ =	shalt  }
0x58: {  	_ =	shalt  }
0x59: {  	_ =	shalt  }
0x5a: {  	_ =	shalt  }
0x5b: {  	_ =	shalt  }
0x5c: {  	_ =	shalt  }
0x5d: {  	_ =	shalt  }
0x5e: {  	_ =	shalt  }
0x5f: {  	_ =	shalt  }
0x60: {  	_ =	shalt  }
0x61: {  	_ =	shalt  }
0x62: {  	_ =	shalt  }
0x63: {  	_ =	shalt  }
0x64: {  	_ =	shalt  }
0x65: {  	_ =	shalt  }
0x66: {  	_ =	shalt  }
0x67: {  	_ =	shalt  }
0x68: {  	_ =	shalt  }
0x69: {  	_ =	shalt  }
0x6a: {  	_ =	shalt  }
0x6b: {  	_ =	shalt  }
0x6c: {  	_ =	shalt  }
0x6d: {  	_ =	shalt  }
0x6e: {  	_ =	shalt  }
0x6f: {  	_ =	shalt  }
0x70: {  	_ =	shalt  }
0x71: {  	_ =	shalt  }
0x72: {  	_ =	shalt  }
0x73: {  	_ =	shalt  }
0x74: {  	_ =	shalt  }
0x75: {  	_ =	shalt  }
0x76: {  	_ =	shalt  }
0x77: {  	_ =	shalt  }
0x78: {  	_ =	shalt  }
0x79: {  	_ =	shalt  }
0x7a: {  	_ =	shalt  }
0x7b: {  	_ =	shalt  }
0x7c: {  	_ =	shalt  }
0x7d: {  	_ =	shalt  }
0x7e: {  	_ =	shalt  }
0x7f: {  	_ =	shalt  }
0x80: {  	_ =	shalt  }
0x81: {  	_ =	shalt  }
0x82: {  	_ =	shalt  }
0x83: {  	_ =	shalt  }
0x84: {  	_ =	shalt  }
0x85: {  	_ =	shalt  }
0x86: {  	_ =	shalt  }
0x87: {  	_ =	shalt  }
.Lfunc_end0:
.L_simem_size_0:
called_computation_lowered:
.L_overlay_start_0:
0x88: {  	s2 =	sld [smem:$0x3FD9]  }
0x89: {  	s3 =	sld [smem:$0x3FFE];
	_ =	sdelay $0x1  }
0x8a: {  	s1 =	srdreg.scid  }
0x8b: {  	s0 =	sand.u32 $0x1, s1  }
0x8c: {  	s23 =	sshll.u32 s0, $0xA;
	s2 =	sadd.s32 s3, s2  }
0x8d: {  	s2 =	sadd.s32 s2, s23  }
0x8e: {  	[smem:$0x3FB3] =	sst s2  }
0x8f: {  	_ = 	snop  }
0x90: {  	s2 =	sld [smem:$0x3FC9]  }
0x91: {  	s3 =	sld [smem:$0x3FC8]  }
0x92: {  	s4 =	sld [smem:$0x3FC7]  }
0x93: {  	s5 =	sld [smem:$0x3FC6]  }
0x94: {  	s6 =	sld [smem:$0x3FC5]  }
0x95: {  	s7 =	sld [smem:$0x3FC4]  }
0x96: {  	s8 =	sld [smem:$0x3FC3]  }
0x97: {  	s9 =	sld [smem:$0x3FC2]  }
0x98: {  	s10 =	sld [smem:$0x3FC0]  }
0x99: {  	s11 =	sld [smem:$0x3FBF]  }
0x9a: {  	s12 =	sld [smem:$0x3FBE]  }
0x9b: {  	s13 =	sld [smem:$0x3FBD]  }
0x9c: {  	s14 =	sld [smem:$0x3FBC]  }
0x9d: {  	s15 =	sld [smem:$0x3FBB]  }
0x9e: {  	s17 =	sld [smem:$0x3FBA]  }
0x9f: {  	s18 =	sld [smem:$0x3FB9];
	(tm) =	ssettm $0x1  }
0xa0: {  	s16 =	sld [smem:$0x3FFB];
	_ =	sdelay $0x3  }
0xa1: {  	_ =	strace s16  }
0xa2: {  	s16 =	sld [smem:$0x3FFC];
	_ =	sdelay $0x3  }
0xa3: {  	_ =	strace s16  }
0xa4: {  	s16 =	sld [smem:$0x3FFD];
	_ =	sdelay $0x3  }
0xa5: {  	_ =	strace s16  }
0xa6: {  	_ =	strace $0x8FFFFFFF  }
0xa7: {  	s24 =	sld [smem:$0x3FDB];
	_ =	sdelay $0x1  }
0xa8: {  	s19 =	simm.s32 $_scs_section_size  }
0xa9: {  	s20 =	simm.s32 $_size__tile_task_arg_handler_lowered;
	s21 =	simm.s32 $_tile_task_arg_handler_lowered  }
0xaa: {  	s28 =	simm.s32 $0x1BFF;
	s26 =	sshll.u32 s21, $0x1;
	s19 =	sadd.s32 s19, s24  }
0xab: {  	s22 =	simm.s32 $0x60;
	s25 =	sshll.u32 s20, $0x1;
	s20 =	sadd.s32 s26, s19  }
0xac: {  	[timem:s22], [sflag:s28] =	dma.local [hbm:s20], s25  }
0xad: {  	_ =	swait.ge [sflag:s28], s25  }
0xae: {  	s29 =	simm.s32 $_tile_overlayer_lowered;
	s16 =	ssub.s32 $0x0, s25;
	[sflag:s28] =	ssyncset.done $0x0  }
0xaf: {  	s30 =	simm.s32 $_size__tile_overlayer_lowered;
	s20 =	sshll.u32 s29, $0x1;
	[sflag:s28] =	ssyncadd.s32 s16  }
0xb0: {  	s31 =	sshll.u32 s30, $0x1;
	s20 =	sadd.s32 s20, s19;
	s16 =	simm.s32 $0x0  }
0xb1: {  	[timem:s16], [sflag:s28] =	dma.local [hbm:s20], s31  }
0xb2: {  	_ =	swait.ge [sflag:s28], s31  }
0xb3: {  	s22 =	ssub.s32 $0x0, s31;
	[sflag:s28] =	ssyncset.done $0x0  }
0xb4: {  	[sflag:s28] =	ssyncadd.s32 s22;
	_ =	sdelay $0x1  }
0xb5: {  	s23 =	simm.s32 $0x1B8B  }
0xb6: {  	_ =	swait.ge [sflag:s23], $0x1  }
0xb7: {  	[sflag:s23] =	ssyncset.done $0x0  }
0xb8: {  	s25 =	simm.s32 $0x1B8E;
	s24 =	sld [smem:$0x3FFE];
	[sflag:s23] =	ssyncadd.s32 $0xFFFFFFFF  }
0xb9: {  	s26 =	simm.s32 $execute0_lowered;
	[smem:$0x3FD2] =	sst s25  }
0xba: {  	s21 =	sshll.u32 s26, $0x1;
	_ =	strace $0x80000046;
	[dreg:$0x1] =	wrdreg $0xFFFFFFFF  }
0xbb: {  	s19 =	sadd.s32 s19, s21;
	s28 =	simm.s32 $_size_execute0_lowered;
	[dreg:$0x0] =	wrdreg $0x0  }
0xbc: {  	s21 =	sshll.u32 s28, $0x1;
	[dreg:$0x2] =	wrdreg s19  }
0xbd: {  	[dreg:$0x3] =	wrdreg s21  }
0xbe: {  	[dreg:$0x4] =	wrdreg $0xC0  }
0xbf: {  	_ =	task [dreg:s16], $0x5FFFF  }
0xc0: {  	[dreg:$0x1] =	wrdreg $0xFFFFFFFF  }
0xc1: {  	[dreg:$0x0] =	wrdreg $0x30  }
0xc2: {  	[dreg:$0x2] =	wrdreg $0x0  }
0xc3: {  	[dreg:$0x3] =	wrdreg s17  }
0xc4: {  	[dreg:$0x4] =	wrdreg s18  }
0xc5: {  	[dreg:$0x5] =	wrdreg s24  }
0xc6: {  	[dreg:$0x6] =	wrdreg $0x9  }
0xc7: {  	_ =	task [dreg:s16], $0x7FFFF  }
0xc8: {  	[dreg:$0x1] =	wrdreg $0xFFFFFFFF  }
0xc9: {  	[dreg:$0x0] =	wrdreg $0x60  }
0xca: {  	[dreg:$0x2] =	wrdreg s2  }
0xcb: {  	[dreg:$0x3] =	wrdreg s3  }
0xcc: {  	[dreg:$0x4] =	wrdreg s4  }
0xcd: {  	[dreg:$0x5] =	wrdreg s5  }
0xce: {  	[dreg:$0x6] =	wrdreg s6  }
0xcf: {  	[dreg:$0x7] =	wrdreg s7  }
0xd0: {  	[dreg:$0x8] =	wrdreg s8  }
0xd1: {  	[dreg:$0x9] =	wrdreg s9  }
0xd2: {  	[dreg:$0xa] =	wrdreg s10  }
0xd3: {  	[dreg:$0xb] =	wrdreg s11  }
0xd4: {  	[dreg:$0xc] =	wrdreg s12  }
0xd5: {  	[dreg:$0xd] =	wrdreg s13  }
0xd6: {  	[dreg:$0xe] =	wrdreg s14  }
0xd7: {  	[dreg:$0xf] =	wrdreg s15  }
0xd8: {  	_ =	task.clear_ibuf [dreg:s16], $0x10FFFF;
	_ =	strace $0x90000046  }
0xd9: {  	s29 =	simm.s32 $0x9;
	_ =	strace $0x80000048  }
0xda: {  	_ =	swait.ge [sflag:s29], $0x1  }
0xdb: {  	[sflag:s29] =	ssyncadd.s32 $0xFFFFFFFF  }
0xdc: {  	_ =	strace $0x90000048  }
0xdd: {  	_ =	sfence  }
0xde: {  	s30 =	sld [smem:$0x0];
	_ =	sdelay $0x2  }
0xdf: {  	s31 =	sshll.u32 s1, $0xD;
	s1 =	sshrl.u32 s1, $0x2  }
0xe0: {  	s3 =	sand.u32 $0x4000, s31;
	s1 =	sadd.s32 s1, s30  }
0xe1: {  	s0 =	sor.u32 s3, s0;
	s1 =	sshll.u32 s1, $0x11  }
0xe2: {  	s0 =	sor.u32 s1, s0  }
0xe3: {  	s0 =	sadd.s32 $0x8F2B, s0  }
0xe4: {  	[sflag:s0] =	ssyncadd.remote.s32 $0x1  }
0xe5: {  	_ =	sfence.sel $0xFFFF  }
0xe6: {  	[dreg:$0x0] =	wrdreg $0xFFFFFFFF;
	(pc) =	sbr.abs _section_cstart, $3  }
0xe7: {  	[dreg:$0x1] =	wrdreg $0xFFFFFFFF  }
0xe8: {  	_ =	task.clear_ibuf [dreg:s16], $0x2FFFF;
	_ =	strace $0x9FFFFFFF  }
0xe9: {  	(tm) =	ssettm $0x7FFFFFFF  }
tec
_tile_task_arg_handler_lowered:
.L_overlay_start_1:
0x0: {  	(tag) =	ssettag $0x1  }
0x1: {  	s0 =	rddreg [dreg:$0x0]  }
0x2: {  	s1 =	rddreg [dreg:$0x1]  }
0x3: {  	s2 =	rddreg [dreg:$0x2]  }
0x4: {  	s3 =	rddreg [dreg:$0x3]  }
0x5: {  	s4 =	rddreg [dreg:$0x4]  }
0x6: {  	s5 =	rddreg [dreg:$0x5]  }
0x7: {  	s6 =	rddreg [dreg:$0x6]  }
0x8: {  	s7 =	rddreg [dreg:$0x7]  }
0x9: {  	s8 =	rddreg [dreg:$0x8]  }
0xa: {  	s9 =	rddreg [dreg:$0x9]  }
0xb: {  	s10 =	rddreg [dreg:$0xa]  }
0xc: {  	s11 =	rddreg [dreg:$0xb]  }
0xd: {  	s12 =	rddreg [dreg:$0xc]  }
0xe: {  	s13 =	rddreg [dreg:$0xd]  }
0xf: {  	[smem:s0] =	sst s1  }
0x10: {  	[smem:s0+$0x1] =	sst s2  }
0x11: {  	[smem:s0+$0x2] =	sst s3  }
0x12: {  	[smem:s0+$0x3] =	sst s4  }
0x13: {  	[smem:s0+$0x4] =	sst s5  }
0x14: {  	[smem:s0+$0x5] =	sst s6  }
0x15: {  	[smem:s0+$0x6] =	sst s7  }
0x16: {  	[smem:s0+$0x7] =	sst s8  }
0x17: {  	[smem:s0+$0x8] =	sst s9  }
0x18: {  	[smem:s0+$0x9] =	sst s10  }
0x19: {  	[smem:s0+$0xA] =	sst s11  }
0x1a: {  	[smem:s0+$0xB] =	sst s12  }
0x1b: {  	[smem:s0+$0xC] =	sst s13;
	_ =	shalt  }
.Lfunc_end2:
execute0_lowered:
.L_overlay_start_2:
0x1c: {  	(tag) =	ssettag $0x2  }
0x1d: {  	s0 =	rddreg [dreg:$0x0]  }
0x1e: {  	s1 =	rddreg [dreg:$0x1]  }
0x1f: {  	s2 =	rddreg [dreg:$0x2]  }
0x20: {  	s3 =	rddreg [dreg:$0x3]  }
0x21: {  	s4 =	rddreg [dreg:$0x4]  }
0x22: {  	s5 =	rddreg [dreg:$0x5]  }
0x23: {  	s6 =	rddreg [dreg:$0x6]  }
0x24: {  	s7 =	rddreg [dreg:$0x7]  }
0x25: {  	s8 =	rddreg [dreg:$0x8]  }
0x26: {  	s14 =	rddreg [dreg:$0x9]  }
0x27: {  	s15 =	rddreg [dreg:$0xa]  }
0x28: {  	s16 =	rddreg [dreg:$0xb]  }
0x29: {  	s17 =	rddreg [dreg:$0xc]  }
0x2a: {  	s18 =	rddreg [dreg:$0xd]  }
0x2b: {  	[dreg:$0xe] =	wrdreg s8  }
0x2c: {  	[dreg:$0xf] =	wrdreg s14  }
0x2d: {  	[dreg:$0x10] =	wrdreg s15  }
0x2e: {  	[dreg:$0x11] =	wrdreg s16  }
0x2f: {  	s10 =	simm.s32 $0x0;
	[dreg:$0x12] =	wrdreg s17  }
0x30: {  	[smem:$0x7FF] =	sst s10  }
0x31: {  	[dreg:$0x13] =	wrdreg s18  }
0x32: {  	s20 =	srdreg.scid;
	s9 =	sld [smem:$0x0]  }
0x33: {  	s11 =	stileid.u32;
	p0 =	por $0x0, $0x0;
	s19 =	sld [smem:$0x1]  }
0x34: {  	s21 =	sand.u32 $0x1, s20;
	s22 =	sshll.u32 s11, $0x1;
	s23 =	sld [smem:$0x2]  }
0x35: {  	s11 =	simm.s32 $0x80;
	s20 =	simm.s32 $0x280;
	s12 =	sld [smem:$0x3]  }
0x36: {  	s18 =	simm.s32 $0x300;
	s8 =	ssub.s32 $0x2, s21;
	[dreg:$0x14] =	wrdreg s9  }
0x37: {  	s16 =	simm.s32 $0x380;
	s26 =	sshrl.u32 s8, $0x1;
	[dreg:$0x15] =	wrdreg s19  }
0x38: {  	s9 =	sor.u32 s21, s22;
	[dreg:$0x19] =	wrdreg s12;
	s22 =	simm.s32 $0x200  }
0x39: {  	s12 =	simm.s32 $0x2;
	s24 =	sshll.u32 s9, $0x4;
	_ =	strace $0x80000047  }
0x3a: {  	s9 =	sshll.u32 s9, $0xE;
	s0 =	sadd.s32 s0, s24;
	s25 =	sadd.s32 s1, s24  }
0x3b: {  	s13 =	sadd.s32 s2, s24;
	s14 =	sadd.s32 s9, s23;
	s1 =	ssub.s32 s8, s26  }
0x3c: {  	s26 =	sadd.s32 s3, s24;
	s28 =	sadd.s32 s4, s24;
	s29 =	sadd.s32 s5, s24  }
0x3d: {  	s30 =	sadd.s32 s6, s24;
	s31 =	sadd.s32 s7, s24;
	s23 =	simm.s32 $0x100  }
0x3e: {  	s24 =	simm.s32 $0x180;
	s7 =	simm.s32 $0x400;
	[dreg:$0x16] =	wrdreg s0  }
0x3f: {  	s8 =	simm.s32 $0xC400;
	[dreg:$0x17] =	wrdreg s25;
	s15 =	smax.u32 s1, $0x1  }
0x40: {  	s5 =	simm.s32 $0x3;
	[dreg:$0x18] =	wrdreg s13;
	p1 =	sne.s32 s15, $0x1  }
.Ltmp0:
0x41: {  	s21 =	sadd.s32 $0x1E00, s14;
	s19 =	sadd.s32 $0x1E80, s14;
	(pc) =	sbr.rel @!p1 .LBB3_3-.Ltmp0, $4  }
0x42: {  	s17 =	sadd.s32 $0x1F00, s14;
	s9 =	sadd.s32 $0x1F80, s14;
	s6 =	sadd.s32 $0x2000, s14  }
0x43: {  	s4 =	sadd.s32 $0x2080, s14;
	s3 =	sadd.s32 $0x2100, s14;
	s2 =	sadd.s32 $0x2180, s14  }
0x44: {  	s25 =	simm.s32 $0x1;
	s14 =	simm.s32 $0x8400;
	s13 =	simm.s32 $0x2000  }
0x45: {  	s0 =	sadd.s32 $0xFFFFFFFF, s15;
	s15 =	simm.s32 $0x4400;
	s1 =	rddreg [dreg:$0x16]  }
0x46: {  	[dreg:$0x1a] =	wrdreg s0  }
0x47: {  	[tilespmem:s10], [sflag:$0x1] =	stream.linear.gather [hbm4b:s1+s10], $0x80, $0x38;
	[tilespmem:$0x10400] =	vst v63  }
0x48: {  	s0 =	rddreg [dreg:$0x17]  }
0x49: {  	[tilespmem:s11], [sflag:$0x1] =	stream.linear.gather [hbm4b:s0+s10], $0x80, $0x38;
	[tilespmem:$0x10400] =	vst v63  }
0x4a: {  	s1 =	rddreg [dreg:$0x18]  }
0x4b: {  	[tilespmem:s23], [sflag:$0x1] =	stream.linear.gather [hbm4b:s1+s10], $0x80, $0x38;
	[tilespmem:$0x10400] =	vst v63  }
0x4c: {  	_ = 	snop  }
0x4d: {  	[tilespmem:s24], [sflag:$0x1] =	stream.linear.gather [hbm4b:s26+s10], $0x80, $0x38;
	[tilespmem:$0x10400] =	vst v63  }
0x4e: {  	_ = 	snop  }
0x4f: {  	[tilespmem:s22], [sflag:$0x1] =	stream.linear.gather [hbm4b:s28+s10], $0x80, $0x38;
	[tilespmem:$0x10400] =	vst v63  }
0x50: {  	_ = 	snop  }
0x51: {  	[tilespmem:s20], [sflag:$0x1] =	stream.linear.gather [hbm4b:s29+s10], $0x80, $0x38;
	[tilespmem:$0x10400] =	vst v63  }
0x52: {  	_ = 	snop  }
0x53: {  	[tilespmem:s18], [sflag:$0x1] =	stream.linear.gather [hbm4b:s30+s10], $0x80, $0x38;
	[tilespmem:$0x10400] =	vst v63  }
0x54: {  	_ = 	snop  }
0x55: {  	[tilespmem:s16], [sflag:$0x1] =	stream.linear.gather [hbm4b:s31+s10], $0x80, $0x38;
	[tilespmem:$0x10400] =	vst v63  }
0x56: {  	_ =	swait.ge [sflag:s25], $0x80  }
0x57: {  	[sflag:s25] =	ssyncset.done $0x0  }
0x58: {  	[sflag:s25] =	ssyncadd.s32 $0xFFFFFF80  }
0x59: {  	_ =	swait.ge [sflag:s25], $0x80  }
0x5a: {  	[sflag:s25] =	ssyncset.done $0x0  }
0x5b: {  	[sflag:s25] =	ssyncadd.s32 $0xFFFFFF80  }
0x5c: {  	_ =	swait.ge [sflag:s25], $0x80  }
0x5d: {  	[sflag:s25] =	ssyncset.done $0x0  }
0x5e: {  	[sflag:s25] =	ssyncadd.s32 $0xFFFFFF80  }
0x5f: {  	_ =	swait.ge [sflag:s25], $0x80  }
0x60: {  	[sflag:s25] =	ssyncset.done $0x0  }
0x61: {  	[sflag:s25] =	ssyncadd.s32 $0xFFFFFF80  }
0x62: {  	_ =	swait.ge [sflag:s25], $0x80  }
0x63: {  	[sflag:s25] =	ssyncset.done $0x0  }
0x64: {  	[sflag:s25] =	ssyncadd.s32 $0xFFFFFF80  }
0x65: {  	_ =	swait.ge [sflag:s25], $0x80  }
0x66: {  	[sflag:s25] =	ssyncset.done $0x0  }
0x67: {  	[sflag:s25] =	ssyncadd.s32 $0xFFFFFF80  }
0x68: {  	_ =	swait.ge [sflag:s25], $0x80  }
0x69: {  	[sflag:s25] =	ssyncset.done $0x0  }
0x6a: {  	[sflag:s25] =	ssyncadd.s32 $0xFFFFFF80  }
0x6b: {  	_ =	swait.ge [sflag:s25], $0x80  }
0x6c: {  	[sflag:s25] =	ssyncset.done $0x0  }
0x6d: {  	s0 =	rddreg [dreg:$0xe];
	[sflag:s25] =	ssyncadd.s32 $0xFFFFFF80  }
0x6e: {  	[tilespmem:s7], [sflag:$0x2] =	stream.indirect.gather [hbm4b:s0+s11], $0x80, s10, s11, $0xb8;
	[tilespmem:$0x10400] =	vst v63  }
0x6f: {  	s1 =	rddreg [dreg:$0xf]  }
0x70: {  	[tilespmem:s15], [sflag:$0x2] =	stream.indirect.gather [hbm4b:s1+s11], $0x80, s11, s11, $0xb8;
	[tilespmem:$0x10400] =	vst v63  }
0x71: {  	s0 =	rddreg [dreg:$0x10]  }
0x72: {  	[tilespmem:s14], [sflag:$0x2] =	stream.indirect.gather [hbm4b:s0+s11], $0x80, s23, s11, $0xb8;
	[tilespmem:$0x10400] =	vst v63  }
0x73: {  	s1 =	rddreg [dreg:$0x11]  }
0x74: {  	[tilespmem:s8], [sflag:$0x2] =	stream.indirect.gather [hbm4b:s1+s11], $0x80, s24, s11, $0xb8;
	[tilespmem:$0x10400] =	vst v63  }
0x75: {  	_ =	swait.ge [sflag:s12], $0x4000  }
0x76: {  	[sflag:s12] =	ssyncset.done $0x0  }
0x77: {  	[sflag:s12] =	ssyncadd.s32 $0xFFFFC000  }
0x78: {  	[hbm4b:s21+s7] =	stream.strided.scatter [tilespmem:s7], [sflag:$0x3], $0x4000, s13, s7, $0x38;
	[tilespmem:$0x10400] =	vst v63  }
0x79: {  	_ =	swait.ge [sflag:s5], $0x4000  }
0x7a: {  	[sflag:s5] =	ssyncset.done $0x0  }
0x7b: {  	s1 =	rddreg [dreg:$0x12];
	[sflag:s5] =	ssyncadd.s32 $0xFFFFC000  }
0x7c: {  	[tilespmem:s7], [sflag:$0x2] =	stream.indirect.gather [hbm4b:s1+s11], $0x80, s22, s11, $0xb8;
	[tilespmem:$0x10400] =	vst v63  }
0x7d: {  	_ =	swait.ge [sflag:s12], $0x4000  }
0x7e: {  	[sflag:s12] =	ssyncset.done $0x0  }
0x7f: {  	[sflag:s12] =	ssyncadd.s32 $0xFFFFC000  }
0x80: {  	[hbm4b:s19+s7] =	stream.strided.scatter [tilespmem:s15], [sflag:$0x3], $0x4000, s13, s7, $0x38;
	[tilespmem:$0x10400] =	vst v63  }
0x81: {  	_ =	swait.ge [sflag:s5], $0x4000  }
0x82: {  	[sflag:s5] =	ssyncset.done $0x0  }
0x83: {  	s1 =	rddreg [dreg:$0x13];
	[sflag:s5] =	ssyncadd.s32 $0xFFFFC000  }
0x84: {  	[tilespmem:s15], [sflag:$0x2] =	stream.indirect.gather [hbm4b:s1+s11], $0x80, s20, s11, $0xb8;
	[tilespmem:$0x10400] =	vst v63  }
0x85: {  	_ =	swait.ge [sflag:s12], $0x4000  }
0x86: {  	[sflag:s12] =	ssyncset.done $0x0  }
0x87: {  	[sflag:s12] =	ssyncadd.s32 $0xFFFFC000  }
0x88: {  	[hbm4b:s17+s7] =	stream.strided.scatter [tilespmem:s14], [sflag:$0x3], $0x4000, s13, s7, $0x38;
	[tilespmem:$0x10400] =	vst v63  }
0x89: {  	_ =	swait.ge [sflag:s5], $0x4000  }
0x8a: {  	[sflag:s5] =	ssyncset.done $0x0  }
0x8b: {  	s1 =	rddreg [dreg:$0x14];
	[sflag:s5] =	ssyncadd.s32 $0xFFFFC000  }
0x8c: {  	[tilespmem:s14], [sflag:$0x2] =	stream.indirect.gather [hbm4b:s1+s11], $0x80, s18, s11, $0xb8;
	[tilespmem:$0x10400] =	vst v63  }
0x8d: {  	_ =	swait.ge [sflag:s12], $0x4000  }
0x8e: {  	[sflag:s12] =	ssyncset.done $0x0  }
0x8f: {  	[sflag:s12] =	ssyncadd.s32 $0xFFFFC000  }
0x90: {  	[hbm4b:s9+s7] =	stream.strided.scatter [tilespmem:s8], [sflag:$0x3], $0x4000, s13, s7, $0x38;
	[tilespmem:$0x10400] =	vst v63  }
0x91: {  	_ =	swait.ge [sflag:s5], $0x4000  }
0x92: {  	[sflag:s5] =	ssyncset.done $0x0  }
0x93: {  	s1 =	rddreg [dreg:$0x15];
	[sflag:s5] =	ssyncadd.s32 $0xFFFFC000  }
0x94: {  	[tilespmem:s8], [sflag:$0x2] =	stream.indirect.gather [hbm4b:s1+s11], $0x80, s16, s11, $0xb8;
	[tilespmem:$0x10400] =	vst v63  }
0x95: {  	_ =	swait.ge [sflag:s12], $0x4000  }
0x96: {  	[sflag:s12] =	ssyncset.done $0x0  }
0x97: {  	[sflag:s12] =	ssyncadd.s32 $0xFFFFC000  }
0x98: {  	[hbm4b:s6+s7] =	stream.strided.scatter [tilespmem:s7], [sflag:$0x3], $0x4000, s13, s7, $0x38;
	[tilespmem:$0x10400] =	vst v63  }
0x99: {  	_ =	swait.ge [sflag:s12], $0x4000  }
0x9a: {  	[sflag:s12] =	ssyncset.done $0x0  }
0x9b: {  	[sflag:s12] =	ssyncadd.s32 $0xFFFFC000  }
0x9c: {  	[hbm4b:s4+s7] =	stream.strided.scatter [tilespmem:s15], [sflag:$0x3], $0x4000, s13, s7, $0x38;
	[tilespmem:$0x10400] =	vst v63  }
0x9d: {  	_ =	swait.ge [sflag:s12], $0x4000  }
0x9e: {  	[sflag:s12] =	ssyncset.done $0x0  }
0x9f: {  	[sflag:s12] =	ssyncadd.s32 $0xFFFFC000  }
0xa0: {  	[hbm4b:s3+s7] =	stream.strided.scatter [tilespmem:s14], [sflag:$0x3], $0x4000, s13, s7, $0x38;
	[tilespmem:$0x10400] =	vst v63  }
0xa1: {  	_ =	swait.ge [sflag:s12], $0x4000  }
0xa2: {  	[sflag:s12] =	ssyncset.done $0x0  }
0xa3: {  	[sflag:s12] =	ssyncadd.s32 $0xFFFFC000  }
0xa4: {  	[hbm4b:s2+s7] =	stream.strided.scatter [tilespmem:s8], [sflag:$0x3], $0x4000, s13, s7, $0x38;
	[tilespmem:$0x10400] =	vst v63  }
0xa5: {  	_ =	swait.ge [sflag:s5], $0x4000  }
0xa6: {  	[sflag:s5] =	ssyncset.done $0x0  }
0xa7: {  	[sflag:s5] =	ssyncadd.s32 $0xFFFFC000  }
0xa8: {  	_ =	swait.ge [sflag:s5], $0x4000  }
0xa9: {  	[sflag:s5] =	ssyncset.done $0x0  }
0xaa: {  	[sflag:s5] =	ssyncadd.s32 $0xFFFFC000  }
0xab: {  	_ =	swait.ge [sflag:s5], $0x4000  }
0xac: {  	s1 =	rddreg [dreg:$0x1a]  }
0xad: {  	p1 =	sne.s32 s1, $0x1  }
.Ltmp1:
0xae: {  	_ = 	snop;
	(pc) =	sbr.rel @!p1 .LBB3_3-.Ltmp1, $4  }
0xaf: {  	[sflag:s5] =	ssyncset.done $0x0  }
0xb0: {  	[sflag:s5] =	ssyncadd.s32 $0xFFFFC000  }
0xb1: {  	p0 =	por $0x1, $0x1;
	_ =	swait.ge [sflag:s5], $0x4000  }
0xb2: {  	s0 =	sadd.s32 $0xFFFFFFFF, s1;
	s1 =	rddreg [dreg:$0x16];
	[sflag:s5] =	ssyncset.done $0x0  }
.LBB3_2:
0xb3: {  	[sflag:s5] =	ssyncadd.s32 $0xFFFFC000  }
0xb4: {  	s16 =	smov.u32 s9;
	s9 =	smov.u32 s6;
	s6 =	smov.u32 s4  }
0xb5: {  	[tilespmem:s10], [sflag:$0x1] =	stream.linear.gather [hbm4b:s1+s10], $0x80, $0x38;
	[tilespmem:$0x10400] =	vst v63  }
0xb6: {  	s4 =	smov.u32 s3;
	s3 =	smov.u32 s2;
	s2 =	rddreg [dreg:$0x17]  }
0xb7: {  	[tilespmem:s11], [sflag:$0x1] =	stream.linear.gather [hbm4b:s2+s10], $0x80, $0x38;
	[tilespmem:$0x10400] =	vst v63  }
0xb8: {  	s24 =	simm.s32 $0x100;
	s1 =	rddreg [dreg:$0x18]  }
0xb9: {  	[tilespmem:s24], [sflag:$0x1] =	stream.linear.gather [hbm4b:s1+s10], $0x80, $0x38;
	[tilespmem:$0x10400] =	vst v63  }
0xba: {  	s24 =	simm.s32 $0x180  }
0xbb: {  	[tilespmem:s24], [sflag:$0x1] =	stream.linear.gather [hbm4b:s26+s10], $0x80, $0x38;
	[tilespmem:$0x10400] =	vst v63  }
0xbc: {  	s23 =	simm.s32 $0x200  }
0xbd: {  	[tilespmem:s23], [sflag:$0x1] =	stream.linear.gather [hbm4b:s28+s10], $0x80, $0x38;
	[tilespmem:$0x10400] =	vst v63  }
0xbe: {  	s22 =	simm.s32 $0x280  }
0xbf: {  	[tilespmem:s22], [sflag:$0x1] =	stream.linear.gather [hbm4b:s29+s10], $0x80, $0x38;
	[tilespmem:$0x10400] =	vst v63  }
0xc0: {  	s20 =	simm.s32 $0x300  }
0xc1: {  	[tilespmem:s20], [sflag:$0x1] =	stream.linear.gather [hbm4b:s30+s10], $0x80, $0x38;
	[tilespmem:$0x10400] =	vst v63  }
0xc2: {  	s18 =	simm.s32 $0x380  }
0xc3: {  	[tilespmem:s18], [sflag:$0x1] =	stream.linear.gather [hbm4b:s31+s10], $0x80, $0x38;
	[tilespmem:$0x10400] =	vst v63  }
0xc4: {  	_ =	swait.ge [sflag:s25], $0x80  }
0xc5: {  	[sflag:s25] =	ssyncset.done $0x0  }
0xc6: {  	[sflag:s25] =	ssyncadd.s32 $0xFFFFFF80  }
0xc7: {  	_ =	swait.ge [sflag:s25], $0x80  }
0xc8: {  	[sflag:s25] =	ssyncset.done $0x0  }
0xc9: {  	[sflag:s25] =	ssyncadd.s32 $0xFFFFFF80  }
0xca: {  	_ =	swait.ge [sflag:s25], $0x80  }
0xcb: {  	[sflag:s25] =	ssyncset.done $0x0  }
0xcc: {  	[sflag:s25] =	ssyncadd.s32 $0xFFFFFF80  }
0xcd: {  	_ =	swait.ge [sflag:s25], $0x80  }
0xce: {  	[sflag:s25] =	ssyncset.done $0x0  }
0xcf: {  	[sflag:s25] =	ssyncadd.s32 $0xFFFFFF80  }
0xd0: {  	_ =	swait.ge [sflag:s25], $0x80  }
0xd1: {  	[sflag:s25] =	ssyncset.done $0x0  }
0xd2: {  	[sflag:s25] =	ssyncadd.s32 $0xFFFFFF80  }
0xd3: {  	_ =	swait.ge [sflag:s25], $0x80  }
0xd4: {  	[sflag:s25] =	ssyncset.done $0x0  }
0xd5: {  	[sflag:s25] =	ssyncadd.s32 $0xFFFFFF80  }
0xd6: {  	_ =	swait.ge [sflag:s25], $0x80  }
0xd7: {  	[sflag:s25] =	ssyncset.done $0x0  }
0xd8: {  	[sflag:s25] =	ssyncadd.s32 $0xFFFFFF80  }
0xd9: {  	_ =	swait.ge [sflag:s25], $0x80  }
0xda: {  	[sflag:s25] =	ssyncset.done $0x0  }
0xdb: {  	s1 =	rddreg [dreg:$0xe];
	[sflag:s25] =	ssyncadd.s32 $0xFFFFFF80  }
0xdc: {  	[tilespmem:s7], [sflag:$0x2] =	stream.indirect.gather [hbm4b:s1+s11], $0x80, s10, s11, $0xb8;
	[tilespmem:$0x10400] =	vst v63  }
0xdd: {  	s2 =	rddreg [dreg:$0xf]  }
0xde: {  	[tilespmem:s15], [sflag:$0x2] =	stream.indirect.gather [hbm4b:s2+s11], $0x80, s11, s11, $0xb8;
	[tilespmem:$0x10400] =	vst v63  }
0xdf: {  	s23 =	simm.s32 $0x100;
	s1 =	rddreg [dreg:$0x10]  }
0xe0: {  	[tilespmem:s14], [sflag:$0x2] =	stream.indirect.gather [hbm4b:s1+s11], $0x80, s23, s11, $0xb8;
	[tilespmem:$0x10400] =	vst v63  }
0xe1: {  	s2 =	rddreg [dreg:$0x11]  }
0xe2: {  	[tilespmem:s8], [sflag:$0x2] =	stream.indirect.gather [hbm4b:s2+s11], $0x80, s24, s11, $0xb8;
	[tilespmem:$0x10400] =	vst v63  }
0xe3: {  	_ =	swait.ge [sflag:s12], $0x4000  }
0xe4: {  	[sflag:s12] =	ssyncset.done $0x0  }
0xe5: {  	[sflag:s12] =	ssyncadd.s32 $0xFFFFC000  }
0xe6: {  	[hbm4b:s21+s7] =	stream.strided.scatter [tilespmem:s7], [sflag:$0x3], $0x4000, s13, s7, $0x38;
	[tilespmem:$0x10400] =	vst v63  }
0xe7: {  	_ =	swait.ge [sflag:s5], $0x4000  }
0xe8: {  	[sflag:s5] =	ssyncset.done $0x0  }
0xe9: {  	s22 =	simm.s32 $0x200;
	s1 =	rddreg [dreg:$0x12];
	[sflag:s5] =	ssyncadd.s32 $0xFFFFC000  }
0xea: {  	[tilespmem:s7], [sflag:$0x2] =	stream.indirect.gather [hbm4b:s1+s11], $0x80, s22, s11, $0xb8;
	[tilespmem:$0x10400] =	vst v63  }
0xeb: {  	_ =	swait.ge [sflag:s12], $0x4000  }
0xec: {  	[sflag:s12] =	ssyncset.done $0x0  }
0xed: {  	[sflag:s12] =	ssyncadd.s32 $0xFFFFC000  }
0xee: {  	[hbm4b:s19+s7] =	stream.strided.scatter [tilespmem:s15], [sflag:$0x3], $0x4000, s13, s7, $0x38;
	[tilespmem:$0x10400] =	vst v63  }
0xef: {  	_ =	swait.ge [sflag:s5], $0x4000  }
0xf0: {  	[sflag:s5] =	ssyncset.done $0x0  }
0xf1: {  	s20 =	simm.s32 $0x280;
	s1 =	rddreg [dreg:$0x13];
	[sflag:s5] =	ssyncadd.s32 $0xFFFFC000  }
0xf2: {  	[tilespmem:s15], [sflag:$0x2] =	stream.indirect.gather [hbm4b:s1+s11], $0x80, s20, s11, $0xb8;
	[tilespmem:$0x10400] =	vst v63  }
0xf3: {  	_ =	swait.ge [sflag:s12], $0x4000  }
0xf4: {  	[sflag:s12] =	ssyncset.done $0x0  }
0xf5: {  	[sflag:s12] =	ssyncadd.s32 $0xFFFFC000  }
0xf6: {  	[hbm4b:s17+s7] =	stream.strided.scatter [tilespmem:s14], [sflag:$0x3], $0x4000, s13, s7, $0x38;
	[tilespmem:$0x10400] =	vst v63  }
0xf7: {  	_ =	swait.ge [sflag:s5], $0x4000  }
0xf8: {  	[sflag:s5] =	ssyncset.done $0x0  }
0xf9: {  	s18 =	simm.s32 $0x300;
	s1 =	rddreg [dreg:$0x14];
	[sflag:s5] =	ssyncadd.s32 $0xFFFFC000  }
0xfa: {  	[tilespmem:s14], [sflag:$0x2] =	stream.indirect.gather [hbm4b:s1+s11], $0x80, s18, s11, $0xb8;
	[tilespmem:$0x10400] =	vst v63  }
0xfb: {  	s2 =	smov.u32 s3;
	_ =	swait.ge [sflag:s12], $0x4000  }
0xfc: {  	s3 =	smov.u32 s4;
	s4 =	smov.u32 s6;
	[sflag:s12] =	ssyncset.done $0x0  }
0xfd: {  	s6 =	smov.u32 s9;
	s9 =	smov.u32 s16;
	[sflag:s12] =	ssyncadd.s32 $0xFFFFC000  }
0xfe: {  	[hbm4b:s9+s7] =	stream.strided.scatter [tilespmem:s8], [sflag:$0x3], $0x4000, s13, s7, $0x38;
	[tilespmem:$0x10400] =	vst v63  }
0xff: {  	_ =	swait.ge [sflag:s5], $0x4000  }
0x100: {  	[sflag:s5] =	ssyncset.done $0x0  }
0x101: {  	s16 =	simm.s32 $0x380;
	s1 =	rddreg [dreg:$0x15];
	[sflag:s5] =	ssyncadd.s32 $0xFFFFC000  }
0x102: {  	[tilespmem:s8], [sflag:$0x2] =	stream.indirect.gather [hbm4b:s1+s11], $0x80, s16, s11, $0xb8;
	[tilespmem:$0x10400] =	vst v63  }
0x103: {  	_ =	swait.ge [sflag:s12], $0x4000  }
0x104: {  	[sflag:s12] =	ssyncset.done $0x0  }
0x105: {  	[sflag:s12] =	ssyncadd.s32 $0xFFFFC000  }
0x106: {  	[hbm4b:s6+s7] =	stream.strided.scatter [tilespmem:s7], [sflag:$0x3], $0x4000, s13, s7, $0x38;
	[tilespmem:$0x10400] =	vst v63  }
0x107: {  	_ =	swait.ge [sflag:s12], $0x4000  }
0x108: {  	[sflag:s12] =	ssyncset.done $0x0  }
0x109: {  	[sflag:s12] =	ssyncadd.s32 $0xFFFFC000  }
0x10a: {  	[hbm4b:s4+s7] =	stream.strided.scatter [tilespmem:s15], [sflag:$0x3], $0x4000, s13, s7, $0x38;
	[tilespmem:$0x10400] =	vst v63  }
0x10b: {  	_ =	swait.ge [sflag:s12], $0x4000  }
0x10c: {  	[sflag:s12] =	ssyncset.done $0x0  }
0x10d: {  	[sflag:s12] =	ssyncadd.s32 $0xFFFFC000  }
0x10e: {  	[hbm4b:s3+s7] =	stream.strided.scatter [tilespmem:s14], [sflag:$0x3], $0x4000, s13, s7, $0x38;
	[tilespmem:$0x10400] =	vst v63  }
0x10f: {  	_ =	swait.ge [sflag:s12], $0x4000  }
0x110: {  	[sflag:s12] =	ssyncset.done $0x0  }
0x111: {  	[sflag:s12] =	ssyncadd.s32 $0xFFFFC000  }
0x112: {  	[hbm4b:s2+s7] =	stream.strided.scatter [tilespmem:s8], [sflag:$0x3], $0x4000, s13, s7, $0x38;
	[tilespmem:$0x10400] =	vst v63  }
0x113: {  	_ =	swait.ge [sflag:s5], $0x4000  }
0x114: {  	[sflag:s5] =	ssyncset.done $0x0  }
0x115: {  	[sflag:s5] =	ssyncadd.s32 $0xFFFFC000  }
0x116: {  	_ =	swait.ge [sflag:s5], $0x4000  }
0x117: {  	[sflag:s5] =	ssyncset.done $0x0  }
0x118: {  	p1 =	sne.s32 s0, $0x1;
	[sflag:s5] =	ssyncadd.s32 $0xFFFFC000  }
.Ltmp2:
0x119: {  	_ =	swait.ge [sflag:s5], $0x4000;
	(pc) =	sbr.rel @p1 .LBB3_2-.Ltmp2, $4  }
0x11a: {  	[sflag:s5] =	ssyncset.done $0x0  }
0x11b: {  	[sflag:s5] =	ssyncadd.s32 $0xFFFFC000  }
0x11c: {  	_ =	swait.ge [sflag:s5], $0x4000  }
0x11d: {  	s0 =	sadd.s32 $0xFFFFFFFF, s0;
	s1 =	rddreg [dreg:$0x16];
	[sflag:s5] =	ssyncset.done $0x0  }
.LBB3_3:
0x11e: {  	[sflag:s5] =	ssyncadd.s32 @p0 $0xFFFFC000  }
0x11f: {  	[tilespmem:s10], [sflag:$0x1] =	stream.linear.gather [hbm4b:s1+s10], $0x80, $0x38;
	[tilespmem:$0x10400] =	vst v63  }
0x120: {  	s0 =	rddreg [dreg:$0x17]  }
0x121: {  	[tilespmem:s11], [sflag:$0x1] =	stream.linear.gather [hbm4b:s0+s10], $0x80, $0x38;
	[tilespmem:$0x10400] =	vst v63  }
0x122: {  	s1 =	rddreg [dreg:$0x18]  }
0x123: {  	[tilespmem:s23], [sflag:$0x1] =	stream.linear.gather [hbm4b:s1+s10], $0x80, $0x38;
	[tilespmem:$0x10400] =	vst v63  }
0x124: {  	_ = 	snop  }
0x125: {  	[tilespmem:s24], [sflag:$0x1] =	stream.linear.gather [hbm4b:s26+s10], $0x80, $0x38;
	[tilespmem:$0x10400] =	vst v63  }
0x126: {  	_ = 	snop  }
0x127: {  	[tilespmem:s22], [sflag:$0x1] =	stream.linear.gather [hbm4b:s28+s10], $0x80, $0x38;
	[tilespmem:$0x10400] =	vst v63  }
0x128: {  	_ = 	snop  }
0x129: {  	[tilespmem:s20], [sflag:$0x1] =	stream.linear.gather [hbm4b:s29+s10], $0x80, $0x38;
	[tilespmem:$0x10400] =	vst v63  }
0x12a: {  	_ = 	snop  }
0x12b: {  	[tilespmem:s18], [sflag:$0x1] =	stream.linear.gather [hbm4b:s30+s10], $0x80, $0x38;
	[tilespmem:$0x10400] =	vst v63  }
0x12c: {  	_ = 	snop  }
0x12d: {  	[tilespmem:s16], [sflag:$0x1] =	stream.linear.gather [hbm4b:s31+s10], $0x80, $0x38;
	[tilespmem:$0x10400] =	vst v63  }
0x12e: {  	_ =	swait.ge [sflag:s25], $0x80  }
0x12f: {  	[sflag:s25] =	ssyncset.done $0x0  }
0x130: {  	[sflag:s25] =	ssyncadd.s32 $0xFFFFFF80  }
0x131: {  	_ =	swait.ge [sflag:s25], $0x80  }
0x132: {  	[sflag:s25] =	ssyncset.done $0x0  }
0x133: {  	[sflag:s25] =	ssyncadd.s32 $0xFFFFFF80  }
0x134: {  	_ =	swait.ge [sflag:s25], $0x80  }
0x135: {  	[sflag:s25] =	ssyncset.done $0x0  }
0x136: {  	[sflag:s25] =	ssyncadd.s32 $0xFFFFFF80  }
0x137: {  	_ =	swait.ge [sflag:s25], $0x80  }
0x138: {  	[sflag:s25] =	ssyncset.done $0x0  }
0x139: {  	[sflag:s25] =	ssyncadd.s32 $0xFFFFFF80  }
0x13a: {  	_ =	swait.ge [sflag:s25], $0x80  }
0x13b: {  	[sflag:s25] =	ssyncset.done $0x0  }
0x13c: {  	[sflag:s25] =	ssyncadd.s32 $0xFFFFFF80  }
0x13d: {  	_ =	swait.ge [sflag:s25], $0x80  }
0x13e: {  	[sflag:s25] =	ssyncset.done $0x0  }
0x13f: {  	[sflag:s25] =	ssyncadd.s32 $0xFFFFFF80  }
0x140: {  	_ =	swait.ge [sflag:s25], $0x80  }
0x141: {  	[sflag:s25] =	ssyncset.done $0x0  }
0x142: {  	[sflag:s25] =	ssyncadd.s32 $0xFFFFFF80  }
0x143: {  	_ =	swait.ge [sflag:s25], $0x80  }
0x144: {  	[sflag:s25] =	ssyncset.done $0x0  }
0x145: {  	s30 =	rddreg [dreg:$0xe];
	[sflag:s25] =	ssyncadd.s32 $0xFFFFFF80  }
0x146: {  	[tilespmem:s7], [sflag:$0x2] =	stream.indirect.gather [hbm4b:s30+s11], $0x80, s10, s11, $0xb8;
	[tilespmem:$0x10400] =	vst v63  }
0x147: {  	s31 =	rddreg [dreg:$0xf]  }
0x148: {  	[tilespmem:s15], [sflag:$0x2] =	stream.indirect.gather [hbm4b:s31+s11], $0x80, s11, s11, $0xb8;
	[tilespmem:$0x10400] =	vst v63  }
0x149: {  	s10 =	rddreg [dreg:$0x10]  }
0x14a: {  	[tilespmem:s14], [sflag:$0x2] =	stream.indirect.gather [hbm4b:s10+s11], $0x80, s23, s11, $0xb8;
	[tilespmem:$0x10400] =	vst v63  }
0x14b: {  	s25 =	rddreg [dreg:$0x11]  }
0x14c: {  	[tilespmem:s8], [sflag:$0x2] =	stream.indirect.gather [hbm4b:s25+s11], $0x80, s24, s11, $0xb8;
	[tilespmem:$0x10400] =	vst v63  }
0x14d: {  	_ =	swait.ge [sflag:s12], $0x4000  }
0x14e: {  	[sflag:s12] =	ssyncset.done $0x0  }
0x14f: {  	[sflag:s12] =	ssyncadd.s32 $0xFFFFC000  }
0x150: {  	[hbm4b:s21+s7] =	stream.strided.scatter [tilespmem:s7], [sflag:$0x3], $0x4000, s13, s7, $0x38;
	[tilespmem:$0x10400] =	vst v63  }
0x151: {  	_ =	swait.ge [sflag:s5], $0x4000  }
0x152: {  	[sflag:s5] =	ssyncset.done $0x0  }
0x153: {  	s26 =	rddreg [dreg:$0x12];
	[sflag:s5] =	ssyncadd.s32 $0xFFFFC000  }
0x154: {  	[tilespmem:s7], [sflag:$0x2] =	stream.indirect.gather [hbm4b:s26+s11], $0x80, s22, s11, $0xb8;
	[tilespmem:$0x10400] =	vst v63  }
0x155: {  	_ =	swait.ge [sflag:s12], $0x4000  }
0x156: {  	[sflag:s12] =	ssyncset.done $0x0  }
0x157: {  	[sflag:s12] =	ssyncadd.s32 $0xFFFFC000  }
0x158: {  	[hbm4b:s19+s7] =	stream.strided.scatter [tilespmem:s15], [sflag:$0x3], $0x4000, s13, s7, $0x38;
	[tilespmem:$0x10400] =	vst v63  }
0x159: {  	_ =	swait.ge [sflag:s5], $0x4000  }
0x15a: {  	[sflag:s5] =	ssyncset.done $0x0  }
0x15b: {  	s28 =	rddreg [dreg:$0x13];
	[sflag:s5] =	ssyncadd.s32 $0xFFFFC000  }
0x15c: {  	[tilespmem:s15], [sflag:$0x2] =	stream.indirect.gather [hbm4b:s28+s11], $0x80, s20, s11, $0xb8;
	[tilespmem:$0x10400] =	vst v63  }
0x15d: {  	_ =	swait.ge [sflag:s12], $0x4000  }
0x15e: {  	[sflag:s12] =	ssyncset.done $0x0  }
0x15f: {  	[sflag:s12] =	ssyncadd.s32 $0xFFFFC000  }
0x160: {  	[hbm4b:s17+s7] =	stream.strided.scatter [tilespmem:s14], [sflag:$0x3], $0x4000, s13, s7, $0x38;
	[tilespmem:$0x10400] =	vst v63  }
0x161: {  	_ =	swait.ge [sflag:s5], $0x4000  }
0x162: {  	[sflag:s5] =	ssyncset.done $0x0  }
0x163: {  	s29 =	rddreg [dreg:$0x14];
	[sflag:s5] =	ssyncadd.s32 $0xFFFFC000  }
0x164: {  	[tilespmem:s14], [sflag:$0x2] =	stream.indirect.gather [hbm4b:s29+s11], $0x80, s18, s11, $0xb8;
	[tilespmem:$0x10400] =	vst v63  }
0x165: {  	_ =	swait.ge [sflag:s12], $0x4000  }
0x166: {  	[sflag:s12] =	ssyncset.done $0x0  }
0x167: {  	[sflag:s12] =	ssyncadd.s32 $0xFFFFC000  }
0x168: {  	[hbm4b:s9+s7] =	stream.strided.scatter [tilespmem:s8], [sflag:$0x3], $0x4000, s13, s7, $0x38;
	[tilespmem:$0x10400] =	vst v63  }
0x169: {  	_ =	swait.ge [sflag:s5], $0x4000  }
0x16a: {  	[sflag:s5] =	ssyncset.done $0x0  }
0x16b: {  	s30 =	rddreg [dreg:$0x15];
	[sflag:s5] =	ssyncadd.s32 $0xFFFFC000  }
0x16c: {  	[tilespmem:s8], [sflag:$0x2] =	stream.indirect.gather [hbm4b:s30+s11], $0x80, s16, s11, $0xb8;
	[tilespmem:$0x10400] =	vst v63  }
0x16d: {  	_ =	swait.ge [sflag:s12], $0x4000  }
0x16e: {  	[sflag:s12] =	ssyncset.done $0x0  }
0x16f: {  	[sflag:s12] =	ssyncadd.s32 $0xFFFFC000  }
0x170: {  	[hbm4b:s6+s7] =	stream.strided.scatter [tilespmem:s7], [sflag:$0x3], $0x4000, s13, s7, $0x38;
	[tilespmem:$0x10400] =	vst v63  }
0x171: {  	_ =	swait.ge [sflag:s12], $0x4000  }
0x172: {  	[sflag:s12] =	ssyncset.done $0x0  }
0x173: {  	[sflag:s12] =	ssyncadd.s32 $0xFFFFC000  }
0x174: {  	[hbm4b:s4+s7] =	stream.strided.scatter [tilespmem:s15], [sflag:$0x3], $0x4000, s13, s7, $0x38;
	[tilespmem:$0x10400] =	vst v63  }
0x175: {  	_ =	swait.ge [sflag:s12], $0x4000  }
0x176: {  	[sflag:s12] =	ssyncset.done $0x0  }
0x177: {  	[sflag:s12] =	ssyncadd.s32 $0xFFFFC000  }
0x178: {  	[hbm4b:s3+s7] =	stream.strided.scatter [tilespmem:s14], [sflag:$0x3], $0x4000, s13, s7, $0x38;
	[tilespmem:$0x10400] =	vst v63  }
0x179: {  	_ =	swait.ge [sflag:s12], $0x4000  }
0x17a: {  	[sflag:s12] =	ssyncset.done $0x0  }
0x17b: {  	[sflag:s12] =	ssyncadd.s32 $0xFFFFC000  }
0x17c: {  	[hbm4b:s2+s7] =	stream.strided.scatter [tilespmem:s8], [sflag:$0x3], $0x4000, s13, s7, $0x38;
	[tilespmem:$0x10400] =	vst v63  }
0x17d: {  	_ =	swait.ge [sflag:s5], $0x4000  }
0x17e: {  	[sflag:s5] =	ssyncset.done $0x0  }
0x17f: {  	[sflag:s5] =	ssyncadd.s32 $0xFFFFC000  }
0x180: {  	_ =	swait.ge [sflag:s5], $0x4000  }
0x181: {  	[sflag:s5] =	ssyncset.done $0x0  }
0x182: {  	[sflag:s5] =	ssyncadd.s32 $0xFFFFC000  }
0x183: {  	_ =	swait.ge [sflag:s5], $0x4000  }
0x184: {  	[sflag:s5] =	ssyncset.done $0x0  }
0x185: {  	[sflag:s5] =	ssyncadd.s32 $0xFFFFC000  }
0x186: {  	_ =	swait.ge [sflag:s5], $0x4000  }
0x187: {  	[sflag:s5] =	ssyncset.done $0x0  }
0x188: {  	[sflag:s5] =	ssyncadd.s32 $0xFFFFC000  }
0x189: {  	_ =	sfence.sel $0x180000  }
0x18a: {  	[bflag:$0x0] =	sbarrier.arrive $0xFFFF  }
0x18b: {  	_ =	strace $0x90000047  }
0x18c: {  	s31 =	stileid.u32;
	[bflag:$0x2] =	sbarrier.arrive $0xFFFF  }
0x18d: {  	p0 =	sne.s32 s31, $0x0;
	s0 =	rddreg [dreg:$0x19]  }
0x18e: {  	s0 =	sadd.s32 @!p0 $0x100000, s0  }
0x18f: {  	[sflag:s0] =	ssyncadd.tile.s32 @!p0 $0x1;
	_ =	shalt  }
.Lfunc_end3:
_tile_overlayer_lowered:
.L_overlay_start_3:
0x190: {  	(tag) =	ssettag $0x3  }
0x191: {  	s0 =	rddreg [dreg:$0x0];
	s2 =	stileid.u32  }
0x192: {  	s1 =	rddreg [dreg:$0x1];
	p0 =	sne.s32 s2, $0x0  }
0x193: {  	s3 =	rddreg [dreg:$0x2];
	[bflag:$0x3] =	sbarrier.arrive $0xFFFF;
	s2 =	simm.s32 @!p0 $0x1C04  }
0x194: {  	[timem:s3], [sflag:s2] =	dma.local @!p0 [hbm:s0], s1  }
0x195: {  	s0 =	simm.s32 @!p0 $0x4  }
0x196: {  	_ =	swait.ge @!p0 [sflag:s0], s1  }
0x197: {  	s1 =	ssub.s32 @!p0 $0x0, s1;
	[sflag:s0] =	ssyncset.done @!p0 $0x0  }
0x198: {  	[sflag:s0] =	ssyncadd.s32 @!p0 s1  }
0x199: {  	[bflag:$0x3] =	sbarrier.arrive $0xFFFF  }
0x19a: {  	_ =	shalt  }

// kernel: kernel.13.cloned.1.call-start
scs
__scs_entry_jumppad:
0x0: {  	(pc) =	sbr.rel $0x88, $3  }
0x1: {  	(tag) =	ssettag $0x0;
	lr =	simm.s32 $0x1  }
0x2: {  	[smem:$0x3F8C] =	sst lr;
	_ =	strace $0xD0000000  }
0x3: {  	_ = 	snop  }
0x4: {  	_ = 	snop  }
0x5: {  	_ = 	snop  }
0x6: {  	_ = 	snop  }
0x7: {  	_ = 	snop  }
__scs_overlays_trampoline_lowered:
0x8: {  	[smem:$0x3F9B] =	sst s0  }
0x9: {  	[smem:$0x3F9C] =	sst s1  }
0xa: {  	[smem:$0x3F9D] =	sst s2  }
0xb: {  	[smem:$0x3F9E] =	sst s3  }
0xc: {  	[smem:$0x3F9F] =	sst s4  }
0xd: {  	[smem:$0x3FA0] =	sst s5  }
0xe: {  	[smem:$0x3FA1] =	sst s6  }
0xf: {  	[smem:$0x3FA2] =	sst s7  }
0x10: {  	[smem:$0x3FA3] =	sst s8  }
0x11: {  	[smem:$0x3FA4] =	sst s9;
	s0 =	simm.s32 @!p0 $0x0  }
0x12: {  	s1 =	sld [smem:$0x3F8A];
	s0 =	simm.s32 @p0 $0x1  }
0x13: {  	[smem:$0x3FA5] =	sst s0;
	s0 =	simm.s32 @!p1 $0x0  }
0x14: {  	s2 =	sld [smem:$0x3F89];
	s0 =	simm.s32 @p1 $0x1  }
0x15: {  	[smem:$0x3FA6] =	sst s0;
	s0 =	simm.s32 @!p2 $0x0  }
0x16: {  	s3 =	sld [smem:$0x3FDB];
	s0 =	simm.s32 @p2 $0x1  }
0x17: {  	s4 =	simm.s32 $0x1BF5;
	[smem:$0x3FA8] =	sst s0  }
0x18: {  	s0 =	sld [smem:$0x3F8B];
	_ =	swait.ge [sflag:s4], $0x0  }
0x19: {  	s7 =	sld [smem:$0x3F8C]  }
0x1a: {  	s8 =	sadd.s32 $0xFFFFE003, lr  }
0x1b: {  	s9 =	sadd.s32 $0xFFFFFEF7, lr;
	s5 =	simm.s32 $0xFFFFFFFF;
	p2 =	slt.u32 s8, $0xFFFFF086  }
0x1c: {  	p1 =	slt.u32 s9, $0xF7A;
	s5 =	simm.s32 @!p2 $0x0  }
0x1d: {  	s5 =	simm.s32 @p1 $0x1;
	p0 =	seq.s32 s7, s2  }
0x1e: {  	s7 =	smul.u32 @!p0 $0xF7A, s2;
	p2 =	seq.s32 @!p0 s5, $0x0  }
0x1f: {  	s9 =	smul.u32 $0xF7A, s1;
	s8 =	simm.s32 @!p0 $0x1BF5;
	p2 =	por !p2, p0  }
0x20: {  	[sflag:s8] =	ssyncset.s32 @!p0 $0xFFFFF086;
	s6 =	sadd.s32 @!p0 s3, s7;
	s7 =	simm.s32 @!p0 $0x108  }
0x21: {  	s3 =	sadd.s32 s3, s9;
	s6 =	sadd.s32 @!p0 $0x88, s6;
	s7 =	simm.s32 @p2 $0x1082  }
0x22: {  	[simem:s7], [sflag:s8] =	dma.local @!p0 [hbm:s6], $0xF7A  }
0x23: {  	s9 =	sor.u32 $0xD0000000, s2;
	s6 =	simm.s32 $0x108;
	_ =	swait.ge @!p0 [sflag:s8], $0x0  }
0x24: {  	s3 =	sadd.s32 $0x88, s3;
	s6 =	simm.s32 @!p1 $0x1082;
	[sflag:s4] =	ssyncset.s32 $0xFFFFF086  }
0x25: {  	[simem:s6], [sflag:s4] =	dma.local [hbm:s3], $0xF7A  }
0x26: {  	[smem:$0x3F8C] =	sst s1;
	(tag) =	ssettag s2;
	_ =	strace s9  }
0x27: {  	s1 =	sld [smem:$0x3F9C]  }
0x28: {  	s2 =	sld [smem:$0x3F9D]  }
0x29: {  	s4 =	sld [smem:$0x3F9F]  }
0x2a: {  	p0 =	seq.s32 s5, $0x0;
	s5 =	sld [smem:$0x3FA0]  }
0x2b: {  	s6 =	sld [smem:$0x3FA1]  }
0x2c: {  	s7 =	sld [smem:$0x3FA2]  }
0x2d: {  	s3 =	simm.s32 $0x108;
	s8 =	sld [smem:$0x3FA3]  }
0x2e: {  	s3 =	simm.s32 @!p0 $0x1082;
	s9 =	sld [smem:$0x3FA4]  }
0x2f: {  	lr =	sadd.s32 s0, s3;
	s0 =	sld [smem:$0x3F9B]  }
0x30: {  	s3 =	sld [smem:$0x3F9E]  }
0x31: {  	[smem:$0x3FA7] =	sst s10  }
0x32: {  	s10 =	sld [smem:$0x3FA5];
	_ =	sdelay $0x3  }
0x33: {  	p0 =	seq.s32 s10, $0x1;
	s10 =	sld [smem:$0x3FA7];
	_ =	sdelay $0x3  }
0x34: {  	[smem:$0x3FA7] =	sst s10  }
0x35: {  	s10 =	sld [smem:$0x3FA6];
	_ =	sdelay $0x3  }
0x36: {  	p1 =	seq.s32 s10, $0x1;
	s10 =	sld [smem:$0x3FA7];
	_ =	sdelay $0x3  }
0x37: {  	[smem:$0x3FA7] =	sst s10  }
0x38: {  	s10 =	sld [smem:$0x3FA8]  }
0x39: {  	_ = 	snop;
	(pc) =	sbr.ind lr, $3  }
0x3a: {  	_ = 	snop  }
0x3b: {  	_ = 	snop  }
0x3c: {  	p2 =	seq.s32 s10, $0x1;
	s10 =	sld [smem:$0x3FA7]  }
0x3d: {  	_ =	shalt  }
0x3e: {  	_ =	shalt  }
0x3f: {  	_ =	shalt  }
0x40: {  	_ =	shalt  }
0x41: {  	_ =	shalt  }
0x42: {  	_ =	shalt  }
0x43: {  	_ =	shalt  }
0x44: {  	_ =	shalt  }
0x45: {  	_ =	shalt  }
0x46: {  	_ =	shalt  }
0x47: {  	_ =	shalt  }
0x48: {  	_ =	shalt  }
0x49: {  	_ =	shalt  }
0x4a: {  	_ =	shalt  }
0x4b: {  	_ =	shalt  }
0x4c: {  	_ =	shalt  }
0x4d: {  	_ =	shalt  }
0x4e: {  	_ =	shalt  }
0x4f: {  	_ =	shalt  }
0x50: {  	_ =	shalt  }
0x51: {  	_ =	shalt  }
0x52: {  	_ =	shalt  }
0x53: {  	_ =	shalt  }
0x54: {  	_ =	shalt  }
0x55: {  	_ =	shalt  }
0x56: {  	_ =	shalt  }
0x57: {  	_ =	shalt  }
0x58: {  	_ =	shalt  }
0x59: {  	_ =	shalt  }
0x5a: {  	_ =	shalt  }
0x5b: {  	_ =	shalt  }
0x5c: {  	_ =	shalt  }
0x5d: {  	_ =	shalt  }
0x5e: {  	_ =	shalt  }
0x5f: {  	_ =	shalt  }
0x60: {  	_ =	shalt  }
0x61: {  	_ =	shalt  }
0x62: {  	_ =	shalt  }
0x63: {  	_ =	shalt  }
0x64: {  	_ =	shalt  }
0x65: {  	_ =	shalt  }
0x66: {  	_ =	shalt  }
0x67: {  	_ =	shalt  }
0x68: {  	_ =	shalt  }
0x69: {  	_ =	shalt  }
0x6a: {  	_ =	shalt  }
0x6b: {  	_ =	shalt  }
0x6c: {  	_ =	shalt  }
0x6d: {  	_ =	shalt  }
0x6e: {  	_ =	shalt  }
0x6f: {  	_ =	shalt  }
0x70: {  	_ =	shalt  }
0x71: {  	_ =	shalt  }
0x72: {  	_ =	shalt  }
0x73: {  	_ =	shalt  }
0x74: {  	_ =	shalt  }
0x75: {  	_ =	shalt  }
0x76: {  	_ =	shalt  }
0x77: {  	_ =	shalt  }
0x78: {  	_ =	shalt  }
0x79: {  	_ =	shalt  }
0x7a: {  	_ =	shalt  }
0x7b: {  	_ =	shalt  }
0x7c: {  	_ =	shalt  }
0x7d: {  	_ =	shalt  }
0x7e: {  	_ =	shalt  }
0x7f: {  	_ =	shalt  }
0x80: {  	_ =	shalt  }
0x81: {  	_ =	shalt  }
0x82: {  	_ =	shalt  }
0x83: {  	_ =	shalt  }
0x84: {  	_ =	shalt  }
0x85: {  	_ =	shalt  }
0x86: {  	_ =	shalt  }
0x87: {  	_ =	shalt  }
.Lfunc_end0:
.L_simem_size_0:
called_computation.1_lowered:
.L_overlay_start_0:
0x88: {  	s2 =	sld [smem:$0x3FD9]  }
0x89: {  	s3 =	sld [smem:$0x3FFE];
	_ =	sdelay $0x1  }
0x8a: {  	s1 =	srdreg.scid  }
0x8b: {  	s0 =	sand.u32 $0x1, s1  }
0x8c: {  	s23 =	sshll.u32 s0, $0xA;
	s2 =	sadd.s32 s3, s2  }
0x8d: {  	s2 =	sadd.s32 s2, s23  }
0x8e: {  	[smem:$0x3FB3] =	sst s2  }
0x8f: {  	_ = 	snop  }
0x90: {  	s2 =	sld [smem:$0x3FC9]  }
0x91: {  	s3 =	sld [smem:$0x3FC8]  }
0x92: {  	s4 =	sld [smem:$0x3FC7]  }
0x93: {  	s5 =	sld [smem:$0x3FC6]  }
0x94: {  	s6 =	sld [smem:$0x3FC5]  }
0x95: {  	s7 =	sld [smem:$0x3FC4]  }
0x96: {  	s8 =	sld [smem:$0x3FC3]  }
0x97: {  	s9 =	sld [smem:$0x3FC2]  }
0x98: {  	s10 =	sld [smem:$0x3FC0]  }
0x99: {  	s11 =	sld [smem:$0x3FBF]  }
0x9a: {  	s12 =	sld [smem:$0x3FBE]  }
0x9b: {  	s13 =	sld [smem:$0x3FBD]  }
0x9c: {  	s14 =	sld [smem:$0x3FBC]  }
0x9d: {  	s15 =	sld [smem:$0x3FBB]  }
0x9e: {  	s17 =	sld [smem:$0x3FBA]  }
0x9f: {  	s18 =	sld [smem:$0x3FB9];
	(tm) =	ssettm $0x1  }
0xa0: {  	s16 =	sld [smem:$0x3FFB];
	_ =	sdelay $0x3  }
0xa1: {  	_ =	strace s16  }
0xa2: {  	s16 =	sld [smem:$0x3FFC];
	_ =	sdelay $0x3  }
0xa3: {  	_ =	strace s16  }
0xa4: {  	s16 =	sld [smem:$0x3FFD];
	_ =	sdelay $0x3  }
0xa5: {  	_ =	strace s16  }
0xa6: {  	_ =	strace $0x8FFFFFFF  }
0xa7: {  	s24 =	sld [smem:$0x3FDB];
	_ =	sdelay $0x1  }
0xa8: {  	s19 =	simm.s32 $_scs_section_size  }
0xa9: {  	s20 =	simm.s32 $_size__tile_task_arg_handler_lowered;
	s21 =	simm.s32 $_tile_task_arg_handler_lowered  }
0xaa: {  	s28 =	simm.s32 $0x1BFF;
	s26 =	sshll.u32 s21, $0x1;
	s19 =	sadd.s32 s19, s24  }
0xab: {  	s22 =	simm.s32 $0x60;
	s25 =	sshll.u32 s20, $0x1;
	s20 =	sadd.s32 s26, s19  }
0xac: {  	[timem:s22], [sflag:s28] =	dma.local [hbm:s20], s25  }
0xad: {  	_ =	swait.ge [sflag:s28], s25  }
0xae: {  	s29 =	simm.s32 $_tile_overlayer_lowered;
	s16 =	ssub.s32 $0x0, s25;
	[sflag:s28] =	ssyncset.done $0x0  }
0xaf: {  	s30 =	simm.s32 $_size__tile_overlayer_lowered;
	s20 =	sshll.u32 s29, $0x1;
	[sflag:s28] =	ssyncadd.s32 s16  }
0xb0: {  	s31 =	sshll.u32 s30, $0x1;
	s20 =	sadd.s32 s20, s19;
	s16 =	simm.s32 $0x0  }
0xb1: {  	[timem:s16], [sflag:s28] =	dma.local [hbm:s20], s31  }
0xb2: {  	_ =	swait.ge [sflag:s28], s31  }
0xb3: {  	s22 =	ssub.s32 $0x0, s31;
	[sflag:s28] =	ssyncset.done $0x0  }
0xb4: {  	[sflag:s28] =	ssyncadd.s32 s22;
	_ =	sdelay $0x1  }
0xb5: {  	s23 =	simm.s32 $0x1B8B  }
0xb6: {  	_ =	swait.ge [sflag:s23], $0x1  }
0xb7: {  	[sflag:s23] =	ssyncset.done $0x0  }
0xb8: {  	[sflag:s23] =	ssyncadd.s32 $0xFFFFFFFF  }
0xb9: {  	s20 =	sld [smem:$0x0]  }
0xba: {  	s21 =	sand.u32 $0xFFFFFFFE, s1  }
0xbb: {  	p0 =	sne.s32 s1, s21  }
0xbc: {  	s21 =	sshll.u32 @p0 s21, $0xE  }
0xbd: {  	s21 =	sadd.s32 @p0 $0x11B8D, s21;
	s22 =	sshll.u32 @p0 s20, $0x11  }
0xbe: {  	s21 =	sor.u32 @p0 s22, s21  }
0xbf: {  	[sflag:s21] =	ssyncadd.remote.s32 @p0 $0x1;
	_ =	sdelay $0x1  }
0xc0: {  	s21 =	simm.s32 @p0 $0x1B8D  }
0xc1: {  	_ =	swait.eq @p0 [sflag:s21], $0x1  }
0xc2: {  	[sflag:s21] =	ssyncadd.s32 @p0 $0xFFFFFFFF  }
0xc3: {  	s22 =	sshll.u32 @!p0 s1, $0xE  }
0xc4: {  	s22 =	sor.u32 @!p0 $0x4000, s22;
	s21 =	simm.s32 @!p0 $0x1B8D  }
0xc5: {  	s20 =	sshll.u32 @!p0 s20, $0x11;
	s22 =	sadd.s32 @!p0 $0x11B8D, s22;
	_ =	swait.eq @!p0 [sflag:s21], $0x1  }
0xc6: {  	s20 =	sor.u32 @!p0 s20, s22;
	[sflag:s21] =	ssyncadd.s32 @!p0 $0xFFFFFFFF  }
0xc7: {  	s25 =	simm.s32 $0x1B8E;
	s24 =	sld [smem:$0x3FFE];
	[sflag:s20] =	ssyncadd.remote.s32 @!p0 $0x1  }
0xc8: {  	s26 =	simm.s32 $execute0_lowered;
	[smem:$0x3FD2] =	sst s25  }
0xc9: {  	s21 =	sshll.u32 s26, $0x1;
	_ =	strace $0x80000049;
	[dreg:$0x1] =	wrdreg $0xFFFFFFFF  }
0xca: {  	s28 =	simm.s32 $_size_execute0_lowered;
	s19 =	sadd.s32 s19, s21;
	[dreg:$0x0] =	wrdreg $0x0  }
0xcb: {  	s21 =	sshll.u32 s28, $0x1;
	[dreg:$0x2] =	wrdreg s19  }
0xcc: {  	[dreg:$0x3] =	wrdreg s21  }
0xcd: {  	[dreg:$0x4] =	wrdreg $0xC0  }
0xce: {  	_ =	task [dreg:s16], $0x5FFFF  }
0xcf: {  	[dreg:$0x1] =	wrdreg $0xFFFFFFFF  }
0xd0: {  	[dreg:$0x0] =	wrdreg $0x30  }
0xd1: {  	[dreg:$0x2] =	wrdreg $0x0  }
0xd2: {  	[dreg:$0x3] =	wrdreg s17  }
0xd3: {  	[dreg:$0x4] =	wrdreg s18  }
0xd4: {  	[dreg:$0x5] =	wrdreg s24  }
0xd5: {  	[dreg:$0x6] =	wrdreg $0xA  }
0xd6: {  	_ =	task [dreg:s16], $0x7FFFF  }
0xd7: {  	[dreg:$0x1] =	wrdreg $0xFFFFFFFF  }
0xd8: {  	[dreg:$0x0] =	wrdreg $0x60  }
0xd9: {  	[dreg:$0x2] =	wrdreg s2  }
0xda: {  	[dreg:$0x3] =	wrdreg s3  }
0xdb: {  	[dreg:$0x4] =	wrdreg s4  }
0xdc: {  	[dreg:$0x5] =	wrdreg s5  }
0xdd: {  	[dreg:$0x6] =	wrdreg s6  }
0xde: {  	[dreg:$0x7] =	wrdreg s7  }
0xdf: {  	[dreg:$0x8] =	wrdreg s8  }
0xe0: {  	[dreg:$0x9] =	wrdreg s9  }
0xe1: {  	[dreg:$0xa] =	wrdreg s10  }
0xe2: {  	[dreg:$0xb] =	wrdreg s11  }
0xe3: {  	[dreg:$0xc] =	wrdreg s12  }
0xe4: {  	[dreg:$0xd] =	wrdreg s13  }
0xe5: {  	[dreg:$0xe] =	wrdreg s14  }
0xe6: {  	[dreg:$0xf] =	wrdreg s15  }
0xe7: {  	_ =	task.clear_ibuf [dreg:s16], $0x10FFFF;
	_ =	strace $0x90000049  }
0xe8: {  	s29 =	simm.s32 $0xA;
	_ =	strace $0x8000004B  }
0xe9: {  	_ =	swait.ge [sflag:s29], $0x1  }
0xea: {  	[sflag:s29] =	ssyncadd.s32 $0xFFFFFFFF  }
0xeb: {  	_ =	strace $0x9000004B  }
0xec: {  	_ =	sfence  }
0xed: {  	s30 =	sld [smem:$0x0];
	_ =	sdelay $0x2  }
0xee: {  	s31 =	sshll.u32 s1, $0xD;
	s1 =	sshrl.u32 s1, $0x2  }
0xef: {  	s3 =	sand.u32 $0x4000, s31;
	s1 =	sadd.s32 s1, s30  }
0xf0: {  	s0 =	sor.u32 s3, s0;
	s1 =	sshll.u32 s1, $0x11  }
0xf1: {  	s0 =	sor.u32 s1, s0  }
0xf2: {  	s0 =	sadd.s32 $0x8F2B, s0  }
0xf3: {  	[sflag:s0] =	ssyncadd.remote.s32 $0x1  }
0xf4: {  	_ =	sfence.sel $0xFFFF  }
0xf5: {  	[dreg:$0x0] =	wrdreg $0xFFFFFFFF;
	(pc) =	sbr.abs _section_cstart, $3  }
0xf6: {  	[dreg:$0x1] =	wrdreg $0xFFFFFFFF  }
0xf7: {  	_ =	task.clear_ibuf [dreg:s16], $0x2FFFF;
	_ =	strace $0x9FFFFFFF  }
0xf8: {  	(tm) =	ssettm $0x7FFFFFFF  }
0xf9: {  	_ =	shalt  }
tec
_tile_task_arg_handler_lowered:
.L_overlay_start_1:
0x0: {  	(tag) =	ssettag $0x1  }
0x1: {  	s0 =	rddreg [dreg:$0x0]  }
0x2: {  	s1 =	rddreg [dreg:$0x1]  }
0x3: {  	s2 =	rddreg [dreg:$0x2]  }
0x4: {  	s3 =	rddreg [dreg:$0x3]  }
0x5: {  	s4 =	rddreg [dreg:$0x4]  }
0x6: {  	s5 =	rddreg [dreg:$0x5]  }
0x7: {  	s6 =	rddreg [dreg:$0x6]  }
0x8: {  	s7 =	rddreg [dreg:$0x7]  }
0x9: {  	s8 =	rddreg [dreg:$0x8]  }
0xa: {  	s9 =	rddreg [dreg:$0x9]  }
0xb: {  	s10 =	rddreg [dreg:$0xa]  }
0xc: {  	s11 =	rddreg [dreg:$0xb]  }
0xd: {  	s12 =	rddreg [dreg:$0xc]  }
0xe: {  	s13 =	rddreg [dreg:$0xd]  }
0xf: {  	[smem:s0] =	sst s1  }
0x10: {  	[smem:s0+$0x1] =	sst s2  }
0x11: {  	[smem:s0+$0x2] =	sst s3  }
0x12: {  	[smem:s0+$0x3] =	sst s4  }
0x13: {  	[smem:s0+$0x4] =	sst s5  }
0x14: {  	[smem:s0+$0x5] =	sst s6  }
0x15: {  	[smem:s0+$0x6] =	sst s7  }
0x16: {  	[smem:s0+$0x7] =	sst s8  }
0x17: {  	[smem:s0+$0x8] =	sst s9  }
0x18: {  	[smem:s0+$0x9] =	sst s10  }
0x19: {  	[smem:s0+$0xA] =	sst s11  }
0x1a: {  	[smem:s0+$0xB] =	sst s12  }
0x1b: {  	[smem:s0+$0xC] =	sst s13;
	_ =	shalt  }
.Lfunc_end2:
execute0_lowered:
.L_overlay_start_2:
0x1c: {  	(tag) =	ssettag $0x2  }
0x1d: {  	s0 =	rddreg [dreg:$0x0]  }
0x1e: {  	s1 =	rddreg [dreg:$0x1]  }
0x1f: {  	s2 =	rddreg [dreg:$0x2]  }
0x20: {  	s3 =	rddreg [dreg:$0x3]  }
0x21: {  	s4 =	rddreg [dreg:$0x4]  }
0x22: {  	s5 =	rddreg [dreg:$0x5]  }
0x23: {  	s6 =	rddreg [dreg:$0x6]  }
0x24: {  	s7 =	rddreg [dreg:$0x7]  }
0x25: {  	s8 =	rddreg [dreg:$0x8]  }
0x26: {  	s14 =	rddreg [dreg:$0x9]  }
0x27: {  	s15 =	rddreg [dreg:$0xa]  }
0x28: {  	s16 =	rddreg [dreg:$0xb]  }
0x29: {  	s17 =	rddreg [dreg:$0xc]  }
0x2a: {  	s18 =	rddreg [dreg:$0xd]  }
0x2b: {  	[dreg:$0xe] =	wrdreg s8  }
0x2c: {  	[dreg:$0xf] =	wrdreg s14  }
0x2d: {  	[dreg:$0x10] =	wrdreg s15  }
0x2e: {  	[dreg:$0x11] =	wrdreg s16  }
0x2f: {  	[dreg:$0x12] =	wrdreg s17  }
0x30: {  	s10 =	simm.s32 $0x0;
	s11 =	srdreg.scid;
	[dreg:$0x13] =	wrdreg s18  }
0x31: {  	s12 =	stileid.u32;
	p0 =	por $0x0, $0x0;
	[smem:$0x7FF] =	sst s10  }
0x32: {  	s20 =	sand.u32 $0x1, s11;
	s21 =	sshll.u32 s12, $0x1;
	s19 =	sld [smem:$0x0]  }
0x33: {  	s11 =	simm.s32 $0x80;
	s18 =	simm.s32 $0x300;
	s9 =	sld [smem:$0x1]  }
0x34: {  	s16 =	simm.s32 $0x380;
	s22 =	sor.u32 s20, s21;
	s23 =	sld [smem:$0x2]  }
0x35: {  	s13 =	sld [smem:$0x3];
	s8 =	ssub.s32 $0x2, s20;
	s20 =	simm.s32 $0x280  }
0x36: {  	s24 =	sshll.u32 s22, $0x4;
	s26 =	sshrl.u32 s8, $0x1;
	[dreg:$0x14] =	wrdreg s19  }
0x37: {  	s12 =	sor.u32 $0x200, s24;
	s24 =	simm.s32 $0x180;
	[dreg:$0x15] =	wrdreg s9  }
0x38: {  	[dreg:$0x19] =	wrdreg s13;
	s9 =	sshll.u32 s22, $0xE;
	s0 =	sadd.s32 s0, s12  }
0x39: {  	s25 =	sadd.s32 s1, s12;
	s13 =	sadd.s32 s2, s12;
	s1 =	ssub.s32 s8, s26  }
0x3a: {  	s26 =	sadd.s32 s3, s12;
	s28 =	sadd.s32 s4, s12;
	s29 =	sadd.s32 s5, s12  }
0x3b: {  	s30 =	sadd.s32 s6, s12;
	s31 =	sadd.s32 s7, s12;
	s22 =	simm.s32 $0x200  }
0x3c: {  	s7 =	simm.s32 $0x400;
	s8 =	simm.s32 $0xC400;
	s12 =	simm.s32 $0x2  }
0x3d: {  	s5 =	simm.s32 $0x3;
	_ =	strace $0x8000004A;
	[dreg:$0x16] =	wrdreg s0  }
0x3e: {  	[dreg:$0x17] =	wrdreg s25;
	s14 =	sadd.s32 s9, s23;
	s15 =	smax.u32 s1, $0x1  }
0x3f: {  	[dreg:$0x18] =	wrdreg s13;
	s23 =	simm.s32 $0x100;
	p1 =	sne.s32 s15, $0x1  }
.Ltmp0:
0x40: {  	s25 =	simm.s32 $0x1;
	s13 =	simm.s32 $0x2000;
	(pc) =	sbr.rel @!p1 .LBB3_3-.Ltmp0, $4  }
0x41: {  	s21 =	sadd.s32 $0x81E00, s14;
	s19 =	sadd.s32 $0x81E80, s14;
	s17 =	sadd.s32 $0x81F00, s14  }
0x42: {  	s9 =	sadd.s32 $0x81F80, s14;
	s6 =	sadd.s32 $0x82000, s14;
	s4 =	sadd.s32 $0x82080, s14  }
0x43: {  	s3 =	sadd.s32 $0x82100, s14;
	s2 =	sadd.s32 $0x82180, s14;
	s0 =	sadd.s32 $0xFFFFFFFF, s15  }
0x44: {  	s15 =	simm.s32 $0x4400;
	s14 =	simm.s32 $0x8400;
	s1 =	rddreg [dreg:$0x16]  }
0x45: {  	[dreg:$0x1a] =	wrdreg s0  }
0x46: {  	[tilespmem:s10], [sflag:$0x1] =	stream.linear.gather [hbm4b:s1+s10], $0x80, $0x38;
	[tilespmem:$0x10400] =	vst v63  }
0x47: {  	s0 =	rddreg [dreg:$0x17]  }
0x48: {  	[tilespmem:s11], [sflag:$0x1] =	stream.linear.gather [hbm4b:s0+s10], $0x80, $0x38;
	[tilespmem:$0x10400] =	vst v63  }
0x49: {  	s1 =	rddreg [dreg:$0x18]  }
0x4a: {  	[tilespmem:s23], [sflag:$0x1] =	stream.linear.gather [hbm4b:s1+s10], $0x80, $0x38;
	[tilespmem:$0x10400] =	vst v63  }
0x4b: {  	_ = 	snop  }
0x4c: {  	[tilespmem:s24], [sflag:$0x1] =	stream.linear.gather [hbm4b:s26+s10], $0x80, $0x38;
	[tilespmem:$0x10400] =	vst v63  }
0x4d: {  	_ = 	snop  }
0x4e: {  	[tilespmem:s22], [sflag:$0x1] =	stream.linear.gather [hbm4b:s28+s10], $0x80, $0x38;
	[tilespmem:$0x10400] =	vst v63  }
0x4f: {  	_ = 	snop  }
0x50: {  	[tilespmem:s20], [sflag:$0x1] =	stream.linear.gather [hbm4b:s29+s10], $0x80, $0x38;
	[tilespmem:$0x10400] =	vst v63  }
0x51: {  	_ = 	snop  }
0x52: {  	[tilespmem:s18], [sflag:$0x1] =	stream.linear.gather [hbm4b:s30+s10], $0x80, $0x38;
	[tilespmem:$0x10400] =	vst v63  }
0x53: {  	_ = 	snop  }
0x54: {  	[tilespmem:s16], [sflag:$0x1] =	stream.linear.gather [hbm4b:s31+s10], $0x80, $0x38;
	[tilespmem:$0x10400] =	vst v63  }
0x55: {  	_ =	swait.ge [sflag:s25], $0x80  }
0x56: {  	[sflag:s25] =	ssyncset.done $0x0  }
0x57: {  	[sflag:s25] =	ssyncadd.s32 $0xFFFFFF80  }
0x58: {  	_ =	swait.ge [sflag:s25], $0x80  }
0x59: {  	[sflag:s25] =	ssyncset.done $0x0  }
0x5a: {  	[sflag:s25] =	ssyncadd.s32 $0xFFFFFF80  }
0x5b: {  	_ =	swait.ge [sflag:s25], $0x80  }
0x5c: {  	[sflag:s25] =	ssyncset.done $0x0  }
0x5d: {  	[sflag:s25] =	ssyncadd.s32 $0xFFFFFF80  }
0x5e: {  	_ =	swait.ge [sflag:s25], $0x80  }
0x5f: {  	[sflag:s25] =	ssyncset.done $0x0  }
0x60: {  	[sflag:s25] =	ssyncadd.s32 $0xFFFFFF80  }
0x61: {  	_ =	swait.ge [sflag:s25], $0x80  }
0x62: {  	[sflag:s25] =	ssyncset.done $0x0  }
0x63: {  	[sflag:s25] =	ssyncadd.s32 $0xFFFFFF80  }
0x64: {  	_ =	swait.ge [sflag:s25], $0x80  }
0x65: {  	[sflag:s25] =	ssyncset.done $0x0  }
0x66: {  	[sflag:s25] =	ssyncadd.s32 $0xFFFFFF80  }
0x67: {  	_ =	swait.ge [sflag:s25], $0x80  }
0x68: {  	[sflag:s25] =	ssyncset.done $0x0  }
0x69: {  	[sflag:s25] =	ssyncadd.s32 $0xFFFFFF80  }
0x6a: {  	_ =	swait.ge [sflag:s25], $0x80  }
0x6b: {  	[sflag:s25] =	ssyncset.done $0x0  }
0x6c: {  	s0 =	rddreg [dreg:$0xe];
	[sflag:s25] =	ssyncadd.s32 $0xFFFFFF80  }
0x6d: {  	[tilespmem:s7], [sflag:$0x2] =	stream.indirect.gather [hbm4b:s0+s11], $0x80, s10, s11, $0xb8;
	[tilespmem:$0x10400] =	vst v63  }
0x6e: {  	s1 =	rddreg [dreg:$0xf]  }
0x6f: {  	[tilespmem:s15], [sflag:$0x2] =	stream.indirect.gather [hbm4b:s1+s11], $0x80, s11, s11, $0xb8;
	[tilespmem:$0x10400] =	vst v63  }
0x70: {  	s0 =	rddreg [dreg:$0x10]  }
0x71: {  	[tilespmem:s14], [sflag:$0x2] =	stream.indirect.gather [hbm4b:s0+s11], $0x80, s23, s11, $0xb8;
	[tilespmem:$0x10400] =	vst v63  }
0x72: {  	s1 =	rddreg [dreg:$0x11]  }
0x73: {  	[tilespmem:s8], [sflag:$0x2] =	stream.indirect.gather [hbm4b:s1+s11], $0x80, s24, s11, $0xb8;
	[tilespmem:$0x10400] =	vst v63  }
0x74: {  	_ =	swait.ge [sflag:s12], $0x4000  }
0x75: {  	[sflag:s12] =	ssyncset.done $0x0  }
0x76: {  	[sflag:s12] =	ssyncadd.s32 $0xFFFFC000  }
0x77: {  	[hbm4b:s21+s7] =	stream.strided.scatter [tilespmem:s7], [sflag:$0x3], $0x4000, s13, s7, $0x38;
	[tilespmem:$0x10400] =	vst v63  }
0x78: {  	_ =	swait.ge [sflag:s5], $0x4000  }
0x79: {  	[sflag:s5] =	ssyncset.done $0x0  }
0x7a: {  	s1 =	rddreg [dreg:$0x12];
	[sflag:s5] =	ssyncadd.s32 $0xFFFFC000  }
0x7b: {  	[tilespmem:s7], [sflag:$0x2] =	stream.indirect.gather [hbm4b:s1+s11], $0x80, s22, s11, $0xb8;
	[tilespmem:$0x10400] =	vst v63  }
0x7c: {  	_ =	swait.ge [sflag:s12], $0x4000  }
0x7d: {  	[sflag:s12] =	ssyncset.done $0x0  }
0x7e: {  	[sflag:s12] =	ssyncadd.s32 $0xFFFFC000  }
0x7f: {  	[hbm4b:s19+s7] =	stream.strided.scatter [tilespmem:s15], [sflag:$0x3], $0x4000, s13, s7, $0x38;
	[tilespmem:$0x10400] =	vst v63  }
0x80: {  	_ =	swait.ge [sflag:s5], $0x4000  }
0x81: {  	[sflag:s5] =	ssyncset.done $0x0  }
0x82: {  	s1 =	rddreg [dreg:$0x13];
	[sflag:s5] =	ssyncadd.s32 $0xFFFFC000  }
0x83: {  	[tilespmem:s15], [sflag:$0x2] =	stream.indirect.gather [hbm4b:s1+s11], $0x80, s20, s11, $0xb8;
	[tilespmem:$0x10400] =	vst v63  }
0x84: {  	_ =	swait.ge [sflag:s12], $0x4000  }
0x85: {  	[sflag:s12] =	ssyncset.done $0x0  }
0x86: {  	[sflag:s12] =	ssyncadd.s32 $0xFFFFC000  }
0x87: {  	[hbm4b:s17+s7] =	stream.strided.scatter [tilespmem:s14], [sflag:$0x3], $0x4000, s13, s7, $0x38;
	[tilespmem:$0x10400] =	vst v63  }
0x88: {  	_ =	swait.ge [sflag:s5], $0x4000  }
0x89: {  	[sflag:s5] =	ssyncset.done $0x0  }
0x8a: {  	s1 =	rddreg [dreg:$0x14];
	[sflag:s5] =	ssyncadd.s32 $0xFFFFC000  }
0x8b: {  	[tilespmem:s14], [sflag:$0x2] =	stream.indirect.gather [hbm4b:s1+s11], $0x80, s18, s11, $0xb8;
	[tilespmem:$0x10400] =	vst v63  }
0x8c: {  	_ =	swait.ge [sflag:s12], $0x4000  }
0x8d: {  	[sflag:s12] =	ssyncset.done $0x0  }
0x8e: {  	[sflag:s12] =	ssyncadd.s32 $0xFFFFC000  }
0x8f: {  	[hbm4b:s9+s7] =	stream.strided.scatter [tilespmem:s8], [sflag:$0x3], $0x4000, s13, s7, $0x38;
	[tilespmem:$0x10400] =	vst v63  }
0x90: {  	_ =	swait.ge [sflag:s5], $0x4000  }
0x91: {  	[sflag:s5] =	ssyncset.done $0x0  }
0x92: {  	s1 =	rddreg [dreg:$0x15];
	[sflag:s5] =	ssyncadd.s32 $0xFFFFC000  }
0x93: {  	[tilespmem:s8], [sflag:$0x2] =	stream.indirect.gather [hbm4b:s1+s11], $0x80, s16, s11, $0xb8;
	[tilespmem:$0x10400] =	vst v63  }
0x94: {  	_ =	swait.ge [sflag:s12], $0x4000  }
0x95: {  	[sflag:s12] =	ssyncset.done $0x0  }
0x96: {  	[sflag:s12] =	ssyncadd.s32 $0xFFFFC000  }
0x97: {  	[hbm4b:s6+s7] =	stream.strided.scatter [tilespmem:s7], [sflag:$0x3], $0x4000, s13, s7, $0x38;
	[tilespmem:$0x10400] =	vst v63  }
0x98: {  	_ =	swait.ge [sflag:s12], $0x4000  }
0x99: {  	[sflag:s12] =	ssyncset.done $0x0  }
0x9a: {  	[sflag:s12] =	ssyncadd.s32 $0xFFFFC000  }
0x9b: {  	[hbm4b:s4+s7] =	stream.strided.scatter [tilespmem:s15], [sflag:$0x3], $0x4000, s13, s7, $0x38;
	[tilespmem:$0x10400] =	vst v63  }
0x9c: {  	_ =	swait.ge [sflag:s12], $0x4000  }
0x9d: {  	[sflag:s12] =	ssyncset.done $0x0  }
0x9e: {  	[sflag:s12] =	ssyncadd.s32 $0xFFFFC000  }
0x9f: {  	[hbm4b:s3+s7] =	stream.strided.scatter [tilespmem:s14], [sflag:$0x3], $0x4000, s13, s7, $0x38;
	[tilespmem:$0x10400] =	vst v63  }
0xa0: {  	_ =	swait.ge [sflag:s12], $0x4000  }
0xa1: {  	[sflag:s12] =	ssyncset.done $0x0  }
0xa2: {  	[sflag:s12] =	ssyncadd.s32 $0xFFFFC000  }
0xa3: {  	[hbm4b:s2+s7] =	stream.strided.scatter [tilespmem:s8], [sflag:$0x3], $0x4000, s13, s7, $0x38;
	[tilespmem:$0x10400] =	vst v63  }
0xa4: {  	_ =	swait.ge [sflag:s5], $0x4000  }
0xa5: {  	[sflag:s5] =	ssyncset.done $0x0  }
0xa6: {  	[sflag:s5] =	ssyncadd.s32 $0xFFFFC000  }
0xa7: {  	_ =	swait.ge [sflag:s5], $0x4000  }
0xa8: {  	[sflag:s5] =	ssyncset.done $0x0  }
0xa9: {  	[sflag:s5] =	ssyncadd.s32 $0xFFFFC000  }
0xaa: {  	_ =	swait.ge [sflag:s5], $0x4000  }
0xab: {  	s1 =	rddreg [dreg:$0x1a]  }
0xac: {  	p1 =	sne.s32 s1, $0x1  }
.Ltmp1:
0xad: {  	_ = 	snop;
	(pc) =	sbr.rel @!p1 .LBB3_3-.Ltmp1, $4  }
0xae: {  	[sflag:s5] =	ssyncset.done $0x0  }
0xaf: {  	[sflag:s5] =	ssyncadd.s32 $0xFFFFC000  }
0xb0: {  	p0 =	por $0x1, $0x1;
	_ =	swait.ge [sflag:s5], $0x4000  }
0xb1: {  	s0 =	sadd.s32 $0xFFFFFFFF, s1;
	s1 =	rddreg [dreg:$0x16];
	[sflag:s5] =	ssyncset.done $0x0  }
.LBB3_2:
0xb2: {  	[sflag:s5] =	ssyncadd.s32 $0xFFFFC000  }
0xb3: {  	s16 =	smov.u32 s9;
	s9 =	smov.u32 s6;
	s6 =	smov.u32 s4  }
0xb4: {  	[tilespmem:s10], [sflag:$0x1] =	stream.linear.gather [hbm4b:s1+s10], $0x80, $0x38;
	[tilespmem:$0x10400] =	vst v63  }
0xb5: {  	s4 =	smov.u32 s3;
	s3 =	smov.u32 s2;
	s2 =	rddreg [dreg:$0x17]  }
0xb6: {  	[tilespmem:s11], [sflag:$0x1] =	stream.linear.gather [hbm4b:s2+s10], $0x80, $0x38;
	[tilespmem:$0x10400] =	vst v63  }
0xb7: {  	s24 =	simm.s32 $0x100;
	s1 =	rddreg [dreg:$0x18]  }
0xb8: {  	[tilespmem:s24], [sflag:$0x1] =	stream.linear.gather [hbm4b:s1+s10], $0x80, $0x38;
	[tilespmem:$0x10400] =	vst v63  }
0xb9: {  	s24 =	simm.s32 $0x180  }
0xba: {  	[tilespmem:s24], [sflag:$0x1] =	stream.linear.gather [hbm4b:s26+s10], $0x80, $0x38;
	[tilespmem:$0x10400] =	vst v63  }
0xbb: {  	s23 =	simm.s32 $0x200  }
0xbc: {  	[tilespmem:s23], [sflag:$0x1] =	stream.linear.gather [hbm4b:s28+s10], $0x80, $0x38;
	[tilespmem:$0x10400] =	vst v63  }
0xbd: {  	s22 =	simm.s32 $0x280  }
0xbe: {  	[tilespmem:s22], [sflag:$0x1] =	stream.linear.gather [hbm4b:s29+s10], $0x80, $0x38;
	[tilespmem:$0x10400] =	vst v63  }
0xbf: {  	s20 =	simm.s32 $0x300  }
0xc0: {  	[tilespmem:s20], [sflag:$0x1] =	stream.linear.gather [hbm4b:s30+s10], $0x80, $0x38;
	[tilespmem:$0x10400] =	vst v63  }
0xc1: {  	s18 =	simm.s32 $0x380  }
0xc2: {  	[tilespmem:s18], [sflag:$0x1] =	stream.linear.gather [hbm4b:s31+s10], $0x80, $0x38;
	[tilespmem:$0x10400] =	vst v63  }
0xc3: {  	_ =	swait.ge [sflag:s25], $0x80  }
0xc4: {  	[sflag:s25] =	ssyncset.done $0x0  }
0xc5: {  	[sflag:s25] =	ssyncadd.s32 $0xFFFFFF80  }
0xc6: {  	_ =	swait.ge [sflag:s25], $0x80  }
0xc7: {  	[sflag:s25] =	ssyncset.done $0x0  }
0xc8: {  	[sflag:s25] =	ssyncadd.s32 $0xFFFFFF80  }
0xc9: {  	_ =	swait.ge [sflag:s25], $0x80  }
0xca: {  	[sflag:s25] =	ssyncset.done $0x0  }
0xcb: {  	[sflag:s25] =	ssyncadd.s32 $0xFFFFFF80  }
0xcc: {  	_ =	swait.ge [sflag:s25], $0x80  }
0xcd: {  	[sflag:s25] =	ssyncset.done $0x0  }
0xce: {  	[sflag:s25] =	ssyncadd.s32 $0xFFFFFF80  }
0xcf: {  	_ =	swait.ge [sflag:s25], $0x80  }
0xd0: {  	[sflag:s25] =	ssyncset.done $0x0  }
0xd1: {  	[sflag:s25] =	ssyncadd.s32 $0xFFFFFF80  }
0xd2: {  	_ =	swait.ge [sflag:s25], $0x80  }
0xd3: {  	[sflag:s25] =	ssyncset.done $0x0  }
0xd4: {  	[sflag:s25] =	ssyncadd.s32 $0xFFFFFF80  }
0xd5: {  	_ =	swait.ge [sflag:s25], $0x80  }
0xd6: {  	[sflag:s25] =	ssyncset.done $0x0  }
0xd7: {  	[sflag:s25] =	ssyncadd.s32 $0xFFFFFF80  }
0xd8: {  	_ =	swait.ge [sflag:s25], $0x80  }
0xd9: {  	[sflag:s25] =	ssyncset.done $0x0  }
0xda: {  	s1 =	rddreg [dreg:$0xe];
	[sflag:s25] =	ssyncadd.s32 $0xFFFFFF80  }
0xdb: {  	[tilespmem:s7], [sflag:$0x2] =	stream.indirect.gather [hbm4b:s1+s11], $0x80, s10, s11, $0xb8;
	[tilespmem:$0x10400] =	vst v63  }
0xdc: {  	s2 =	rddreg [dreg:$0xf]  }
0xdd: {  	[tilespmem:s15], [sflag:$0x2] =	stream.indirect.gather [hbm4b:s2+s11], $0x80, s11, s11, $0xb8;
	[tilespmem:$0x10400] =	vst v63  }
0xde: {  	s23 =	simm.s32 $0x100;
	s1 =	rddreg [dreg:$0x10]  }
0xdf: {  	[tilespmem:s14], [sflag:$0x2] =	stream.indirect.gather [hbm4b:s1+s11], $0x80, s23, s11, $0xb8;
	[tilespmem:$0x10400] =	vst v63  }
0xe0: {  	s2 =	rddreg [dreg:$0x11]  }
0xe1: {  	[tilespmem:s8], [sflag:$0x2] =	stream.indirect.gather [hbm4b:s2+s11], $0x80, s24, s11, $0xb8;
	[tilespmem:$0x10400] =	vst v63  }
0xe2: {  	_ =	swait.ge [sflag:s12], $0x4000  }
0xe3: {  	[sflag:s12] =	ssyncset.done $0x0  }
0xe4: {  	[sflag:s12] =	ssyncadd.s32 $0xFFFFC000  }
0xe5: {  	[hbm4b:s21+s7] =	stream.strided.scatter [tilespmem:s7], [sflag:$0x3], $0x4000, s13, s7, $0x38;
	[tilespmem:$0x10400] =	vst v63  }
0xe6: {  	_ =	swait.ge [sflag:s5], $0x4000  }
0xe7: {  	[sflag:s5] =	ssyncset.done $0x0  }
0xe8: {  	s22 =	simm.s32 $0x200;
	s1 =	rddreg [dreg:$0x12];
	[sflag:s5] =	ssyncadd.s32 $0xFFFFC000  }
0xe9: {  	[tilespmem:s7], [sflag:$0x2] =	stream.indirect.gather [hbm4b:s1+s11], $0x80, s22, s11, $0xb8;
	[tilespmem:$0x10400] =	vst v63  }
0xea: {  	_ =	swait.ge [sflag:s12], $0x4000  }
0xeb: {  	[sflag:s12] =	ssyncset.done $0x0  }
0xec: {  	[sflag:s12] =	ssyncadd.s32 $0xFFFFC000  }
0xed: {  	[hbm4b:s19+s7] =	stream.strided.scatter [tilespmem:s15], [sflag:$0x3], $0x4000, s13, s7, $0x38;
	[tilespmem:$0x10400] =	vst v63  }
0xee: {  	_ =	swait.ge [sflag:s5], $0x4000  }
0xef: {  	[sflag:s5] =	ssyncset.done $0x0  }
0xf0: {  	s20 =	simm.s32 $0x280;
	s1 =	rddreg [dreg:$0x13];
	[sflag:s5] =	ssyncadd.s32 $0xFFFFC000  }
0xf1: {  	[tilespmem:s15], [sflag:$0x2] =	stream.indirect.gather [hbm4b:s1+s11], $0x80, s20, s11, $0xb8;
	[tilespmem:$0x10400] =	vst v63  }
0xf2: {  	_ =	swait.ge [sflag:s12], $0x4000  }
0xf3: {  	[sflag:s12] =	ssyncset.done $0x0  }
0xf4: {  	[sflag:s12] =	ssyncadd.s32 $0xFFFFC000  }
0xf5: {  	[hbm4b:s17+s7] =	stream.strided.scatter [tilespmem:s14], [sflag:$0x3], $0x4000, s13, s7, $0x38;
	[tilespmem:$0x10400] =	vst v63  }
0xf6: {  	_ =	swait.ge [sflag:s5], $0x4000  }
0xf7: {  	[sflag:s5] =	ssyncset.done $0x0  }
0xf8: {  	s18 =	simm.s32 $0x300;
	s1 =	rddreg [dreg:$0x14];
	[sflag:s5] =	ssyncadd.s32 $0xFFFFC000  }
0xf9: {  	[tilespmem:s14], [sflag:$0x2] =	stream.indirect.gather [hbm4b:s1+s11], $0x80, s18, s11, $0xb8;
	[tilespmem:$0x10400] =	vst v63  }
0xfa: {  	s2 =	smov.u32 s3;
	_ =	swait.ge [sflag:s12], $0x4000  }
0xfb: {  	s3 =	smov.u32 s4;
	s4 =	smov.u32 s6;
	[sflag:s12] =	ssyncset.done $0x0  }
0xfc: {  	s6 =	smov.u32 s9;
	s9 =	smov.u32 s16;
	[sflag:s12] =	ssyncadd.s32 $0xFFFFC000  }
0xfd: {  	[hbm4b:s9+s7] =	stream.strided.scatter [tilespmem:s8], [sflag:$0x3], $0x4000, s13, s7, $0x38;
	[tilespmem:$0x10400] =	vst v63  }
0xfe: {  	_ =	swait.ge [sflag:s5], $0x4000  }
0xff: {  	[sflag:s5] =	ssyncset.done $0x0  }
0x100: {  	s16 =	simm.s32 $0x380;
	s1 =	rddreg [dreg:$0x15];
	[sflag:s5] =	ssyncadd.s32 $0xFFFFC000  }
0x101: {  	[tilespmem:s8], [sflag:$0x2] =	stream.indirect.gather [hbm4b:s1+s11], $0x80, s16, s11, $0xb8;
	[tilespmem:$0x10400] =	vst v63  }
0x102: {  	_ =	swait.ge [sflag:s12], $0x4000  }
0x103: {  	[sflag:s12] =	ssyncset.done $0x0  }
0x104: {  	[sflag:s12] =	ssyncadd.s32 $0xFFFFC000  }
0x105: {  	[hbm4b:s6+s7] =	stream.strided.scatter [tilespmem:s7], [sflag:$0x3], $0x4000, s13, s7, $0x38;
	[tilespmem:$0x10400] =	vst v63  }
0x106: {  	_ =	swait.ge [sflag:s12], $0x4000  }
0x107: {  	[sflag:s12] =	ssyncset.done $0x0  }
0x108: {  	[sflag:s12] =	ssyncadd.s32 $0xFFFFC000  }
0x109: {  	[hbm4b:s4+s7] =	stream.strided.scatter [tilespmem:s15], [sflag:$0x3], $0x4000, s13, s7, $0x38;
	[tilespmem:$0x10400] =	vst v63  }
0x10a: {  	_ =	swait.ge [sflag:s12], $0x4000  }
0x10b: {  	[sflag:s12] =	ssyncset.done $0x0  }
0x10c: {  	[sflag:s12] =	ssyncadd.s32 $0xFFFFC000  }
0x10d: {  	[hbm4b:s3+s7] =	stream.strided.scatter [tilespmem:s14], [sflag:$0x3], $0x4000, s13, s7, $0x38;
	[tilespmem:$0x10400] =	vst v63  }
0x10e: {  	_ =	swait.ge [sflag:s12], $0x4000  }
0x10f: {  	[sflag:s12] =	ssyncset.done $0x0  }
0x110: {  	[sflag:s12] =	ssyncadd.s32 $0xFFFFC000  }
0x111: {  	[hbm4b:s2+s7] =	stream.strided.scatter [tilespmem:s8], [sflag:$0x3], $0x4000, s13, s7, $0x38;
	[tilespmem:$0x10400] =	vst v63  }
0x112: {  	_ =	swait.ge [sflag:s5], $0x4000  }
0x113: {  	[sflag:s5] =	ssyncset.done $0x0  }
0x114: {  	[sflag:s5] =	ssyncadd.s32 $0xFFFFC000  }
0x115: {  	_ =	swait.ge [sflag:s5], $0x4000  }
0x116: {  	[sflag:s5] =	ssyncset.done $0x0  }
0x117: {  	p1 =	sne.s32 s0, $0x1;
	[sflag:s5] =	ssyncadd.s32 $0xFFFFC000  }
.Ltmp2:
0x118: {  	_ =	swait.ge [sflag:s5], $0x4000;
	(pc) =	sbr.rel @p1 .LBB3_2-.Ltmp2, $4  }
0x119: {  	[sflag:s5] =	ssyncset.done $0x0  }
0x11a: {  	[sflag:s5] =	ssyncadd.s32 $0xFFFFC000  }
0x11b: {  	_ =	swait.ge [sflag:s5], $0x4000  }
0x11c: {  	s0 =	sadd.s32 $0xFFFFFFFF, s0;
	s1 =	rddreg [dreg:$0x16];
	[sflag:s5] =	ssyncset.done $0x0  }
.LBB3_3:
0x11d: {  	[sflag:s5] =	ssyncadd.s32 @p0 $0xFFFFC000  }
0x11e: {  	[tilespmem:s10], [sflag:$0x1] =	stream.linear.gather [hbm4b:s1+s10], $0x80, $0x38;
	[tilespmem:$0x10400] =	vst v63  }
0x11f: {  	s0 =	rddreg [dreg:$0x17]  }
0x120: {  	[tilespmem:s11], [sflag:$0x1] =	stream.linear.gather [hbm4b:s0+s10], $0x80, $0x38;
	[tilespmem:$0x10400] =	vst v63  }
0x121: {  	s1 =	rddreg [dreg:$0x18]  }
0x122: {  	[tilespmem:s23], [sflag:$0x1] =	stream.linear.gather [hbm4b:s1+s10], $0x80, $0x38;
	[tilespmem:$0x10400] =	vst v63  }
0x123: {  	_ = 	snop  }
0x124: {  	[tilespmem:s24], [sflag:$0x1] =	stream.linear.gather [hbm4b:s26+s10], $0x80, $0x38;
	[tilespmem:$0x10400] =	vst v63  }
0x125: {  	_ = 	snop  }
0x126: {  	[tilespmem:s22], [sflag:$0x1] =	stream.linear.gather [hbm4b:s28+s10], $0x80, $0x38;
	[tilespmem:$0x10400] =	vst v63  }
0x127: {  	_ = 	snop  }
0x128: {  	[tilespmem:s20], [sflag:$0x1] =	stream.linear.gather [hbm4b:s29+s10], $0x80, $0x38;
	[tilespmem:$0x10400] =	vst v63  }
0x129: {  	_ = 	snop  }
0x12a: {  	[tilespmem:s18], [sflag:$0x1] =	stream.linear.gather [hbm4b:s30+s10], $0x80, $0x38;
	[tilespmem:$0x10400] =	vst v63  }
0x12b: {  	_ = 	snop  }
0x12c: {  	[tilespmem:s16], [sflag:$0x1] =	stream.linear.gather [hbm4b:s31+s10], $0x80, $0x38;
	[tilespmem:$0x10400] =	vst v63  }
0x12d: {  	_ =	swait.ge [sflag:s25], $0x80  }
0x12e: {  	[sflag:s25] =	ssyncset.done $0x0  }
0x12f: {  	[sflag:s25] =	ssyncadd.s32 $0xFFFFFF80  }
0x130: {  	_ =	swait.ge [sflag:s25], $0x80  }
0x131: {  	[sflag:s25] =	ssyncset.done $0x0  }
0x132: {  	[sflag:s25] =	ssyncadd.s32 $0xFFFFFF80  }
0x133: {  	_ =	swait.ge [sflag:s25], $0x80  }
0x134: {  	[sflag:s25] =	ssyncset.done $0x0  }
0x135: {  	[sflag:s25] =	ssyncadd.s32 $0xFFFFFF80  }
0x136: {  	_ =	swait.ge [sflag:s25], $0x80  }
0x137: {  	[sflag:s25] =	ssyncset.done $0x0  }
0x138: {  	[sflag:s25] =	ssyncadd.s32 $0xFFFFFF80  }
0x139: {  	_ =	swait.ge [sflag:s25], $0x80  }
0x13a: {  	[sflag:s25] =	ssyncset.done $0x0  }
0x13b: {  	[sflag:s25] =	ssyncadd.s32 $0xFFFFFF80  }
0x13c: {  	_ =	swait.ge [sflag:s25], $0x80  }
0x13d: {  	[sflag:s25] =	ssyncset.done $0x0  }
0x13e: {  	[sflag:s25] =	ssyncadd.s32 $0xFFFFFF80  }
0x13f: {  	_ =	swait.ge [sflag:s25], $0x80  }
0x140: {  	[sflag:s25] =	ssyncset.done $0x0  }
0x141: {  	[sflag:s25] =	ssyncadd.s32 $0xFFFFFF80  }
0x142: {  	_ =	swait.ge [sflag:s25], $0x80  }
0x143: {  	[sflag:s25] =	ssyncset.done $0x0  }
0x144: {  	s30 =	rddreg [dreg:$0xe];
	[sflag:s25] =	ssyncadd.s32 $0xFFFFFF80  }
0x145: {  	[tilespmem:s7], [sflag:$0x2] =	stream.indirect.gather [hbm4b:s30+s11], $0x80, s10, s11, $0xb8;
	[tilespmem:$0x10400] =	vst v63  }
0x146: {  	s31 =	rddreg [dreg:$0xf]  }
0x147: {  	[tilespmem:s15], [sflag:$0x2] =	stream.indirect.gather [hbm4b:s31+s11], $0x80, s11, s11, $0xb8;
	[tilespmem:$0x10400] =	vst v63  }
0x148: {  	s10 =	rddreg [dreg:$0x10]  }
0x149: {  	[tilespmem:s14], [sflag:$0x2] =	stream.indirect.gather [hbm4b:s10+s11], $0x80, s23, s11, $0xb8;
	[tilespmem:$0x10400] =	vst v63  }
0x14a: {  	s25 =	rddreg [dreg:$0x11]  }
0x14b: {  	[tilespmem:s8], [sflag:$0x2] =	stream.indirect.gather [hbm4b:s25+s11], $0x80, s24, s11, $0xb8;
	[tilespmem:$0x10400] =	vst v63  }
0x14c: {  	_ =	swait.ge [sflag:s12], $0x4000  }
0x14d: {  	[sflag:s12] =	ssyncset.done $0x0  }
0x14e: {  	[sflag:s12] =	ssyncadd.s32 $0xFFFFC000  }
0x14f: {  	[hbm4b:s21+s7] =	stream.strided.scatter [tilespmem:s7], [sflag:$0x3], $0x4000, s13, s7, $0x38;
	[tilespmem:$0x10400] =	vst v63  }
0x150: {  	_ =	swait.ge [sflag:s5], $0x4000  }
0x151: {  	[sflag:s5] =	ssyncset.done $0x0  }
0x152: {  	s26 =	rddreg [dreg:$0x12];
	[sflag:s5] =	ssyncadd.s32 $0xFFFFC000  }
0x153: {  	[tilespmem:s7], [sflag:$0x2] =	stream.indirect.gather [hbm4b:s26+s11], $0x80, s22, s11, $0xb8;
	[tilespmem:$0x10400] =	vst v63  }
0x154: {  	_ =	swait.ge [sflag:s12], $0x4000  }
0x155: {  	[sflag:s12] =	ssyncset.done $0x0  }
0x156: {  	[sflag:s12] =	ssyncadd.s32 $0xFFFFC000  }
0x157: {  	[hbm4b:s19+s7] =	stream.strided.scatter [tilespmem:s15], [sflag:$0x3], $0x4000, s13, s7, $0x38;
	[tilespmem:$0x10400] =	vst v63  }
0x158: {  	_ =	swait.ge [sflag:s5], $0x4000  }
0x159: {  	[sflag:s5] =	ssyncset.done $0x0  }
0x15a: {  	s28 =	rddreg [dreg:$0x13];
	[sflag:s5] =	ssyncadd.s32 $0xFFFFC000  }
0x15b: {  	[tilespmem:s15], [sflag:$0x2] =	stream.indirect.gather [hbm4b:s28+s11], $0x80, s20, s11, $0xb8;
	[tilespmem:$0x10400] =	vst v63  }
0x15c: {  	_ =	swait.ge [sflag:s12], $0x4000  }
0x15d: {  	[sflag:s12] =	ssyncset.done $0x0  }
0x15e: {  	[sflag:s12] =	ssyncadd.s32 $0xFFFFC000  }
0x15f: {  	[hbm4b:s17+s7] =	stream.strided.scatter [tilespmem:s14], [sflag:$0x3], $0x4000, s13, s7, $0x38;
	[tilespmem:$0x10400] =	vst v63  }
0x160: {  	_ =	swait.ge [sflag:s5], $0x4000  }
0x161: {  	[sflag:s5] =	ssyncset.done $0x0  }
0x162: {  	s29 =	rddreg [dreg:$0x14];
	[sflag:s5] =	ssyncadd.s32 $0xFFFFC000  }
0x163: {  	[tilespmem:s14], [sflag:$0x2] =	stream.indirect.gather [hbm4b:s29+s11], $0x80, s18, s11, $0xb8;
	[tilespmem:$0x10400] =	vst v63  }
0x164: {  	_ =	swait.ge [sflag:s12], $0x4000  }
0x165: {  	[sflag:s12] =	ssyncset.done $0x0  }
0x166: {  	[sflag:s12] =	ssyncadd.s32 $0xFFFFC000  }
0x167: {  	[hbm4b:s9+s7] =	stream.strided.scatter [tilespmem:s8], [sflag:$0x3], $0x4000, s13, s7, $0x38;
	[tilespmem:$0x10400] =	vst v63  }
0x168: {  	_ =	swait.ge [sflag:s5], $0x4000  }
0x169: {  	[sflag:s5] =	ssyncset.done $0x0  }
0x16a: {  	s30 =	rddreg [dreg:$0x15];
	[sflag:s5] =	ssyncadd.s32 $0xFFFFC000  }
0x16b: {  	[tilespmem:s8], [sflag:$0x2] =	stream.indirect.gather [hbm4b:s30+s11], $0x80, s16, s11, $0xb8;
	[tilespmem:$0x10400] =	vst v63  }
0x16c: {  	_ =	swait.ge [sflag:s12], $0x4000  }
0x16d: {  	[sflag:s12] =	ssyncset.done $0x0  }
0x16e: {  	[sflag:s12] =	ssyncadd.s32 $0xFFFFC000  }
0x16f: {  	[hbm4b:s6+s7] =	stream.strided.scatter [tilespmem:s7], [sflag:$0x3], $0x4000, s13, s7, $0x38;
	[tilespmem:$0x10400] =	vst v63  }
0x170: {  	_ =	swait.ge [sflag:s12], $0x4000  }
0x171: {  	[sflag:s12] =	ssyncset.done $0x0  }
0x172: {  	[sflag:s12] =	ssyncadd.s32 $0xFFFFC000  }
0x173: {  	[hbm4b:s4+s7] =	stream.strided.scatter [tilespmem:s15], [sflag:$0x3], $0x4000, s13, s7, $0x38;
	[tilespmem:$0x10400] =	vst v63  }
0x174: {  	_ =	swait.ge [sflag:s12], $0x4000  }
0x175: {  	[sflag:s12] =	ssyncset.done $0x0  }
0x176: {  	[sflag:s12] =	ssyncadd.s32 $0xFFFFC000  }
0x177: {  	[hbm4b:s3+s7] =	stream.strided.scatter [tilespmem:s14], [sflag:$0x3], $0x4000, s13, s7, $0x38;
	[tilespmem:$0x10400] =	vst v63  }
0x178: {  	_ =	swait.ge [sflag:s12], $0x4000  }
0x179: {  	[sflag:s12] =	ssyncset.done $0x0  }
0x17a: {  	[sflag:s12] =	ssyncadd.s32 $0xFFFFC000  }
0x17b: {  	[hbm4b:s2+s7] =	stream.strided.scatter [tilespmem:s8], [sflag:$0x3], $0x4000, s13, s7, $0x38;
	[tilespmem:$0x10400] =	vst v63  }
0x17c: {  	_ =	swait.ge [sflag:s5], $0x4000  }
0x17d: {  	[sflag:s5] =	ssyncset.done $0x0  }
0x17e: {  	[sflag:s5] =	ssyncadd.s32 $0xFFFFC000  }
0x17f: {  	_ =	swait.ge [sflag:s5], $0x4000  }
0x180: {  	[sflag:s5] =	ssyncset.done $0x0  }
0x181: {  	[sflag:s5] =	ssyncadd.s32 $0xFFFFC000  }
0x182: {  	_ =	swait.ge [sflag:s5], $0x4000  }
0x183: {  	[sflag:s5] =	ssyncset.done $0x0  }
0x184: {  	[sflag:s5] =	ssyncadd.s32 $0xFFFFC000  }
0x185: {  	_ =	swait.ge [sflag:s5], $0x4000  }
0x186: {  	[sflag:s5] =	ssyncset.done $0x0  }
0x187: {  	[sflag:s5] =	ssyncadd.s32 $0xFFFFC000  }
0x188: {  	_ =	sfence.sel $0x180000  }
0x189: {  	[bflag:$0x0] =	sbarrier.arrive $0xFFFF  }
0x18a: {  	_ =	strace $0x9000004A  }
0x18b: {  	s31 =	stileid.u32;
	[bflag:$0x2] =	sbarrier.arrive $0xFFFF  }
0x18c: {  	p0 =	sne.s32 s31, $0x0;
	s0 =	rddreg [dreg:$0x19]  }
0x18d: {  	s0 =	sadd.s32 @!p0 $0x100000, s0  }
0x18e: {  	[sflag:s0] =	ssyncadd.tile.s32 @!p0 $0x1;
	_ =	shalt  }
.Lfunc_end3:
_tile_overlayer_lowered:
.L_overlay_start_3:
0x18f: {  	(tag) =	ssettag $0x3  }
0x190: {  	s0 =	rddreg [dreg:$0x0];
	s2 =	stileid.u32  }
0x191: {  	s1 =	rddreg [dreg:$0x1];
	p0 =	sne.s32 s2, $0x0  }
0x192: {  	s3 =	rddreg [dreg:$0x2];
	[bflag:$0x3] =	sbarrier.arrive $0xFFFF;
	s2 =	simm.s32 @!p0 $0x1C04  }
0x193: {  	[timem:s3], [sflag:s2] =	dma.local @!p0 [hbm:s0], s1  }
0x194: {  	s0 =	simm.s32 @!p0 $0x4  }
0x195: {  	_ =	swait.ge @!p0 [sflag:s0], s1  }
0x196: {  	s1 =	ssub.s32 @!p0 $0x0, s1;
	[sflag:s0] =	ssyncset.done @!p0 $0x0  }
0x197: {  	[sflag:s0] =	ssyncadd.s32 @!p0 s1  }
0x198: {  	[bflag:$0x3] =	sbarrier.arrive $0xFFFF  }
0x199: {  	_ =	shalt  }

// kernel: kernel.16.cloned.1.call-start
scs
__scs_entry_jumppad:
0x0: {  	(pc) =	sbr.rel $0x88, $3  }
0x1: {  	(tag) =	ssettag $0x0;
	lr =	simm.s32 $0x1  }
0x2: {  	[smem:$0x3F8C] =	sst lr;
	_ =	strace $0xD0000000  }
0x3: {  	_ = 	snop  }
0x4: {  	_ = 	snop  }
0x5: {  	_ = 	snop  }
0x6: {  	_ = 	snop  }
0x7: {  	_ = 	snop  }
__scs_overlays_trampoline_lowered:
0x8: {  	[smem:$0x3F9B] =	sst s0  }
0x9: {  	[smem:$0x3F9C] =	sst s1  }
0xa: {  	[smem:$0x3F9D] =	sst s2  }
0xb: {  	[smem:$0x3F9E] =	sst s3  }
0xc: {  	[smem:$0x3F9F] =	sst s4  }
0xd: {  	[smem:$0x3FA0] =	sst s5  }
0xe: {  	[smem:$0x3FA1] =	sst s6  }
0xf: {  	[smem:$0x3FA2] =	sst s7  }
0x10: {  	[smem:$0x3FA3] =	sst s8  }
0x11: {  	[smem:$0x3FA4] =	sst s9;
	s0 =	simm.s32 @!p0 $0x0  }
0x12: {  	s1 =	sld [smem:$0x3F8A];
	s0 =	simm.s32 @p0 $0x1  }
0x13: {  	[smem:$0x3FA5] =	sst s0;
	s0 =	simm.s32 @!p1 $0x0  }
0x14: {  	s2 =	sld [smem:$0x3F89];
	s0 =	simm.s32 @p1 $0x1  }
0x15: {  	[smem:$0x3FA6] =	sst s0;
	s0 =	simm.s32 @!p2 $0x0  }
0x16: {  	s3 =	sld [smem:$0x3FDB];
	s0 =	simm.s32 @p2 $0x1  }
0x17: {  	s4 =	simm.s32 $0x1BF5;
	[smem:$0x3FA8] =	sst s0  }
0x18: {  	s0 =	sld [smem:$0x3F8B];
	_ =	swait.ge [sflag:s4], $0x0  }
0x19: {  	s7 =	sld [smem:$0x3F8C]  }
0x1a: {  	s8 =	sadd.s32 $0xFFFFE003, lr  }
0x1b: {  	s9 =	sadd.s32 $0xFFFFFEF7, lr;
	s5 =	simm.s32 $0xFFFFFFFF;
	p2 =	slt.u32 s8, $0xFFFFF086  }
0x1c: {  	p1 =	slt.u32 s9, $0xF7A;
	s5 =	simm.s32 @!p2 $0x0  }
0x1d: {  	s5 =	simm.s32 @p1 $0x1;
	p0 =	seq.s32 s7, s2  }
0x1e: {  	s7 =	smul.u32 @!p0 $0xF7A, s2;
	p2 =	seq.s32 @!p0 s5, $0x0  }
0x1f: {  	s9 =	smul.u32 $0xF7A, s1;
	s8 =	simm.s32 @!p0 $0x1BF5;
	p2 =	por !p2, p0  }
0x20: {  	[sflag:s8] =	ssyncset.s32 @!p0 $0xFFFFF086;
	s6 =	sadd.s32 @!p0 s3, s7;
	s7 =	simm.s32 @!p0 $0x108  }
0x21: {  	s3 =	sadd.s32 s3, s9;
	s6 =	sadd.s32 @!p0 $0x88, s6;
	s7 =	simm.s32 @p2 $0x1082  }
0x22: {  	[simem:s7], [sflag:s8] =	dma.local @!p0 [hbm:s6], $0xF7A  }
0x23: {  	s9 =	sor.u32 $0xD0000000, s2;
	s6 =	simm.s32 $0x108;
	_ =	swait.ge @!p0 [sflag:s8], $0x0  }
0x24: {  	s3 =	sadd.s32 $0x88, s3;
	s6 =	simm.s32 @!p1 $0x1082;
	[sflag:s4] =	ssyncset.s32 $0xFFFFF086  }
0x25: {  	[simem:s6], [sflag:s4] =	dma.local [hbm:s3], $0xF7A  }
0x26: {  	[smem:$0x3F8C] =	sst s1;
	(tag) =	ssettag s2;
	_ =	strace s9  }
0x27: {  	s1 =	sld [smem:$0x3F9C]  }
0x28: {  	s2 =	sld [smem:$0x3F9D]  }
0x29: {  	s4 =	sld [smem:$0x3F9F]  }
0x2a: {  	p0 =	seq.s32 s5, $0x0;
	s5 =	sld [smem:$0x3FA0]  }
0x2b: {  	s6 =	sld [smem:$0x3FA1]  }
0x2c: {  	s7 =	sld [smem:$0x3FA2]  }
0x2d: {  	s3 =	simm.s32 $0x108;
	s8 =	sld [smem:$0x3FA3]  }
0x2e: {  	s3 =	simm.s32 @!p0 $0x1082;
	s9 =	sld [smem:$0x3FA4]  }
0x2f: {  	lr =	sadd.s32 s0, s3;
	s0 =	sld [smem:$0x3F9B]  }
0x30: {  	s3 =	sld [smem:$0x3F9E]  }
0x31: {  	[smem:$0x3FA7] =	sst s10  }
0x32: {  	s10 =	sld [smem:$0x3FA5];
	_ =	sdelay $0x3  }
0x33: {  	p0 =	seq.s32 s10, $0x1;
	s10 =	sld [smem:$0x3FA7];
	_ =	sdelay $0x3  }
0x34: {  	[smem:$0x3FA7] =	sst s10  }
0x35: {  	s10 =	sld [smem:$0x3FA6];
	_ =	sdelay $0x3  }
0x36: {  	p1 =	seq.s32 s10, $0x1;
	s10 =	sld [smem:$0x3FA7];
	_ =	sdelay $0x3  }
0x37: {  	[smem:$0x3FA7] =	sst s10  }
0x38: {  	s10 =	sld [smem:$0x3FA8]  }
0x39: {  	_ = 	snop;
	(pc) =	sbr.ind lr, $3  }
0x3a: {  	_ = 	snop  }
0x3b: {  	_ = 	snop  }
0x3c: {  	p2 =	seq.s32 s10, $0x1;
	s10 =	sld [smem:$0x3FA7]  }
0x3d: {  	_ =	shalt  }
0x3e: {  	_ =	shalt  }
0x3f: {  	_ =	shalt  }
0x40: {  	_ =	shalt  }
0x41: {  	_ =	shalt  }
0x42: {  	_ =	shalt  }
0x43: {  	_ =	shalt  }
0x44: {  	_ =	shalt  }
0x45: {  	_ =	shalt  }
0x46: {  	_ =	shalt  }
0x47: {  	_ =	shalt  }
0x48: {  	_ =	shalt  }
0x49: {  	_ =	shalt  }
0x4a: {  	_ =	shalt  }
0x4b: {  	_ =	shalt  }
0x4c: {  	_ =	shalt  }
0x4d: {  	_ =	shalt  }
0x4e: {  	_ =	shalt  }
0x4f: {  	_ =	shalt  }
0x50: {  	_ =	shalt  }
0x51: {  	_ =	shalt  }
0x52: {  	_ =	shalt  }
0x53: {  	_ =	shalt  }
0x54: {  	_ =	shalt  }
0x55: {  	_ =	shalt  }
0x56: {  	_ =	shalt  }
0x57: {  	_ =	shalt  }
0x58: {  	_ =	shalt  }
0x59: {  	_ =	shalt  }
0x5a: {  	_ =	shalt  }
0x5b: {  	_ =	shalt  }
0x5c: {  	_ =	shalt  }
0x5d: {  	_ =	shalt  }
0x5e: {  	_ =	shalt  }
0x5f: {  	_ =	shalt  }
0x60: {  	_ =	shalt  }
0x61: {  	_ =	shalt  }
0x62: {  	_ =	shalt  }
0x63: {  	_ =	shalt  }
0x64: {  	_ =	shalt  }
0x65: {  	_ =	shalt  }
0x66: {  	_ =	shalt  }
0x67: {  	_ =	shalt  }
0x68: {  	_ =	shalt  }
0x69: {  	_ =	shalt  }
0x6a: {  	_ =	shalt  }
0x6b: {  	_ =	shalt  }
0x6c: {  	_ =	shalt  }
0x6d: {  	_ =	shalt  }
0x6e: {  	_ =	shalt  }
0x6f: {  	_ =	shalt  }
0x70: {  	_ =	shalt  }
0x71: {  	_ =	shalt  }
0x72: {  	_ =	shalt  }
0x73: {  	_ =	shalt  }
0x74: {  	_ =	shalt  }
0x75: {  	_ =	shalt  }
0x76: {  	_ =	shalt  }
0x77: {  	_ =	shalt  }
0x78: {  	_ =	shalt  }
0x79: {  	_ =	shalt  }
0x7a: {  	_ =	shalt  }
0x7b: {  	_ =	shalt  }
0x7c: {  	_ =	shalt  }
0x7d: {  	_ =	shalt  }
0x7e: {  	_ =	shalt  }
0x7f: {  	_ =	shalt  }
0x80: {  	_ =	shalt  }
0x81: {  	_ =	shalt  }
0x82: {  	_ =	shalt  }
0x83: {  	_ =	shalt  }
0x84: {  	_ =	shalt  }
0x85: {  	_ =	shalt  }
0x86: {  	_ =	shalt  }
0x87: {  	_ =	shalt  }
.Lfunc_end0:
.L_simem_size_0:
called_computation.2_lowered:
.L_overlay_start_0:
0x88: {  	s2 =	sld [smem:$0x3FD9]  }
0x89: {  	s3 =	sld [smem:$0x3FFE];
	_ =	sdelay $0x1  }
0x8a: {  	s1 =	srdreg.scid  }
0x8b: {  	s0 =	sand.u32 $0x1, s1  }
0x8c: {  	s23 =	sshll.u32 s0, $0xA;
	s2 =	sadd.s32 s3, s2  }
0x8d: {  	s2 =	sadd.s32 s2, s23  }
0x8e: {  	[smem:$0x3FB3] =	sst s2  }
0x8f: {  	_ = 	snop  }
0x90: {  	s2 =	sld [smem:$0x3FC9]  }
0x91: {  	s3 =	sld [smem:$0x3FC8]  }
0x92: {  	s4 =	sld [smem:$0x3FC7]  }
0x93: {  	s5 =	sld [smem:$0x3FC6]  }
0x94: {  	s6 =	sld [smem:$0x3FC5]  }
0x95: {  	s7 =	sld [smem:$0x3FC4]  }
0x96: {  	s8 =	sld [smem:$0x3FC3]  }
0x97: {  	s9 =	sld [smem:$0x3FC2]  }
0x98: {  	s10 =	sld [smem:$0x3FC0]  }
0x99: {  	s11 =	sld [smem:$0x3FBF]  }
0x9a: {  	s12 =	sld [smem:$0x3FBE]  }
0x9b: {  	s13 =	sld [smem:$0x3FBD]  }
0x9c: {  	s14 =	sld [smem:$0x3FBC]  }
0x9d: {  	s15 =	sld [smem:$0x3FBB]  }
0x9e: {  	s17 =	sld [smem:$0x3FBA]  }
0x9f: {  	s18 =	sld [smem:$0x3FB9];
	(tm) =	ssettm $0x1  }
0xa0: {  	s16 =	sld [smem:$0x3FFB];
	_ =	sdelay $0x3  }
0xa1: {  	_ =	strace s16  }
0xa2: {  	s16 =	sld [smem:$0x3FFC];
	_ =	sdelay $0x3  }
0xa3: {  	_ =	strace s16  }
0xa4: {  	s16 =	sld [smem:$0x3FFD];
	_ =	sdelay $0x3  }
0xa5: {  	_ =	strace s16  }
0xa6: {  	_ =	strace $0x8FFFFFFF  }
0xa7: {  	s24 =	sld [smem:$0x3FDB];
	_ =	sdelay $0x1  }
0xa8: {  	s19 =	simm.s32 $_scs_section_size  }
0xa9: {  	s20 =	simm.s32 $_size__tile_task_arg_handler_lowered;
	s21 =	simm.s32 $_tile_task_arg_handler_lowered  }
0xaa: {  	s28 =	simm.s32 $0x1BFF;
	s26 =	sshll.u32 s21, $0x1;
	s19 =	sadd.s32 s19, s24  }
0xab: {  	s22 =	simm.s32 $0x60;
	s25 =	sshll.u32 s20, $0x1;
	s20 =	sadd.s32 s26, s19  }
0xac: {  	[timem:s22], [sflag:s28] =	dma.local [hbm:s20], s25  }
0xad: {  	_ =	swait.ge [sflag:s28], s25  }
0xae: {  	s29 =	simm.s32 $_tile_overlayer_lowered;
	s16 =	ssub.s32 $0x0, s25;
	[sflag:s28] =	ssyncset.done $0x0  }
0xaf: {  	s30 =	simm.s32 $_size__tile_overlayer_lowered;
	s20 =	sshll.u32 s29, $0x1;
	[sflag:s28] =	ssyncadd.s32 s16  }
0xb0: {  	s31 =	sshll.u32 s30, $0x1;
	s20 =	sadd.s32 s20, s19;
	s16 =	simm.s32 $0x0  }
0xb1: {  	[timem:s16], [sflag:s28] =	dma.local [hbm:s20], s31  }
0xb2: {  	_ =	swait.ge [sflag:s28], s31  }
0xb3: {  	s22 =	ssub.s32 $0x0, s31;
	[sflag:s28] =	ssyncset.done $0x0  }
0xb4: {  	[sflag:s28] =	ssyncadd.s32 s22;
	_ =	sdelay $0x1  }
0xb5: {  	s23 =	simm.s32 $0x1B8B  }
0xb6: {  	_ =	swait.ge [sflag:s23], $0x1  }
0xb7: {  	[sflag:s23] =	ssyncset.done $0x0  }
0xb8: {  	[sflag:s23] =	ssyncadd.s32 $0xFFFFFFFF  }
0xb9: {  	s20 =	sld [smem:$0x0]  }
0xba: {  	s21 =	sand.u32 $0xFFFFFFFE, s1  }
0xbb: {  	p0 =	sne.s32 s1, s21  }
0xbc: {  	s21 =	sshll.u32 @p0 s21, $0xE  }
0xbd: {  	s21 =	sadd.s32 @p0 $0x11B8D, s21;
	s22 =	sshll.u32 @p0 s20, $0x11  }
0xbe: {  	s21 =	sor.u32 @p0 s22, s21  }
0xbf: {  	[sflag:s21] =	ssyncadd.remote.s32 @p0 $0x1;
	_ =	sdelay $0x1  }
0xc0: {  	s21 =	simm.s32 @p0 $0x1B8D  }
0xc1: {  	_ =	swait.eq @p0 [sflag:s21], $0x1  }
0xc2: {  	[sflag:s21] =	ssyncadd.s32 @p0 $0xFFFFFFFF  }
0xc3: {  	s22 =	sshll.u32 @!p0 s1, $0xE  }
0xc4: {  	s22 =	sor.u32 @!p0 $0x4000, s22;
	s21 =	simm.s32 @!p0 $0x1B8D  }
0xc5: {  	s20 =	sshll.u32 @!p0 s20, $0x11;
	s22 =	sadd.s32 @!p0 $0x11B8D, s22;
	_ =	swait.eq @!p0 [sflag:s21], $0x1  }
0xc6: {  	s20 =	sor.u32 @!p0 s20, s22;
	[sflag:s21] =	ssyncadd.s32 @!p0 $0xFFFFFFFF  }
0xc7: {  	s25 =	simm.s32 $0x1B8E;
	s24 =	sld [smem:$0x3FFE];
	[sflag:s20] =	ssyncadd.remote.s32 @!p0 $0x1  }
0xc8: {  	s26 =	simm.s32 $execute0_lowered;
	[smem:$0x3FD2] =	sst s25  }
0xc9: {  	s21 =	sshll.u32 s26, $0x1;
	_ =	strace $0x8000004C;
	[dreg:$0x1] =	wrdreg $0xFFFFFFFF  }
0xca: {  	s28 =	simm.s32 $_size_execute0_lowered;
	s19 =	sadd.s32 s19, s21;
	[dreg:$0x0] =	wrdreg $0x0  }
0xcb: {  	s21 =	sshll.u32 s28, $0x1;
	[dreg:$0x2] =	wrdreg s19  }
0xcc: {  	[dreg:$0x3] =	wrdreg s21  }
0xcd: {  	[dreg:$0x4] =	wrdreg $0xC0  }
0xce: {  	_ =	task [dreg:s16], $0x5FFFF  }
0xcf: {  	[dreg:$0x1] =	wrdreg $0xFFFFFFFF  }
0xd0: {  	[dreg:$0x0] =	wrdreg $0x30  }
0xd1: {  	[dreg:$0x2] =	wrdreg $0x0  }
0xd2: {  	[dreg:$0x3] =	wrdreg s17  }
0xd3: {  	[dreg:$0x4] =	wrdreg s18  }
0xd4: {  	[dreg:$0x5] =	wrdreg s24  }
0xd5: {  	[dreg:$0x6] =	wrdreg $0xB  }
0xd6: {  	_ =	task [dreg:s16], $0x7FFFF  }
0xd7: {  	[dreg:$0x1] =	wrdreg $0xFFFFFFFF  }
0xd8: {  	[dreg:$0x0] =	wrdreg $0x60  }
0xd9: {  	[dreg:$0x2] =	wrdreg s2  }
0xda: {  	[dreg:$0x3] =	wrdreg s3  }
0xdb: {  	[dreg:$0x4] =	wrdreg s4  }
0xdc: {  	[dreg:$0x5] =	wrdreg s5  }
0xdd: {  	[dreg:$0x6] =	wrdreg s6  }
0xde: {  	[dreg:$0x7] =	wrdreg s7  }
0xdf: {  	[dreg:$0x8] =	wrdreg s8  }
0xe0: {  	[dreg:$0x9] =	wrdreg s9  }
0xe1: {  	[dreg:$0xa] =	wrdreg s10  }
0xe2: {  	[dreg:$0xb] =	wrdreg s11  }
0xe3: {  	[dreg:$0xc] =	wrdreg s12  }
0xe4: {  	[dreg:$0xd] =	wrdreg s13  }
0xe5: {  	[dreg:$0xe] =	wrdreg s14  }
0xe6: {  	[dreg:$0xf] =	wrdreg s15  }
0xe7: {  	_ =	task.clear_ibuf [dreg:s16], $0x10FFFF;
	_ =	strace $0x9000004C  }
0xe8: {  	s29 =	simm.s32 $0xB;
	_ =	strace $0x8000004E  }
0xe9: {  	_ =	swait.ge [sflag:s29], $0x1  }
0xea: {  	[sflag:s29] =	ssyncadd.s32 $0xFFFFFFFF  }
0xeb: {  	_ =	strace $0x9000004E  }
0xec: {  	_ =	sfence  }
0xed: {  	s30 =	sld [smem:$0x0];
	_ =	sdelay $0x2  }
0xee: {  	s31 =	sshll.u32 s1, $0xD;
	s1 =	sshrl.u32 s1, $0x2  }
0xef: {  	s3 =	sand.u32 $0x4000, s31;
	s1 =	sadd.s32 s1, s30  }
0xf0: {  	s0 =	sor.u32 s3, s0;
	s1 =	sshll.u32 s1, $0x11  }
0xf1: {  	s0 =	sor.u32 s1, s0  }
0xf2: {  	s0 =	sadd.s32 $0x8F2B, s0  }
0xf3: {  	[sflag:s0] =	ssyncadd.remote.s32 $0x1  }
0xf4: {  	_ =	sfence.sel $0xFFFF  }
0xf5: {  	[dreg:$0x0] =	wrdreg $0xFFFFFFFF;
	(pc) =	sbr.abs _section_cstart, $3  }
0xf6: {  	[dreg:$0x1] =	wrdreg $0xFFFFFFFF  }
0xf7: {  	_ =	task.clear_ibuf [dreg:s16], $0x2FFFF;
	_ =	strace $0x9FFFFFFF  }
0xf8: {  	(tm) =	ssettm $0x7FFFFFFF  }
0xf9: {  	_ =	shalt  }
tec
_tile_task_arg_handler_lowered:
.L_overlay_start_1:
0x0: {  	(tag) =	ssettag $0x1  }
0x1: {  	s0 =	rddreg [dreg:$0x0]  }
0x2: {  	s1 =	rddreg [dreg:$0x1]  }
0x3: {  	s2 =	rddreg [dreg:$0x2]  }
0x4: {  	s3 =	rddreg [dreg:$0x3]  }
0x5: {  	s4 =	rddreg [dreg:$0x4]  }
0x6: {  	s5 =	rddreg [dreg:$0x5]  }
0x7: {  	s6 =	rddreg [dreg:$0x6]  }
0x8: {  	s7 =	rddreg [dreg:$0x7]  }
0x9: {  	s8 =	rddreg [dreg:$0x8]  }
0xa: {  	s9 =	rddreg [dreg:$0x9]  }
0xb: {  	s10 =	rddreg [dreg:$0xa]  }
0xc: {  	s11 =	rddreg [dreg:$0xb]  }
0xd: {  	s12 =	rddreg [dreg:$0xc]  }
0xe: {  	s13 =	rddreg [dreg:$0xd]  }
0xf: {  	[smem:s0] =	sst s1  }
0x10: {  	[smem:s0+$0x1] =	sst s2  }
0x11: {  	[smem:s0+$0x2] =	sst s3  }
0x12: {  	[smem:s0+$0x3] =	sst s4  }
0x13: {  	[smem:s0+$0x4] =	sst s5  }
0x14: {  	[smem:s0+$0x5] =	sst s6  }
0x15: {  	[smem:s0+$0x6] =	sst s7  }
0x16: {  	[smem:s0+$0x7] =	sst s8  }
0x17: {  	[smem:s0+$0x8] =	sst s9  }
0x18: {  	[smem:s0+$0x9] =	sst s10  }
0x19: {  	[smem:s0+$0xA] =	sst s11  }
0x1a: {  	[smem:s0+$0xB] =	sst s12  }
0x1b: {  	[smem:s0+$0xC] =	sst s13;
	_ =	shalt  }
.Lfunc_end2:
execute0_lowered:
.L_overlay_start_2:
0x1c: {  	(tag) =	ssettag $0x2  }
0x1d: {  	s0 =	rddreg [dreg:$0x0]  }
0x1e: {  	s1 =	rddreg [dreg:$0x1]  }
0x1f: {  	s2 =	rddreg [dreg:$0x2]  }
0x20: {  	s3 =	rddreg [dreg:$0x3]  }
0x21: {  	s4 =	rddreg [dreg:$0x4]  }
0x22: {  	s5 =	rddreg [dreg:$0x5]  }
0x23: {  	s6 =	rddreg [dreg:$0x6]  }
0x24: {  	s7 =	rddreg [dreg:$0x7]  }
0x25: {  	s8 =	rddreg [dreg:$0x8]  }
0x26: {  	s14 =	rddreg [dreg:$0x9]  }
0x27: {  	s15 =	rddreg [dreg:$0xa]  }
0x28: {  	s16 =	rddreg [dreg:$0xb]  }
0x29: {  	s17 =	rddreg [dreg:$0xc]  }
0x2a: {  	s18 =	rddreg [dreg:$0xd]  }
0x2b: {  	[dreg:$0xe] =	wrdreg s8  }
0x2c: {  	[dreg:$0xf] =	wrdreg s14  }
0x2d: {  	[dreg:$0x10] =	wrdreg s15  }
0x2e: {  	[dreg:$0x11] =	wrdreg s16  }
0x2f: {  	[dreg:$0x12] =	wrdreg s17  }
0x30: {  	s10 =	simm.s32 $0x0;
	[dreg:$0x13] =	wrdreg s18  }
0x31: {  	s11 =	srdreg.scid;
	[smem:$0x7FF] =	sst s10  }
0x32: {  	s12 =	stileid.u32;
	s19 =	sld [smem:$0x0]  }
0x33: {  	p0 =	por $0x0, $0x0;
	s20 =	sand.u32 $0x1, s11;
	s9 =	sld [smem:$0x1]  }
0x34: {  	s21 =	sshll.u32 s12, $0x1;
	s11 =	simm.s32 $0x80;
	s23 =	sld [smem:$0x2]  }
0x35: {  	s17 =	simm.s32 $0x380;
	s22 =	sor.u32 s20, s21;
	s13 =	sld [smem:$0x3]  }
0x36: {  	s8 =	ssub.s32 $0x2, s20;
	s21 =	simm.s32 $0x280;
	[dreg:$0x14] =	wrdreg s19  }
0x37: {  	s24 =	sshll.u32 s22, $0x4;
	s26 =	sshrl.u32 s8, $0x1;
	[dreg:$0x15] =	wrdreg s9  }
0x38: {  	s12 =	sor.u32 $0x400, s24;
	s24 =	simm.s32 $0x180;
	[dreg:$0x19] =	wrdreg s13  }
0x39: {  	s9 =	sshll.u32 s22, $0xE;
	s0 =	sadd.s32 s0, s12;
	s25 =	sadd.s32 s1, s12  }
0x3a: {  	s13 =	sadd.s32 s2, s12;
	s1 =	ssub.s32 s8, s26;
	s26 =	sadd.s32 s3, s12  }
0x3b: {  	s28 =	sadd.s32 s4, s12;
	s29 =	sadd.s32 s5, s12;
	s30 =	sadd.s32 s6, s12  }
0x3c: {  	s31 =	sadd.s32 s7, s12;
	s22 =	simm.s32 $0x200;
	s19 =	simm.s32 $0x300  }
0x3d: {  	s7 =	simm.s32 $0x400;
	_ =	strace $0x8000004D;
	[dreg:$0x16] =	wrdreg s0  }
0x3e: {  	s12 =	simm.s32 $0x2;
	s5 =	simm.s32 $0x3;
	[dreg:$0x17] =	wrdreg s25  }
0x3f: {  	s14 =	sadd.s32 s9, s23;
	[dreg:$0x18] =	wrdreg s13;
	s15 =	smax.u32 s1, $0x1  }
0x40: {  	s23 =	simm.s32 $0x100;
	s20 =	sadd.s32 $0x101E00, s14;
	p1 =	sne.s32 s15, $0x1  }
.Ltmp0:
0x41: {  	s9 =	simm.s32 $0xC400;
	s18 =	sadd.s32 $0x101E80, s14;
	(pc) =	sbr.rel @!p1 .LBB3_3-.Ltmp0, $4  }
0x42: {  	s25 =	simm.s32 $0x1;
	s16 =	sadd.s32 $0x101F00, s14;
	s8 =	sadd.s32 $0x101F80, s14  }
0x43: {  	s13 =	simm.s32 $0x2000;
	s6 =	sadd.s32 $0x102000, s14;
	s4 =	sadd.s32 $0x102080, s14  }
0x44: {  	s3 =	sadd.s32 $0x102100, s14;
	s2 =	sadd.s32 $0x102180, s14;
	s0 =	sadd.s32 $0xFFFFFFFF, s15  }
0x45: {  	s15 =	simm.s32 $0x4400;
	s14 =	simm.s32 $0x8400;
	s1 =	rddreg [dreg:$0x16]  }
0x46: {  	[dreg:$0x1a] =	wrdreg s0  }
0x47: {  	[tilespmem:s10], [sflag:$0x1] =	stream.linear.gather [hbm4b:s1+s10], $0x80, $0x38;
	[tilespmem:$0x10400] =	vst v63  }
0x48: {  	s0 =	rddreg [dreg:$0x17]  }
0x49: {  	[tilespmem:s11], [sflag:$0x1] =	stream.linear.gather [hbm4b:s0+s10], $0x80, $0x38;
	[tilespmem:$0x10400] =	vst v63  }
0x4a: {  	s1 =	rddreg [dreg:$0x18]  }
0x4b: {  	[tilespmem:s23], [sflag:$0x1] =	stream.linear.gather [hbm4b:s1+s10], $0x80, $0x38;
	[tilespmem:$0x10400] =	vst v63  }
0x4c: {  	_ = 	snop  }
0x4d: {  	[tilespmem:s24], [sflag:$0x1] =	stream.linear.gather [hbm4b:s26+s10], $0x80, $0x38;
	[tilespmem:$0x10400] =	vst v63  }
0x4e: {  	_ = 	snop  }
0x4f: {  	[tilespmem:s22], [sflag:$0x1] =	stream.linear.gather [hbm4b:s28+s10], $0x80, $0x38;
	[tilespmem:$0x10400] =	vst v63  }
0x50: {  	_ = 	snop  }
0x51: {  	[tilespmem:s21], [sflag:$0x1] =	stream.linear.gather [hbm4b:s29+s10], $0x80, $0x38;
	[tilespmem:$0x10400] =	vst v63  }
0x52: {  	_ = 	snop  }
0x53: {  	[tilespmem:s19], [sflag:$0x1] =	stream.linear.gather [hbm4b:s30+s10], $0x80, $0x38;
	[tilespmem:$0x10400] =	vst v63  }
0x54: {  	_ = 	snop  }
0x55: {  	[tilespmem:s17], [sflag:$0x1] =	stream.linear.gather [hbm4b:s31+s10], $0x80, $0x38;
	[tilespmem:$0x10400] =	vst v63  }
0x56: {  	_ =	swait.ge [sflag:s25], $0x80  }
0x57: {  	[sflag:s25] =	ssyncset.done $0x0  }
0x58: {  	[sflag:s25] =	ssyncadd.s32 $0xFFFFFF80  }
0x59: {  	_ =	swait.ge [sflag:s25], $0x80  }
0x5a: {  	[sflag:s25] =	ssyncset.done $0x0  }
0x5b: {  	[sflag:s25] =	ssyncadd.s32 $0xFFFFFF80  }
0x5c: {  	_ =	swait.ge [sflag:s25], $0x80  }
0x5d: {  	[sflag:s25] =	ssyncset.done $0x0  }
0x5e: {  	[sflag:s25] =	ssyncadd.s32 $0xFFFFFF80  }
0x5f: {  	_ =	swait.ge [sflag:s25], $0x80  }
0x60: {  	[sflag:s25] =	ssyncset.done $0x0  }
0x61: {  	[sflag:s25] =	ssyncadd.s32 $0xFFFFFF80  }
0x62: {  	_ =	swait.ge [sflag:s25], $0x80  }
0x63: {  	[sflag:s25] =	ssyncset.done $0x0  }
0x64: {  	[sflag:s25] =	ssyncadd.s32 $0xFFFFFF80  }
0x65: {  	_ =	swait.ge [sflag:s25], $0x80  }
0x66: {  	[sflag:s25] =	ssyncset.done $0x0  }
0x67: {  	[sflag:s25] =	ssyncadd.s32 $0xFFFFFF80  }
0x68: {  	_ =	swait.ge [sflag:s25], $0x80  }
0x69: {  	[sflag:s25] =	ssyncset.done $0x0  }
0x6a: {  	[sflag:s25] =	ssyncadd.s32 $0xFFFFFF80  }
0x6b: {  	_ =	swait.ge [sflag:s25], $0x80  }
0x6c: {  	[sflag:s25] =	ssyncset.done $0x0  }
0x6d: {  	s0 =	rddreg [dreg:$0xe];
	[sflag:s25] =	ssyncadd.s32 $0xFFFFFF80  }
0x6e: {  	[tilespmem:s7], [sflag:$0x2] =	stream.indirect.gather [hbm4b:s0+s11], $0x80, s10, s11, $0xb8;
	[tilespmem:$0x10400] =	vst v63  }
0x6f: {  	s1 =	rddreg [dreg:$0xf]  }
0x70: {  	[tilespmem:s15], [sflag:$0x2] =	stream.indirect.gather [hbm4b:s1+s11], $0x80, s11, s11, $0xb8;
	[tilespmem:$0x10400] =	vst v63  }
0x71: {  	s0 =	rddreg [dreg:$0x10]  }
0x72: {  	[tilespmem:s14], [sflag:$0x2] =	stream.indirect.gather [hbm4b:s0+s11], $0x80, s23, s11, $0xb8;
	[tilespmem:$0x10400] =	vst v63  }
0x73: {  	s1 =	rddreg [dreg:$0x11]  }
0x74: {  	[tilespmem:s9], [sflag:$0x2] =	stream.indirect.gather [hbm4b:s1+s11], $0x80, s24, s11, $0xb8;
	[tilespmem:$0x10400] =	vst v63  }
0x75: {  	_ =	swait.ge [sflag:s12], $0x4000  }
0x76: {  	[sflag:s12] =	ssyncset.done $0x0  }
0x77: {  	[sflag:s12] =	ssyncadd.s32 $0xFFFFC000  }
0x78: {  	[hbm4b:s20+s7] =	stream.strided.scatter [tilespmem:s7], [sflag:$0x3], $0x4000, s13, s7, $0x38;
	[tilespmem:$0x10400] =	vst v63  }
0x79: {  	_ =	swait.ge [sflag:s5], $0x4000  }
0x7a: {  	[sflag:s5] =	ssyncset.done $0x0  }
0x7b: {  	s1 =	rddreg [dreg:$0x12];
	[sflag:s5] =	ssyncadd.s32 $0xFFFFC000  }
0x7c: {  	[tilespmem:s7], [sflag:$0x2] =	stream.indirect.gather [hbm4b:s1+s11], $0x80, s22, s11, $0xb8;
	[tilespmem:$0x10400] =	vst v63  }
0x7d: {  	_ =	swait.ge [sflag:s12], $0x4000  }
0x7e: {  	[sflag:s12] =	ssyncset.done $0x0  }
0x7f: {  	[sflag:s12] =	ssyncadd.s32 $0xFFFFC000  }
0x80: {  	[hbm4b:s18+s7] =	stream.strided.scatter [tilespmem:s15], [sflag:$0x3], $0x4000, s13, s7, $0x38;
	[tilespmem:$0x10400] =	vst v63  }
0x81: {  	_ =	swait.ge [sflag:s5], $0x4000  }
0x82: {  	[sflag:s5] =	ssyncset.done $0x0  }
0x83: {  	s1 =	rddreg [dreg:$0x13];
	[sflag:s5] =	ssyncadd.s32 $0xFFFFC000  }
0x84: {  	[tilespmem:s15], [sflag:$0x2] =	stream.indirect.gather [hbm4b:s1+s11], $0x80, s21, s11, $0xb8;
	[tilespmem:$0x10400] =	vst v63  }
0x85: {  	_ =	swait.ge [sflag:s12], $0x4000  }
0x86: {  	[sflag:s12] =	ssyncset.done $0x0  }
0x87: {  	[sflag:s12] =	ssyncadd.s32 $0xFFFFC000  }
0x88: {  	[hbm4b:s16+s7] =	stream.strided.scatter [tilespmem:s14], [sflag:$0x3], $0x4000, s13, s7, $0x38;
	[tilespmem:$0x10400] =	vst v63  }
0x89: {  	_ =	swait.ge [sflag:s5], $0x4000  }
0x8a: {  	[sflag:s5] =	ssyncset.done $0x0  }
0x8b: {  	s1 =	rddreg [dreg:$0x14];
	[sflag:s5] =	ssyncadd.s32 $0xFFFFC000  }
0x8c: {  	[tilespmem:s14], [sflag:$0x2] =	stream.indirect.gather [hbm4b:s1+s11], $0x80, s19, s11, $0xb8;
	[tilespmem:$0x10400] =	vst v63  }
0x8d: {  	_ =	swait.ge [sflag:s12], $0x4000  }
0x8e: {  	[sflag:s12] =	ssyncset.done $0x0  }
0x8f: {  	[sflag:s12] =	ssyncadd.s32 $0xFFFFC000  }
0x90: {  	[hbm4b:s8+s7] =	stream.strided.scatter [tilespmem:s9], [sflag:$0x3], $0x4000, s13, s7, $0x38;
	[tilespmem:$0x10400] =	vst v63  }
0x91: {  	_ =	swait.ge [sflag:s5], $0x4000  }
0x92: {  	[sflag:s5] =	ssyncset.done $0x0  }
0x93: {  	s1 =	rddreg [dreg:$0x15];
	[sflag:s5] =	ssyncadd.s32 $0xFFFFC000  }
0x94: {  	[tilespmem:s9], [sflag:$0x2] =	stream.indirect.gather [hbm4b:s1+s11], $0x80, s17, s11, $0xb8;
	[tilespmem:$0x10400] =	vst v63  }
0x95: {  	_ =	swait.ge [sflag:s12], $0x4000  }
0x96: {  	[sflag:s12] =	ssyncset.done $0x0  }
0x97: {  	[sflag:s12] =	ssyncadd.s32 $0xFFFFC000  }
0x98: {  	[hbm4b:s6+s7] =	stream.strided.scatter [tilespmem:s7], [sflag:$0x3], $0x4000, s13, s7, $0x38;
	[tilespmem:$0x10400] =	vst v63  }
0x99: {  	_ =	swait.ge [sflag:s12], $0x4000  }
0x9a: {  	[sflag:s12] =	ssyncset.done $0x0  }
0x9b: {  	[sflag:s12] =	ssyncadd.s32 $0xFFFFC000  }
0x9c: {  	[hbm4b:s4+s7] =	stream.strided.scatter [tilespmem:s15], [sflag:$0x3], $0x4000, s13, s7, $0x38;
	[tilespmem:$0x10400] =	vst v63  }
0x9d: {  	_ =	swait.ge [sflag:s12], $0x4000  }
0x9e: {  	[sflag:s12] =	ssyncset.done $0x0  }
0x9f: {  	[sflag:s12] =	ssyncadd.s32 $0xFFFFC000  }
0xa0: {  	[hbm4b:s3+s7] =	stream.strided.scatter [tilespmem:s14], [sflag:$0x3], $0x4000, s13, s7, $0x38;
	[tilespmem:$0x10400] =	vst v63  }
0xa1: {  	_ =	swait.ge [sflag:s12], $0x4000  }
0xa2: {  	[sflag:s12] =	ssyncset.done $0x0  }
0xa3: {  	[sflag:s12] =	ssyncadd.s32 $0xFFFFC000  }
0xa4: {  	[hbm4b:s2+s7] =	stream.strided.scatter [tilespmem:s9], [sflag:$0x3], $0x4000, s13, s7, $0x38;
	[tilespmem:$0x10400] =	vst v63  }
0xa5: {  	_ =	swait.ge [sflag:s5], $0x4000  }
0xa6: {  	[sflag:s5] =	ssyncset.done $0x0  }
0xa7: {  	[sflag:s5] =	ssyncadd.s32 $0xFFFFC000  }
0xa8: {  	_ =	swait.ge [sflag:s5], $0x4000  }
0xa9: {  	[sflag:s5] =	ssyncset.done $0x0  }
0xaa: {  	[sflag:s5] =	ssyncadd.s32 $0xFFFFC000  }
0xab: {  	_ =	swait.ge [sflag:s5], $0x4000  }
0xac: {  	s1 =	rddreg [dreg:$0x1a]  }
0xad: {  	p1 =	sne.s32 s1, $0x1  }
.Ltmp1:
0xae: {  	_ = 	snop;
	(pc) =	sbr.rel @!p1 .LBB3_3-.Ltmp1, $4  }
0xaf: {  	[sflag:s5] =	ssyncset.done $0x0  }
0xb0: {  	[sflag:s5] =	ssyncadd.s32 $0xFFFFC000  }
0xb1: {  	p0 =	por $0x1, $0x1;
	_ =	swait.ge [sflag:s5], $0x4000  }
0xb2: {  	s0 =	sadd.s32 $0xFFFFFFFF, s1;
	s1 =	rddreg [dreg:$0x16];
	[sflag:s5] =	ssyncset.done $0x0  }
.LBB3_2:
0xb3: {  	[sflag:s5] =	ssyncadd.s32 $0xFFFFC000;
	s17 =	smov.u32 s16  }
0xb4: {  	s16 =	smov.u32 s8;
	s8 =	smov.u32 s6;
	s6 =	smov.u32 s4  }
0xb5: {  	[tilespmem:s10], [sflag:$0x1] =	stream.linear.gather [hbm4b:s1+s10], $0x80, $0x38;
	[tilespmem:$0x10400] =	vst v63  }
0xb6: {  	s4 =	smov.u32 s3;
	s3 =	smov.u32 s2;
	s2 =	rddreg [dreg:$0x17]  }
0xb7: {  	[tilespmem:s11], [sflag:$0x1] =	stream.linear.gather [hbm4b:s2+s10], $0x80, $0x38;
	[tilespmem:$0x10400] =	vst v63  }
0xb8: {  	s24 =	simm.s32 $0x100;
	s1 =	rddreg [dreg:$0x18]  }
0xb9: {  	[tilespmem:s24], [sflag:$0x1] =	stream.linear.gather [hbm4b:s1+s10], $0x80, $0x38;
	[tilespmem:$0x10400] =	vst v63  }
0xba: {  	s24 =	simm.s32 $0x180  }
0xbb: {  	[tilespmem:s24], [sflag:$0x1] =	stream.linear.gather [hbm4b:s26+s10], $0x80, $0x38;
	[tilespmem:$0x10400] =	vst v63  }
0xbc: {  	s23 =	simm.s32 $0x200  }
0xbd: {  	[tilespmem:s23], [sflag:$0x1] =	stream.linear.gather [hbm4b:s28+s10], $0x80, $0x38;
	[tilespmem:$0x10400] =	vst v63  }
0xbe: {  	s22 =	simm.s32 $0x280  }
0xbf: {  	[tilespmem:s22], [sflag:$0x1] =	stream.linear.gather [hbm4b:s29+s10], $0x80, $0x38;
	[tilespmem:$0x10400] =	vst v63  }
0xc0: {  	s21 =	simm.s32 $0x300  }
0xc1: {  	[tilespmem:s21], [sflag:$0x1] =	stream.linear.gather [hbm4b:s30+s10], $0x80, $0x38;
	[tilespmem:$0x10400] =	vst v63  }
0xc2: {  	s19 =	simm.s32 $0x380  }
0xc3: {  	[tilespmem:s19], [sflag:$0x1] =	stream.linear.gather [hbm4b:s31+s10], $0x80, $0x38;
	[tilespmem:$0x10400] =	vst v63  }
0xc4: {  	_ =	swait.ge [sflag:s25], $0x80  }
0xc5: {  	[sflag:s25] =	ssyncset.done $0x0  }
0xc6: {  	[sflag:s25] =	ssyncadd.s32 $0xFFFFFF80  }
0xc7: {  	_ =	swait.ge [sflag:s25], $0x80  }
0xc8: {  	[sflag:s25] =	ssyncset.done $0x0  }
0xc9: {  	[sflag:s25] =	ssyncadd.s32 $0xFFFFFF80  }
0xca: {  	_ =	swait.ge [sflag:s25], $0x80  }
0xcb: {  	[sflag:s25] =	ssyncset.done $0x0  }
0xcc: {  	[sflag:s25] =	ssyncadd.s32 $0xFFFFFF80  }
0xcd: {  	_ =	swait.ge [sflag:s25], $0x80  }
0xce: {  	[sflag:s25] =	ssyncset.done $0x0  }
0xcf: {  	[sflag:s25] =	ssyncadd.s32 $0xFFFFFF80  }
0xd0: {  	_ =	swait.ge [sflag:s25], $0x80  }
0xd1: {  	[sflag:s25] =	ssyncset.done $0x0  }
0xd2: {  	[sflag:s25] =	ssyncadd.s32 $0xFFFFFF80  }
0xd3: {  	_ =	swait.ge [sflag:s25], $0x80  }
0xd4: {  	[sflag:s25] =	ssyncset.done $0x0  }
0xd5: {  	[sflag:s25] =	ssyncadd.s32 $0xFFFFFF80  }
0xd6: {  	_ =	swait.ge [sflag:s25], $0x80  }
0xd7: {  	[sflag:s25] =	ssyncset.done $0x0  }
0xd8: {  	[sflag:s25] =	ssyncadd.s32 $0xFFFFFF80  }
0xd9: {  	_ =	swait.ge [sflag:s25], $0x80  }
0xda: {  	[sflag:s25] =	ssyncset.done $0x0  }
0xdb: {  	s1 =	rddreg [dreg:$0xe];
	[sflag:s25] =	ssyncadd.s32 $0xFFFFFF80  }
0xdc: {  	[tilespmem:s7], [sflag:$0x2] =	stream.indirect.gather [hbm4b:s1+s11], $0x80, s10, s11, $0xb8;
	[tilespmem:$0x10400] =	vst v63  }
0xdd: {  	s2 =	rddreg [dreg:$0xf]  }
0xde: {  	[tilespmem:s15], [sflag:$0x2] =	stream.indirect.gather [hbm4b:s2+s11], $0x80, s11, s11, $0xb8;
	[tilespmem:$0x10400] =	vst v63  }
0xdf: {  	s23 =	simm.s32 $0x100;
	s1 =	rddreg [dreg:$0x10]  }
0xe0: {  	[tilespmem:s14], [sflag:$0x2] =	stream.indirect.gather [hbm4b:s1+s11], $0x80, s23, s11, $0xb8;
	[tilespmem:$0x10400] =	vst v63  }
0xe1: {  	s2 =	rddreg [dreg:$0x11]  }
0xe2: {  	[tilespmem:s9], [sflag:$0x2] =	stream.indirect.gather [hbm4b:s2+s11], $0x80, s24, s11, $0xb8;
	[tilespmem:$0x10400] =	vst v63  }
0xe3: {  	_ =	swait.ge [sflag:s12], $0x4000  }
0xe4: {  	[sflag:s12] =	ssyncset.done $0x0  }
0xe5: {  	[sflag:s12] =	ssyncadd.s32 $0xFFFFC000  }
0xe6: {  	[hbm4b:s20+s7] =	stream.strided.scatter [tilespmem:s7], [sflag:$0x3], $0x4000, s13, s7, $0x38;
	[tilespmem:$0x10400] =	vst v63  }
0xe7: {  	_ =	swait.ge [sflag:s5], $0x4000  }
0xe8: {  	[sflag:s5] =	ssyncset.done $0x0  }
0xe9: {  	s22 =	simm.s32 $0x200;
	s1 =	rddreg [dreg:$0x12];
	[sflag:s5] =	ssyncadd.s32 $0xFFFFC000  }
0xea: {  	[tilespmem:s7], [sflag:$0x2] =	stream.indirect.gather [hbm4b:s1+s11], $0x80, s22, s11, $0xb8;
	[tilespmem:$0x10400] =	vst v63  }
0xeb: {  	_ =	swait.ge [sflag:s12], $0x4000  }
0xec: {  	[sflag:s12] =	ssyncset.done $0x0  }
0xed: {  	[sflag:s12] =	ssyncadd.s32 $0xFFFFC000  }
0xee: {  	[hbm4b:s18+s7] =	stream.strided.scatter [tilespmem:s15], [sflag:$0x3], $0x4000, s13, s7, $0x38;
	[tilespmem:$0x10400] =	vst v63  }
0xef: {  	_ =	swait.ge [sflag:s5], $0x4000  }
0xf0: {  	[sflag:s5] =	ssyncset.done $0x0  }
0xf1: {  	s21 =	simm.s32 $0x280;
	s1 =	rddreg [dreg:$0x13];
	[sflag:s5] =	ssyncadd.s32 $0xFFFFC000  }
0xf2: {  	[tilespmem:s15], [sflag:$0x2] =	stream.indirect.gather [hbm4b:s1+s11], $0x80, s21, s11, $0xb8;
	[tilespmem:$0x10400] =	vst v63  }
0xf3: {  	s2 =	smov.u32 s3;
	s3 =	smov.u32 s4;
	_ =	swait.ge [sflag:s12], $0x4000  }
0xf4: {  	s4 =	smov.u32 s6;
	s6 =	smov.u32 s8;
	[sflag:s12] =	ssyncset.done $0x0  }
0xf5: {  	s8 =	smov.u32 s16;
	s16 =	smov.u32 s17;
	[sflag:s12] =	ssyncadd.s32 $0xFFFFC000  }
0xf6: {  	[hbm4b:s16+s7] =	stream.strided.scatter [tilespmem:s14], [sflag:$0x3], $0x4000, s13, s7, $0x38;
	[tilespmem:$0x10400] =	vst v63  }
0xf7: {  	_ =	swait.ge [sflag:s5], $0x4000  }
0xf8: {  	[sflag:s5] =	ssyncset.done $0x0  }
0xf9: {  	s19 =	simm.s32 $0x300;
	s1 =	rddreg [dreg:$0x14];
	[sflag:s5] =	ssyncadd.s32 $0xFFFFC000  }
0xfa: {  	[tilespmem:s14], [sflag:$0x2] =	stream.indirect.gather [hbm4b:s1+s11], $0x80, s19, s11, $0xb8;
	[tilespmem:$0x10400] =	vst v63  }
0xfb: {  	_ =	swait.ge [sflag:s12], $0x4000  }
0xfc: {  	[sflag:s12] =	ssyncset.done $0x0  }
0xfd: {  	[sflag:s12] =	ssyncadd.s32 $0xFFFFC000  }
0xfe: {  	[hbm4b:s8+s7] =	stream.strided.scatter [tilespmem:s9], [sflag:$0x3], $0x4000, s13, s7, $0x38;
	[tilespmem:$0x10400] =	vst v63  }
0xff: {  	_ =	swait.ge [sflag:s5], $0x4000  }
0x100: {  	[sflag:s5] =	ssyncset.done $0x0  }
0x101: {  	s17 =	simm.s32 $0x380;
	s1 =	rddreg [dreg:$0x15];
	[sflag:s5] =	ssyncadd.s32 $0xFFFFC000  }
0x102: {  	[tilespmem:s9], [sflag:$0x2] =	stream.indirect.gather [hbm4b:s1+s11], $0x80, s17, s11, $0xb8;
	[tilespmem:$0x10400] =	vst v63  }
0x103: {  	_ =	swait.ge [sflag:s12], $0x4000  }
0x104: {  	[sflag:s12] =	ssyncset.done $0x0  }
0x105: {  	[sflag:s12] =	ssyncadd.s32 $0xFFFFC000  }
0x106: {  	[hbm4b:s6+s7] =	stream.strided.scatter [tilespmem:s7], [sflag:$0x3], $0x4000, s13, s7, $0x38;
	[tilespmem:$0x10400] =	vst v63  }
0x107: {  	_ =	swait.ge [sflag:s12], $0x4000  }
0x108: {  	[sflag:s12] =	ssyncset.done $0x0  }
0x109: {  	[sflag:s12] =	ssyncadd.s32 $0xFFFFC000  }
0x10a: {  	[hbm4b:s4+s7] =	stream.strided.scatter [tilespmem:s15], [sflag:$0x3], $0x4000, s13, s7, $0x38;
	[tilespmem:$0x10400] =	vst v63  }
0x10b: {  	_ =	swait.ge [sflag:s12], $0x4000  }
0x10c: {  	[sflag:s12] =	ssyncset.done $0x0  }
0x10d: {  	[sflag:s12] =	ssyncadd.s32 $0xFFFFC000  }
0x10e: {  	[hbm4b:s3+s7] =	stream.strided.scatter [tilespmem:s14], [sflag:$0x3], $0x4000, s13, s7, $0x38;
	[tilespmem:$0x10400] =	vst v63  }
0x10f: {  	_ =	swait.ge [sflag:s12], $0x4000  }
0x110: {  	[sflag:s12] =	ssyncset.done $0x0  }
0x111: {  	[sflag:s12] =	ssyncadd.s32 $0xFFFFC000  }
0x112: {  	[hbm4b:s2+s7] =	stream.strided.scatter [tilespmem:s9], [sflag:$0x3], $0x4000, s13, s7, $0x38;
	[tilespmem:$0x10400] =	vst v63  }
0x113: {  	_ =	swait.ge [sflag:s5], $0x4000  }
0x114: {  	[sflag:s5] =	ssyncset.done $0x0  }
0x115: {  	[sflag:s5] =	ssyncadd.s32 $0xFFFFC000  }
0x116: {  	_ =	swait.ge [sflag:s5], $0x4000  }
0x117: {  	[sflag:s5] =	ssyncset.done $0x0  }
0x118: {  	p1 =	sne.s32 s0, $0x1;
	[sflag:s5] =	ssyncadd.s32 $0xFFFFC000  }
.Ltmp2:
0x119: {  	_ =	swait.ge [sflag:s5], $0x4000;
	(pc) =	sbr.rel @p1 .LBB3_2-.Ltmp2, $4  }
0x11a: {  	[sflag:s5] =	ssyncset.done $0x0  }
0x11b: {  	[sflag:s5] =	ssyncadd.s32 $0xFFFFC000  }
0x11c: {  	_ =	swait.ge [sflag:s5], $0x4000  }
0x11d: {  	s0 =	sadd.s32 $0xFFFFFFFF, s0;
	s1 =	rddreg [dreg:$0x16];
	[sflag:s5] =	ssyncset.done $0x0  }
.LBB3_3:
0x11e: {  	[sflag:s5] =	ssyncadd.s32 @p0 $0xFFFFC000  }
0x11f: {  	[tilespmem:s10], [sflag:$0x1] =	stream.linear.gather [hbm4b:s1+s10], $0x80, $0x38;
	[tilespmem:$0x10400] =	vst v63  }
0x120: {  	s0 =	rddreg [dreg:$0x17]  }
0x121: {  	[tilespmem:s11], [sflag:$0x1] =	stream.linear.gather [hbm4b:s0+s10], $0x80, $0x38;
	[tilespmem:$0x10400] =	vst v63  }
0x122: {  	s1 =	rddreg [dreg:$0x18]  }
0x123: {  	[tilespmem:s23], [sflag:$0x1] =	stream.linear.gather [hbm4b:s1+s10], $0x80, $0x38;
	[tilespmem:$0x10400] =	vst v63  }
0x124: {  	_ = 	snop  }
0x125: {  	[tilespmem:s24], [sflag:$0x1] =	stream.linear.gather [hbm4b:s26+s10], $0x80, $0x38;
	[tilespmem:$0x10400] =	vst v63  }
0x126: {  	_ = 	snop  }
0x127: {  	[tilespmem:s22], [sflag:$0x1] =	stream.linear.gather [hbm4b:s28+s10], $0x80, $0x38;
	[tilespmem:$0x10400] =	vst v63  }
0x128: {  	_ = 	snop  }
0x129: {  	[tilespmem:s21], [sflag:$0x1] =	stream.linear.gather [hbm4b:s29+s10], $0x80, $0x38;
	[tilespmem:$0x10400] =	vst v63  }
0x12a: {  	_ = 	snop  }
0x12b: {  	[tilespmem:s19], [sflag:$0x1] =	stream.linear.gather [hbm4b:s30+s10], $0x80, $0x38;
	[tilespmem:$0x10400] =	vst v63  }
0x12c: {  	_ = 	snop  }
0x12d: {  	[tilespmem:s17], [sflag:$0x1] =	stream.linear.gather [hbm4b:s31+s10], $0x80, $0x38;
	[tilespmem:$0x10400] =	vst v63  }
0x12e: {  	_ =	swait.ge [sflag:s25], $0x80  }
0x12f: {  	[sflag:s25] =	ssyncset.done $0x0  }
0x130: {  	[sflag:s25] =	ssyncadd.s32 $0xFFFFFF80  }
0x131: {  	_ =	swait.ge [sflag:s25], $0x80  }
0x132: {  	[sflag:s25] =	ssyncset.done $0x0  }
0x133: {  	[sflag:s25] =	ssyncadd.s32 $0xFFFFFF80  }
0x134: {  	_ =	swait.ge [sflag:s25], $0x80  }
0x135: {  	[sflag:s25] =	ssyncset.done $0x0  }
0x136: {  	[sflag:s25] =	ssyncadd.s32 $0xFFFFFF80  }
0x137: {  	_ =	swait.ge [sflag:s25], $0x80  }
0x138: {  	[sflag:s25] =	ssyncset.done $0x0  }
0x139: {  	[sflag:s25] =	ssyncadd.s32 $0xFFFFFF80  }
0x13a: {  	_ =	swait.ge [sflag:s25], $0x80  }
0x13b: {  	[sflag:s25] =	ssyncset.done $0x0  }
0x13c: {  	[sflag:s25] =	ssyncadd.s32 $0xFFFFFF80  }
0x13d: {  	_ =	swait.ge [sflag:s25], $0x80  }
0x13e: {  	[sflag:s25] =	ssyncset.done $0x0  }
0x13f: {  	[sflag:s25] =	ssyncadd.s32 $0xFFFFFF80  }
0x140: {  	_ =	swait.ge [sflag:s25], $0x80  }
0x141: {  	[sflag:s25] =	ssyncset.done $0x0  }
0x142: {  	[sflag:s25] =	ssyncadd.s32 $0xFFFFFF80  }
0x143: {  	_ =	swait.ge [sflag:s25], $0x80  }
0x144: {  	[sflag:s25] =	ssyncset.done $0x0  }
0x145: {  	s30 =	rddreg [dreg:$0xe];
	[sflag:s25] =	ssyncadd.s32 $0xFFFFFF80  }
0x146: {  	[tilespmem:s7], [sflag:$0x2] =	stream.indirect.gather [hbm4b:s30+s11], $0x80, s10, s11, $0xb8;
	[tilespmem:$0x10400] =	vst v63  }
0x147: {  	s31 =	rddreg [dreg:$0xf]  }
0x148: {  	[tilespmem:s15], [sflag:$0x2] =	stream.indirect.gather [hbm4b:s31+s11], $0x80, s11, s11, $0xb8;
	[tilespmem:$0x10400] =	vst v63  }
0x149: {  	s10 =	rddreg [dreg:$0x10]  }
0x14a: {  	[tilespmem:s14], [sflag:$0x2] =	stream.indirect.gather [hbm4b:s10+s11], $0x80, s23, s11, $0xb8;
	[tilespmem:$0x10400] =	vst v63  }
0x14b: {  	s25 =	rddreg [dreg:$0x11]  }
0x14c: {  	[tilespmem:s9], [sflag:$0x2] =	stream.indirect.gather [hbm4b:s25+s11], $0x80, s24, s11, $0xb8;
	[tilespmem:$0x10400] =	vst v63  }
0x14d: {  	_ =	swait.ge [sflag:s12], $0x4000  }
0x14e: {  	[sflag:s12] =	ssyncset.done $0x0  }
0x14f: {  	[sflag:s12] =	ssyncadd.s32 $0xFFFFC000  }
0x150: {  	[hbm4b:s20+s7] =	stream.strided.scatter [tilespmem:s7], [sflag:$0x3], $0x4000, s13, s7, $0x38;
	[tilespmem:$0x10400] =	vst v63  }
0x151: {  	_ =	swait.ge [sflag:s5], $0x4000  }
0x152: {  	[sflag:s5] =	ssyncset.done $0x0  }
0x153: {  	s26 =	rddreg [dreg:$0x12];
	[sflag:s5] =	ssyncadd.s32 $0xFFFFC000  }
0x154: {  	[tilespmem:s7], [sflag:$0x2] =	stream.indirect.gather [hbm4b:s26+s11], $0x80, s22, s11, $0xb8;
	[tilespmem:$0x10400] =	vst v63  }
0x155: {  	_ =	swait.ge [sflag:s12], $0x4000  }
0x156: {  	[sflag:s12] =	ssyncset.done $0x0  }
0x157: {  	[sflag:s12] =	ssyncadd.s32 $0xFFFFC000  }
0x158: {  	[hbm4b:s18+s7] =	stream.strided.scatter [tilespmem:s15], [sflag:$0x3], $0x4000, s13, s7, $0x38;
	[tilespmem:$0x10400] =	vst v63  }
0x159: {  	_ =	swait.ge [sflag:s5], $0x4000  }
0x15a: {  	[sflag:s5] =	ssyncset.done $0x0  }
0x15b: {  	s28 =	rddreg [dreg:$0x13];
	[sflag:s5] =	ssyncadd.s32 $0xFFFFC000  }
0x15c: {  	[tilespmem:s15], [sflag:$0x2] =	stream.indirect.gather [hbm4b:s28+s11], $0x80, s21, s11, $0xb8;
	[tilespmem:$0x10400] =	vst v63  }
0x15d: {  	_ =	swait.ge [sflag:s12], $0x4000  }
0x15e: {  	[sflag:s12] =	ssyncset.done $0x0  }
0x15f: {  	[sflag:s12] =	ssyncadd.s32 $0xFFFFC000  }
0x160: {  	[hbm4b:s16+s7] =	stream.strided.scatter [tilespmem:s14], [sflag:$0x3], $0x4000, s13, s7, $0x38;
	[tilespmem:$0x10400] =	vst v63  }
0x161: {  	_ =	swait.ge [sflag:s5], $0x4000  }
0x162: {  	[sflag:s5] =	ssyncset.done $0x0  }
0x163: {  	s29 =	rddreg [dreg:$0x14];
	[sflag:s5] =	ssyncadd.s32 $0xFFFFC000  }
0x164: {  	[tilespmem:s14], [sflag:$0x2] =	stream.indirect.gather [hbm4b:s29+s11], $0x80, s19, s11, $0xb8;
	[tilespmem:$0x10400] =	vst v63  }
0x165: {  	_ =	swait.ge [sflag:s12], $0x4000  }
0x166: {  	[sflag:s12] =	ssyncset.done $0x0  }
0x167: {  	[sflag:s12] =	ssyncadd.s32 $0xFFFFC000  }
0x168: {  	[hbm4b:s8+s7] =	stream.strided.scatter [tilespmem:s9], [sflag:$0x3], $0x4000, s13, s7, $0x38;
	[tilespmem:$0x10400] =	vst v63  }
0x169: {  	_ =	swait.ge [sflag:s5], $0x4000  }
0x16a: {  	[sflag:s5] =	ssyncset.done $0x0  }
0x16b: {  	s30 =	rddreg [dreg:$0x15];
	[sflag:s5] =	ssyncadd.s32 $0xFFFFC000  }
0x16c: {  	[tilespmem:s9], [sflag:$0x2] =	stream.indirect.gather [hbm4b:s30+s11], $0x80, s17, s11, $0xb8;
	[tilespmem:$0x10400] =	vst v63  }
0x16d: {  	_ =	swait.ge [sflag:s12], $0x4000  }
0x16e: {  	[sflag:s12] =	ssyncset.done $0x0  }
0x16f: {  	[sflag:s12] =	ssyncadd.s32 $0xFFFFC000  }
0x170: {  	[hbm4b:s6+s7] =	stream.strided.scatter [tilespmem:s7], [sflag:$0x3], $0x4000, s13, s7, $0x38;
	[tilespmem:$0x10400] =	vst v63  }
0x171: {  	_ =	swait.ge [sflag:s12], $0x4000  }
0x172: {  	[sflag:s12] =	ssyncset.done $0x0  }
0x173: {  	[sflag:s12] =	ssyncadd.s32 $0xFFFFC000  }
0x174: {  	[hbm4b:s4+s7] =	stream.strided.scatter [tilespmem:s15], [sflag:$0x3], $0x4000, s13, s7, $0x38;
	[tilespmem:$0x10400] =	vst v63  }
0x175: {  	_ =	swait.ge [sflag:s12], $0x4000  }
0x176: {  	[sflag:s12] =	ssyncset.done $0x0  }
0x177: {  	[sflag:s12] =	ssyncadd.s32 $0xFFFFC000  }
0x178: {  	[hbm4b:s3+s7] =	stream.strided.scatter [tilespmem:s14], [sflag:$0x3], $0x4000, s13, s7, $0x38;
	[tilespmem:$0x10400] =	vst v63  }
0x179: {  	_ =	swait.ge [sflag:s12], $0x4000  }
0x17a: {  	[sflag:s12] =	ssyncset.done $0x0  }
0x17b: {  	[sflag:s12] =	ssyncadd.s32 $0xFFFFC000  }
0x17c: {  	[hbm4b:s2+s7] =	stream.strided.scatter [tilespmem:s9], [sflag:$0x3], $0x4000, s13, s7, $0x38;
	[tilespmem:$0x10400] =	vst v63  }
0x17d: {  	_ =	swait.ge [sflag:s5], $0x4000  }
0x17e: {  	[sflag:s5] =	ssyncset.done $0x0  }
0x17f: {  	[sflag:s5] =	ssyncadd.s32 $0xFFFFC000  }
0x180: {  	_ =	swait.ge [sflag:s5], $0x4000  }
0x181: {  	[sflag:s5] =	ssyncset.done $0x0  }
0x182: {  	[sflag:s5] =	ssyncadd.s32 $0xFFFFC000  }
0x183: {  	_ =	swait.ge [sflag:s5], $0x4000  }
0x184: {  	[sflag:s5] =	ssyncset.done $0x0  }
0x185: {  	[sflag:s5] =	ssyncadd.s32 $0xFFFFC000  }
0x186: {  	_ =	swait.ge [sflag:s5], $0x4000  }
0x187: {  	[sflag:s5] =	ssyncset.done $0x0  }
0x188: {  	[sflag:s5] =	ssyncadd.s32 $0xFFFFC000  }
0x189: {  	_ =	sfence.sel $0x180000  }
0x18a: {  	[bflag:$0x0] =	sbarrier.arrive $0xFFFF  }
0x18b: {  	_ =	strace $0x9000004D  }
0x18c: {  	s31 =	stileid.u32;
	[bflag:$0x2] =	sbarrier.arrive $0xFFFF  }
0x18d: {  	p0 =	sne.s32 s31, $0x0;
	s0 =	rddreg [dreg:$0x19]  }
0x18e: {  	s0 =	sadd.s32 @!p0 $0x100000, s0  }
0x18f: {  	[sflag:s0] =	ssyncadd.tile.s32 @!p0 $0x1;
	_ =	shalt  }
.Lfunc_end3:
_tile_overlayer_lowered:
.L_overlay_start_3:
0x190: {  	(tag) =	ssettag $0x3  }
0x191: {  	s0 =	rddreg [dreg:$0x0];
	s2 =	stileid.u32  }
0x192: {  	s1 =	rddreg [dreg:$0x1];
	p0 =	sne.s32 s2, $0x0  }
0x193: {  	s3 =	rddreg [dreg:$0x2];
	[bflag:$0x3] =	sbarrier.arrive $0xFFFF;
	s2 =	simm.s32 @!p0 $0x1C04  }
0x194: {  	[timem:s3], [sflag:s2] =	dma.local @!p0 [hbm:s0], s1  }
0x195: {  	s0 =	simm.s32 @!p0 $0x4  }
0x196: {  	_ =	swait.ge @!p0 [sflag:s0], s1  }
0x197: {  	s1 =	ssub.s32 @!p0 $0x0, s1;
	[sflag:s0] =	ssyncset.done @!p0 $0x0  }
0x198: {  	[sflag:s0] =	ssyncadd.s32 @!p0 s1  }
0x199: {  	[bflag:$0x3] =	sbarrier.arrive $0xFFFF  }
0x19a: {  	_ =	shalt  }

// kernel: kernel.19.cloned.1.call-start
scs
__scs_entry_jumppad:
0x0: {  	(pc) =	sbr.rel $0x88, $3  }
0x1: {  	(tag) =	ssettag $0x0;
	lr =	simm.s32 $0x1  }
0x2: {  	[smem:$0x3F8C] =	sst lr;
	_ =	strace $0xD0000000  }
0x3: {  	_ = 	snop  }
0x4: {  	_ = 	snop  }
0x5: {  	_ = 	snop  }
0x6: {  	_ = 	snop  }
0x7: {  	_ = 	snop  }
__scs_overlays_trampoline_lowered:
0x8: {  	[smem:$0x3F9B] =	sst s0  }
0x9: {  	[smem:$0x3F9C] =	sst s1  }
0xa: {  	[smem:$0x3F9D] =	sst s2  }
0xb: {  	[smem:$0x3F9E] =	sst s3  }
0xc: {  	[smem:$0x3F9F] =	sst s4  }
0xd: {  	[smem:$0x3FA0] =	sst s5  }
0xe: {  	[smem:$0x3FA1] =	sst s6  }
0xf: {  	[smem:$0x3FA2] =	sst s7  }
0x10: {  	[smem:$0x3FA3] =	sst s8  }
0x11: {  	[smem:$0x3FA4] =	sst s9;
	s0 =	simm.s32 @!p0 $0x0  }
0x12: {  	s1 =	sld [smem:$0x3F8A];
	s0 =	simm.s32 @p0 $0x1  }
0x13: {  	[smem:$0x3FA5] =	sst s0;
	s0 =	simm.s32 @!p1 $0x0  }
0x14: {  	s2 =	sld [smem:$0x3F89];
	s0 =	simm.s32 @p1 $0x1  }
0x15: {  	[smem:$0x3FA6] =	sst s0;
	s0 =	simm.s32 @!p2 $0x0  }
0x16: {  	s3 =	sld [smem:$0x3FDB];
	s0 =	simm.s32 @p2 $0x1  }
0x17: {  	s4 =	simm.s32 $0x1BF5;
	[smem:$0x3FA8] =	sst s0  }
0x18: {  	s0 =	sld [smem:$0x3F8B];
	_ =	swait.ge [sflag:s4], $0x0  }
0x19: {  	s7 =	sld [smem:$0x3F8C]  }
0x1a: {  	s8 =	sadd.s32 $0xFFFFE003, lr  }
0x1b: {  	s9 =	sadd.s32 $0xFFFFFEF7, lr;
	s5 =	simm.s32 $0xFFFFFFFF;
	p2 =	slt.u32 s8, $0xFFFFF086  }
0x1c: {  	p1 =	slt.u32 s9, $0xF7A;
	s5 =	simm.s32 @!p2 $0x0  }
0x1d: {  	s5 =	simm.s32 @p1 $0x1;
	p0 =	seq.s32 s7, s2  }
0x1e: {  	s7 =	smul.u32 @!p0 $0xF7A, s2;
	p2 =	seq.s32 @!p0 s5, $0x0  }
0x1f: {  	s9 =	smul.u32 $0xF7A, s1;
	s8 =	simm.s32 @!p0 $0x1BF5;
	p2 =	por !p2, p0  }
0x20: {  	[sflag:s8] =	ssyncset.s32 @!p0 $0xFFFFF086;
	s6 =	sadd.s32 @!p0 s3, s7;
	s7 =	simm.s32 @!p0 $0x108  }
0x21: {  	s3 =	sadd.s32 s3, s9;
	s6 =	sadd.s32 @!p0 $0x88, s6;
	s7 =	simm.s32 @p2 $0x1082  }
0x22: {  	[simem:s7], [sflag:s8] =	dma.local @!p0 [hbm:s6], $0xF7A  }
0x23: {  	s9 =	sor.u32 $0xD0000000, s2;
	s6 =	simm.s32 $0x108;
	_ =	swait.ge @!p0 [sflag:s8], $0x0  }
0x24: {  	s3 =	sadd.s32 $0x88, s3;
	s6 =	simm.s32 @!p1 $0x1082;
	[sflag:s4] =	ssyncset.s32 $0xFFFFF086  }
0x25: {  	[simem:s6], [sflag:s4] =	dma.local [hbm:s3], $0xF7A  }
0x26: {  	[smem:$0x3F8C] =	sst s1;
	(tag) =	ssettag s2;
	_ =	strace s9  }
0x27: {  	s1 =	sld [smem:$0x3F9C]  }
0x28: {  	s2 =	sld [smem:$0x3F9D]  }
0x29: {  	s4 =	sld [smem:$0x3F9F]  }
0x2a: {  	p0 =	seq.s32 s5, $0x0;
	s5 =	sld [smem:$0x3FA0]  }
0x2b: {  	s6 =	sld [smem:$0x3FA1]  }
0x2c: {  	s7 =	sld [smem:$0x3FA2]  }
0x2d: {  	s3 =	simm.s32 $0x108;
	s8 =	sld [smem:$0x3FA3]  }
0x2e: {  	s3 =	simm.s32 @!p0 $0x1082;
	s9 =	sld [smem:$0x3FA4]  }
0x2f: {  	lr =	sadd.s32 s0, s3;
	s0 =	sld [smem:$0x3F9B]  }
0x30: {  	s3 =	sld [smem:$0x3F9E]  }
0x31: {  	[smem:$0x3FA7] =	sst s10  }
0x32: {  	s10 =	sld [smem:$0x3FA5];
	_ =	sdelay $0x3  }
0x33: {  	p0 =	seq.s32 s10, $0x1;
	s10 =	sld [smem:$0x3FA7];
	_ =	sdelay $0x3  }
0x34: {  	[smem:$0x3FA7] =	sst s10  }
0x35: {  	s10 =	sld [smem:$0x3FA6];
	_ =	sdelay $0x3  }
0x36: {  	p1 =	seq.s32 s10, $0x1;
	s10 =	sld [smem:$0x3FA7];
	_ =	sdelay $0x3  }
0x37: {  	[smem:$0x3FA7] =	sst s10  }
0x38: {  	s10 =	sld [smem:$0x3FA8]  }
0x39: {  	_ = 	snop;
	(pc) =	sbr.ind lr, $3  }
0x3a: {  	_ = 	snop  }
0x3b: {  	_ = 	snop  }
0x3c: {  	p2 =	seq.s32 s10, $0x1;
	s10 =	sld [smem:$0x3FA7]  }
0x3d: {  	_ =	shalt  }
0x3e: {  	_ =	shalt  }
0x3f: {  	_ =	shalt  }
0x40: {  	_ =	shalt  }
0x41: {  	_ =	shalt  }
0x42: {  	_ =	shalt  }
0x43: {  	_ =	shalt  }
0x44: {  	_ =	shalt  }
0x45: {  	_ =	shalt  }
0x46: {  	_ =	shalt  }
0x47: {  	_ =	shalt  }
0x48: {  	_ =	shalt  }
0x49: {  	_ =	shalt  }
0x4a: {  	_ =	shalt  }
0x4b: {  	_ =	shalt  }
0x4c: {  	_ =	shalt  }
0x4d: {  	_ =	shalt  }
0x4e: {  	_ =	shalt  }
0x4f: {  	_ =	shalt  }
0x50: {  	_ =	shalt  }
0x51: {  	_ =	shalt  }
0x52: {  	_ =	shalt  }
0x53: {  	_ =	shalt  }
0x54: {  	_ =	shalt  }
0x55: {  	_ =	shalt  }
0x56: {  	_ =	shalt  }
0x57: {  	_ =	shalt  }
0x58: {  	_ =	shalt  }
0x59: {  	_ =	shalt  }
0x5a: {  	_ =	shalt  }
0x5b: {  	_ =	shalt  }
0x5c: {  	_ =	shalt  }
0x5d: {  	_ =	shalt  }
0x5e: {  	_ =	shalt  }
0x5f: {  	_ =	shalt  }
0x60: {  	_ =	shalt  }
0x61: {  	_ =	shalt  }
0x62: {  	_ =	shalt  }
0x63: {  	_ =	shalt  }
0x64: {  	_ =	shalt  }
0x65: {  	_ =	shalt  }
0x66: {  	_ =	shalt  }
0x67: {  	_ =	shalt  }
0x68: {  	_ =	shalt  }
0x69: {  	_ =	shalt  }
0x6a: {  	_ =	shalt  }
0x6b: {  	_ =	shalt  }
0x6c: {  	_ =	shalt  }
0x6d: {  	_ =	shalt  }
0x6e: {  	_ =	shalt  }
0x6f: {  	_ =	shalt  }
0x70: {  	_ =	shalt  }
0x71: {  	_ =	shalt  }
0x72: {  	_ =	shalt  }
0x73: {  	_ =	shalt  }
0x74: {  	_ =	shalt  }
0x75: {  	_ =	shalt  }
0x76: {  	_ =	shalt  }
0x77: {  	_ =	shalt  }
0x78: {  	_ =	shalt  }
0x79: {  	_ =	shalt  }
0x7a: {  	_ =	shalt  }
0x7b: {  	_ =	shalt  }
0x7c: {  	_ =	shalt  }
0x7d: {  	_ =	shalt  }
0x7e: {  	_ =	shalt  }
0x7f: {  	_ =	shalt  }
0x80: {  	_ =	shalt  }
0x81: {  	_ =	shalt  }
0x82: {  	_ =	shalt  }
0x83: {  	_ =	shalt  }
0x84: {  	_ =	shalt  }
0x85: {  	_ =	shalt  }
0x86: {  	_ =	shalt  }
0x87: {  	_ =	shalt  }
.Lfunc_end0:
.L_simem_size_0:
called_computation.3_lowered:
.L_overlay_start_0:
0x88: {  	s2 =	sld [smem:$0x3FD9]  }
0x89: {  	s3 =	sld [smem:$0x3FFE];
	_ =	sdelay $0x1  }
0x8a: {  	s1 =	srdreg.scid  }
0x8b: {  	s0 =	sand.u32 $0x1, s1  }
0x8c: {  	s23 =	sshll.u32 s0, $0xA;
	s2 =	sadd.s32 s3, s2  }
0x8d: {  	s2 =	sadd.s32 s2, s23  }
0x8e: {  	[smem:$0x3FB3] =	sst s2  }
0x8f: {  	_ = 	snop  }
0x90: {  	s2 =	sld [smem:$0x3FC9]  }
0x91: {  	s3 =	sld [smem:$0x3FC8]  }
0x92: {  	s4 =	sld [smem:$0x3FC7]  }
0x93: {  	s5 =	sld [smem:$0x3FC6]  }
0x94: {  	s6 =	sld [smem:$0x3FC5]  }
0x95: {  	s7 =	sld [smem:$0x3FC4]  }
0x96: {  	s8 =	sld [smem:$0x3FC3]  }
0x97: {  	s9 =	sld [smem:$0x3FC2]  }
0x98: {  	s10 =	sld [smem:$0x3FC0]  }
0x99: {  	s11 =	sld [smem:$0x3FBF]  }
0x9a: {  	s12 =	sld [smem:$0x3FBE]  }
0x9b: {  	s13 =	sld [smem:$0x3FBD]  }
0x9c: {  	s14 =	sld [smem:$0x3FBC]  }
0x9d: {  	s15 =	sld [smem:$0x3FBB]  }
0x9e: {  	s17 =	sld [smem:$0x3FBA]  }
0x9f: {  	s18 =	sld [smem:$0x3FB9];
	(tm) =	ssettm $0x1  }
0xa0: {  	s16 =	sld [smem:$0x3FFB];
	_ =	sdelay $0x3  }
0xa1: {  	_ =	strace s16  }
0xa2: {  	s16 =	sld [smem:$0x3FFC];
	_ =	sdelay $0x3  }
0xa3: {  	_ =	strace s16  }
0xa4: {  	s16 =	sld [smem:$0x3FFD];
	_ =	sdelay $0x3  }
0xa5: {  	_ =	strace s16  }
0xa6: {  	_ =	strace $0x8FFFFFFF  }
0xa7: {  	s24 =	sld [smem:$0x3FDB];
	_ =	sdelay $0x1  }
0xa8: {  	s19 =	simm.s32 $_scs_section_size  }
0xa9: {  	s20 =	simm.s32 $_size__tile_task_arg_handler_lowered;
	s21 =	simm.s32 $_tile_task_arg_handler_lowered  }
0xaa: {  	s28 =	simm.s32 $0x1BFF;
	s26 =	sshll.u32 s21, $0x1;
	s19 =	sadd.s32 s19, s24  }
0xab: {  	s22 =	simm.s32 $0x60;
	s25 =	sshll.u32 s20, $0x1;
	s20 =	sadd.s32 s26, s19  }
0xac: {  	[timem:s22], [sflag:s28] =	dma.local [hbm:s20], s25  }
0xad: {  	_ =	swait.ge [sflag:s28], s25  }
0xae: {  	s29 =	simm.s32 $_tile_overlayer_lowered;
	s16 =	ssub.s32 $0x0, s25;
	[sflag:s28] =	ssyncset.done $0x0  }
0xaf: {  	s30 =	simm.s32 $_size__tile_overlayer_lowered;
	s20 =	sshll.u32 s29, $0x1;
	[sflag:s28] =	ssyncadd.s32 s16  }
0xb0: {  	s31 =	sshll.u32 s30, $0x1;
	s20 =	sadd.s32 s20, s19;
	s16 =	simm.s32 $0x0  }
0xb1: {  	[timem:s16], [sflag:s28] =	dma.local [hbm:s20], s31  }
0xb2: {  	_ =	swait.ge [sflag:s28], s31  }
0xb3: {  	s22 =	ssub.s32 $0x0, s31;
	[sflag:s28] =	ssyncset.done $0x0  }
0xb4: {  	[sflag:s28] =	ssyncadd.s32 s22;
	_ =	sdelay $0x1  }
0xb5: {  	s23 =	simm.s32 $0x1B8B  }
0xb6: {  	_ =	swait.ge [sflag:s23], $0x1  }
0xb7: {  	[sflag:s23] =	ssyncset.done $0x0  }
0xb8: {  	[sflag:s23] =	ssyncadd.s32 $0xFFFFFFFF  }
0xb9: {  	s20 =	sld [smem:$0x0]  }
0xba: {  	s21 =	sand.u32 $0xFFFFFFFE, s1  }
0xbb: {  	p0 =	sne.s32 s1, s21  }
0xbc: {  	s21 =	sshll.u32 @p0 s21, $0xE  }
0xbd: {  	s21 =	sadd.s32 @p0 $0x11B8D, s21;
	s22 =	sshll.u32 @p0 s20, $0x11  }
0xbe: {  	s21 =	sor.u32 @p0 s22, s21  }
0xbf: {  	[sflag:s21] =	ssyncadd.remote.s32 @p0 $0x1;
	_ =	sdelay $0x1  }
0xc0: {  	s21 =	simm.s32 @p0 $0x1B8D  }
0xc1: {  	_ =	swait.eq @p0 [sflag:s21], $0x1  }
0xc2: {  	[sflag:s21] =	ssyncadd.s32 @p0 $0xFFFFFFFF  }
0xc3: {  	s22 =	sshll.u32 @!p0 s1, $0xE  }
0xc4: {  	s22 =	sor.u32 @!p0 $0x4000, s22;
	s21 =	simm.s32 @!p0 $0x1B8D  }
0xc5: {  	s20 =	sshll.u32 @!p0 s20, $0x11;
	s22 =	sadd.s32 @!p0 $0x11B8D, s22;
	_ =	swait.eq @!p0 [sflag:s21], $0x1  }
0xc6: {  	s20 =	sor.u32 @!p0 s20, s22;
	[sflag:s21] =	ssyncadd.s32 @!p0 $0xFFFFFFFF  }
0xc7: {  	s25 =	simm.s32 $0x1B8E;
	s24 =	sld [smem:$0x3FFE];
	[sflag:s20] =	ssyncadd.remote.s32 @!p0 $0x1  }
0xc8: {  	s26 =	simm.s32 $execute0_lowered;
	[smem:$0x3FD2] =	sst s25  }
0xc9: {  	s21 =	sshll.u32 s26, $0x1;
	_ =	strace $0x8000004F;
	[dreg:$0x1] =	wrdreg $0xFFFFFFFF  }
0xca: {  	s28 =	simm.s32 $_size_execute0_lowered;
	s19 =	sadd.s32 s19, s21;
	[dreg:$0x0] =	wrdreg $0x0  }
0xcb: {  	s21 =	sshll.u32 s28, $0x1;
	[dreg:$0x2] =	wrdreg s19  }
0xcc: {  	[dreg:$0x3] =	wrdreg s21  }
0xcd: {  	[dreg:$0x4] =	wrdreg $0xC0  }
0xce: {  	_ =	task [dreg:s16], $0x5FFFF  }
0xcf: {  	[dreg:$0x1] =	wrdreg $0xFFFFFFFF  }
0xd0: {  	[dreg:$0x0] =	wrdreg $0x30  }
0xd1: {  	[dreg:$0x2] =	wrdreg $0x0  }
0xd2: {  	[dreg:$0x3] =	wrdreg s17  }
0xd3: {  	[dreg:$0x4] =	wrdreg s18  }
0xd4: {  	[dreg:$0x5] =	wrdreg s24  }
0xd5: {  	[dreg:$0x6] =	wrdreg $0xC  }
0xd6: {  	_ =	task [dreg:s16], $0x7FFFF  }
0xd7: {  	[dreg:$0x1] =	wrdreg $0xFFFFFFFF  }
0xd8: {  	[dreg:$0x0] =	wrdreg $0x60  }
0xd9: {  	[dreg:$0x2] =	wrdreg s2  }
0xda: {  	[dreg:$0x3] =	wrdreg s3  }
0xdb: {  	[dreg:$0x4] =	wrdreg s4  }
0xdc: {  	[dreg:$0x5] =	wrdreg s5  }
0xdd: {  	[dreg:$0x6] =	wrdreg s6  }
0xde: {  	[dreg:$0x7] =	wrdreg s7  }
0xdf: {  	[dreg:$0x8] =	wrdreg s8  }
0xe0: {  	[dreg:$0x9] =	wrdreg s9  }
0xe1: {  	[dreg:$0xa] =	wrdreg s10  }
0xe2: {  	[dreg:$0xb] =	wrdreg s11  }
0xe3: {  	[dreg:$0xc] =	wrdreg s12  }
0xe4: {  	[dreg:$0xd] =	wrdreg s13  }
0xe5: {  	[dreg:$0xe] =	wrdreg s14  }
0xe6: {  	[dreg:$0xf] =	wrdreg s15  }
0xe7: {  	_ =	task.clear_ibuf [dreg:s16], $0x10FFFF;
	_ =	strace $0x9000004F  }
0xe8: {  	s29 =	simm.s32 $0xC;
	_ =	strace $0x80000051  }
0xe9: {  	_ =	swait.ge [sflag:s29], $0x1  }
0xea: {  	[sflag:s29] =	ssyncadd.s32 $0xFFFFFFFF  }
0xeb: {  	_ =	strace $0x90000051  }
0xec: {  	_ =	sfence  }
0xed: {  	s30 =	sld [smem:$0x0];
	_ =	sdelay $0x2  }
0xee: {  	s31 =	sshll.u32 s1, $0xD;
	s1 =	sshrl.u32 s1, $0x2  }
0xef: {  	s3 =	sand.u32 $0x4000, s31;
	s1 =	sadd.s32 s1, s30  }
0xf0: {  	s0 =	sor.u32 s3, s0;
	s1 =	sshll.u32 s1, $0x11  }
0xf1: {  	s0 =	sor.u32 s1, s0  }
0xf2: {  	s0 =	sadd.s32 $0x8F2B, s0  }
0xf3: {  	[sflag:s0] =	ssyncadd.remote.s32 $0x1  }
0xf4: {  	_ =	sfence.sel $0xFFFF  }
0xf5: {  	[dreg:$0x0] =	wrdreg $0xFFFFFFFF;
	(pc) =	sbr.abs _section_cstart, $3  }
0xf6: {  	[dreg:$0x1] =	wrdreg $0xFFFFFFFF  }
0xf7: {  	_ =	task.clear_ibuf [dreg:s16], $0x2FFFF;
	_ =	strace $0x9FFFFFFF  }
0xf8: {  	(tm) =	ssettm $0x7FFFFFFF  }
0xf9: {  	_ =	shalt  }
tec
_tile_task_arg_handler_lowered:
.L_overlay_start_1:
0x0: {  	(tag) =	ssettag $0x1  }
0x1: {  	s0 =	rddreg [dreg:$0x0]  }
0x2: {  	s1 =	rddreg [dreg:$0x1]  }
0x3: {  	s2 =	rddreg [dreg:$0x2]  }
0x4: {  	s3 =	rddreg [dreg:$0x3]  }
0x5: {  	s4 =	rddreg [dreg:$0x4]  }
0x6: {  	s5 =	rddreg [dreg:$0x5]  }
0x7: {  	s6 =	rddreg [dreg:$0x6]  }
0x8: {  	s7 =	rddreg [dreg:$0x7]  }
0x9: {  	s8 =	rddreg [dreg:$0x8]  }
0xa: {  	s9 =	rddreg [dreg:$0x9]  }
0xb: {  	s10 =	rddreg [dreg:$0xa]  }
0xc: {  	s11 =	rddreg [dreg:$0xb]  }
0xd: {  	s12 =	rddreg [dreg:$0xc]  }
0xe: {  	s13 =	rddreg [dreg:$0xd]  }
0xf: {  	[smem:s0] =	sst s1  }
0x10: {  	[smem:s0+$0x1] =	sst s2  }
0x11: {  	[smem:s0+$0x2] =	sst s3  }
0x12: {  	[smem:s0+$0x3] =	sst s4  }
0x13: {  	[smem:s0+$0x4] =	sst s5  }
0x14: {  	[smem:s0+$0x5] =	sst s6  }
0x15: {  	[smem:s0+$0x6] =	sst s7  }
0x16: {  	[smem:s0+$0x7] =	sst s8  }
0x17: {  	[smem:s0+$0x8] =	sst s9  }
0x18: {  	[smem:s0+$0x9] =	sst s10  }
0x19: {  	[smem:s0+$0xA] =	sst s11  }
0x1a: {  	[smem:s0+$0xB] =	sst s12  }
0x1b: {  	[smem:s0+$0xC] =	sst s13;
	_ =	shalt  }
.Lfunc_end2:
execute0_lowered:
.L_overlay_start_2:
0x1c: {  	(tag) =	ssettag $0x2  }
0x1d: {  	s0 =	rddreg [dreg:$0x0]  }
0x1e: {  	s1 =	rddreg [dreg:$0x1]  }
0x1f: {  	s2 =	rddreg [dreg:$0x2]  }
0x20: {  	s3 =	rddreg [dreg:$0x3]  }
0x21: {  	s4 =	rddreg [dreg:$0x4]  }
0x22: {  	s5 =	rddreg [dreg:$0x5]  }
0x23: {  	s6 =	rddreg [dreg:$0x6]  }
0x24: {  	s7 =	rddreg [dreg:$0x7]  }
0x25: {  	s8 =	rddreg [dreg:$0x8]  }
0x26: {  	s14 =	rddreg [dreg:$0x9]  }
0x27: {  	s15 =	rddreg [dreg:$0xa]  }
0x28: {  	s16 =	rddreg [dreg:$0xb]  }
0x29: {  	s17 =	rddreg [dreg:$0xc]  }
0x2a: {  	s18 =	rddreg [dreg:$0xd]  }
0x2b: {  	[dreg:$0xe] =	wrdreg s8  }
0x2c: {  	[dreg:$0xf] =	wrdreg s14  }
0x2d: {  	[dreg:$0x10] =	wrdreg s15  }
0x2e: {  	[dreg:$0x11] =	wrdreg s16  }
0x2f: {  	[dreg:$0x12] =	wrdreg s17  }
0x30: {  	s10 =	simm.s32 $0x0;
	[dreg:$0x13] =	wrdreg s18  }
0x31: {  	s11 =	srdreg.scid;
	[smem:$0x7FF] =	sst s10  }
0x32: {  	s12 =	stileid.u32;
	s19 =	sld [smem:$0x0]  }
0x33: {  	p0 =	por $0x0, $0x0;
	s20 =	sand.u32 $0x1, s11;
	s9 =	sld [smem:$0x1]  }
0x34: {  	s21 =	sshll.u32 s12, $0x1;
	s11 =	simm.s32 $0x80;
	s23 =	sld [smem:$0x2]  }
0x35: {  	s17 =	simm.s32 $0x380;
	s22 =	sor.u32 s20, s21;
	s13 =	sld [smem:$0x3]  }
0x36: {  	s8 =	ssub.s32 $0x2, s20;
	s21 =	simm.s32 $0x280;
	[dreg:$0x14] =	wrdreg s19  }
0x37: {  	s24 =	sshll.u32 s22, $0x4;
	s26 =	sshrl.u32 s8, $0x1;
	[dreg:$0x15] =	wrdreg s9  }
0x38: {  	s12 =	sor.u32 $0x600, s24;
	s24 =	simm.s32 $0x180;
	[dreg:$0x19] =	wrdreg s13  }
0x39: {  	s9 =	sshll.u32 s22, $0xE;
	s0 =	sadd.s32 s0, s12;
	s25 =	sadd.s32 s1, s12  }
0x3a: {  	s13 =	sadd.s32 s2, s12;
	s1 =	ssub.s32 s8, s26;
	s26 =	sadd.s32 s3, s12  }
0x3b: {  	s28 =	sadd.s32 s4, s12;
	s29 =	sadd.s32 s5, s12;
	s30 =	sadd.s32 s6, s12  }
0x3c: {  	s31 =	sadd.s32 s7, s12;
	s22 =	simm.s32 $0x200;
	s19 =	simm.s32 $0x300  }
0x3d: {  	s7 =	simm.s32 $0x400;
	_ =	strace $0x80000050;
	[dreg:$0x16] =	wrdreg s0  }
0x3e: {  	s12 =	simm.s32 $0x2;
	s5 =	simm.s32 $0x3;
	[dreg:$0x17] =	wrdreg s25  }
0x3f: {  	s14 =	sadd.s32 s9, s23;
	[dreg:$0x18] =	wrdreg s13;
	s15 =	smax.u32 s1, $0x1  }
0x40: {  	s23 =	simm.s32 $0x100;
	s20 =	sadd.s32 $0x181E00, s14;
	p1 =	sne.s32 s15, $0x1  }
.Ltmp0:
0x41: {  	s9 =	simm.s32 $0xC400;
	s18 =	sadd.s32 $0x181E80, s14;
	(pc) =	sbr.rel @!p1 .LBB3_3-.Ltmp0, $4  }
0x42: {  	s25 =	simm.s32 $0x1;
	s16 =	sadd.s32 $0x181F00, s14;
	s8 =	sadd.s32 $0x181F80, s14  }
0x43: {  	s13 =	simm.s32 $0x2000;
	s6 =	sadd.s32 $0x182000, s14;
	s4 =	sadd.s32 $0x182080, s14  }
0x44: {  	s3 =	sadd.s32 $0x182100, s14;
	s2 =	sadd.s32 $0x182180, s14;
	s0 =	sadd.s32 $0xFFFFFFFF, s15  }
0x45: {  	s15 =	simm.s32 $0x4400;
	s14 =	simm.s32 $0x8400;
	s1 =	rddreg [dreg:$0x16]  }
0x46: {  	[dreg:$0x1a] =	wrdreg s0  }
0x47: {  	[tilespmem:s10], [sflag:$0x1] =	stream.linear.gather [hbm4b:s1+s10], $0x80, $0x38;
	[tilespmem:$0x10400] =	vst v63  }
0x48: {  	s0 =	rddreg [dreg:$0x17]  }
0x49: {  	[tilespmem:s11], [sflag:$0x1] =	stream.linear.gather [hbm4b:s0+s10], $0x80, $0x38;
	[tilespmem:$0x10400] =	vst v63  }
0x4a: {  	s1 =	rddreg [dreg:$0x18]  }
0x4b: {  	[tilespmem:s23], [sflag:$0x1] =	stream.linear.gather [hbm4b:s1+s10], $0x80, $0x38;
	[tilespmem:$0x10400] =	vst v63  }
0x4c: {  	_ = 	snop  }
0x4d: {  	[tilespmem:s24], [sflag:$0x1] =	stream.linear.gather [hbm4b:s26+s10], $0x80, $0x38;
	[tilespmem:$0x10400] =	vst v63  }
0x4e: {  	_ = 	snop  }
0x4f: {  	[tilespmem:s22], [sflag:$0x1] =	stream.linear.gather [hbm4b:s28+s10], $0x80, $0x38;
	[tilespmem:$0x10400] =	vst v63  }
0x50: {  	_ = 	snop  }
0x51: {  	[tilespmem:s21], [sflag:$0x1] =	stream.linear.gather [hbm4b:s29+s10], $0x80, $0x38;
	[tilespmem:$0x10400] =	vst v63  }
0x52: {  	_ = 	snop  }
0x53: {  	[tilespmem:s19], [sflag:$0x1] =	stream.linear.gather [hbm4b:s30+s10], $0x80, $0x38;
	[tilespmem:$0x10400] =	vst v63  }
0x54: {  	_ = 	snop  }
0x55: {  	[tilespmem:s17], [sflag:$0x1] =	stream.linear.gather [hbm4b:s31+s10], $0x80, $0x38;
	[tilespmem:$0x10400] =	vst v63  }
0x56: {  	_ =	swait.ge [sflag:s25], $0x80  }
0x57: {  	[sflag:s25] =	ssyncset.done $0x0  }
0x58: {  	[sflag:s25] =	ssyncadd.s32 $0xFFFFFF80  }
0x59: {  	_ =	swait.ge [sflag:s25], $0x80  }
0x5a: {  	[sflag:s25] =	ssyncset.done $0x0  }
0x5b: {  	[sflag:s25] =	ssyncadd.s32 $0xFFFFFF80  }
0x5c: {  	_ =	swait.ge [sflag:s25], $0x80  }
0x5d: {  	[sflag:s25] =	ssyncset.done $0x0  }
0x5e: {  	[sflag:s25] =	ssyncadd.s32 $0xFFFFFF80  }
0x5f: {  	_ =	swait.ge [sflag:s25], $0x80  }
0x60: {  	[sflag:s25] =	ssyncset.done $0x0  }
0x61: {  	[sflag:s25] =	ssyncadd.s32 $0xFFFFFF80  }
0x62: {  	_ =	swait.ge [sflag:s25], $0x80  }
0x63: {  	[sflag:s25] =	ssyncset.done $0x0  }
0x64: {  	[sflag:s25] =	ssyncadd.s32 $0xFFFFFF80  }
0x65: {  	_ =	swait.ge [sflag:s25], $0x80  }
0x66: {  	[sflag:s25] =	ssyncset.done $0x0  }
0x67: {  	[sflag:s25] =	ssyncadd.s32 $0xFFFFFF80  }
0x68: {  	_ =	swait.ge [sflag:s25], $0x80  }
0x69: {  	[sflag:s25] =	ssyncset.done $0x0  }
0x6a: {  	[sflag:s25] =	ssyncadd.s32 $0xFFFFFF80  }
0x6b: {  	_ =	swait.ge [sflag:s25], $0x80  }
0x6c: {  	[sflag:s25] =	ssyncset.done $0x0  }
0x6d: {  	s0 =	rddreg [dreg:$0xe];
	[sflag:s25] =	ssyncadd.s32 $0xFFFFFF80  }
0x6e: {  	[tilespmem:s7], [sflag:$0x2] =	stream.indirect.gather [hbm4b:s0+s11], $0x80, s10, s11, $0xb8;
	[tilespmem:$0x10400] =	vst v63  }
0x6f: {  	s1 =	rddreg [dreg:$0xf]  }
0x70: {  	[tilespmem:s15], [sflag:$0x2] =	stream.indirect.gather [hbm4b:s1+s11], $0x80, s11, s11, $0xb8;
	[tilespmem:$0x10400] =	vst v63  }
0x71: {  	s0 =	rddreg [dreg:$0x10]  }
0x72: {  	[tilespmem:s14], [sflag:$0x2] =	stream.indirect.gather [hbm4b:s0+s11], $0x80, s23, s11, $0xb8;
	[tilespmem:$0x10400] =	vst v63  }
0x73: {  	s1 =	rddreg [dreg:$0x11]  }
0x74: {  	[tilespmem:s9], [sflag:$0x2] =	stream.indirect.gather [hbm4b:s1+s11], $0x80, s24, s11, $0xb8;
	[tilespmem:$0x10400] =	vst v63  }
0x75: {  	_ =	swait.ge [sflag:s12], $0x4000  }
0x76: {  	[sflag:s12] =	ssyncset.done $0x0  }
0x77: {  	[sflag:s12] =	ssyncadd.s32 $0xFFFFC000  }
0x78: {  	[hbm4b:s20+s7] =	stream.strided.scatter [tilespmem:s7], [sflag:$0x3], $0x4000, s13, s7, $0x38;
	[tilespmem:$0x10400] =	vst v63  }
0x79: {  	_ =	swait.ge [sflag:s5], $0x4000  }
0x7a: {  	[sflag:s5] =	ssyncset.done $0x0  }
0x7b: {  	s1 =	rddreg [dreg:$0x12];
	[sflag:s5] =	ssyncadd.s32 $0xFFFFC000  }
0x7c: {  	[tilespmem:s7], [sflag:$0x2] =	stream.indirect.gather [hbm4b:s1+s11], $0x80, s22, s11, $0xb8;
	[tilespmem:$0x10400] =	vst v63  }
0x7d: {  	_ =	swait.ge [sflag:s12], $0x4000  }
0x7e: {  	[sflag:s12] =	ssyncset.done $0x0  }
0x7f: {  	[sflag:s12] =	ssyncadd.s32 $0xFFFFC000  }
0x80: {  	[hbm4b:s18+s7] =	stream.strided.scatter [tilespmem:s15], [sflag:$0x3], $0x4000, s13, s7, $0x38;
	[tilespmem:$0x10400] =	vst v63  }
0x81: {  	_ =	swait.ge [sflag:s5], $0x4000  }
0x82: {  	[sflag:s5] =	ssyncset.done $0x0  }
0x83: {  	s1 =	rddreg [dreg:$0x13];
	[sflag:s5] =	ssyncadd.s32 $0xFFFFC000  }
0x84: {  	[tilespmem:s15], [sflag:$0x2] =	stream.indirect.gather [hbm4b:s1+s11], $0x80, s21, s11, $0xb8;
	[tilespmem:$0x10400] =	vst v63  }
0x85: {  	_ =	swait.ge [sflag:s12], $0x4000  }
0x86: {  	[sflag:s12] =	ssyncset.done $0x0  }
0x87: {  	[sflag:s12] =	ssyncadd.s32 $0xFFFFC000  }
0x88: {  	[hbm4b:s16+s7] =	stream.strided.scatter [tilespmem:s14], [sflag:$0x3], $0x4000, s13, s7, $0x38;
	[tilespmem:$0x10400] =	vst v63  }
0x89: {  	_ =	swait.ge [sflag:s5], $0x4000  }
0x8a: {  	[sflag:s5] =	ssyncset.done $0x0  }
0x8b: {  	s1 =	rddreg [dreg:$0x14];
	[sflag:s5] =	ssyncadd.s32 $0xFFFFC000  }
0x8c: {  	[tilespmem:s14], [sflag:$0x2] =	stream.indirect.gather [hbm4b:s1+s11], $0x80, s19, s11, $0xb8;
	[tilespmem:$0x10400] =	vst v63  }
0x8d: {  	_ =	swait.ge [sflag:s12], $0x4000  }
0x8e: {  	[sflag:s12] =	ssyncset.done $0x0  }
0x8f: {  	[sflag:s12] =	ssyncadd.s32 $0xFFFFC000  }
0x90: {  	[hbm4b:s8+s7] =	stream.strided.scatter [tilespmem:s9], [sflag:$0x3], $0x4000, s13, s7, $0x38;
	[tilespmem:$0x10400] =	vst v63  }
0x91: {  	_ =	swait.ge [sflag:s5], $0x4000  }
0x92: {  	[sflag:s5] =	ssyncset.done $0x0  }
0x93: {  	s1 =	rddreg [dreg:$0x15];
	[sflag:s5] =	ssyncadd.s32 $0xFFFFC000  }
0x94: {  	[tilespmem:s9], [sflag:$0x2] =	stream.indirect.gather [hbm4b:s1+s11], $0x80, s17, s11, $0xb8;
	[tilespmem:$0x10400] =	vst v63  }
0x95: {  	_ =	swait.ge [sflag:s12], $0x4000  }
0x96: {  	[sflag:s12] =	ssyncset.done $0x0  }
0x97: {  	[sflag:s12] =	ssyncadd.s32 $0xFFFFC000  }
0x98: {  	[hbm4b:s6+s7] =	stream.strided.scatter [tilespmem:s7], [sflag:$0x3], $0x4000, s13, s7, $0x38;
	[tilespmem:$0x10400] =	vst v63  }
0x99: {  	_ =	swait.ge [sflag:s12], $0x4000  }
0x9a: {  	[sflag:s12] =	ssyncset.done $0x0  }
0x9b: {  	[sflag:s12] =	ssyncadd.s32 $0xFFFFC000  }
0x9c: {  	[hbm4b:s4+s7] =	stream.strided.scatter [tilespmem:s15], [sflag:$0x3], $0x4000, s13, s7, $0x38;
	[tilespmem:$0x10400] =	vst v63  }
0x9d: {  	_ =	swait.ge [sflag:s12], $0x4000  }
0x9e: {  	[sflag:s12] =	ssyncset.done $0x0  }
0x9f: {  	[sflag:s12] =	ssyncadd.s32 $0xFFFFC000  }
0xa0: {  	[hbm4b:s3+s7] =	stream.strided.scatter [tilespmem:s14], [sflag:$0x3], $0x4000, s13, s7, $0x38;
	[tilespmem:$0x10400] =	vst v63  }
0xa1: {  	_ =	swait.ge [sflag:s12], $0x4000  }
0xa2: {  	[sflag:s12] =	ssyncset.done $0x0  }
0xa3: {  	[sflag:s12] =	ssyncadd.s32 $0xFFFFC000  }
0xa4: {  	[hbm4b:s2+s7] =	stream.strided.scatter [tilespmem:s9], [sflag:$0x3], $0x4000, s13, s7, $0x38;
	[tilespmem:$0x10400] =	vst v63  }
0xa5: {  	_ =	swait.ge [sflag:s5], $0x4000  }
0xa6: {  	[sflag:s5] =	ssyncset.done $0x0  }
0xa7: {  	[sflag:s5] =	ssyncadd.s32 $0xFFFFC000  }
0xa8: {  	_ =	swait.ge [sflag:s5], $0x4000  }
0xa9: {  	[sflag:s5] =	ssyncset.done $0x0  }
0xaa: {  	[sflag:s5] =	ssyncadd.s32 $0xFFFFC000  }
0xab: {  	_ =	swait.ge [sflag:s5], $0x4000  }
0xac: {  	s1 =	rddreg [dreg:$0x1a]  }
0xad: {  	p1 =	sne.s32 s1, $0x1  }
.Ltmp1:
0xae: {  	_ = 	snop;
	(pc) =	sbr.rel @!p1 .LBB3_3-.Ltmp1, $4  }
0xaf: {  	[sflag:s5] =	ssyncset.done $0x0  }
0xb0: {  	[sflag:s5] =	ssyncadd.s32 $0xFFFFC000  }
0xb1: {  	p0 =	por $0x1, $0x1;
	_ =	swait.ge [sflag:s5], $0x4000  }
0xb2: {  	s0 =	sadd.s32 $0xFFFFFFFF, s1;
	s1 =	rddreg [dreg:$0x16];
	[sflag:s5] =	ssyncset.done $0x0  }
.LBB3_2:
0xb3: {  	[sflag:s5] =	ssyncadd.s32 $0xFFFFC000;
	s17 =	smov.u32 s16  }
0xb4: {  	s16 =	smov.u32 s8;
	s8 =	smov.u32 s6;
	s6 =	smov.u32 s4  }
0xb5: {  	[tilespmem:s10], [sflag:$0x1] =	stream.linear.gather [hbm4b:s1+s10], $0x80, $0x38;
	[tilespmem:$0x10400] =	vst v63  }
0xb6: {  	s4 =	smov.u32 s3;
	s3 =	smov.u32 s2;
	s2 =	rddreg [dreg:$0x17]  }
0xb7: {  	[tilespmem:s11], [sflag:$0x1] =	stream.linear.gather [hbm4b:s2+s10], $0x80, $0x38;
	[tilespmem:$0x10400] =	vst v63  }
0xb8: {  	s24 =	simm.s32 $0x100;
	s1 =	rddreg [dreg:$0x18]  }
0xb9: {  	[tilespmem:s24], [sflag:$0x1] =	stream.linear.gather [hbm4b:s1+s10], $0x80, $0x38;
	[tilespmem:$0x10400] =	vst v63  }
0xba: {  	s24 =	simm.s32 $0x180  }
0xbb: {  	[tilespmem:s24], [sflag:$0x1] =	stream.linear.gather [hbm4b:s26+s10], $0x80, $0x38;
	[tilespmem:$0x10400] =	vst v63  }
0xbc: {  	s23 =	simm.s32 $0x200  }
0xbd: {  	[tilespmem:s23], [sflag:$0x1] =	stream.linear.gather [hbm4b:s28+s10], $0x80, $0x38;
	[tilespmem:$0x10400] =	vst v63  }
0xbe: {  	s22 =	simm.s32 $0x280  }
0xbf: {  	[tilespmem:s22], [sflag:$0x1] =	stream.linear.gather [hbm4b:s29+s10], $0x80, $0x38;
	[tilespmem:$0x10400] =	vst v63  }
0xc0: {  	s21 =	simm.s32 $0x300  }
0xc1: {  	[tilespmem:s21], [sflag:$0x1] =	stream.linear.gather [hbm4b:s30+s10], $0x80, $0x38;
	[tilespmem:$0x10400] =	vst v63  }
0xc2: {  	s19 =	simm.s32 $0x380  }
0xc3: {  	[tilespmem:s19], [sflag:$0x1] =	stream.linear.gather [hbm4b:s31+s10], $0x80, $0x38;
	[tilespmem:$0x10400] =	vst v63  }
0xc4: {  	_ =	swait.ge [sflag:s25], $0x80  }
0xc5: {  	[sflag:s25] =	ssyncset.done $0x0  }
0xc6: {  	[sflag:s25] =	ssyncadd.s32 $0xFFFFFF80  }
0xc7: {  	_ =	swait.ge [sflag:s25], $0x80  }
0xc8: {  	[sflag:s25] =	ssyncset.done $0x0  }
0xc9: {  	[sflag:s25] =	ssyncadd.s32 $0xFFFFFF80  }
0xca: {  	_ =	swait.ge [sflag:s25], $0x80  }
0xcb: {  	[sflag:s25] =	ssyncset.done $0x0  }
0xcc: {  	[sflag:s25] =	ssyncadd.s32 $0xFFFFFF80  }
0xcd: {  	_ =	swait.ge [sflag:s25], $0x80  }
0xce: {  	[sflag:s25] =	ssyncset.done $0x0  }
0xcf: {  	[sflag:s25] =	ssyncadd.s32 $0xFFFFFF80  }
0xd0: {  	_ =	swait.ge [sflag:s25], $0x80  }
0xd1: {  	[sflag:s25] =	ssyncset.done $0x0  }
0xd2: {  	[sflag:s25] =	ssyncadd.s32 $0xFFFFFF80  }
0xd3: {  	_ =	swait.ge [sflag:s25], $0x80  }
0xd4: {  	[sflag:s25] =	ssyncset.done $0x0  }
0xd5: {  	[sflag:s25] =	ssyncadd.s32 $0xFFFFFF80  }
0xd6: {  	_ =	swait.ge [sflag:s25], $0x80  }
0xd7: {  	[sflag:s25] =	ssyncset.done $0x0  }
0xd8: {  	[sflag:s25] =	ssyncadd.s32 $0xFFFFFF80  }
0xd9: {  	_ =	swait.ge [sflag:s25], $0x80  }
0xda: {  	[sflag:s25] =	ssyncset.done $0x0  }
0xdb: {  	s1 =	rddreg [dreg:$0xe];
	[sflag:s25] =	ssyncadd.s32 $0xFFFFFF80  }
0xdc: {  	[tilespmem:s7], [sflag:$0x2] =	stream.indirect.gather [hbm4b:s1+s11], $0x80, s10, s11, $0xb8;
	[tilespmem:$0x10400] =	vst v63  }
0xdd: {  	s2 =	rddreg [dreg:$0xf]  }
0xde: {  	[tilespmem:s15], [sflag:$0x2] =	stream.indirect.gather [hbm4b:s2+s11], $0x80, s11, s11, $0xb8;
	[tilespmem:$0x10400] =	vst v63  }
0xdf: {  	s23 =	simm.s32 $0x100;
	s1 =	rddreg [dreg:$0x10]  }
0xe0: {  	[tilespmem:s14], [sflag:$0x2] =	stream.indirect.gather [hbm4b:s1+s11], $0x80, s23, s11, $0xb8;
	[tilespmem:$0x10400] =	vst v63  }
0xe1: {  	s2 =	rddreg [dreg:$0x11]  }
0xe2: {  	[tilespmem:s9], [sflag:$0x2] =	stream.indirect.gather [hbm4b:s2+s11], $0x80, s24, s11, $0xb8;
	[tilespmem:$0x10400] =	vst v63  }
0xe3: {  	_ =	swait.ge [sflag:s12], $0x4000  }
0xe4: {  	[sflag:s12] =	ssyncset.done $0x0  }
0xe5: {  	[sflag:s12] =	ssyncadd.s32 $0xFFFFC000  }
0xe6: {  	[hbm4b:s20+s7] =	stream.strided.scatter [tilespmem:s7], [sflag:$0x3], $0x4000, s13, s7, $0x38;
	[tilespmem:$0x10400] =	vst v63  }
0xe7: {  	_ =	swait.ge [sflag:s5], $0x4000  }
0xe8: {  	[sflag:s5] =	ssyncset.done $0x0  }
0xe9: {  	s22 =	simm.s32 $0x200;
	s1 =	rddreg [dreg:$0x12];
	[sflag:s5] =	ssyncadd.s32 $0xFFFFC000  }
0xea: {  	[tilespmem:s7], [sflag:$0x2] =	stream.indirect.gather [hbm4b:s1+s11], $0x80, s22, s11, $0xb8;
	[tilespmem:$0x10400] =	vst v63  }
0xeb: {  	_ =	swait.ge [sflag:s12], $0x4000  }
0xec: {  	[sflag:s12] =	ssyncset.done $0x0  }
0xed: {  	[sflag:s12] =	ssyncadd.s32 $0xFFFFC000  }
0xee: {  	[hbm4b:s18+s7] =	stream.strided.scatter [tilespmem:s15], [sflag:$0x3], $0x4000, s13, s7, $0x38;
	[tilespmem:$0x10400] =	vst v63  }
0xef: {  	_ =	swait.ge [sflag:s5], $0x4000  }
0xf0: {  	[sflag:s5] =	ssyncset.done $0x0  }
0xf1: {  	s21 =	simm.s32 $0x280;
	s1 =	rddreg [dreg:$0x13];
	[sflag:s5] =	ssyncadd.s32 $0xFFFFC000  }
0xf2: {  	[tilespmem:s15], [sflag:$0x2] =	stream.indirect.gather [hbm4b:s1+s11], $0x80, s21, s11, $0xb8;
	[tilespmem:$0x10400] =	vst v63  }
0xf3: {  	s2 =	smov.u32 s3;
	s3 =	smov.u32 s4;
	_ =	swait.ge [sflag:s12], $0x4000  }
0xf4: {  	s4 =	smov.u32 s6;
	s6 =	smov.u32 s8;
	[sflag:s12] =	ssyncset.done $0x0  }
0xf5: {  	s8 =	smov.u32 s16;
	s16 =	smov.u32 s17;
	[sflag:s12] =	ssyncadd.s32 $0xFFFFC000  }
0xf6: {  	[hbm4b:s16+s7] =	stream.strided.scatter [tilespmem:s14], [sflag:$0x3], $0x4000, s13, s7, $0x38;
	[tilespmem:$0x10400] =	vst v63  }
0xf7: {  	_ =	swait.ge [sflag:s5], $0x4000  }
0xf8: {  	[sflag:s5] =	ssyncset.done $0x0  }
0xf9: {  	s19 =	simm.s32 $0x300;
	s1 =	rddreg [dreg:$0x14];
	[sflag:s5] =	ssyncadd.s32 $0xFFFFC000  }
0xfa: {  	[tilespmem:s14], [sflag:$0x2] =	stream.indirect.gather [hbm4b:s1+s11], $0x80, s19, s11, $0xb8;
	[tilespmem:$0x10400] =	vst v63  }
0xfb: {  	_ =	swait.ge [sflag:s12], $0x4000  }
0xfc: {  	[sflag:s12] =	ssyncset.done $0x0  }
0xfd: {  	[sflag:s12] =	ssyncadd.s32 $0xFFFFC000  }
0xfe: {  	[hbm4b:s8+s7] =	stream.strided.scatter [tilespmem:s9], [sflag:$0x3], $0x4000, s13, s7, $0x38;
	[tilespmem:$0x10400] =	vst v63  }
0xff: {  	_ =	swait.ge [sflag:s5], $0x4000  }
0x100: {  	[sflag:s5] =	ssyncset.done $0x0  }
0x101: {  	s17 =	simm.s32 $0x380;
	s1 =	rddreg [dreg:$0x15];
	[sflag:s5] =	ssyncadd.s32 $0xFFFFC000  }
0x102: {  	[tilespmem:s9], [sflag:$0x2] =	stream.indirect.gather [hbm4b:s1+s11], $0x80, s17, s11, $0xb8;
	[tilespmem:$0x10400] =	vst v63  }
0x103: {  	_ =	swait.ge [sflag:s12], $0x4000  }
0x104: {  	[sflag:s12] =	ssyncset.done $0x0  }
0x105: {  	[sflag:s12] =	ssyncadd.s32 $0xFFFFC000  }
0x106: {  	[hbm4b:s6+s7] =	stream.strided.scatter [tilespmem:s7], [sflag:$0x3], $0x4000, s13, s7, $0x38;
	[tilespmem:$0x10400] =	vst v63  }
0x107: {  	_ =	swait.ge [sflag:s12], $0x4000  }
0x108: {  	[sflag:s12] =	ssyncset.done $0x0  }
0x109: {  	[sflag:s12] =	ssyncadd.s32 $0xFFFFC000  }
0x10a: {  	[hbm4b:s4+s7] =	stream.strided.scatter [tilespmem:s15], [sflag:$0x3], $0x4000, s13, s7, $0x38;
	[tilespmem:$0x10400] =	vst v63  }
0x10b: {  	_ =	swait.ge [sflag:s12], $0x4000  }
0x10c: {  	[sflag:s12] =	ssyncset.done $0x0  }
0x10d: {  	[sflag:s12] =	ssyncadd.s32 $0xFFFFC000  }
0x10e: {  	[hbm4b:s3+s7] =	stream.strided.scatter [tilespmem:s14], [sflag:$0x3], $0x4000, s13, s7, $0x38;
	[tilespmem:$0x10400] =	vst v63  }
0x10f: {  	_ =	swait.ge [sflag:s12], $0x4000  }
0x110: {  	[sflag:s12] =	ssyncset.done $0x0  }
0x111: {  	[sflag:s12] =	ssyncadd.s32 $0xFFFFC000  }
0x112: {  	[hbm4b:s2+s7] =	stream.strided.scatter [tilespmem:s9], [sflag:$0x3], $0x4000, s13, s7, $0x38;
	[tilespmem:$0x10400] =	vst v63  }
0x113: {  	_ =	swait.ge [sflag:s5], $0x4000  }
0x114: {  	[sflag:s5] =	ssyncset.done $0x0  }
0x115: {  	[sflag:s5] =	ssyncadd.s32 $0xFFFFC000  }
0x116: {  	_ =	swait.ge [sflag:s5], $0x4000  }
0x117: {  	[sflag:s5] =	ssyncset.done $0x0  }
0x118: {  	p1 =	sne.s32 s0, $0x1;
	[sflag:s5] =	ssyncadd.s32 $0xFFFFC000  }
.Ltmp2:
0x119: {  	_ =	swait.ge [sflag:s5], $0x4000;
	(pc) =	sbr.rel @p1 .LBB3_2-.Ltmp2, $4  }
0x11a: {  	[sflag:s5] =	ssyncset.done $0x0  }
0x11b: {  	[sflag:s5] =	ssyncadd.s32 $0xFFFFC000  }
0x11c: {  	_ =	swait.ge [sflag:s5], $0x4000  }
0x11d: {  	s0 =	sadd.s32 $0xFFFFFFFF, s0;
	s1 =	rddreg [dreg:$0x16];
	[sflag:s5] =	ssyncset.done $0x0  }
.LBB3_3:
0x11e: {  	[sflag:s5] =	ssyncadd.s32 @p0 $0xFFFFC000  }
0x11f: {  	[tilespmem:s10], [sflag:$0x1] =	stream.linear.gather [hbm4b:s1+s10], $0x80, $0x38;
	[tilespmem:$0x10400] =	vst v63  }
0x120: {  	s0 =	rddreg [dreg:$0x17]  }
0x121: {  	[tilespmem:s11], [sflag:$0x1] =	stream.linear.gather [hbm4b:s0+s10], $0x80, $0x38;
	[tilespmem:$0x10400] =	vst v63  }
0x122: {  	s1 =	rddreg [dreg:$0x18]  }
0x123: {  	[tilespmem:s23], [sflag:$0x1] =	stream.linear.gather [hbm4b:s1+s10], $0x80, $0x38;
	[tilespmem:$0x10400] =	vst v63  }
0x124: {  	_ = 	snop  }
0x125: {  	[tilespmem:s24], [sflag:$0x1] =	stream.linear.gather [hbm4b:s26+s10], $0x80, $0x38;
	[tilespmem:$0x10400] =	vst v63  }
0x126: {  	_ = 	snop  }
0x127: {  	[tilespmem:s22], [sflag:$0x1] =	stream.linear.gather [hbm4b:s28+s10], $0x80, $0x38;
	[tilespmem:$0x10400] =	vst v63  }
0x128: {  	_ = 	snop  }
0x129: {  	[tilespmem:s21], [sflag:$0x1] =	stream.linear.gather [hbm4b:s29+s10], $0x80, $0x38;
	[tilespmem:$0x10400] =	vst v63  }
0x12a: {  	_ = 	snop  }
0x12b: {  	[tilespmem:s19], [sflag:$0x1] =	stream.linear.gather [hbm4b:s30+s10], $0x80, $0x38;
	[tilespmem:$0x10400] =	vst v63  }
0x12c: {  	_ = 	snop  }
0x12d: {  	[tilespmem:s17], [sflag:$0x1] =	stream.linear.gather [hbm4b:s31+s10], $0x80, $0x38;
	[tilespmem:$0x10400] =	vst v63  }
0x12e: {  	_ =	swait.ge [sflag:s25], $0x80  }
0x12f: {  	[sflag:s25] =	ssyncset.done $0x0  }
0x130: {  	[sflag:s25] =	ssyncadd.s32 $0xFFFFFF80  }
0x131: {  	_ =	swait.ge [sflag:s25], $0x80  }
0x132: {  	[sflag:s25] =	ssyncset.done $0x0  }
0x133: {  	[sflag:s25] =	ssyncadd.s32 $0xFFFFFF80  }
0x134: {  	_ =	swait.ge [sflag:s25], $0x80  }
0x135: {  	[sflag:s25] =	ssyncset.done $0x0  }
0x136: {  	[sflag:s25] =	ssyncadd.s32 $0xFFFFFF80  }
0x137: {  	_ =	swait.ge [sflag:s25], $0x80  }
0x138: {  	[sflag:s25] =	ssyncset.done $0x0  }
0x139: {  	[sflag:s25] =	ssyncadd.s32 $0xFFFFFF80  }
0x13a: {  	_ =	swait.ge [sflag:s25], $0x80  }
0x13b: {  	[sflag:s25] =	ssyncset.done $0x0  }
0x13c: {  	[sflag:s25] =	ssyncadd.s32 $0xFFFFFF80  }
0x13d: {  	_ =	swait.ge [sflag:s25], $0x80  }
0x13e: {  	[sflag:s25] =	ssyncset.done $0x0  }
0x13f: {  	[sflag:s25] =	ssyncadd.s32 $0xFFFFFF80  }
0x140: {  	_ =	swait.ge [sflag:s25], $0x80  }
0x141: {  	[sflag:s25] =	ssyncset.done $0x0  }
0x142: {  	[sflag:s25] =	ssyncadd.s32 $0xFFFFFF80  }
0x143: {  	_ =	swait.ge [sflag:s25], $0x80  }
0x144: {  	[sflag:s25] =	ssyncset.done $0x0  }
0x145: {  	s30 =	rddreg [dreg:$0xe];
	[sflag:s25] =	ssyncadd.s32 $0xFFFFFF80  }
0x146: {  	[tilespmem:s7], [sflag:$0x2] =	stream.indirect.gather [hbm4b:s30+s11], $0x80, s10, s11, $0xb8;
	[tilespmem:$0x10400] =	vst v63  }
0x147: {  	s31 =	rddreg [dreg:$0xf]  }
0x148: {  	[tilespmem:s15], [sflag:$0x2] =	stream.indirect.gather [hbm4b:s31+s11], $0x80, s11, s11, $0xb8;
	[tilespmem:$0x10400] =	vst v63  }
0x149: {  	s10 =	rddreg [dreg:$0x10]  }
0x14a: {  	[tilespmem:s14], [sflag:$0x2] =	stream.indirect.gather [hbm4b:s10+s11], $0x80, s23, s11, $0xb8;
	[tilespmem:$0x10400] =	vst v63  }
0x14b: {  	s25 =	rddreg [dreg:$0x11]  }
0x14c: {  	[tilespmem:s9], [sflag:$0x2] =	stream.indirect.gather [hbm4b:s25+s11], $0x80, s24, s11, $0xb8;
	[tilespmem:$0x10400] =	vst v63  }
0x14d: {  	_ =	swait.ge [sflag:s12], $0x4000  }
0x14e: {  	[sflag:s12] =	ssyncset.done $0x0  }
0x14f: {  	[sflag:s12] =	ssyncadd.s32 $0xFFFFC000  }
0x150: {  	[hbm4b:s20+s7] =	stream.strided.scatter [tilespmem:s7], [sflag:$0x3], $0x4000, s13, s7, $0x38;
	[tilespmem:$0x10400] =	vst v63  }
0x151: {  	_ =	swait.ge [sflag:s5], $0x4000  }
0x152: {  	[sflag:s5] =	ssyncset.done $0x0  }
0x153: {  	s26 =	rddreg [dreg:$0x12];
	[sflag:s5] =	ssyncadd.s32 $0xFFFFC000  }
0x154: {  	[tilespmem:s7], [sflag:$0x2] =	stream.indirect.gather [hbm4b:s26+s11], $0x80, s22, s11, $0xb8;
	[tilespmem:$0x10400] =	vst v63  }
0x155: {  	_ =	swait.ge [sflag:s12], $0x4000  }
0x156: {  	[sflag:s12] =	ssyncset.done $0x0  }
0x157: {  	[sflag:s12] =	ssyncadd.s32 $0xFFFFC000  }
0x158: {  	[hbm4b:s18+s7] =	stream.strided.scatter [tilespmem:s15], [sflag:$0x3], $0x4000, s13, s7, $0x38;
	[tilespmem:$0x10400] =	vst v63  }
0x159: {  	_ =	swait.ge [sflag:s5], $0x4000  }
0x15a: {  	[sflag:s5] =	ssyncset.done $0x0  }
0x15b: {  	s28 =	rddreg [dreg:$0x13];
	[sflag:s5] =	ssyncadd.s32 $0xFFFFC000  }
0x15c: {  	[tilespmem:s15], [sflag:$0x2] =	stream.indirect.gather [hbm4b:s28+s11], $0x80, s21, s11, $0xb8;
	[tilespmem:$0x10400] =	vst v63  }
0x15d: {  	_ =	swait.ge [sflag:s12], $0x4000  }
0x15e: {  	[sflag:s12] =	ssyncset.done $0x0  }
0x15f: {  	[sflag:s12] =	ssyncadd.s32 $0xFFFFC000  }
0x160: {  	[hbm4b:s16+s7] =	stream.strided.scatter [tilespmem:s14], [sflag:$0x3], $0x4000, s13, s7, $0x38;
	[tilespmem:$0x10400] =	vst v63  }
0x161: {  	_ =	swait.ge [sflag:s5], $0x4000  }
0x162: {  	[sflag:s5] =	ssyncset.done $0x0  }
0x163: {  	s29 =	rddreg [dreg:$0x14];
	[sflag:s5] =	ssyncadd.s32 $0xFFFFC000  }
0x164: {  	[tilespmem:s14], [sflag:$0x2] =	stream.indirect.gather [hbm4b:s29+s11], $0x80, s19, s11, $0xb8;
	[tilespmem:$0x10400] =	vst v63  }
0x165: {  	_ =	swait.ge [sflag:s12], $0x4000  }
0x166: {  	[sflag:s12] =	ssyncset.done $0x0  }
0x167: {  	[sflag:s12] =	ssyncadd.s32 $0xFFFFC000  }
0x168: {  	[hbm4b:s8+s7] =	stream.strided.scatter [tilespmem:s9], [sflag:$0x3], $0x4000, s13, s7, $0x38;
	[tilespmem:$0x10400] =	vst v63  }
0x169: {  	_ =	swait.ge [sflag:s5], $0x4000  }
0x16a: {  	[sflag:s5] =	ssyncset.done $0x0  }
0x16b: {  	s30 =	rddreg [dreg:$0x15];
	[sflag:s5] =	ssyncadd.s32 $0xFFFFC000  }
0x16c: {  	[tilespmem:s9], [sflag:$0x2] =	stream.indirect.gather [hbm4b:s30+s11], $0x80, s17, s11, $0xb8;
	[tilespmem:$0x10400] =	vst v63  }
0x16d: {  	_ =	swait.ge [sflag:s12], $0x4000  }
0x16e: {  	[sflag:s12] =	ssyncset.done $0x0  }
0x16f: {  	[sflag:s12] =	ssyncadd.s32 $0xFFFFC000  }
0x170: {  	[hbm4b:s6+s7] =	stream.strided.scatter [tilespmem:s7], [sflag:$0x3], $0x4000, s13, s7, $0x38;
	[tilespmem:$0x10400] =	vst v63  }
0x171: {  	_ =	swait.ge [sflag:s12], $0x4000  }
0x172: {  	[sflag:s12] =	ssyncset.done $0x0  }
0x173: {  	[sflag:s12] =	ssyncadd.s32 $0xFFFFC000  }
0x174: {  	[hbm4b:s4+s7] =	stream.strided.scatter [tilespmem:s15], [sflag:$0x3], $0x4000, s13, s7, $0x38;
	[tilespmem:$0x10400] =	vst v63  }
0x175: {  	_ =	swait.ge [sflag:s12], $0x4000  }
0x176: {  	[sflag:s12] =	ssyncset.done $0x0  }
0x177: {  	[sflag:s12] =	ssyncadd.s32 $0xFFFFC000  }
0x178: {  	[hbm4b:s3+s7] =	stream.strided.scatter [tilespmem:s14], [sflag:$0x3], $0x4000, s13, s7, $0x38;
	[tilespmem:$0x10400] =	vst v63  }
0x179: {  	_ =	swait.ge [sflag:s12], $0x4000  }
0x17a: {  	[sflag:s12] =	ssyncset.done $0x0  }
0x17b: {  	[sflag:s12] =	ssyncadd.s32 $0xFFFFC000  }
0x17c: {  	[hbm4b:s2+s7] =	stream.strided.scatter [tilespmem:s9], [sflag:$0x3], $0x4000, s13, s7, $0x38;
	[tilespmem:$0x10400] =	vst v63  }
0x17d: {  	_ =	swait.ge [sflag:s5], $0x4000  }
0x17e: {  	[sflag:s5] =	ssyncset.done $0x0  }
0x17f: {  	[sflag:s5] =	ssyncadd.s32 $0xFFFFC000  }
0x180: {  	_ =	swait.ge [sflag:s5], $0x4000  }
0x181: {  	[sflag:s5] =	ssyncset.done $0x0  }
0x182: {  	[sflag:s5] =	ssyncadd.s32 $0xFFFFC000  }
0x183: {  	_ =	swait.ge [sflag:s5], $0x4000  }
0x184: {  	[sflag:s5] =	ssyncset.done $0x0  }
0x185: {  	[sflag:s5] =	ssyncadd.s32 $0xFFFFC000  }
0x186: {  	_ =	swait.ge [sflag:s5], $0x4000  }
0x187: {  	[sflag:s5] =	ssyncset.done $0x0  }
0x188: {  	[sflag:s5] =	ssyncadd.s32 $0xFFFFC000  }
0x189: {  	_ =	sfence.sel $0x180000  }
0x18a: {  	[bflag:$0x0] =	sbarrier.arrive $0xFFFF  }
0x18b: {  	_ =	strace $0x90000050  }
0x18c: {  	s31 =	stileid.u32;
	[bflag:$0x2] =	sbarrier.arrive $0xFFFF  }
0x18d: {  	p0 =	sne.s32 s31, $0x0;
	s0 =	rddreg [dreg:$0x19]  }
0x18e: {  	s0 =	sadd.s32 @!p0 $0x100000, s0  }
0x18f: {  	[sflag:s0] =	ssyncadd.tile.s32 @!p0 $0x1;
	_ =	shalt  }
.Lfunc_end3:
_tile_overlayer_lowered:
.L_overlay_start_3:
0x190: {  	(tag) =	ssettag $0x3  }
0x191: {  	s0 =	rddreg [dreg:$0x0];
	s2 =	stileid.u32  }
0x192: {  	s1 =	rddreg [dreg:$0x1];
	p0 =	sne.s32 s2, $0x0  }
0x193: {  	s3 =	rddreg [dreg:$0x2];
	[bflag:$0x3] =	sbarrier.arrive $0xFFFF;
	s2 =	simm.s32 @!p0 $0x1C04  }
0x194: {  	[timem:s3], [sflag:s2] =	dma.local @!p0 [hbm:s0], s1  }
0x195: {  	s0 =	simm.s32 @!p0 $0x4  }
0x196: {  	_ =	swait.ge @!p0 [sflag:s0], s1  }
0x197: {  	s1 =	ssub.s32 @!p0 $0x0, s1;
	[sflag:s0] =	ssyncset.done @!p0 $0x0  }
0x198: {  	[sflag:s0] =	ssyncadd.s32 @!p0 s1  }
0x199: {  	[bflag:$0x3] =	sbarrier.arrive $0xFFFF  }
0x19a: {  	_ =	shalt  }

</sc_bundles>
